<compile_context>
chip_gen: v7x
topology: tpu7x:2x2x1
jax: 0.10.2.dev20260603
libtpu: 0.0.44.dev20260713+nightly
codegen_flags: <defaults>
</compile_context>

<pallas_src>
import functools

import jax
import jax.numpy as jnp
from jax import lax
from jax.experimental import pallas as pl
from jax.experimental.pallas import tpu as pltpu
from jax.experimental.pallas import tpu_sc as plsc

B, N, D, K, OUT = 4, 2048, 256, 9, 256
D2 = D // 2
EPS = 1e-5
BN_ROWS = B * N
M_EDGES = B * N * K

SC_NC, SC_NS = 2, 16
SC_NW = SC_NC * SC_NS
EDGES_PER_W = M_EDGES // SC_NW
GCHUNK = 128
NCHUNKS = EDGES_PER_W // GCHUNK


def _gelu(v):
    return 0.5 * v * (1.0 + lax.erf(v * 0.7071067811865476))



def _round_bf16_bits(v):
    u = lax.bitcast_convert_type(v, jnp.int32)
    r = u + 32767 + jnp.bitwise_and(jnp.right_shift(u, 16), 1)
    return jnp.bitwise_and(r, jnp.int32(-65536))


def _feat_body(x_ref, wft_ref, bft_ref, wr1_ref, xt_ref, p_ref, xx_ref,
               xp_ref):
    x = x_ref[...]
    xt = lax.dot_general(
        x, wft_ref[...], (((1,), (1,)), ((), ())),
        preferred_element_type=jnp.float32) + bft_ref[...]
    xt_ref[...] = xt
    p_ref[...] = lax.dot_general(
        x, wr1_ref[...], (((1,), (1,)), ((), ())),
        preferred_element_type=jnp.float32)
    xx_ref[...] = jnp.sum(xt * xt, axis=1)[None, None, :]
    lo = lax.slice(x, (0, 0), (x.shape[0], D2))
    hi = lax.slice(x, (0, D2), (x.shape[0], D))
    xp_ref[...] = jnp.bitwise_or(
        lax.shift_right_logical(_round_bf16_bits(lo), 16),
        _round_bf16_bits(hi))


def _feat(x2, W_ft, b_ft, W_r1):
    RB = 512
    grid = (BN_ROWS // RB,)
    nb = N // RB
    return pl.pallas_call(
        _feat_body,
        grid=grid,
        in_specs=[
            pl.BlockSpec((RB, D), lambda i: (i, 0)),
            pl.BlockSpec((D, D), lambda i: (0, 0)),
            pl.BlockSpec((1, D), lambda i: (0, 0)),
            pl.BlockSpec((D2, D), lambda i: (0, 0)),
        ],
        out_specs=[
            pl.BlockSpec((RB, D), lambda i: (i, 0)),
            pl.BlockSpec((RB, D2), lambda i: (i, 0)),
            pl.BlockSpec((1, 1, RB), lambda i: (i // nb, 0, i % nb)),
            pl.BlockSpec((RB, D2), lambda i: (i, 0)),
        ],
        out_shape=[
            jax.ShapeDtypeStruct((BN_ROWS, D), jnp.float32),
            jax.ShapeDtypeStruct((BN_ROWS, D2), jnp.float32),
            jax.ShapeDtypeStruct((B, 1, N), jnp.float32),
            jax.ShapeDtypeStruct((BN_ROWS, D2), jnp.int32),
        ],
    )(x2, W_ft, b_ft, W_r1)



def _knn_body(a_ref, all_ref, xx_ref, idx_ref):
    RB = a_ref.shape[1]
    a = a_ref[0]
    ax = all_ref[0]
    xx_a = jnp.sum(a * a, axis=1, keepdims=True)
    xx_all = xx_ref[0]
    xy = lax.dot_general(a, ax, (((1,), (1,)), ((), ())),
                         preferred_element_type=jnp.float32)
    d = xx_a + xx_all - 2.0 * xy
    iota = lax.broadcasted_iota(jnp.int32, (RB, N), 1)
    self_col = (lax.broadcasted_iota(jnp.int32, (RB, 1), 0)
                + pl.program_id(1) * RB)
    d = jnp.where(iota == self_col, jnp.float32(jnp.inf), d)

    NG, Q = 16, 4
    L = N // NG
    INF = jnp.float32(jnp.inf)
    iota_l = lax.broadcasted_iota(jnp.int32, (RB, L), 1).astype(jnp.float32)
    vs = [jnp.full((RB, L), INF, jnp.float32) for _ in range(Q)]
    cs = [jnp.zeros((RB, L), jnp.float32) for _ in range(Q)]
    for g in range(NG):
        val = lax.slice(d, (0, g * L), (RB, (g + 1) * L))
        col = iota_l + jnp.float32(g * L)
        for q in range(Q):
            lt = val < vs[q]
            nv = jnp.where(lt, val, vs[q])
            nc = jnp.where(lt, col, cs[q])
            val = jnp.where(lt, vs[q], val)
            col = jnp.where(lt, cs[q], col)
            vs[q], cs[q] = nv, nc
    cols = []
    for _ in range(K):
        m = jnp.min(vs[0], axis=1, keepdims=True)
        am = jnp.min(jnp.where(vs[0] == m, cs[0], jnp.float32(N)), axis=1,
                     keepdims=True)
        cols.append(am)
        hit = cs[0] == am
        for q in range(Q - 1):
            vs[q] = jnp.where(hit, vs[q + 1], vs[q])
            cs[q] = jnp.where(hit, cs[q + 1], cs[q])
        vs[Q - 1] = jnp.where(hit, INF, vs[Q - 1])
        cs[Q - 1] = jnp.where(hit, jnp.float32(0), cs[Q - 1])
    idx = (jnp.concatenate(cols, axis=1).astype(jnp.int32)
           + pl.program_id(0) * N)
    idx_ref[...] = idx.T


def _knn(xt3, xx3):
    RB = 512
    grid = (B, N // RB)
    return pl.pallas_call(
        _knn_body,
        grid=grid,
        in_specs=[
            pl.BlockSpec((1, RB, D), lambda b, r: (b, r, 0)),
            pl.BlockSpec((1, N, D), lambda b, r: (b, 0, 0)),
            pl.BlockSpec((1, 1, N), lambda b, r: (b, 0, 0)),
        ],
        out_specs=pl.BlockSpec((K, RB), lambda b, r: (0, b * (N // RB) + r)),
        out_shape=jax.ShapeDtypeStruct((K, BN_ROWS), jnp.int32),
    )(xt3, xt3, xx3)



def _gather_sc_body(p_hbm, x_hbm, idx_hbm, gp_hbm, gx_hbm,
                    idx_a, idx_b, prow_a, prow_b, xrow_a, xrow_b,
                    sem_ga, sem_gb, sem_wa, sem_wb):
    wid = lax.axis_index("s") * SC_NC + lax.axis_index("c")
    bufs = [(idx_a, prow_a, xrow_a, sem_ga, sem_wa),
            (idx_b, prow_b, xrow_b, sem_gb, sem_wb)]

    def start_gather(c):
        idx_v, prow_v, xrow_v, sem_g, _ = bufs[c % 2]
        base = wid * EDGES_PER_W + c * GCHUNK
        pltpu.sync_copy(idx_hbm.at[pl.ds(base, GCHUNK)], idx_v)
        return (pltpu.async_copy(p_hbm.at[idx_v], prow_v, sem_g),
                pltpu.async_copy(x_hbm.at[idx_v], xrow_v, sem_g))

    def start_write(c):
        _, prow_v, xrow_v, _, sem_w = bufs[c % 2]
        base = wid * EDGES_PER_W + c * GCHUNK
        return (pltpu.async_copy(prow_v, gp_hbm.at[pl.ds(base, GCHUNK)], sem_w),
                pltpu.async_copy(xrow_v, gx_hbm.at[pl.ds(base, GCHUNK)], sem_w))

    pending_g = {0: start_gather(0)}
    pending_w = {}
    for c in range(NCHUNKS):
        if c + 1 < NCHUNKS:
            if c - 1 >= 0:
                for h in pending_w.pop(c - 1):
                    h.wait()
            pending_g[c + 1] = start_gather(c + 1)
        for h in pending_g.pop(c):
            h.wait()
        pending_w[c] = start_write(c)
    for c in (NCHUNKS - 2, NCHUNKS - 1):
        for h in pending_w.pop(c, ()):
            h.wait()


@functools.lru_cache(maxsize=1)
def _make_gather_sc():
    return pl.kernel(
        _gather_sc_body,
        out_type=[
            jax.ShapeDtypeStruct((M_EDGES, D2), jnp.float32),
            jax.ShapeDtypeStruct((M_EDGES, D2), jnp.int32),
        ],
        mesh=plsc.VectorSubcoreMesh(core_axis_name="c", subcore_axis_name="s",
                                    num_cores=SC_NC, num_subcores=SC_NS),
        scratch_types=[
            pltpu.VMEM((GCHUNK,), jnp.int32),
            pltpu.VMEM((GCHUNK,), jnp.int32),
            pltpu.VMEM((GCHUNK, D2), jnp.float32),
            pltpu.VMEM((GCHUNK, D2), jnp.float32),
            pltpu.VMEM((GCHUNK, D2), jnp.int32),
            pltpu.VMEM((GCHUNK, D2), jnp.int32),
            pltpu.SemaphoreType.DMA,
            pltpu.SemaphoreType.DMA,
            pltpu.SemaphoreType.DMA,
            pltpu.SemaphoreType.DMA,
        ],
    )


def _gather_sc(p, x_bf3, idx_flat):
    return _make_gather_sc()(p, x_bf3, idx_flat)



def _stats_body(*refs):
    gp_refs = refs[:K]
    p_ref = refs[K]
    out_ref = refs[K + 1]
    pv = p_ref[...]
    s1 = jnp.zeros((1, D2), jnp.float32)
    s2 = jnp.zeros((1, D2), jnp.float32)
    for k in range(K):
        y = gp_refs[k][...] - pv
        s1 = s1 + jnp.sum(y, axis=0, keepdims=True)
        s2 = s2 + jnp.sum(y * y, axis=0, keepdims=True)

    @pl.when(pl.program_id(0) == 0)
    def _():
        out_ref[...] = jnp.zeros_like(out_ref)

    out_ref[0:1, :] += s1
    out_ref[1:2, :] += s2


def _stats(gp_t, p):
    PB = 512
    nblk = BN_ROWS // PB
    grid = (nblk,)
    gp_specs = [
        pl.BlockSpec((PB, D2), functools.partial(lambda k, i: (k * nblk + i, 0), k))
        for k in range(K)
    ]
    return pl.pallas_call(
        _stats_body,
        grid=grid,
        in_specs=gp_specs + [pl.BlockSpec((PB, D2), lambda i: (i, 0))],
        out_specs=pl.BlockSpec((8, D2), lambda i: (0, 0)),
        out_shape=jax.ShapeDtypeStruct((8, D2), jnp.float32),
    )(*([gp_t] * K), p)



def _agg_body(*refs):
    gp_refs = refs[:K]
    gx_refs = refs[K:2 * K]
    (p_ref, x_ref, sums_ref, gr_ref, ber_ref, wr2_ref, br2_ref,
     wu_ref, bu_ref, u_ref, s2_ref) = refs[2 * K:]
    cnt = jnp.float32(M_EDGES)
    mu = sums_ref[0:1, :] / cnt
    var = sums_ref[1:2, :] / cnt - mu * mu
    scale = gr_ref[...] * lax.rsqrt(var + EPS)
    shift = ber_ref[...] - mu * scale
    wr2 = wr2_ref[...]
    br2 = br2_ref[...]
    wu = wu_ref[...]
    wux = lax.slice(wu, (0, 0), (OUT, D))
    wua = lax.slice(wu, (0, D), (OUT, 2 * D))

    pv = p_ref[...]
    xv = x_ref[...]
    PB = xv.shape[0]
    agg_e = jnp.zeros((PB, D2), jnp.float32)
    agg_o = jnp.zeros((PB, D2), jnp.float32)
    wsum = jnp.zeros((PB, 1), jnp.float32)
    for k in range(K):
        y = gp_refs[k][...] - pv
        h = _gelu(y * scale + shift)
        z = jnp.sum(h * wr2, axis=1, keepdims=True) + br2
        w = 1.0 / (1.0 + jnp.exp(-z))
        gxi = gx_refs[k][...]
        fe = lax.bitcast_convert_type(jnp.left_shift(gxi, 16), jnp.float32)
        fo = lax.bitcast_convert_type(
            jnp.bitwise_and(gxi, jnp.int32(-65536)), jnp.float32)
        agg_e = agg_e + w * fe
        agg_o = agg_o + w * fo
        wsum = wsum + w
    agg = jnp.concatenate([agg_e, agg_o], axis=1) - wsum * xv

    u = (lax.dot_general(xv, wux, (((1,), (1,)), ((), ())),
                         preferred_element_type=jnp.float32)
         + lax.dot_general(agg, wua, (((1,), (1,)), ((), ())),
                           preferred_element_type=jnp.float32)
         + bu_ref[...])
    u_ref[...] = u

    @pl.when(pl.program_id(0) == 0)
    def _():
        s2_ref[...] = jnp.zeros_like(s2_ref)

    s2_ref[0:1, :] += jnp.sum(u, axis=0, keepdims=True)
    s2_ref[1:2, :] += jnp.sum(u * u, axis=0, keepdims=True)


def _agg(gp_t, gx_t, p, x2, sums, g_r2, be_r2, wr2, br2, wu, bu):
    PB = 512
    nblk = BN_ROWS // PB
    grid = (nblk,)
    kmap = lambda k, i: (k * nblk + i, 0)
    gp_specs = [pl.BlockSpec((PB, D2), functools.partial(kmap, k))
                for k in range(K)]
    gx_specs = [pl.BlockSpec((PB, D2), functools.partial(kmap, k))
                for k in range(K)]
    return pl.pallas_call(
        _agg_body,
        grid=grid,
        in_specs=gp_specs + gx_specs + [
            pl.BlockSpec((PB, D2), lambda i: (i, 0)),
            pl.BlockSpec((PB, D), lambda i: (i, 0)),
            pl.BlockSpec((8, D2), lambda i: (0, 0)),
            pl.BlockSpec((1, D2), lambda i: (0, 0)),
            pl.BlockSpec((1, D2), lambda i: (0, 0)),
            pl.BlockSpec((1, D2), lambda i: (0, 0)),
            pl.BlockSpec((1, 1), lambda i: (0, 0)),
            pl.BlockSpec((OUT, 2 * D), lambda i: (0, 0)),
            pl.BlockSpec((1, OUT), lambda i: (0, 0)),
        ],
        out_specs=[
            pl.BlockSpec((PB, OUT), lambda i: (i, 0)),
            pl.BlockSpec((8, OUT), lambda i: (0, 0)),
        ],
        out_shape=[
            jax.ShapeDtypeStruct((BN_ROWS, OUT), jnp.float32),
            jax.ShapeDtypeStruct((8, OUT), jnp.float32),
        ],
    )(*([gp_t] * K), *([gx_t] * K), p, x2, sums, g_r2, be_r2, wr2, br2,
      wu, bu)



def _final_body(u_ref, s2_ref, gu_ref, beu_ref, o_ref):
    cnt = jnp.float32(BN_ROWS)
    mu = s2_ref[0:1, :] / cnt
    var = s2_ref[1:2, :] / cnt - mu * mu
    scale = gu_ref[...] * lax.rsqrt(var + EPS)
    shift = beu_ref[...] - mu * scale
    o_ref[...] = _gelu(u_ref[...] * scale + shift)


def _final(u, s2, g_u2, be_u2):
    RB = 512
    grid = (BN_ROWS // RB,)
    return pl.pallas_call(
        _final_body,
        grid=grid,
        in_specs=[
            pl.BlockSpec((RB, OUT), lambda i: (i, 0)),
            pl.BlockSpec((8, OUT), lambda i: (0, 0)),
            pl.BlockSpec((1, OUT), lambda i: (0, 0)),
            pl.BlockSpec((1, OUT), lambda i: (0, 0)),
        ],
        out_specs=pl.BlockSpec((RB, OUT), lambda i: (i, 0)),
        out_shape=jax.ShapeDtypeStruct((BN_ROWS, OUT), jnp.float32),
    )(u, s2, g_u2, be_u2)


def kernel(x, W_ft, b_ft, W_r1, b_r1, g_r, be_r, W_r2, b_r2, W_u, b_u, g_u, be_u):
    x2 = x.reshape(BN_ROWS, D)

    xt, p, xx3, x_pack = _feat(x2, W_ft, b_ft.reshape(1, D), W_r1)

    idx9 = _knn(xt.reshape(B, N, D), xx3)
    idx_flat = idx9.reshape(-1)

    gp, gx = _gather_sc(p, x_pack, idx_flat)

    sums = _stats(gp, p)

    u, s2 = _agg(gp, gx, p, x2, sums,
                 g_r.reshape(1, D2), be_r.reshape(1, D2),
                 W_r2.reshape(1, D2), b_r2.reshape(1, 1),
                 W_u, b_u.reshape(1, OUT))

    out = _final(u, s2, g_u.reshape(1, OUT), be_u.reshape(1, OUT))
    return out.reshape(B, N, OUT)

# --- scband reference (transcript-rebuilt; emitter-appended) ---
"""Pipeline reference for scband-rgconv-14448269984554 (READ-ONLY COPY).

The authoritative reference and input builder live on the scoring server;
editing this copy changes nothing except your own understanding.
"""

import jax, jax.numpy as jnp
import numpy as np

B, N, D, K, OUT = 4, 2048, 256, 9, 256
D2 = D // 2
EPS = 1e-5

def linear(x, W, b):
    return x @ W.T + b

def batchnorm(x, gamma, beta):
    mean = jnp.mean(x, axis=0)
    var = jnp.var(x, axis=0)
    return gamma * (x - mean) / jnp.sqrt(var + EPS) + beta

def gelu(x):
    return jax.nn.gelu(x, approximate=False)

def knn_idx(x, k):
    xx = jnp.sum(x ** 2, axis=2, keepdims=True)
    xy = jnp.matmul(x, jnp.swapaxes(x, 2, 1))
    pd = xx + jnp.swapaxes(xx, 2, 1) - 2.0 * xy
    _, idx = jax.lax.top_k(-pd, k + 1)
    return idx[:, :, 1:]

def setup_inputs(seed: int = 0):
    key = jax.random.key(seed)
    ks = jax.random.split(key, 6)
    return {
        "x": jax.random.normal(ks[0], (B, N, D), dtype=jnp.float32),
        "W_ft": jax.random.normal(ks[1], (D, D), dtype=jnp.float32) / np.sqrt(D),
        "b_ft": jnp.zeros((D,), jnp.float32),
        "W_r1": jax.random.normal(ks[2], (D2, D), dtype=jnp.float32) / np.sqrt(D),
        "b_r1": jnp.zeros((D2,), jnp.float32),
        "g_r": jnp.ones((D2,), jnp.float32),
        "be_r": jnp.zeros((D2,), jnp.float32),
        "W_r2": jax.random.normal(ks[3], (1, D2), dtype=jnp.float32) / np.sqrt(D2),
        "b_r2": jnp.zeros((1,), jnp.float32),
        "W_u": jax.random.normal(ks[4], (OUT, 2 * D), dtype=jnp.float32) / np.sqrt(2 * D),
        "b_u": jnp.zeros((OUT,), jnp.float32),
        "g_u": jnp.ones((OUT,), jnp.float32),
        "be_u": jnp.zeros((OUT,), jnp.float32),
    }

def reference(x, W_ft, b_ft, W_r1, b_r1, g_r, be_r, W_r2, b_r2, W_u, b_u, g_u, be_u):
    x_t = linear(x, W_ft, b_ft)
    idx = knn_idx(x_t, K)
    idx_base = jnp.arange(B).reshape(-1, 1, 1) * N
    idx_flat = (idx + idx_base).reshape(-1)
    x_r = x.reshape(B * N, D)
    neighbors = x_r[idx_flat].reshape(B, N, K, D)
    center = jnp.broadcast_to(x[:, :, None, :], (B, N, K, D))
    edge = neighbors - center
    ef = edge.reshape(-1, D)
    h = gelu(batchnorm(linear(ef, W_r1, b_r1), g_r, be_r))
    w = jax.nn.sigmoid(linear(h, W_r2, b_r2)).reshape(B, N, K, 1)
    agg = jnp.sum(w * edge, axis=2)
    comb = jnp.concatenate([x, agg], axis=2).reshape(-1, 2 * D)
    upd = gelu(batchnorm(linear(comb, W_u, b_u), g_u, be_u))
    return upd.reshape(B, N, OUT)

if __name__ == "__main__":
    import jax
    _d = setup_inputs()
    print(jax.jit(kernel)(*tuple(_d.values())))

</pallas_src>

<mosaic_0001>
#map = affine_map<(d0, d1) -> (0, 0)>
#map1 = affine_map<(d0, d1) -> (0)>
module attributes {stable_mosaic.version = 14 : i64} {
  func.func @_gather_sc_body(%arg0: i32, %arg1: i32, %arg2: memref<8192x128xf32, #tpu.memory_space<hbm>>, %arg3: memref<8192x128xi32, #tpu.memory_space<hbm>>, %arg4: memref<73728xi32, #tpu.memory_space<hbm>>, %arg5: memref<73728x128xf32, #tpu.memory_space<hbm>>, %arg6: memref<73728x128xi32, #tpu.memory_space<hbm>>, %arg7: memref<128xi32, #tpu.memory_space<vmem>>, %arg8: memref<128xi32, #tpu.memory_space<vmem>>, %arg9: memref<128x128xf32, #tpu.memory_space<vmem>>, %arg10: memref<128x128xf32, #tpu.memory_space<vmem>>, %arg11: memref<128x128xi32, #tpu.memory_space<vmem>>, %arg12: memref<128x128xi32, #tpu.memory_space<vmem>>, %arg13: memref<!tpu.dma_semaphore, #tpu.memory_space<semaphore_mem>>, %arg14: memref<!tpu.dma_semaphore, #tpu.memory_space<semaphore_mem>>, %arg15: memref<!tpu.dma_semaphore, #tpu.memory_space<semaphore_mem>>, %arg16: memref<!tpu.dma_semaphore, #tpu.memory_space<semaphore_mem>>) attributes {dimension_semantics = [#tpu.dimension_semantics<core_parallel>, #tpu.dimension_semantics<subcore_parallel>], iteration_bounds = array<i64: 2, 16>, scalar_prefetch = 0 : i64, scratch_operands = 10 : i64, tpu.core_type = #tpu.core_type<sc_vector_subcore>, window_params = [{transform_indices = #map}, {transform_indices = #map}, {transform_indices = #map1}, {transform_indices = #map}, {transform_indices = #map}]} {
    %mul3A = arith.constant 2 : i32
    %mul3A_0 = arith.muli %arg1, %mul3A : i32
    %add3A = arith.addi %mul3A_0, %arg0 : i32
    %mul3A_1 = arith.constant 2304 : i32
    %mul3A_2 = arith.muli %add3A, %mul3A_1 : i32
    %add3A_3 = arith.constant 0 : i32
    %add3A_4 = arith.addi %mul3A_2, %add3A_3 : i32
    "tpu.region"() ({
      %run_scoped3A = tpu.sem_alloc : memref<!tpu.dma_semaphore, #tpu.memory_space<semaphore_mem>>
      %dma_start3A_647 = tpu.memref_slice %arg4[%add3A_4] : memref<73728xi32, #tpu.memory_space<hbm>> -> memref<128xi32, #tpu.memory_space<hbm>>
      %dma_start3A_648 = tpu.memref_slice %arg4[%add3A_4] : memref<73728xi32, #tpu.memory_space<hbm>> -> memref<128xi32, #tpu.memory_space<hbm>>
      tpu.enqueue_dma source(%dma_start3A_648 : memref<128xi32, #tpu.memory_space<hbm>>) target(%arg7 : memref<128xi32, #tpu.memory_space<vmem>>) target_semaphore(%run_scoped3A : memref<!tpu.dma_semaphore, #tpu.memory_space<semaphore_mem>>)
      %dma_wait3A_649 = tpu.memref_slice %arg4[%add3A_4] : memref<73728xi32, #tpu.memory_space<hbm>> -> memref<128xi32, #tpu.memory_space<hbm>>
      %dma_wait3A_650 = tpu.memref_slice %arg4[%add3A_4] : memref<73728xi32, #tpu.memory_space<hbm>> -> memref<128xi32, #tpu.memory_space<hbm>>
      tpu.wait_dma2 semaphore(%run_scoped3A : memref<!tpu.dma_semaphore, #tpu.memory_space<semaphore_mem>>) src(%dma_wait3A_650 : memref<128xi32, #tpu.memory_space<hbm>>) dst(%arg7 : memref<128xi32, #tpu.memory_space<vmem>>)
      tpu.yield
    }) : () -> ()
    %dma_start3A = arith.constant 0 : i32
    %dma_start3A_5 = arith.constant 0 : i32
    %dma_start3A_6 = tpu.memref_slice %arg2[%dma_start3A, %dma_start3A_5] : memref<8192x128xf32, #tpu.memory_space<hbm>> -> memref<8192x128xf32, #tpu.memory_space<hbm>>
    tpu.enqueue_indirect_dma source(%dma_start3A_6 : memref<8192x128xf32, #tpu.memory_space<hbm>>) target(%arg9 : memref<128x128xf32, #tpu.memory_space<vmem>>) offsets(%arg7 : memref<128xi32, #tpu.memory_space<vmem>>) semaphore(%arg13 : memref<!tpu.dma_semaphore, #tpu.memory_space<semaphore_mem>>)
    %dma_start3A_7 = arith.constant 0 : i32
    %dma_start3A_8 = arith.constant 0 : i32
    %dma_start3A_9 = tpu.memref_slice %arg3[%dma_start3A_7, %dma_start3A_8] : memref<8192x128xi32, #tpu.memory_space<hbm>> -> memref<8192x128xi32, #tpu.memory_space<hbm>>
    tpu.enqueue_indirect_dma source(%dma_start3A_9 : memref<8192x128xi32, #tpu.memory_space<hbm>>) target(%arg11 : memref<128x128xi32, #tpu.memory_space<vmem>>) offsets(%arg7 : memref<128xi32, #tpu.memory_space<vmem>>) semaphore(%arg13 : memref<!tpu.dma_semaphore, #tpu.memory_space<semaphore_mem>>)
    %mul3A_10 = arith.constant 2304 : i32
    %mul3A_11 = arith.muli %add3A, %mul3A_10 : i32
    %add3A_12 = arith.constant 128 : i32
    %add3A_13 = arith.addi %mul3A_11, %add3A_12 : i32
    "tpu.region"() ({
      %run_scoped3A = tpu.sem_alloc : memref<!tpu.dma_semaphore, #tpu.memory_space<semaphore_mem>>
      %dma_start3A_647 = tpu.memref_slice %arg4[%add3A_13] : memref<73728xi32, #tpu.memory_space<hbm>> -> memref<128xi32, #tpu.memory_space<hbm>>
      %dma_start3A_648 = tpu.memref_slice %arg4[%add3A_13] : memref<73728xi32, #tpu.memory_space<hbm>> -> memref<128xi32, #tpu.memory_space<hbm>>
      tpu.enqueue_dma source(%dma_start3A_648 : memref<128xi32, #tpu.memory_space<hbm>>) target(%arg8 : memref<128xi32, #tpu.memory_space<vmem>>) target_semaphore(%run_scoped3A : memref<!tpu.dma_semaphore, #tpu.memory_space<semaphore_mem>>)
      %dma_wait3A_649 = tpu.memref_slice %arg4[%add3A_13] : memref<73728xi32, #tpu.memory_space<hbm>> -> memref<128xi32, #tpu.memory_space<hbm>>
      %dma_wait3A_650 = tpu.memref_slice %arg4[%add3A_13] : memref<73728xi32, #tpu.memory_space<hbm>> -> memref<128xi32, #tpu.memory_space<hbm>>
      tpu.wait_dma2 semaphore(%run_scoped3A : memref<!tpu.dma_semaphore, #tpu.memory_space<semaphore_mem>>) src(%dma_wait3A_650 : memref<128xi32, #tpu.memory_space<hbm>>) dst(%arg8 : memref<128xi32, #tpu.memory_space<vmem>>)
      tpu.yield
    }) : () -> ()
    %dma_start3A_14 = arith.constant 0 : i32
    %dma_start3A_15 = arith.constant 0 : i32
    %dma_start3A_16 = tpu.memref_slice %arg2[%dma_start3A_14, %dma_start3A_15] : memref<8192x128xf32, #tpu.memory_space<hbm>> -> memref<8192x128xf32, #tpu.memory_space<hbm>>
    tpu.enqueue_indirect_dma source(%dma_start3A_16 : memref<8192x128xf32, #tpu.memory_space<hbm>>) target(%arg10 : memref<128x128xf32, #tpu.memory_space<vmem>>) offsets(%arg8 : memref<128xi32, #tpu.memory_space<vmem>>) semaphore(%arg14 : memref<!tpu.dma_semaphore, #tpu.memory_space<semaphore_mem>>)
    %dma_start3A_17 = arith.constant 0 : i32
    %dma_start3A_18 = arith.constant 0 : i32
    %dma_start3A_19 = tpu.memref_slice %arg3[%dma_start3A_17, %dma_start3A_18] : memref<8192x128xi32, #tpu.memory_space<hbm>> -> memref<8192x128xi32, #tpu.memory_space<hbm>>
    tpu.enqueue_indirect_dma source(%dma_start3A_19 : memref<8192x128xi32, #tpu.memory_space<hbm>>) target(%arg12 : memref<128x128xi32, #tpu.memory_space<vmem>>) offsets(%arg8 : memref<128xi32, #tpu.memory_space<vmem>>) semaphore(%arg14 : memref<!tpu.dma_semaphore, #tpu.memory_space<semaphore_mem>>)
    %dma_wait3A = arith.constant 0 : i32
    %dma_wait3A_20 = arith.constant 0 : i32
    %dma_wait3A_21 = tpu.memref_slice %arg2[%dma_wait3A, %dma_wait3A_20] : memref<8192x128xf32, #tpu.memory_space<hbm>> -> memref<8192x128xf32, #tpu.memory_space<hbm>>
    tpu.wait_indirect_dma semaphore(%arg13 : memref<!tpu.dma_semaphore, #tpu.memory_space<semaphore_mem>>) src(%dma_wait3A_21 : memref<8192x128xf32, #tpu.memory_space<hbm>>) dst(%arg9 : memref<128x128xf32, #tpu.memory_space<vmem>>)
    %dma_wait3A_22 = arith.constant 0 : i32
    %dma_wait3A_23 = arith.constant 0 : i32
    %dma_wait3A_24 = tpu.memref_slice %arg3[%dma_wait3A_22, %dma_wait3A_23] : memref<8192x128xi32, #tpu.memory_space<hbm>> -> memref<8192x128xi32, #tpu.memory_space<hbm>>
    tpu.wait_indirect_dma semaphore(%arg13 : memref<!tpu.dma_semaphore, #tpu.memory_space<semaphore_mem>>) src(%dma_wait3A_24 : memref<8192x128xi32, #tpu.memory_space<hbm>>) dst(%arg11 : memref<128x128xi32, #tpu.memory_space<vmem>>)
    %mul3A_25 = arith.constant 2304 : i32
    %mul3A_26 = arith.muli %add3A, %mul3A_25 : i32
    %add3A_27 = arith.constant 0 : i32
    %add3A_28 = arith.addi %mul3A_26, %add3A_27 : i32
    %dma_start3A_29 = arith.constant 0 : i32
    %dma_start3A_30 = tpu.memref_slice %arg5[%add3A_28, %dma_start3A_29] : memref<73728x128xf32, #tpu.memory_space<hbm>> -> memref<128x128xf32, #tpu.memory_space<hbm>>
    %dma_start3A_31 = arith.constant 0 : i32
    %dma_start3A_32 = tpu.memref_slice %arg5[%add3A_28, %dma_start3A_31] : memref<73728x128xf32, #tpu.memory_space<hbm>> -> memref<128x128xf32, #tpu.memory_space<hbm>>
    tpu.enqueue_dma source(%arg9 : memref<128x128xf32, #tpu.memory_space<vmem>>) target(%dma_start3A_32 : memref<128x128xf32, #tpu.memory_space<hbm>>) target_semaphore(%arg15 : memref<!tpu.dma_semaphore, #tpu.memory_space<semaphore_mem>>)
    %dma_start3A_33 = arith.constant 0 : i32
    %dma_start3A_34 = tpu.memref_slice %arg6[%add3A_28, %dma_start3A_33] : memref<73728x128xi32, #tpu.memory_space<hbm>> -> memref<128x128xi32, #tpu.memory_space<hbm>>
    %dma_start3A_35 = arith.constant 0 : i32
    %dma_start3A_36 = tpu.memref_slice %arg6[%add3A_28, %dma_start3A_35] : memref<73728x128xi32, #tpu.memory_space<hbm>> -> memref<128x128xi32, #tpu.memory_space<hbm>>
    tpu.enqueue_dma source(%arg11 : memref<128x128xi32, #tpu.memory_space<vmem>>) target(%dma_start3A_36 : memref<128x128xi32, #tpu.memory_space<hbm>>) target_semaphore(%arg15 : memref<!tpu.dma_semaphore, #tpu.memory_space<semaphore_mem>>)
    %dma_wait3A_37 = arith.constant 0 : i32
    %dma_wait3A_38 = tpu.memref_slice %arg5[%add3A_28, %dma_wait3A_37] : memref<73728x128xf32, #tpu.memory_space<hbm>> -> memref<128x128xf32, #tpu.memory_space<hbm>>
    %dma_wait3A_39 = arith.constant 0 : i32
    %dma_wait3A_40 = tpu.memref_slice %arg5[%add3A_28, %dma_wait3A_39] : memref<73728x128xf32, #tpu.memory_space<hbm>> -> memref<128x128xf32, #tpu.memory_space<hbm>>
    tpu.wait_dma2 semaphore(%arg15 : memref<!tpu.dma_semaphore, #tpu.memory_space<semaphore_mem>>) src(%arg9 : memref<128x128xf32, #tpu.memory_space<vmem>>) dst(%dma_wait3A_40 : memref<128x128xf32, #tpu.memory_space<hbm>>)
    %dma_wait3A_41 = arith.constant 0 : i32
    %dma_wait3A_42 = tpu.memref_slice %arg6[%add3A_28, %dma_wait3A_41] : memref<73728x128xi32, #tpu.memory_space<hbm>> -> memref<128x128xi32, #tpu.memory_space<hbm>>
    %dma_wait3A_43 = arith.constant 0 : i32
    %dma_wait3A_44 = tpu.memref_slice %arg6[%add3A_28, %dma_wait3A_43] : memref<73728x128xi32, #tpu.memory_space<hbm>> -> memref<128x128xi32, #tpu.memory_space<hbm>>
    tpu.wait_dma2 semaphore(%arg15 : memref<!tpu.dma_semaphore, #tpu.memory_space<semaphore_mem>>) src(%arg11 : memref<128x128xi32, #tpu.memory_space<vmem>>) dst(%dma_wait3A_44 : memref<128x128xi32, #tpu.memory_space<hbm>>)
    %mul3A_45 = arith.constant 2304 : i32
    %mul3A_46 = arith.muli %add3A, %mul3A_45 : i32
    %add3A_47 = arith.constant 256 : i32
    %add3A_48 = arith.addi %mul3A_46, %add3A_47 : i32
    "tpu.region"() ({
      %run_scoped3A = tpu.sem_alloc : memref<!tpu.dma_semaphore, #tpu.memory_space<semaphore_mem>>
      %dma_start3A_647 = tpu.memref_slice %arg4[%add3A_48] : memref<73728xi32, #tpu.memory_space<hbm>> -> memref<128xi32, #tpu.memory_space<hbm>>
      %dma_start3A_648 = tpu.memref_slice %arg4[%add3A_48] : memref<73728xi32, #tpu.memory_space<hbm>> -> memref<128xi32, #tpu.memory_space<hbm>>
      tpu.enqueue_dma source(%dma_start3A_648 : memref<128xi32, #tpu.memory_space<hbm>>) target(%arg7 : memref<128xi32, #tpu.memory_space<vmem>>) target_semaphore(%run_scoped3A : memref<!tpu.dma_semaphore, #tpu.memory_space<semaphore_mem>>)
      %dma_wait3A_649 = tpu.memref_slice %arg4[%add3A_48] : memref<73728xi32, #tpu.memory_space<hbm>> -> memref<128xi32, #tpu.memory_space<hbm>>
      %dma_wait3A_650 = tpu.memref_slice %arg4[%add3A_48] : memref<73728xi32, #tpu.memory_space<hbm>> -> memref<128xi32, #tpu.memory_space<hbm>>
      tpu.wait_dma2 semaphore(%run_scoped3A : memref<!tpu.dma_semaphore, #tpu.memory_space<semaphore_mem>>) src(%dma_wait3A_650 : memref<128xi32, #tpu.memory_space<hbm>>) dst(%arg7 : memref<128xi32, #tpu.memory_space<vmem>>)
      tpu.yield
    }) : () -> ()
    %dma_start3A_49 = arith.constant 0 : i32
    %dma_start3A_50 = arith.constant 0 : i32
    %dma_start3A_51 = tpu.memref_slice %arg2[%dma_start3A_49, %dma_start3A_50] : memref<8192x128xf32, #tpu.memory_space<hbm>> -> memref<8192x128xf32, #tpu.memory_space<hbm>>
    tpu.enqueue_indirect_dma source(%dma_start3A_51 : memref<8192x128xf32, #tpu.memory_space<hbm>>) target(%arg9 : memref<128x128xf32, #tpu.memory_space<vmem>>) offsets(%arg7 : memref<128xi32, #tpu.memory_space<vmem>>) semaphore(%arg13 : memref<!tpu.dma_semaphore, #tpu.memory_space<semaphore_mem>>)
    %dma_start3A_52 = arith.constant 0 : i32
    %dma_start3A_53 = arith.constant 0 : i32
    %dma_start3A_54 = tpu.memref_slice %arg3[%dma_start3A_52, %dma_start3A_53] : memref<8192x128xi32, #tpu.memory_space<hbm>> -> memref<8192x128xi32, #tpu.memory_space<hbm>>
    tpu.enqueue_indirect_dma source(%dma_start3A_54 : memref<8192x128xi32, #tpu.memory_space<hbm>>) target(%arg11 : memref<128x128xi32, #tpu.memory_space<vmem>>) offsets(%arg7 : memref<128xi32, #tpu.memory_space<vmem>>) semaphore(%arg13 : memref<!tpu.dma_semaphore, #tpu.memory_space<semaphore_mem>>)
    %dma_wait3A_55 = arith.constant 0 : i32
    %dma_wait3A_56 = arith.constant 0 : i32
    %dma_wait3A_57 = tpu.memref_slice %arg2[%dma_wait3A_55, %dma_wait3A_56] : memref<8192x128xf32, #tpu.memory_space<hbm>> -> memref<8192x128xf32, #tpu.memory_space<hbm>>
    tpu.wait_indirect_dma semaphore(%arg14 : memref<!tpu.dma_semaphore, #tpu.memory_space<semaphore_mem>>) src(%dma_wait3A_57 : memref<8192x128xf32, #tpu.memory_space<hbm>>) dst(%arg10 : memref<128x128xf32, #tpu.memory_space<vmem>>)
    %dma_wait3A_58 = arith.constant 0 : i32
    %dma_wait3A_59 = arith.constant 0 : i32
    %dma_wait3A_60 = tpu.memref_slice %arg3[%dma_wait3A_58, %dma_wait3A_59] : memref<8192x128xi32, #tpu.memory_space<hbm>> -> memref<8192x128xi32, #tpu.memory_space<hbm>>
    tpu.wait_indirect_dma semaphore(%arg14 : memref<!tpu.dma_semaphore, #tpu.memory_space<semaphore_mem>>) src(%dma_wait3A_60 : memref<8192x128xi32, #tpu.memory_space<hbm>>) dst(%arg12 : memref<128x128xi32, #tpu.memory_space<vmem>>)
    %mul3A_61 = arith.constant 2304 : i32
    %mul3A_62 = arith.muli %add3A, %mul3A_61 : i32
    %add3A_63 = arith.constant 128 : i32
    %add3A_64 = arith.addi %mul3A_62, %add3A_63 : i32
    %dma_start3A_65 = arith.constant 0 : i32
    %dma_start3A_66 = tpu.memref_slice %arg5[%add3A_64, %dma_start3A_65] : memref<73728x128xf32, #tpu.memory_space<hbm>> -> memref<128x128xf32, #tpu.memory_space<hbm>>
    %dma_start3A_67 = arith.constant 0 : i32
    %dma_start3A_68 = tpu.memref_slice %arg5[%add3A_64, %dma_start3A_67] : memref<73728x128xf32, #tpu.memory_space<hbm>> -> memref<128x128xf32, #tpu.memory_space<hbm>>
    tpu.enqueue_dma source(%arg10 : memref<128x128xf32, #tpu.memory_space<vmem>>) target(%dma_start3A_68 : memref<128x128xf32, #tpu.memory_space<hbm>>) target_semaphore(%arg16 : memref<!tpu.dma_semaphore, #tpu.memory_space<semaphore_mem>>)
    %dma_start3A_69 = arith.constant 0 : i32
    %dma_start3A_70 = tpu.memref_slice %arg6[%add3A_64, %dma_start3A_69] : memref<73728x128xi32, #tpu.memory_space<hbm>> -> memref<128x128xi32, #tpu.memory_space<hbm>>
    %dma_start3A_71 = arith.constant 0 : i32
    %dma_start3A_72 = tpu.memref_slice %arg6[%add3A_64, %dma_start3A_71] : memref<73728x128xi32, #tpu.memory_space<hbm>> -> memref<128x128xi32, #tpu.memory_space<hbm>>
    tpu.enqueue_dma source(%arg12 : memref<128x128xi32, #tpu.memory_space<vmem>>) target(%dma_start3A_72 : memref<128x128xi32, #tpu.memory_space<hbm>>) target_semaphore(%arg16 : memref<!tpu.dma_semaphore, #tpu.memory_space<semaphore_mem>>)
    %dma_wait3A_73 = arith.constant 0 : i32
    %dma_wait3A_74 = tpu.memref_slice %arg5[%add3A_64, %dma_wait3A_73] : memref<73728x128xf32, #tpu.memory_space<hbm>> -> memref<128x128xf32, #tpu.memory_space<hbm>>
    %dma_wait3A_75 = arith.constant 0 : i32
    %dma_wait3A_76 = tpu.memref_slice %arg5[%add3A_64, %dma_wait3A_75] : memref<73728x128xf32, #tpu.memory_space<hbm>> -> memref<128x128xf32, #tpu.memory_space<hbm>>
    tpu.wait_dma2 semaphore(%arg16 : memref<!tpu.dma_semaphore, #tpu.memory_space<semaphore_mem>>) src(%arg10 : memref<128x128xf32, #tpu.memory_space<vmem>>) dst(%dma_wait3A_76 : memref<128x128xf32, #tpu.memory_space<hbm>>)
    %dma_wait3A_77 = arith.constant 0 : i32
    %dma_wait3A_78 = tpu.memref_slice %arg6[%add3A_64, %dma_wait3A_77] : memref<73728x128xi32, #tpu.memory_space<hbm>> -> memref<128x128xi32, #tpu.memory_space<hbm>>
    %dma_wait3A_79 = arith.constant 0 : i32
    %dma_wait3A_80 = tpu.memref_slice %arg6[%add3A_64, %dma_wait3A_79] : memref<73728x128xi32, #tpu.memory_space<hbm>> -> memref<128x128xi32, #tpu.memory_space<hbm>>
    tpu.wait_dma2 semaphore(%arg16 : memref<!tpu.dma_semaphore, #tpu.memory_space<semaphore_mem>>) src(%arg12 : memref<128x128xi32, #tpu.memory_space<vmem>>) dst(%dma_wait3A_80 : memref<128x128xi32, #tpu.memory_space<hbm>>)
    %mul3A_81 = arith.constant 2304 : i32
    %mul3A_82 = arith.muli %add3A, %mul3A_81 : i32
    %add3A_83 = arith.constant 384 : i32
    %add3A_84 = arith.addi %mul3A_82, %add3A_83 : i32
    "tpu.region"() ({
      %run_scoped3A = tpu.sem_alloc : memref<!tpu.dma_semaphore, #tpu.memory_space<semaphore_mem>>
      %dma_start3A_647 = tpu.memref_slice %arg4[%add3A_84] : memref<73728xi32, #tpu.memory_space<hbm>> -> memref<128xi32, #tpu.memory_space<hbm>>
      %dma_start3A_648 = tpu.memref_slice %arg4[%add3A_84] : memref<73728xi32, #tpu.memory_space<hbm>> -> memref<128xi32, #tpu.memory_space<hbm>>
      tpu.enqueue_dma source(%dma_start3A_648 : memref<128xi32, #tpu.memory_space<hbm>>) target(%arg8 : memref<128xi32, #tpu.memory_space<vmem>>) target_semaphore(%run_scoped3A : memref<!tpu.dma_semaphore, #tpu.memory_space<semaphore_mem>>)
      %dma_wait3A_649 = tpu.memref_slice %arg4[%add3A_84] : memref<73728xi32, #tpu.memory_space<hbm>> -> memref<128xi32, #tpu.memory_space<hbm>>
      %dma_wait3A_650 = tpu.memref_slice %arg4[%add3A_84] : memref<73728xi32, #tpu.memory_space<hbm>> -> memref<128xi32, #tpu.memory_space<hbm>>
      tpu.wait_dma2 semaphore(%run_scoped3A : memref<!tpu.dma_semaphore, #tpu.memory_space<semaphore_mem>>) src(%dma_wait3A_650 : memref<128xi32, #tpu.memory_space<hbm>>) dst(%arg8 : memref<128xi32, #tpu.memory_space<vmem>>)
      tpu.yield
    }) : () -> ()
    %dma_start3A_85 = arith.constant 0 : i32
    %dma_start3A_86 = arith.constant 0 : i32
    %dma_start3A_87 = tpu.memref_slice %arg2[%dma_start3A_85, %dma_start3A_86] : memref<8192x128xf32, #tpu.memory_space<hbm>> -> memref<8192x128xf32, #tpu.memory_space<hbm>>
    tpu.enqueue_indirect_dma source(%dma_start3A_87 : memref<8192x128xf32, #tpu.memory_space<hbm>>) target(%arg10 : memref<128x128xf32, #tpu.memory_space<vmem>>) offsets(%arg8 : memref<128xi32, #tpu.memory_space<vmem>>) semaphore(%arg14 : memref<!tpu.dma_semaphore, #tpu.memory_space<semaphore_mem>>)
    %dma_start3A_88 = arith.constant 0 : i32
    %dma_start3A_89 = arith.constant 0 : i32
    %dma_start3A_90 = tpu.memref_slice %arg3[%dma_start3A_88, %dma_start3A_89] : memref<8192x128xi32, #tpu.memory_space<hbm>> -> memref<8192x128xi32, #tpu.memory_space<hbm>>
    tpu.enqueue_indirect_dma source(%dma_start3A_90 : memref<8192x128xi32, #tpu.memory_space<hbm>>) target(%arg12 : memref<128x128xi32, #tpu.memory_space<vmem>>) offsets(%arg8 : memref<128xi32, #tpu.memory_space<vmem>>) semaphore(%arg14 : memref<!tpu.dma_semaphore, #tpu.memory_space<semaphore_mem>>)
    %dma_wait3A_91 = arith.constant 0 : i32
    %dma_wait3A_92 = arith.constant 0 : i32
    %dma_wait3A_93 = tpu.memref_slice %arg2[%dma_wait3A_91, %dma_wait3A_92] : memref<8192x128xf32, #tpu.memory_space<hbm>> -> memref<8192x128xf32, #tpu.memory_space<hbm>>
    tpu.wait_indirect_dma semaphore(%arg13 : memref<!tpu.dma_semaphore, #tpu.memory_space<semaphore_mem>>) src(%dma_wait3A_93 : memref<8192x128xf32, #tpu.memory_space<hbm>>) dst(%arg9 : memref<128x128xf32, #tpu.memory_space<vmem>>)
    %dma_wait3A_94 = arith.constant 0 : i32
    %dma_wait3A_95 = arith.constant 0 : i32
    %dma_wait3A_96 = tpu.memref_slice %arg3[%dma_wait3A_94, %dma_wait3A_95] : memref<8192x128xi32, #tpu.memory_space<hbm>> -> memref<8192x128xi32, #tpu.memory_space<hbm>>
    tpu.wait_indirect_dma semaphore(%arg13 : memref<!tpu.dma_semaphore, #tpu.memory_space<semaphore_mem>>) src(%dma_wait3A_96 : memref<8192x128xi32, #tpu.memory_space<hbm>>) dst(%arg11 : memref<128x128xi32, #tpu.memory_space<vmem>>)
    %mul3A_97 = arith.constant 2304 : i32
    %mul3A_98 = arith.muli %add3A, %mul3A_97 : i32
    %add3A_99 = arith.constant 256 : i32
    %add3A_100 = arith.addi %mul3A_98, %add3A_99 : i32
    %dma_start3A_101 = arith.constant 0 : i32
    %dma_start3A_102 = tpu.memref_slice %arg5[%add3A_100, %dma_start3A_101] : memref<73728x128xf32, #tpu.memory_space<hbm>> -> memref<128x128xf32, #tpu.memory_space<hbm>>
    %dma_start3A_103 = arith.constant 0 : i32
    %dma_start3A_104 = tpu.memref_slice %arg5[%add3A_100, %dma_start3A_103] : memref<73728x128xf32, #tpu.memory_space<hbm>> -> memref<128x128xf32, #tpu.memory_space<hbm>>
    tpu.enqueue_dma source(%arg9 : memref<128x128xf32, #tpu.memory_space<vmem>>) target(%dma_start3A_104 : memref<128x128xf32, #tpu.memory_space<hbm>>) target_semaphore(%arg15 : memref<!tpu.dma_semaphore, #tpu.memory_space<semaphore_mem>>)
    %dma_start3A_105 = arith.constant 0 : i32
    %dma_start3A_106 = tpu.memref_slice %arg6[%add3A_100, %dma_start3A_105] : memref<73728x128xi32, #tpu.memory_space<hbm>> -> memref<128x128xi32, #tpu.memory_space<hbm>>
    %dma_start3A_107 = arith.constant 0 : i32
    %dma_start3A_108 = tpu.memref_slice %arg6[%add3A_100, %dma_start3A_107] : memref<73728x128xi32, #tpu.memory_space<hbm>> -> memref<128x128xi32, #tpu.memory_space<hbm>>
    tpu.enqueue_dma source(%arg11 : memref<128x128xi32, #tpu.memory_space<vmem>>) target(%dma_start3A_108 : memref<128x128xi32, #tpu.memory_space<hbm>>) target_semaphore(%arg15 : memref<!tpu.dma_semaphore, #tpu.memory_space<semaphore_mem>>)
    %dma_wait3A_109 = arith.constant 0 : i32
    %dma_wait3A_110 = tpu.memref_slice %arg5[%add3A_100, %dma_wait3A_109] : memref<73728x128xf32, #tpu.memory_space<hbm>> -> memref<128x128xf32, #tpu.memory_space<hbm>>
    %dma_wait3A_111 = arith.constant 0 : i32
    %dma_wait3A_112 = tpu.memref_slice %arg5[%add3A_100, %dma_wait3A_111] : memref<73728x128xf32, #tpu.memory_space<hbm>> -> memref<128x128xf32, #tpu.memory_space<hbm>>
    tpu.wait_dma2 semaphore(%arg15 : memref<!tpu.dma_semaphore, #tpu.memory_space<semaphore_mem>>) src(%arg9 : memref<128x128xf32, #tpu.memory_space<vmem>>) dst(%dma_wait3A_112 : memref<128x128xf32, #tpu.memory_space<hbm>>)
    %dma_wait3A_113 = arith.constant 0 : i32
    %dma_wait3A_114 = tpu.memref_slice %arg6[%add3A_100, %dma_wait3A_113] : memref<73728x128xi32, #tpu.memory_space<hbm>> -> memref<128x128xi32, #tpu.memory_space<hbm>>
    %dma_wait3A_115 = arith.constant 0 : i32
    %dma_wait3A_116 = tpu.memref_slice %arg6[%add3A_100, %dma_wait3A_115] : memref<73728x128xi32, #tpu.memory_space<hbm>> -> memref<128x128xi32, #tpu.memory_space<hbm>>
    tpu.wait_dma2 semaphore(%arg15 : memref<!tpu.dma_semaphore, #tpu.memory_space<semaphore_mem>>) src(%arg11 : memref<128x128xi32, #tpu.memory_space<vmem>>) dst(%dma_wait3A_116 : memref<128x128xi32, #tpu.memory_space<hbm>>)
    %mul3A_117 = arith.constant 2304 : i32
    %mul3A_118 = arith.muli %add3A, %mul3A_117 : i32
    %add3A_119 = arith.constant 512 : i32
    %add3A_120 = arith.addi %mul3A_118, %add3A_119 : i32
    "tpu.region"() ({
      %run_scoped3A = tpu.sem_alloc : memref<!tpu.dma_semaphore, #tpu.memory_space<semaphore_mem>>
      %dma_start3A_647 = tpu.memref_slice %arg4[%add3A_120] : memref<73728xi32, #tpu.memory_space<hbm>> -> memref<128xi32, #tpu.memory_space<hbm>>
      %dma_start3A_648 = tpu.memref_slice %arg4[%add3A_120] : memref<73728xi32, #tpu.memory_space<hbm>> -> memref<128xi32, #tpu.memory_space<hbm>>
      tpu.enqueue_dma source(%dma_start3A_648 : memref<128xi32, #tpu.memory_space<hbm>>) target(%arg7 : memref<128xi32, #tpu.memory_space<vmem>>) target_semaphore(%run_scoped3A : memref<!tpu.dma_semaphore, #tpu.memory_space<semaphore_mem>>)
      %dma_wait3A_649 = tpu.memref_slice %arg4[%add3A_120] : memref<73728xi32, #tpu.memory_space<hbm>> -> memref<128xi32, #tpu.memory_space<hbm>>
      %dma_wait3A_650 = tpu.memref_slice %arg4[%add3A_120] : memref<73728xi32, #tpu.memory_space<hbm>> -> memref<128xi32, #tpu.memory_space<hbm>>
      tpu.wait_dma2 semaphore(%run_scoped3A : memref<!tpu.dma_semaphore, #tpu.memory_space<semaphore_mem>>) src(%dma_wait3A_650 : memref<128xi32, #tpu.memory_space<hbm>>) dst(%arg7 : memref<128xi32, #tpu.memory_space<vmem>>)
      tpu.yield
    }) : () -> ()
    %dma_start3A_121 = arith.constant 0 : i32
    %dma_start3A_122 = arith.constant 0 : i32
    %dma_start3A_123 = tpu.memref_slice %arg2[%dma_start3A_121, %dma_start3A_122] : memref<8192x128xf32, #tpu.memory_space<hbm>> -> memref<8192x128xf32, #tpu.memory_space<hbm>>
    tpu.enqueue_indirect_dma source(%dma_start3A_123 : memref<8192x128xf32, #tpu.memory_space<hbm>>) target(%arg9 : memref<128x128xf32, #tpu.memory_space<vmem>>) offsets(%arg7 : memref<128xi32, #tpu.memory_space<vmem>>) semaphore(%arg13 : memref<!tpu.dma_semaphore, #tpu.memory_space<semaphore_mem>>)
    %dma_start3A_124 = arith.constant 0 : i32
    %dma_start3A_125 = arith.constant 0 : i32
    %dma_start3A_126 = tpu.memref_slice %arg3[%dma_start3A_124, %dma_start3A_125] : memref<8192x128xi32, #tpu.memory_space<hbm>> -> memref<8192x128xi32, #tpu.memory_space<hbm>>
    tpu.enqueue_indirect_dma source(%dma_start3A_126 : memref<8192x128xi32, #tpu.memory_space<hbm>>) target(%arg11 : memref<128x128xi32, #tpu.memory_space<vmem>>) offsets(%arg7 : memref<128xi32, #tpu.memory_space<vmem>>) semaphore(%arg13 : memref<!tpu.dma_semaphore, #tpu.memory_space<semaphore_mem>>)
    %dma_wait3A_127 = arith.constant 0 : i32
    %dma_wait3A_128 = arith.constant 0 : i32
    %dma_wait3A_129 = tpu.memref_slice %arg2[%dma_wait3A_127, %dma_wait3A_128] : memref<8192x128xf32, #tpu.memory_space<hbm>> -> memref<8192x128xf32, #tpu.memory_space<hbm>>
    tpu.wait_indirect_dma semaphore(%arg14 : memref<!tpu.dma_semaphore, #tpu.memory_space<semaphore_mem>>) src(%dma_wait3A_129 : memref<8192x128xf32, #tpu.memory_space<hbm>>) dst(%arg10 : memref<128x128xf32, #tpu.memory_space<vmem>>)
    %dma_wait3A_130 = arith.constant 0 : i32
    %dma_wait3A_131 = arith.constant 0 : i32
    %dma_wait3A_132 = tpu.memref_slice %arg3[%dma_wait3A_130, %dma_wait3A_131] : memref<8192x128xi32, #tpu.memory_space<hbm>> -> memref<8192x128xi32, #tpu.memory_space<hbm>>
    tpu.wait_indirect_dma semaphore(%arg14 : memref<!tpu.dma_semaphore, #tpu.memory_space<semaphore_mem>>) src(%dma_wait3A_132 : memref<8192x128xi32, #tpu.memory_space<hbm>>) dst(%arg12 : memref<128x128xi32, #tpu.memory_space<vmem>>)
    %mul3A_133 = arith.constant 2304 : i32
    %mul3A_134 = arith.muli %add3A, %mul3A_133 : i32
    %add3A_135 = arith.constant 384 : i32
    %add3A_136 = arith.addi %mul3A_134, %add3A_135 : i32
    %dma_start3A_137 = arith.constant 0 : i32
    %dma_start3A_138 = tpu.memref_slice %arg5[%add3A_136, %dma_start3A_137] : memref<73728x128xf32, #tpu.memory_space<hbm>> -> memref<128x128xf32, #tpu.memory_space<hbm>>
    %dma_start3A_139 = arith.constant 0 : i32
    %dma_start3A_140 = tpu.memref_slice %arg5[%add3A_136, %dma_start3A_139] : memref<73728x128xf32, #tpu.memory_space<hbm>> -> memref<128x128xf32, #tpu.memory_space<hbm>>
    tpu.enqueue_dma source(%arg10 : memref<128x128xf32, #tpu.memory_space<vmem>>) target(%dma_start3A_140 : memref<128x128xf32, #tpu.memory_space<hbm>>) target_semaphore(%arg16 : memref<!tpu.dma_semaphore, #tpu.memory_space<semaphore_mem>>)
    %dma_start3A_141 = arith.constant 0 : i32
    %dma_start3A_142 = tpu.memref_slice %arg6[%add3A_136, %dma_start3A_141] : memref<73728x128xi32, #tpu.memory_space<hbm>> -> memref<128x128xi32, #tpu.memory_space<hbm>>
    %dma_start3A_143 = arith.constant 0 : i32
    %dma_start3A_144 = tpu.memref_slice %arg6[%add3A_136, %dma_start3A_143] : memref<73728x128xi32, #tpu.memory_space<hbm>> -> memref<128x128xi32, #tpu.memory_space<hbm>>
    tpu.enqueue_dma source(%arg12 : memref<128x128xi32, #tpu.memory_space<vmem>>) target(%dma_start3A_144 : memref<128x128xi32, #tpu.memory_space<hbm>>) target_semaphore(%arg16 : memref<!tpu.dma_semaphore, #tpu.memory_space<semaphore_mem>>)
    %dma_wait3A_145 = arith.constant 0 : i32
    %dma_wait3A_146 = tpu.memref_slice %arg5[%add3A_136, %dma_wait3A_145] : memref<73728x128xf32, #tpu.memory_space<hbm>> -> memref<128x128xf32, #tpu.memory_space<hbm>>
    %dma_wait3A_147 = arith.constant 0 : i32
    %dma_wait3A_148 = tpu.memref_slice %arg5[%add3A_136, %dma_wait3A_147] : memref<73728x128xf32, #tpu.memory_space<hbm>> -> memref<128x128xf32, #tpu.memory_space<hbm>>
    tpu.wait_dma2 semaphore(%arg16 : memref<!tpu.dma_semaphore, #tpu.memory_space<semaphore_mem>>) src(%arg10 : memref<128x128xf32, #tpu.memory_space<vmem>>) dst(%dma_wait3A_148 : memref<128x128xf32, #tpu.memory_space<hbm>>)
    %dma_wait3A_149 = arith.constant 0 : i32
    %dma_wait3A_150 = tpu.memref_slice %arg6[%add3A_136, %dma_wait3A_149] : memref<73728x128xi32, #tpu.memory_space<hbm>> -> memref<128x128xi32, #tpu.memory_space<hbm>>
    %dma_wait3A_151 = arith.constant 0 : i32
    %dma_wait3A_152 = tpu.memref_slice %arg6[%add3A_136, %dma_wait3A_151] : memref<73728x128xi32, #tpu.memory_space<hbm>> -> memref<128x128xi32, #tpu.memory_space<hbm>>
    tpu.wait_dma2 semaphore(%arg16 : memref<!tpu.dma_semaphore, #tpu.memory_space<semaphore_mem>>) src(%arg12 : memref<128x128xi32, #tpu.memory_space<vmem>>) dst(%dma_wait3A_152 : memref<128x128xi32, #tpu.memory_space<hbm>>)
    %mul3A_153 = arith.constant 2304 : i32
    %mul3A_154 = arith.muli %add3A, %mul3A_153 : i32
    %add3A_155 = arith.constant 640 : i32
    %add3A_156 = arith.addi %mul3A_154, %add3A_155 : i32
    "tpu.region"() ({
      %run_scoped3A = tpu.sem_alloc : memref<!tpu.dma_semaphore, #tpu.memory_space<semaphore_mem>>
      %dma_start3A_647 = tpu.memref_slice %arg4[%add3A_156] : memref<73728xi32, #tpu.memory_space<hbm>> -> memref<128xi32, #tpu.memory_space<hbm>>
      %dma_start3A_648 = tpu.memref_slice %arg4[%add3A_156] : memref<73728xi32, #tpu.memory_space<hbm>> -> memref<128xi32, #tpu.memory_space<hbm>>
      tpu.enqueue_dma source(%dma_start3A_648 : memref<128xi32, #tpu.memory_space<hbm>>) target(%arg8 : memref<128xi32, #tpu.memory_space<vmem>>) target_semaphore(%run_scoped3A : memref<!tpu.dma_semaphore, #tpu.memory_space<semaphore_mem>>)
      %dma_wait3A_649 = tpu.memref_slice %arg4[%add3A_156] : memref<73728xi32, #tpu.memory_space<hbm>> -> memref<128xi32, #tpu.memory_space<hbm>>
      %dma_wait3A_650 = tpu.memref_slice %arg4[%add3A_156] : memref<73728xi32, #tpu.memory_space<hbm>> -> memref<128xi32, #tpu.memory_space<hbm>>
      tpu.wait_dma2 semaphore(%run_scoped3A : memref<!tpu.dma_semaphore, #tpu.memory_space<semaphore_mem>>) src(%dma_wait3A_650 : memref<128xi32, #tpu.memory_space<hbm>>) dst(%arg8 : memref<128xi32, #tpu.memory_space<vmem>>)
      tpu.yield
    }) : () -> ()
    %dma_start3A_157 = arith.constant 0 : i32
    %dma_start3A_158 = arith.constant 0 : i32
    %dma_start3A_159 = tpu.memref_slice %arg2[%dma_start3A_157, %dma_start3A_158] : memref<8192x128xf32, #tpu.memory_space<hbm>> -> memref<8192x128xf32, #tpu.memory_space<hbm>>
    tpu.enqueue_indirect_dma source(%dma_start3A_159 : memref<8192x128xf32, #tpu.memory_space<hbm>>) target(%arg10 : memref<128x128xf32, #tpu.memory_space<vmem>>) offsets(%arg8 : memref<128xi32, #tpu.memory_space<vmem>>) semaphore(%arg14 : memref<!tpu.dma_semaphore, #tpu.memory_space<semaphore_mem>>)
    %dma_start3A_160 = arith.constant 0 : i32
    %dma_start3A_161 = arith.constant 0 : i32
    %dma_start3A_162 = tpu.memref_slice %arg3[%dma_start3A_160, %dma_start3A_161] : memref<8192x128xi32, #tpu.memory_space<hbm>> -> memref<8192x128xi32, #tpu.memory_space<hbm>>
    tpu.enqueue_indirect_dma source(%dma_start3A_162 : memref<8192x128xi32, #tpu.memory_space<hbm>>) target(%arg12 : memref<128x128xi32, #tpu.memory_space<vmem>>) offsets(%arg8 : memref<128xi32, #tpu.memory_space<vmem>>) semaphore(%arg14 : memref<!tpu.dma_semaphore, #tpu.memory_space<semaphore_mem>>)
    %dma_wait3A_163 = arith.constant 0 : i32
    %dma_wait3A_164 = arith.constant 0 : i32
    %dma_wait3A_165 = tpu.memref_slice %arg2[%dma_wait3A_163, %dma_wait3A_164] : memref<8192x128xf32, #tpu.memory_space<hbm>> -> memref<8192x128xf32, #tpu.memory_space<hbm>>
    tpu.wait_indirect_dma semaphore(%arg13 : memref<!tpu.dma_semaphore, #tpu.memory_space<semaphore_mem>>) src(%dma_wait3A_165 : memref<8192x128xf32, #tpu.memory_space<hbm>>) dst(%arg9 : memref<128x128xf32, #tpu.memory_space<vmem>>)
    %dma_wait3A_166 = arith.constant 0 : i32
    %dma_wait3A_167 = arith.constant 0 : i32
    %dma_wait3A_168 = tpu.memref_slice %arg3[%dma_wait3A_166, %dma_wait3A_167] : memref<8192x128xi32, #tpu.memory_space<hbm>> -> memref<8192x128xi32, #tpu.memory_space<hbm>>
    tpu.wait_indirect_dma semaphore(%arg13 : memref<!tpu.dma_semaphore, #tpu.memory_space<semaphore_mem>>) src(%dma_wait3A_168 : memref<8192x128xi32, #tpu.memory_space<hbm>>) dst(%arg11 : memref<128x128xi32, #tpu.memory_space<vmem>>)
    %mul3A_169 = arith.constant 2304 : i32
    %mul3A_170 = arith.muli %add3A, %mul3A_169 : i32
    %add3A_171 = arith.constant 512 : i32
    %add3A_172 = arith.addi %mul3A_170, %add3A_171 : i32
    %dma_start3A_173 = arith.constant 0 : i32
    %dma_start3A_174 = tpu.memref_slice %arg5[%add3A_172, %dma_start3A_173] : memref<73728x128xf32, #tpu.memory_space<hbm>> -> memref<128x128xf32, #tpu.memory_space<hbm>>
    %dma_start3A_175 = arith.constant 0 : i32
    %dma_start3A_176 = tpu.memref_slice %arg5[%add3A_172, %dma_start3A_175] : memref<73728x128xf32, #tpu.memory_space<hbm>> -> memref<128x128xf32, #tpu.memory_space<hbm>>
    tpu.enqueue_dma source(%arg9 : memref<128x128xf32, #tpu.memory_space<vmem>>) target(%dma_start3A_176 : memref<128x128xf32, #tpu.memory_space<hbm>>) target_semaphore(%arg15 : memref<!tpu.dma_semaphore, #tpu.memory_space<semaphore_mem>>)
    %dma_start3A_177 = arith.constant 0 : i32
    %dma_start3A_178 = tpu.memref_slice %arg6[%add3A_172, %dma_start3A_177] : memref<73728x128xi32, #tpu.memory_space<hbm>> -> memref<128x128xi32, #tpu.memory_space<hbm>>
    %dma_start3A_179 = arith.constant 0 : i32
    %dma_start3A_180 = tpu.memref_slice %arg6[%add3A_172, %dma_start3A_179] : memref<73728x128xi32, #tpu.memory_space<hbm>> -> memref<128x128xi32, #tpu.memory_space<hbm>>
    tpu.enqueue_dma source(%arg11 : memref<128x128xi32, #tpu.memory_space<vmem>>) target(%dma_start3A_180 : memref<128x128xi32, #tpu.memory_space<hbm>>) target_semaphore(%arg15 : memref<!tpu.dma_semaphore, #tpu.memory_space<semaphore_mem>>)
    %dma_wait3A_181 = arith.constant 0 : i32
    %dma_wait3A_182 = tpu.memref_slice %arg5[%add3A_172, %dma_wait3A_181] : memref<73728x128xf32, #tpu.memory_space<hbm>> -> memref<128x128xf32, #tpu.memory_space<hbm>>
    %dma_wait3A_183 = arith.constant 0 : i32
    %dma_wait3A_184 = tpu.memref_slice %arg5[%add3A_172, %dma_wait3A_183] : memref<73728x128xf32, #tpu.memory_space<hbm>> -> memref<128x128xf32, #tpu.memory_space<hbm>>
    tpu.wait_dma2 semaphore(%arg15 : memref<!tpu.dma_semaphore, #tpu.memory_space<semaphore_mem>>) src(%arg9 : memref<128x128xf32, #tpu.memory_space<vmem>>) dst(%dma_wait3A_184 : memref<128x128xf32, #tpu.memory_space<hbm>>)
    %dma_wait3A_185 = arith.constant 0 : i32
    %dma_wait3A_186 = tpu.memref_slice %arg6[%add3A_172, %dma_wait3A_185] : memref<73728x128xi32, #tpu.memory_space<hbm>> -> memref<128x128xi32, #tpu.memory_space<hbm>>
    %dma_wait3A_187 = arith.constant 0 : i32
    %dma_wait3A_188 = tpu.memref_slice %arg6[%add3A_172, %dma_wait3A_187] : memref<73728x128xi32, #tpu.memory_space<hbm>> -> memref<128x128xi32, #tpu.memory_space<hbm>>
    tpu.wait_dma2 semaphore(%arg15 : memref<!tpu.dma_semaphore, #tpu.memory_space<semaphore_mem>>) src(%arg11 : memref<128x128xi32, #tpu.memory_space<vmem>>) dst(%dma_wait3A_188 : memref<128x128xi32, #tpu.memory_space<hbm>>)
    %mul3A_189 = arith.constant 2304 : i32
    %mul3A_190 = arith.muli %add3A, %mul3A_189 : i32
    %add3A_191 = arith.constant 768 : i32
    %add3A_192 = arith.addi %mul3A_190, %add3A_191 : i32
    "tpu.region"() ({
      %run_scoped3A = tpu.sem_alloc : memref<!tpu.dma_semaphore, #tpu.memory_space<semaphore_mem>>
      %dma_start3A_647 = tpu.memref_slice %arg4[%add3A_192] : memref<73728xi32, #tpu.memory_space<hbm>> -> memref<128xi32, #tpu.memory_space<hbm>>
      %dma_start3A_648 = tpu.memref_slice %arg4[%add3A_192] : memref<73728xi32, #tpu.memory_space<hbm>> -> memref<128xi32, #tpu.memory_space<hbm>>
      tpu.enqueue_dma source(%dma_start3A_648 : memref<128xi32, #tpu.memory_space<hbm>>) target(%arg7 : memref<128xi32, #tpu.memory_space<vmem>>) target_semaphore(%run_scoped3A : memref<!tpu.dma_semaphore, #tpu.memory_space<semaphore_mem>>)
      %dma_wait3A_649 = tpu.memref_slice %arg4[%add3A_192] : memref<73728xi32, #tpu.memory_space<hbm>> -> memref<128xi32, #tpu.memory_space<hbm>>
      %dma_wait3A_650 = tpu.memref_slice %arg4[%add3A_192] : memref<73728xi32, #tpu.memory_space<hbm>> -> memref<128xi32, #tpu.memory_space<hbm>>
      tpu.wait_dma2 semaphore(%run_scoped3A : memref<!tpu.dma_semaphore, #tpu.memory_space<semaphore_mem>>) src(%dma_wait3A_650 : memref<128xi32, #tpu.memory_space<hbm>>) dst(%arg7 : memref<128xi32, #tpu.memory_space<vmem>>)
      tpu.yield
    }) : () -> ()
    %dma_start3A_193 = arith.constant 0 : i32
    %dma_start3A_194 = arith.constant 0 : i32
    %dma_start3A_195 = tpu.memref_slice %arg2[%dma_start3A_193, %dma_start3A_194] : memref<8192x128xf32, #tpu.memory_space<hbm>> -> memref<8192x128xf32, #tpu.memory_space<hbm>>
    tpu.enqueue_indirect_dma source(%dma_start3A_195 : memref<8192x128xf32, #tpu.memory_space<hbm>>) target(%arg9 : memref<128x128xf32, #tpu.memory_space<vmem>>) offsets(%arg7 : memref<128xi32, #tpu.memory_space<vmem>>) semaphore(%arg13 : memref<!tpu.dma_semaphore, #tpu.memory_space<semaphore_mem>>)
    %dma_start3A_196 = arith.constant 0 : i32
    %dma_start3A_197 = arith.constant 0 : i32
    %dma_start3A_198 = tpu.memref_slice %arg3[%dma_start3A_196, %dma_start3A_197] : memref<8192x128xi32, #tpu.memory_space<hbm>> -> memref<8192x128xi32, #tpu.memory_space<hbm>>
    tpu.enqueue_indirect_dma source(%dma_start3A_198 : memref<8192x128xi32, #tpu.memory_space<hbm>>) target(%arg11 : memref<128x128xi32, #tpu.memory_space<vmem>>) offsets(%arg7 : memref<128xi32, #tpu.memory_space<vmem>>) semaphore(%arg13 : memref<!tpu.dma_semaphore, #tpu.memory_space<semaphore_mem>>)
    %dma_wait3A_199 = arith.constant 0 : i32
    %dma_wait3A_200 = arith.constant 0 : i32
    %dma_wait3A_201 = tpu.memref_slice %arg2[%dma_wait3A_199, %dma_wait3A_200] : memref<8192x128xf32, #tpu.memory_space<hbm>> -> memref<8192x128xf32, #tpu.memory_space<hbm>>
    tpu.wait_indirect_dma semaphore(%arg14 : memref<!tpu.dma_semaphore, #tpu.memory_space<semaphore_mem>>) src(%dma_wait3A_201 : memref<8192x128xf32, #tpu.memory_space<hbm>>) dst(%arg10 : memref<128x128xf32, #tpu.memory_space<vmem>>)
    %dma_wait3A_202 = arith.constant 0 : i32
    %dma_wait3A_203 = arith.constant 0 : i32
    %dma_wait3A_204 = tpu.memref_slice %arg3[%dma_wait3A_202, %dma_wait3A_203] : memref<8192x128xi32, #tpu.memory_space<hbm>> -> memref<8192x128xi32, #tpu.memory_space<hbm>>
    tpu.wait_indirect_dma semaphore(%arg14 : memref<!tpu.dma_semaphore, #tpu.memory_space<semaphore_mem>>) src(%dma_wait3A_204 : memref<8192x128xi32, #tpu.memory_space<hbm>>) dst(%arg12 : memref<128x128xi32, #tpu.memory_space<vmem>>)
    %mul3A_205 = arith.constant 2304 : i32
    %mul3A_206 = arith.muli %add3A, %mul3A_205 : i32
    %add3A_207 = arith.constant 640 : i32
    %add3A_208 = arith.addi %mul3A_206, %add3A_207 : i32
    %dma_start3A_209 = arith.constant 0 : i32
    %dma_start3A_210 = tpu.memref_slice %arg5[%add3A_208, %dma_start3A_209] : memref<73728x128xf32, #tpu.memory_space<hbm>> -> memref<128x128xf32, #tpu.memory_space<hbm>>
    %dma_start3A_211 = arith.constant 0 : i32
    %dma_start3A_212 = tpu.memref_slice %arg5[%add3A_208, %dma_start3A_211] : memref<73728x128xf32, #tpu.memory_space<hbm>> -> memref<128x128xf32, #tpu.memory_space<hbm>>
    tpu.enqueue_dma source(%arg10 : memref<128x128xf32, #tpu.memory_space<vmem>>) target(%dma_start3A_212 : memref<128x128xf32, #tpu.memory_space<hbm>>) target_semaphore(%arg16 : memref<!tpu.dma_semaphore, #tpu.memory_space<semaphore_mem>>)
    %dma_start3A_213 = arith.constant 0 : i32
    %dma_start3A_214 = tpu.memref_slice %arg6[%add3A_208, %dma_start3A_213] : memref<73728x128xi32, #tpu.memory_space<hbm>> -> memref<128x128xi32, #tpu.memory_space<hbm>>
    %dma_start3A_215 = arith.constant 0 : i32
    %dma_start3A_216 = tpu.memref_slice %arg6[%add3A_208, %dma_start3A_215] : memref<73728x128xi32, #tpu.memory_space<hbm>> -> memref<128x128xi32, #tpu.memory_space<hbm>>
    tpu.enqueue_dma source(%arg12 : memref<128x128xi32, #tpu.memory_space<vmem>>) target(%dma_start3A_216 : memref<128x128xi32, #tpu.memory_space<hbm>>) target_semaphore(%arg16 : memref<!tpu.dma_semaphore, #tpu.memory_space<semaphore_mem>>)
    %dma_wait3A_217 = arith.constant 0 : i32
    %dma_wait3A_218 = tpu.memref_slice %arg5[%add3A_208, %dma_wait3A_217] : memref<73728x128xf32, #tpu.memory_space<hbm>> -> memref<128x128xf32, #tpu.memory_space<hbm>>
    %dma_wait3A_219 = arith.constant 0 : i32
    %dma_wait3A_220 = tpu.memref_slice %arg5[%add3A_208, %dma_wait3A_219] : memref<73728x128xf32, #tpu.memory_space<hbm>> -> memref<128x128xf32, #tpu.memory_space<hbm>>
    tpu.wait_dma2 semaphore(%arg16 : memref<!tpu.dma_semaphore, #tpu.memory_space<semaphore_mem>>) src(%arg10 : memref<128x128xf32, #tpu.memory_space<vmem>>) dst(%dma_wait3A_220 : memref<128x128xf32, #tpu.memory_space<hbm>>)
    %dma_wait3A_221 = arith.constant 0 : i32
    %dma_wait3A_222 = tpu.memref_slice %arg6[%add3A_208, %dma_wait3A_221] : memref<73728x128xi32, #tpu.memory_space<hbm>> -> memref<128x128xi32, #tpu.memory_space<hbm>>
    %dma_wait3A_223 = arith.constant 0 : i32
    %dma_wait3A_224 = tpu.memref_slice %arg6[%add3A_208, %dma_wait3A_223] : memref<73728x128xi32, #tpu.memory_space<hbm>> -> memref<128x128xi32, #tpu.memory_space<hbm>>
    tpu.wait_dma2 semaphore(%arg16 : memref<!tpu.dma_semaphore, #tpu.memory_space<semaphore_mem>>) src(%arg12 : memref<128x128xi32, #tpu.memory_space<vmem>>) dst(%dma_wait3A_224 : memref<128x128xi32, #tpu.memory_space<hbm>>)
    %mul3A_225 = arith.constant 2304 : i32
    %mul3A_226 = arith.muli %add3A, %mul3A_225 : i32
    %add3A_227 = arith.constant 896 : i32
    %add3A_228 = arith.addi %mul3A_226, %add3A_227 : i32
    "tpu.region"() ({
      %run_scoped3A = tpu.sem_alloc : memref<!tpu.dma_semaphore, #tpu.memory_space<semaphore_mem>>
      %dma_start3A_647 = tpu.memref_slice %arg4[%add3A_228] : memref<73728xi32, #tpu.memory_space<hbm>> -> memref<128xi32, #tpu.memory_space<hbm>>
      %dma_start3A_648 = tpu.memref_slice %arg4[%add3A_228] : memref<73728xi32, #tpu.memory_space<hbm>> -> memref<128xi32, #tpu.memory_space<hbm>>
      tpu.enqueue_dma source(%dma_start3A_648 : memref<128xi32, #tpu.memory_space<hbm>>) target(%arg8 : memref<128xi32, #tpu.memory_space<vmem>>) target_semaphore(%run_scoped3A : memref<!tpu.dma_semaphore, #tpu.memory_space<semaphore_mem>>)
      %dma_wait3A_649 = tpu.memref_slice %arg4[%add3A_228] : memref<73728xi32, #tpu.memory_space<hbm>> -> memref<128xi32, #tpu.memory_space<hbm>>
      %dma_wait3A_650 = tpu.memref_slice %arg4[%add3A_228] : memref<73728xi32, #tpu.memory_space<hbm>> -> memref<128xi32, #tpu.memory_space<hbm>>
      tpu.wait_dma2 semaphore(%run_scoped3A : memref<!tpu.dma_semaphore, #tpu.memory_space<semaphore_mem>>) src(%dma_wait3A_650 : memref<128xi32, #tpu.memory_space<hbm>>) dst(%arg8 : memref<128xi32, #tpu.memory_space<vmem>>)
      tpu.yield
    }) : () -> ()
    %dma_start3A_229 = arith.constant 0 : i32
    %dma_start3A_230 = arith.constant 0 : i32
    %dma_start3A_231 = tpu.memref_slice %arg2[%dma_start3A_229, %dma_start3A_230] : memref<8192x128xf32, #tpu.memory_space<hbm>> -> memref<8192x128xf32, #tpu.memory_space<hbm>>
    tpu.enqueue_indirect_dma source(%dma_start3A_231 : memref<8192x128xf32, #tpu.memory_space<hbm>>) target(%arg10 : memref<128x128xf32, #tpu.memory_space<vmem>>) offsets(%arg8 : memref<128xi32, #tpu.memory_space<vmem>>) semaphore(%arg14 : memref<!tpu.dma_semaphore, #tpu.memory_space<semaphore_mem>>)
    %dma_start3A_232 = arith.constant 0 : i32
    %dma_start3A_233 = arith.constant 0 : i32
    %dma_start3A_234 = tpu.memref_slice %arg3[%dma_start3A_232, %dma_start3A_233] : memref<8192x128xi32, #tpu.memory_space<hbm>> -> memref<8192x128xi32, #tpu.memory_space<hbm>>
    tpu.enqueue_indirect_dma source(%dma_start3A_234 : memref<8192x128xi32, #tpu.memory_space<hbm>>) target(%arg12 : memref<128x128xi32, #tpu.memory_space<vmem>>) offsets(%arg8 : memref<128xi32, #tpu.memory_space<vmem>>) semaphore(%arg14 : memref<!tpu.dma_semaphore, #tpu.memory_space<semaphore_mem>>)
    %dma_wait3A_235 = arith.constant 0 : i32
    %dma_wait3A_236 = arith.constant 0 : i32
    %dma_wait3A_237 = tpu.memref_slice %arg2[%dma_wait3A_235, %dma_wait3A_236] : memref<8192x128xf32, #tpu.memory_space<hbm>> -> memref<8192x128xf32, #tpu.memory_space<hbm>>
    tpu.wait_indirect_dma semaphore(%arg13 : memref<!tpu.dma_semaphore, #tpu.memory_space<semaphore_mem>>) src(%dma_wait3A_237 : memref<8192x128xf32, #tpu.memory_space<hbm>>) dst(%arg9 : memref<128x128xf32, #tpu.memory_space<vmem>>)
    %dma_wait3A_238 = arith.constant 0 : i32
    %dma_wait3A_239 = arith.constant 0 : i32
    %dma_wait3A_240 = tpu.memref_slice %arg3[%dma_wait3A_238, %dma_wait3A_239] : memref<8192x128xi32, #tpu.memory_space<hbm>> -> memref<8192x128xi32, #tpu.memory_space<hbm>>
    tpu.wait_indirect_dma semaphore(%arg13 : memref<!tpu.dma_semaphore, #tpu.memory_space<semaphore_mem>>) src(%dma_wait3A_240 : memref<8192x128xi32, #tpu.memory_space<hbm>>) dst(%arg11 : memref<128x128xi32, #tpu.memory_space<vmem>>)
    %mul3A_241 = arith.constant 2304 : i32
    %mul3A_242 = arith.muli %add3A, %mul3A_241 : i32
    %add3A_243 = arith.constant 768 : i32
    %add3A_244 = arith.addi %mul3A_242, %add3A_243 : i32
    %dma_start3A_245 = arith.constant 0 : i32
    %dma_start3A_246 = tpu.memref_slice %arg5[%add3A_244, %dma_start3A_245] : memref<73728x128xf32, #tpu.memory_space<hbm>> -> memref<128x128xf32, #tpu.memory_space<hbm>>
    %dma_start3A_247 = arith.constant 0 : i32
    %dma_start3A_248 = tpu.memref_slice %arg5[%add3A_244, %dma_start3A_247] : memref<73728x128xf32, #tpu.memory_space<hbm>> -> memref<128x128xf32, #tpu.memory_space<hbm>>
    tpu.enqueue_dma source(%arg9 : memref<128x128xf32, #tpu.memory_space<vmem>>) target(%dma_start3A_248 : memref<128x128xf32, #tpu.memory_space<hbm>>) target_semaphore(%arg15 : memref<!tpu.dma_semaphore, #tpu.memory_space<semaphore_mem>>)
    %dma_start3A_249 = arith.constant 0 : i32
    %dma_start3A_250 = tpu.memref_slice %arg6[%add3A_244, %dma_start3A_249] : memref<73728x128xi32, #tpu.memory_space<hbm>> -> memref<128x128xi32, #tpu.memory_space<hbm>>
    %dma_start3A_251 = arith.constant 0 : i32
    %dma_start3A_252 = tpu.memref_slice %arg6[%add3A_244, %dma_start3A_251] : memref<73728x128xi32, #tpu.memory_space<hbm>> -> memref<128x128xi32, #tpu.memory_space<hbm>>
    tpu.enqueue_dma source(%arg11 : memref<128x128xi32, #tpu.memory_space<vmem>>) target(%dma_start3A_252 : memref<128x128xi32, #tpu.memory_space<hbm>>) target_semaphore(%arg15 : memref<!tpu.dma_semaphore, #tpu.memory_space<semaphore_mem>>)
    %dma_wait3A_253 = arith.constant 0 : i32
    %dma_wait3A_254 = tpu.memref_slice %arg5[%add3A_244, %dma_wait3A_253] : memref<73728x128xf32, #tpu.memory_space<hbm>> -> memref<128x128xf32, #tpu.memory_space<hbm>>
    %dma_wait3A_255 = arith.constant 0 : i32
    %dma_wait3A_256 = tpu.memref_slice %arg5[%add3A_244, %dma_wait3A_255] : memref<73728x128xf32, #tpu.memory_space<hbm>> -> memref<128x128xf32, #tpu.memory_space<hbm>>
    tpu.wait_dma2 semaphore(%arg15 : memref<!tpu.dma_semaphore, #tpu.memory_space<semaphore_mem>>) src(%arg9 : memref<128x128xf32, #tpu.memory_space<vmem>>) dst(%dma_wait3A_256 : memref<128x128xf32, #tpu.memory_space<hbm>>)
    %dma_wait3A_257 = arith.constant 0 : i32
    %dma_wait3A_258 = tpu.memref_slice %arg6[%add3A_244, %dma_wait3A_257] : memref<73728x128xi32, #tpu.memory_space<hbm>> -> memref<128x128xi32, #tpu.memory_space<hbm>>
    %dma_wait3A_259 = arith.constant 0 : i32
    %dma_wait3A_260 = tpu.memref_slice %arg6[%add3A_244, %dma_wait3A_259] : memref<73728x128xi32, #tpu.memory_space<hbm>> -> memref<128x128xi32, #tpu.memory_space<hbm>>
    tpu.wait_dma2 semaphore(%arg15 : memref<!tpu.dma_semaphore, #tpu.memory_space<semaphore_mem>>) src(%arg11 : memref<128x128xi32, #tpu.memory_space<vmem>>) dst(%dma_wait3A_260 : memref<128x128xi32, #tpu.memory_space<hbm>>)
    %mul3A_261 = arith.constant 2304 : i32
    %mul3A_262 = arith.muli %add3A, %mul3A_261 : i32
    %add3A_263 = arith.constant 1024 : i32
    %add3A_264 = arith.addi %mul3A_262, %add3A_263 : i32
    "tpu.region"() ({
      %run_scoped3A = tpu.sem_alloc : memref<!tpu.dma_semaphore, #tpu.memory_space<semaphore_mem>>
      %dma_start3A_647 = tpu.memref_slice %arg4[%add3A_264] : memref<73728xi32, #tpu.memory_space<hbm>> -> memref<128xi32, #tpu.memory_space<hbm>>
      %dma_start3A_648 = tpu.memref_slice %arg4[%add3A_264] : memref<73728xi32, #tpu.memory_space<hbm>> -> memref<128xi32, #tpu.memory_space<hbm>>
      tpu.enqueue_dma source(%dma_start3A_648 : memref<128xi32, #tpu.memory_space<hbm>>) target(%arg7 : memref<128xi32, #tpu.memory_space<vmem>>) target_semaphore(%run_scoped3A : memref<!tpu.dma_semaphore, #tpu.memory_space<semaphore_mem>>)
      %dma_wait3A_649 = tpu.memref_slice %arg4[%add3A_264] : memref<73728xi32, #tpu.memory_space<hbm>> -> memref<128xi32, #tpu.memory_space<hbm>>
      %dma_wait3A_650 = tpu.memref_slice %arg4[%add3A_264] : memref<73728xi32, #tpu.memory_space<hbm>> -> memref<128xi32, #tpu.memory_space<hbm>>
      tpu.wait_dma2 semaphore(%run_scoped3A : memref<!tpu.dma_semaphore, #tpu.memory_space<semaphore_mem>>) src(%dma_wait3A_650 : memref<128xi32, #tpu.memory_space<hbm>>) dst(%arg7 : memref<128xi32, #tpu.memory_space<vmem>>)
      tpu.yield
    }) : () -> ()
    %dma_start3A_265 = arith.constant 0 : i32
    %dma_start3A_266 = arith.constant 0 : i32
    %dma_start3A_267 = tpu.memref_slice %arg2[%dma_start3A_265, %dma_start3A_266] : memref<8192x128xf32, #tpu.memory_space<hbm>> -> memref<8192x128xf32, #tpu.memory_space<hbm>>
    tpu.enqueue_indirect_dma source(%dma_start3A_267 : memref<8192x128xf32, #tpu.memory_space<hbm>>) target(%arg9 : memref<128x128xf32, #tpu.memory_space<vmem>>) offsets(%arg7 : memref<128xi32, #tpu.memory_space<vmem>>) semaphore(%arg13 : memref<!tpu.dma_semaphore, #tpu.memory_space<semaphore_mem>>)
    %dma_start3A_268 = arith.constant 0 : i32
    %dma_start3A_269 = arith.constant 0 : i32
    %dma_start3A_270 = tpu.memref_slice %arg3[%dma_start3A_268, %dma_start3A_269] : memref<8192x128xi32, #tpu.memory_space<hbm>> -> memref<8192x128xi32, #tpu.memory_space<hbm>>
    tpu.enqueue_indirect_dma source(%dma_start3A_270 : memref<8192x128xi32, #tpu.memory_space<hbm>>) target(%arg11 : memref<128x128xi32, #tpu.memory_space<vmem>>) offsets(%arg7 : memref<128xi32, #tpu.memory_space<vmem>>) semaphore(%arg13 : memref<!tpu.dma_semaphore, #tpu.memory_space<semaphore_mem>>)
    %dma_wait3A_271 = arith.constant 0 : i32
    %dma_wait3A_272 = arith.constant 0 : i32
    %dma_wait3A_273 = tpu.memref_slice %arg2[%dma_wait3A_271, %dma_wait3A_272] : memref<8192x128xf32, #tpu.memory_space<hbm>> -> memref<8192x128xf32, #tpu.memory_space<hbm>>
    tpu.wait_indirect_dma semaphore(%arg14 : memref<!tpu.dma_semaphore, #tpu.memory_space<semaphore_mem>>) src(%dma_wait3A_273 : memref<8192x128xf32, #tpu.memory_space<hbm>>) dst(%arg10 : memref<128x128xf32, #tpu.memory_space<vmem>>)
    %dma_wait3A_274 = arith.constant 0 : i32
    %dma_wait3A_275 = arith.constant 0 : i32
    %dma_wait3A_276 = tpu.memref_slice %arg3[%dma_wait3A_274, %dma_wait3A_275] : memref<8192x128xi32, #tpu.memory_space<hbm>> -> memref<8192x128xi32, #tpu.memory_space<hbm>>
    tpu.wait_indirect_dma semaphore(%arg14 : memref<!tpu.dma_semaphore, #tpu.memory_space<semaphore_mem>>) src(%dma_wait3A_276 : memref<8192x128xi32, #tpu.memory_space<hbm>>) dst(%arg12 : memref<128x128xi32, #tpu.memory_space<vmem>>)
    %mul3A_277 = arith.constant 2304 : i32
    %mul3A_278 = arith.muli %add3A, %mul3A_277 : i32
    %add3A_279 = arith.constant 896 : i32
    %add3A_280 = arith.addi %mul3A_278, %add3A_279 : i32
    %dma_start3A_281 = arith.constant 0 : i32
    %dma_start3A_282 = tpu.memref_slice %arg5[%add3A_280, %dma_start3A_281] : memref<73728x128xf32, #tpu.memory_space<hbm>> -> memref<128x128xf32, #tpu.memory_space<hbm>>
    %dma_start3A_283 = arith.constant 0 : i32
    %dma_start3A_284 = tpu.memref_slice %arg5[%add3A_280, %dma_start3A_283] : memref<73728x128xf32, #tpu.memory_space<hbm>> -> memref<128x128xf32, #tpu.memory_space<hbm>>
    tpu.enqueue_dma source(%arg10 : memref<128x128xf32, #tpu.memory_space<vmem>>) target(%dma_start3A_284 : memref<128x128xf32, #tpu.memory_space<hbm>>) target_semaphore(%arg16 : memref<!tpu.dma_semaphore, #tpu.memory_space<semaphore_mem>>)
    %dma_start3A_285 = arith.constant 0 : i32
    %dma_start3A_286 = tpu.memref_slice %arg6[%add3A_280, %dma_start3A_285] : memref<73728x128xi32, #tpu.memory_space<hbm>> -> memref<128x128xi32, #tpu.memory_space<hbm>>
    %dma_start3A_287 = arith.constant 0 : i32
    %dma_start3A_288 = tpu.memref_slice %arg6[%add3A_280, %dma_start3A_287] : memref<73728x128xi32, #tpu.memory_space<hbm>> -> memref<128x128xi32, #tpu.memory_space<hbm>>
    tpu.enqueue_dma source(%arg12 : memref<128x128xi32, #tpu.memory_space<vmem>>) target(%dma_start3A_288 : memref<128x128xi32, #tpu.memory_space<hbm>>) target_semaphore(%arg16 : memref<!tpu.dma_semaphore, #tpu.memory_space<semaphore_mem>>)
    %dma_wait3A_289 = arith.constant 0 : i32
    %dma_wait3A_290 = tpu.memref_slice %arg5[%add3A_280, %dma_wait3A_289] : memref<73728x128xf32, #tpu.memory_space<hbm>> -> memref<128x128xf32, #tpu.memory_space<hbm>>
    %dma_wait3A_291 = arith.constant 0 : i32
    %dma_wait3A_292 = tpu.memref_slice %arg5[%add3A_280, %dma_wait3A_291] : memref<73728x128xf32, #tpu.memory_space<hbm>> -> memref<128x128xf32, #tpu.memory_space<hbm>>
    tpu.wait_dma2 semaphore(%arg16 : memref<!tpu.dma_semaphore, #tpu.memory_space<semaphore_mem>>) src(%arg10 : memref<128x128xf32, #tpu.memory_space<vmem>>) dst(%dma_wait3A_292 : memref<128x128xf32, #tpu.memory_space<hbm>>)
    %dma_wait3A_293 = arith.constant 0 : i32
    %dma_wait3A_294 = tpu.memref_slice %arg6[%add3A_280, %dma_wait3A_293] : memref<73728x128xi32, #tpu.memory_space<hbm>> -> memref<128x128xi32, #tpu.memory_space<hbm>>
    %dma_wait3A_295 = arith.constant 0 : i32
    %dma_wait3A_296 = tpu.memref_slice %arg6[%add3A_280, %dma_wait3A_295] : memref<73728x128xi32, #tpu.memory_space<hbm>> -> memref<128x128xi32, #tpu.memory_space<hbm>>
    tpu.wait_dma2 semaphore(%arg16 : memref<!tpu.dma_semaphore, #tpu.memory_space<semaphore_mem>>) src(%arg12 : memref<128x128xi32, #tpu.memory_space<vmem>>) dst(%dma_wait3A_296 : memref<128x128xi32, #tpu.memory_space<hbm>>)
    %mul3A_297 = arith.constant 2304 : i32
    %mul3A_298 = arith.muli %add3A, %mul3A_297 : i32
    %add3A_299 = arith.constant 1152 : i32
    %add3A_300 = arith.addi %mul3A_298, %add3A_299 : i32
    "tpu.region"() ({
      %run_scoped3A = tpu.sem_alloc : memref<!tpu.dma_semaphore, #tpu.memory_space<semaphore_mem>>
      %dma_start3A_647 = tpu.memref_slice %arg4[%add3A_300] : memref<73728xi32, #tpu.memory_space<hbm>> -> memref<128xi32, #tpu.memory_space<hbm>>
      %dma_start3A_648 = tpu.memref_slice %arg4[%add3A_300] : memref<73728xi32, #tpu.memory_space<hbm>> -> memref<128xi32, #tpu.memory_space<hbm>>
      tpu.enqueue_dma source(%dma_start3A_648 : memref<128xi32, #tpu.memory_space<hbm>>) target(%arg8 : memref<128xi32, #tpu.memory_space<vmem>>) target_semaphore(%run_scoped3A : memref<!tpu.dma_semaphore, #tpu.memory_space<semaphore_mem>>)
      %dma_wait3A_649 = tpu.memref_slice %arg4[%add3A_300] : memref<73728xi32, #tpu.memory_space<hbm>> -> memref<128xi32, #tpu.memory_space<hbm>>
      %dma_wait3A_650 = tpu.memref_slice %arg4[%add3A_300] : memref<73728xi32, #tpu.memory_space<hbm>> -> memref<128xi32, #tpu.memory_space<hbm>>
      tpu.wait_dma2 semaphore(%run_scoped3A : memref<!tpu.dma_semaphore, #tpu.memory_space<semaphore_mem>>) src(%dma_wait3A_650 : memref<128xi32, #tpu.memory_space<hbm>>) dst(%arg8 : memref<128xi32, #tpu.memory_space<vmem>>)
      tpu.yield
    }) : () -> ()
    %dma_start3A_301 = arith.constant 0 : i32
    %dma_start3A_302 = arith.constant 0 : i32
    %dma_start3A_303 = tpu.memref_slice %arg2[%dma_start3A_301, %dma_start3A_302] : memref<8192x128xf32, #tpu.memory_space<hbm>> -> memref<8192x128xf32, #tpu.memory_space<hbm>>
    tpu.enqueue_indirect_dma source(%dma_start3A_303 : memref<8192x128xf32, #tpu.memory_space<hbm>>) target(%arg10 : memref<128x128xf32, #tpu.memory_space<vmem>>) offsets(%arg8 : memref<128xi32, #tpu.memory_space<vmem>>) semaphore(%arg14 : memref<!tpu.dma_semaphore, #tpu.memory_space<semaphore_mem>>)
    %dma_start3A_304 = arith.constant 0 : i32
    %dma_start3A_305 = arith.constant 0 : i32
    %dma_start3A_306 = tpu.memref_slice %arg3[%dma_start3A_304, %dma_start3A_305] : memref<8192x128xi32, #tpu.memory_space<hbm>> -> memref<8192x128xi32, #tpu.memory_space<hbm>>
    tpu.enqueue_indirect_dma source(%dma_start3A_306 : memref<8192x128xi32, #tpu.memory_space<hbm>>) target(%arg12 : memref<128x128xi32, #tpu.memory_space<vmem>>) offsets(%arg8 : memref<128xi32, #tpu.memory_space<vmem>>) semaphore(%arg14 : memref<!tpu.dma_semaphore, #tpu.memory_space<semaphore_mem>>)
    %dma_wait3A_307 = arith.constant 0 : i32
    %dma_wait3A_308 = arith.constant 0 : i32
    %dma_wait3A_309 = tpu.memref_slice %arg2[%dma_wait3A_307, %dma_wait3A_308] : memref<8192x128xf32, #tpu.memory_space<hbm>> -> memref<8192x128xf32, #tpu.memory_space<hbm>>
    tpu.wait_indirect_dma semaphore(%arg13 : memref<!tpu.dma_semaphore, #tpu.memory_space<semaphore_mem>>) src(%dma_wait3A_309 : memref<8192x128xf32, #tpu.memory_space<hbm>>) dst(%arg9 : memref<128x128xf32, #tpu.memory_space<vmem>>)
    %dma_wait3A_310 = arith.constant 0 : i32
    %dma_wait3A_311 = arith.constant 0 : i32
    %dma_wait3A_312 = tpu.memref_slice %arg3[%dma_wait3A_310, %dma_wait3A_311] : memref<8192x128xi32, #tpu.memory_space<hbm>> -> memref<8192x128xi32, #tpu.memory_space<hbm>>
    tpu.wait_indirect_dma semaphore(%arg13 : memref<!tpu.dma_semaphore, #tpu.memory_space<semaphore_mem>>) src(%dma_wait3A_312 : memref<8192x128xi32, #tpu.memory_space<hbm>>) dst(%arg11 : memref<128x128xi32, #tpu.memory_space<vmem>>)
    %mul3A_313 = arith.constant 2304 : i32
    %mul3A_314 = arith.muli %add3A, %mul3A_313 : i32
    %add3A_315 = arith.constant 1024 : i32
    %add3A_316 = arith.addi %mul3A_314, %add3A_315 : i32
    %dma_start3A_317 = arith.constant 0 : i32
    %dma_start3A_318 = tpu.memref_slice %arg5[%add3A_316, %dma_start3A_317] : memref<73728x128xf32, #tpu.memory_space<hbm>> -> memref<128x128xf32, #tpu.memory_space<hbm>>
    %dma_start3A_319 = arith.constant 0 : i32
    %dma_start3A_320 = tpu.memref_slice %arg5[%add3A_316, %dma_start3A_319] : memref<73728x128xf32, #tpu.memory_space<hbm>> -> memref<128x128xf32, #tpu.memory_space<hbm>>
    tpu.enqueue_dma source(%arg9 : memref<128x128xf32, #tpu.memory_space<vmem>>) target(%dma_start3A_320 : memref<128x128xf32, #tpu.memory_space<hbm>>) target_semaphore(%arg15 : memref<!tpu.dma_semaphore, #tpu.memory_space<semaphore_mem>>)
    %dma_start3A_321 = arith.constant 0 : i32
    %dma_start3A_322 = tpu.memref_slice %arg6[%add3A_316, %dma_start3A_321] : memref<73728x128xi32, #tpu.memory_space<hbm>> -> memref<128x128xi32, #tpu.memory_space<hbm>>
    %dma_start3A_323 = arith.constant 0 : i32
    %dma_start3A_324 = tpu.memref_slice %arg6[%add3A_316, %dma_start3A_323] : memref<73728x128xi32, #tpu.memory_space<hbm>> -> memref<128x128xi32, #tpu.memory_space<hbm>>
    tpu.enqueue_dma source(%arg11 : memref<128x128xi32, #tpu.memory_space<vmem>>) target(%dma_start3A_324 : memref<128x128xi32, #tpu.memory_space<hbm>>) target_semaphore(%arg15 : memref<!tpu.dma_semaphore, #tpu.memory_space<semaphore_mem>>)
    %dma_wait3A_325 = arith.constant 0 : i32
    %dma_wait3A_326 = tpu.memref_slice %arg5[%add3A_316, %dma_wait3A_325] : memref<73728x128xf32, #tpu.memory_space<hbm>> -> memref<128x128xf32, #tpu.memory_space<hbm>>
    %dma_wait3A_327 = arith.constant 0 : i32
    %dma_wait3A_328 = tpu.memref_slice %arg5[%add3A_316, %dma_wait3A_327] : memref<73728x128xf32, #tpu.memory_space<hbm>> -> memref<128x128xf32, #tpu.memory_space<hbm>>
    tpu.wait_dma2 semaphore(%arg15 : memref<!tpu.dma_semaphore, #tpu.memory_space<semaphore_mem>>) src(%arg9 : memref<128x128xf32, #tpu.memory_space<vmem>>) dst(%dma_wait3A_328 : memref<128x128xf32, #tpu.memory_space<hbm>>)
    %dma_wait3A_329 = arith.constant 0 : i32
    %dma_wait3A_330 = tpu.memref_slice %arg6[%add3A_316, %dma_wait3A_329] : memref<73728x128xi32, #tpu.memory_space<hbm>> -> memref<128x128xi32, #tpu.memory_space<hbm>>
    %dma_wait3A_331 = arith.constant 0 : i32
    %dma_wait3A_332 = tpu.memref_slice %arg6[%add3A_316, %dma_wait3A_331] : memref<73728x128xi32, #tpu.memory_space<hbm>> -> memref<128x128xi32, #tpu.memory_space<hbm>>
    tpu.wait_dma2 semaphore(%arg15 : memref<!tpu.dma_semaphore, #tpu.memory_space<semaphore_mem>>) src(%arg11 : memref<128x128xi32, #tpu.memory_space<vmem>>) dst(%dma_wait3A_332 : memref<128x128xi32, #tpu.memory_space<hbm>>)
    %mul3A_333 = arith.constant 2304 : i32
    %mul3A_334 = arith.muli %add3A, %mul3A_333 : i32
    %add3A_335 = arith.constant 1280 : i32
    %add3A_336 = arith.addi %mul3A_334, %add3A_335 : i32
    "tpu.region"() ({
      %run_scoped3A = tpu.sem_alloc : memref<!tpu.dma_semaphore, #tpu.memory_space<semaphore_mem>>
      %dma_start3A_647 = tpu.memref_slice %arg4[%add3A_336] : memref<73728xi32, #tpu.memory_space<hbm>> -> memref<128xi32, #tpu.memory_space<hbm>>
      %dma_start3A_648 = tpu.memref_slice %arg4[%add3A_336] : memref<73728xi32, #tpu.memory_space<hbm>> -> memref<128xi32, #tpu.memory_space<hbm>>
      tpu.enqueue_dma source(%dma_start3A_648 : memref<128xi32, #tpu.memory_space<hbm>>) target(%arg7 : memref<128xi32, #tpu.memory_space<vmem>>) target_semaphore(%run_scoped3A : memref<!tpu.dma_semaphore, #tpu.memory_space<semaphore_mem>>)
      %dma_wait3A_649 = tpu.memref_slice %arg4[%add3A_336] : memref<73728xi32, #tpu.memory_space<hbm>> -> memref<128xi32, #tpu.memory_space<hbm>>
      %dma_wait3A_650 = tpu.memref_slice %arg4[%add3A_336] : memref<73728xi32, #tpu.memory_space<hbm>> -> memref<128xi32, #tpu.memory_space<hbm>>
      tpu.wait_dma2 semaphore(%run_scoped3A : memref<!tpu.dma_semaphore, #tpu.memory_space<semaphore_mem>>) src(%dma_wait3A_650 : memref<128xi32, #tpu.memory_space<hbm>>) dst(%arg7 : memref<128xi32, #tpu.memory_space<vmem>>)
      tpu.yield
    }) : () -> ()
    %dma_start3A_337 = arith.constant 0 : i32
    %dma_start3A_338 = arith.constant 0 : i32
    %dma_start3A_339 = tpu.memref_slice %arg2[%dma_start3A_337, %dma_start3A_338] : memref<8192x128xf32, #tpu.memory_space<hbm>> -> memref<8192x128xf32, #tpu.memory_space<hbm>>
    tpu.enqueue_indirect_dma source(%dma_start3A_339 : memref<8192x128xf32, #tpu.memory_space<hbm>>) target(%arg9 : memref<128x128xf32, #tpu.memory_space<vmem>>) offsets(%arg7 : memref<128xi32, #tpu.memory_space<vmem>>) semaphore(%arg13 : memref<!tpu.dma_semaphore, #tpu.memory_space<semaphore_mem>>)
    %dma_start3A_340 = arith.constant 0 : i32
    %dma_start3A_341 = arith.constant 0 : i32
    %dma_start3A_342 = tpu.memref_slice %arg3[%dma_start3A_340, %dma_start3A_341] : memref<8192x128xi32, #tpu.memory_space<hbm>> -> memref<8192x128xi32, #tpu.memory_space<hbm>>
    tpu.enqueue_indirect_dma source(%dma_start3A_342 : memref<8192x128xi32, #tpu.memory_space<hbm>>) target(%arg11 : memref<128x128xi32, #tpu.memory_space<vmem>>) offsets(%arg7 : memref<128xi32, #tpu.memory_space<vmem>>) semaphore(%arg13 : memref<!tpu.dma_semaphore, #tpu.memory_space<semaphore_mem>>)
    %dma_wait3A_343 = arith.constant 0 : i32
    %dma_wait3A_344 = arith.constant 0 : i32
    %dma_wait3A_345 = tpu.memref_slice %arg2[%dma_wait3A_343, %dma_wait3A_344] : memref<8192x128xf32, #tpu.memory_space<hbm>> -> memref<8192x128xf32, #tpu.memory_space<hbm>>
    tpu.wait_indirect_dma semaphore(%arg14 : memref<!tpu.dma_semaphore, #tpu.memory_space<semaphore_mem>>) src(%dma_wait3A_345 : memref<8192x128xf32, #tpu.memory_space<hbm>>) dst(%arg10 : memref<128x128xf32, #tpu.memory_space<vmem>>)
    %dma_wait3A_346 = arith.constant 0 : i32
    %dma_wait3A_347 = arith.constant 0 : i32
    %dma_wait3A_348 = tpu.memref_slice %arg3[%dma_wait3A_346, %dma_wait3A_347] : memref<8192x128xi32, #tpu.memory_space<hbm>> -> memref<8192x128xi32, #tpu.memory_space<hbm>>
    tpu.wait_indirect_dma semaphore(%arg14 : memref<!tpu.dma_semaphore, #tpu.memory_space<semaphore_mem>>) src(%dma_wait3A_348 : memref<8192x128xi32, #tpu.memory_space<hbm>>) dst(%arg12 : memref<128x128xi32, #tpu.memory_space<vmem>>)
    %mul3A_349 = arith.constant 2304 : i32
    %mul3A_350 = arith.muli %add3A, %mul3A_349 : i32
    %add3A_351 = arith.constant 1152 : i32
    %add3A_352 = arith.addi %mul3A_350, %add3A_351 : i32
    %dma_start3A_353 = arith.constant 0 : i32
    %dma_start3A_354 = tpu.memref_slice %arg5[%add3A_352, %dma_start3A_353] : memref<73728x128xf32, #tpu.memory_space<hbm>> -> memref<128x128xf32, #tpu.memory_space<hbm>>
    %dma_start3A_355 = arith.constant 0 : i32
    %dma_start3A_356 = tpu.memref_slice %arg5[%add3A_352, %dma_start3A_355] : memref<73728x128xf32, #tpu.memory_space<hbm>> -> memref<128x128xf32, #tpu.memory_space<hbm>>
    tpu.enqueue_dma source(%arg10 : memref<128x128xf32, #tpu.memory_space<vmem>>) target(%dma_start3A_356 : memref<128x128xf32, #tpu.memory_space<hbm>>) target_semaphore(%arg16 : memref<!tpu.dma_semaphore, #tpu.memory_space<semaphore_mem>>)
    %dma_start3A_357 = arith.constant 0 : i32
    %dma_start3A_358 = tpu.memref_slice %arg6[%add3A_352, %dma_start3A_357] : memref<73728x128xi32, #tpu.memory_space<hbm>> -> memref<128x128xi32, #tpu.memory_space<hbm>>
    %dma_start3A_359 = arith.constant 0 : i32
    %dma_start3A_360 = tpu.memref_slice %arg6[%add3A_352, %dma_start3A_359] : memref<73728x128xi32, #tpu.memory_space<hbm>> -> memref<128x128xi32, #tpu.memory_space<hbm>>
    tpu.enqueue_dma source(%arg12 : memref<128x128xi32, #tpu.memory_space<vmem>>) target(%dma_start3A_360 : memref<128x128xi32, #tpu.memory_space<hbm>>) target_semaphore(%arg16 : memref<!tpu.dma_semaphore, #tpu.memory_space<semaphore_mem>>)
    %dma_wait3A_361 = arith.constant 0 : i32
    %dma_wait3A_362 = tpu.memref_slice %arg5[%add3A_352, %dma_wait3A_361] : memref<73728x128xf32, #tpu.memory_space<hbm>> -> memref<128x128xf32, #tpu.memory_space<hbm>>
    %dma_wait3A_363 = arith.constant 0 : i32
    %dma_wait3A_364 = tpu.memref_slice %arg5[%add3A_352, %dma_wait3A_363] : memref<73728x128xf32, #tpu.memory_space<hbm>> -> memref<128x128xf32, #tpu.memory_space<hbm>>
    tpu.wait_dma2 semaphore(%arg16 : memref<!tpu.dma_semaphore, #tpu.memory_space<semaphore_mem>>) src(%arg10 : memref<128x128xf32, #tpu.memory_space<vmem>>) dst(%dma_wait3A_364 : memref<128x128xf32, #tpu.memory_space<hbm>>)
    %dma_wait3A_365 = arith.constant 0 : i32
    %dma_wait3A_366 = tpu.memref_slice %arg6[%add3A_352, %dma_wait3A_365] : memref<73728x128xi32, #tpu.memory_space<hbm>> -> memref<128x128xi32, #tpu.memory_space<hbm>>
    %dma_wait3A_367 = arith.constant 0 : i32
    %dma_wait3A_368 = tpu.memref_slice %arg6[%add3A_352, %dma_wait3A_367] : memref<73728x128xi32, #tpu.memory_space<hbm>> -> memref<128x128xi32, #tpu.memory_space<hbm>>
    tpu.wait_dma2 semaphore(%arg16 : memref<!tpu.dma_semaphore, #tpu.memory_space<semaphore_mem>>) src(%arg12 : memref<128x128xi32, #tpu.memory_space<vmem>>) dst(%dma_wait3A_368 : memref<128x128xi32, #tpu.memory_space<hbm>>)
    %mul3A_369 = arith.constant 2304 : i32
    %mul3A_370 = arith.muli %add3A, %mul3A_369 : i32
    %add3A_371 = arith.constant 1408 : i32
    %add3A_372 = arith.addi %mul3A_370, %add3A_371 : i32
    "tpu.region"() ({
      %run_scoped3A = tpu.sem_alloc : memref<!tpu.dma_semaphore, #tpu.memory_space<semaphore_mem>>
      %dma_start3A_647 = tpu.memref_slice %arg4[%add3A_372] : memref<73728xi32, #tpu.memory_space<hbm>> -> memref<128xi32, #tpu.memory_space<hbm>>
      %dma_start3A_648 = tpu.memref_slice %arg4[%add3A_372] : memref<73728xi32, #tpu.memory_space<hbm>> -> memref<128xi32, #tpu.memory_space<hbm>>
      tpu.enqueue_dma source(%dma_start3A_648 : memref<128xi32, #tpu.memory_space<hbm>>) target(%arg8 : memref<128xi32, #tpu.memory_space<vmem>>) target_semaphore(%run_scoped3A : memref<!tpu.dma_semaphore, #tpu.memory_space<semaphore_mem>>)
      %dma_wait3A_649 = tpu.memref_slice %arg4[%add3A_372] : memref<73728xi32, #tpu.memory_space<hbm>> -> memref<128xi32, #tpu.memory_space<hbm>>
      %dma_wait3A_650 = tpu.memref_slice %arg4[%add3A_372] : memref<73728xi32, #tpu.memory_space<hbm>> -> memref<128xi32, #tpu.memory_space<hbm>>
      tpu.wait_dma2 semaphore(%run_scoped3A : memref<!tpu.dma_semaphore, #tpu.memory_space<semaphore_mem>>) src(%dma_wait3A_650 : memref<128xi32, #tpu.memory_space<hbm>>) dst(%arg8 : memref<128xi32, #tpu.memory_space<vmem>>)
      tpu.yield
    }) : () -> ()
    %dma_start3A_373 = arith.constant 0 : i32
    %dma_start3A_374 = arith.constant 0 : i32
    %dma_start3A_375 = tpu.memref_slice %arg2[%dma_start3A_373, %dma_start3A_374] : memref<8192x128xf32, #tpu.memory_space<hbm>> -> memref<8192x128xf32, #tpu.memory_space<hbm>>
    tpu.enqueue_indirect_dma source(%dma_start3A_375 : memref<8192x128xf32, #tpu.memory_space<hbm>>) target(%arg10 : memref<128x128xf32, #tpu.memory_space<vmem>>) offsets(%arg8 : memref<128xi32, #tpu.memory_space<vmem>>) semaphore(%arg14 : memref<!tpu.dma_semaphore, #tpu.memory_space<semaphore_mem>>)
    %dma_start3A_376 = arith.constant 0 : i32
    %dma_start3A_377 = arith.constant 0 : i32
    %dma_start3A_378 = tpu.memref_slice %arg3[%dma_start3A_376, %dma_start3A_377] : memref<8192x128xi32, #tpu.memory_space<hbm>> -> memref<8192x128xi32, #tpu.memory_space<hbm>>
    tpu.enqueue_indirect_dma source(%dma_start3A_378 : memref<8192x128xi32, #tpu.memory_space<hbm>>) target(%arg12 : memref<128x128xi32, #tpu.memory_space<vmem>>) offsets(%arg8 : memref<128xi32, #tpu.memory_space<vmem>>) semaphore(%arg14 : memref<!tpu.dma_semaphore, #tpu.memory_space<semaphore_mem>>)
    %dma_wait3A_379 = arith.constant 0 : i32
    %dma_wait3A_380 = arith.constant 0 : i32
    %dma_wait3A_381 = tpu.memref_slice %arg2[%dma_wait3A_379, %dma_wait3A_380] : memref<8192x128xf32, #tpu.memory_space<hbm>> -> memref<8192x128xf32, #tpu.memory_space<hbm>>
    tpu.wait_indirect_dma semaphore(%arg13 : memref<!tpu.dma_semaphore, #tpu.memory_space<semaphore_mem>>) src(%dma_wait3A_381 : memref<8192x128xf32, #tpu.memory_space<hbm>>) dst(%arg9 : memref<128x128xf32, #tpu.memory_space<vmem>>)
    %dma_wait3A_382 = arith.constant 0 : i32
    %dma_wait3A_383 = arith.constant 0 : i32
    %dma_wait3A_384 = tpu.memref_slice %arg3[%dma_wait3A_382, %dma_wait3A_383] : memref<8192x128xi32, #tpu.memory_space<hbm>> -> memref<8192x128xi32, #tpu.memory_space<hbm>>
    tpu.wait_indirect_dma semaphore(%arg13 : memref<!tpu.dma_semaphore, #tpu.memory_space<semaphore_mem>>) src(%dma_wait3A_384 : memref<8192x128xi32, #tpu.memory_space<hbm>>) dst(%arg11 : memref<128x128xi32, #tpu.memory_space<vmem>>)
    %mul3A_385 = arith.constant 2304 : i32
    %mul3A_386 = arith.muli %add3A, %mul3A_385 : i32
    %add3A_387 = arith.constant 1280 : i32
    %add3A_388 = arith.addi %mul3A_386, %add3A_387 : i32
    %dma_start3A_389 = arith.constant 0 : i32
    %dma_start3A_390 = tpu.memref_slice %arg5[%add3A_388, %dma_start3A_389] : memref<73728x128xf32, #tpu.memory_space<hbm>> -> memref<128x128xf32, #tpu.memory_space<hbm>>
    %dma_start3A_391 = arith.constant 0 : i32
    %dma_start3A_392 = tpu.memref_slice %arg5[%add3A_388, %dma_start3A_391] : memref<73728x128xf32, #tpu.memory_space<hbm>> -> memref<128x128xf32, #tpu.memory_space<hbm>>
    tpu.enqueue_dma source(%arg9 : memref<128x128xf32, #tpu.memory_space<vmem>>) target(%dma_start3A_392 : memref<128x128xf32, #tpu.memory_space<hbm>>) target_semaphore(%arg15 : memref<!tpu.dma_semaphore, #tpu.memory_space<semaphore_mem>>)
    %dma_start3A_393 = arith.constant 0 : i32
    %dma_start3A_394 = tpu.memref_slice %arg6[%add3A_388, %dma_start3A_393] : memref<73728x128xi32, #tpu.memory_space<hbm>> -> memref<128x128xi32, #tpu.memory_space<hbm>>
    %dma_start3A_395 = arith.constant 0 : i32
    %dma_start3A_396 = tpu.memref_slice %arg6[%add3A_388, %dma_start3A_395] : memref<73728x128xi32, #tpu.memory_space<hbm>> -> memref<128x128xi32, #tpu.memory_space<hbm>>
    tpu.enqueue_dma source(%arg11 : memref<128x128xi32, #tpu.memory_space<vmem>>) target(%dma_start3A_396 : memref<128x128xi32, #tpu.memory_space<hbm>>) target_semaphore(%arg15 : memref<!tpu.dma_semaphore, #tpu.memory_space<semaphore_mem>>)
    %dma_wait3A_397 = arith.constant 0 : i32
    %dma_wait3A_398 = tpu.memref_slice %arg5[%add3A_388, %dma_wait3A_397] : memref<73728x128xf32, #tpu.memory_space<hbm>> -> memref<128x128xf32, #tpu.memory_space<hbm>>
    %dma_wait3A_399 = arith.constant 0 : i32
    %dma_wait3A_400 = tpu.memref_slice %arg5[%add3A_388, %dma_wait3A_399] : memref<73728x128xf32, #tpu.memory_space<hbm>> -> memref<128x128xf32, #tpu.memory_space<hbm>>
    tpu.wait_dma2 semaphore(%arg15 : memref<!tpu.dma_semaphore, #tpu.memory_space<semaphore_mem>>) src(%arg9 : memref<128x128xf32, #tpu.memory_space<vmem>>) dst(%dma_wait3A_400 : memref<128x128xf32, #tpu.memory_space<hbm>>)
    %dma_wait3A_401 = arith.constant 0 : i32
    %dma_wait3A_402 = tpu.memref_slice %arg6[%add3A_388, %dma_wait3A_401] : memref<73728x128xi32, #tpu.memory_space<hbm>> -> memref<128x128xi32, #tpu.memory_space<hbm>>
    %dma_wait3A_403 = arith.constant 0 : i32
    %dma_wait3A_404 = tpu.memref_slice %arg6[%add3A_388, %dma_wait3A_403] : memref<73728x128xi32, #tpu.memory_space<hbm>> -> memref<128x128xi32, #tpu.memory_space<hbm>>
    tpu.wait_dma2 semaphore(%arg15 : memref<!tpu.dma_semaphore, #tpu.memory_space<semaphore_mem>>) src(%arg11 : memref<128x128xi32, #tpu.memory_space<vmem>>) dst(%dma_wait3A_404 : memref<128x128xi32, #tpu.memory_space<hbm>>)
    %mul3A_405 = arith.constant 2304 : i32
    %mul3A_406 = arith.muli %add3A, %mul3A_405 : i32
    %add3A_407 = arith.constant 1536 : i32
    %add3A_408 = arith.addi %mul3A_406, %add3A_407 : i32
    "tpu.region"() ({
      %run_scoped3A = tpu.sem_alloc : memref<!tpu.dma_semaphore, #tpu.memory_space<semaphore_mem>>
      %dma_start3A_647 = tpu.memref_slice %arg4[%add3A_408] : memref<73728xi32, #tpu.memory_space<hbm>> -> memref<128xi32, #tpu.memory_space<hbm>>
      %dma_start3A_648 = tpu.memref_slice %arg4[%add3A_408] : memref<73728xi32, #tpu.memory_space<hbm>> -> memref<128xi32, #tpu.memory_space<hbm>>
      tpu.enqueue_dma source(%dma_start3A_648 : memref<128xi32, #tpu.memory_space<hbm>>) target(%arg7 : memref<128xi32, #tpu.memory_space<vmem>>) target_semaphore(%run_scoped3A : memref<!tpu.dma_semaphore, #tpu.memory_space<semaphore_mem>>)
      %dma_wait3A_649 = tpu.memref_slice %arg4[%add3A_408] : memref<73728xi32, #tpu.memory_space<hbm>> -> memref<128xi32, #tpu.memory_space<hbm>>
      %dma_wait3A_650 = tpu.memref_slice %arg4[%add3A_408] : memref<73728xi32, #tpu.memory_space<hbm>> -> memref<128xi32, #tpu.memory_space<hbm>>
      tpu.wait_dma2 semaphore(%run_scoped3A : memref<!tpu.dma_semaphore, #tpu.memory_space<semaphore_mem>>) src(%dma_wait3A_650 : memref<128xi32, #tpu.memory_space<hbm>>) dst(%arg7 : memref<128xi32, #tpu.memory_space<vmem>>)
      tpu.yield
    }) : () -> ()
    %dma_start3A_409 = arith.constant 0 : i32
    %dma_start3A_410 = arith.constant 0 : i32
    %dma_start3A_411 = tpu.memref_slice %arg2[%dma_start3A_409, %dma_start3A_410] : memref<8192x128xf32, #tpu.memory_space<hbm>> -> memref<8192x128xf32, #tpu.memory_space<hbm>>
    tpu.enqueue_indirect_dma source(%dma_start3A_411 : memref<8192x128xf32, #tpu.memory_space<hbm>>) target(%arg9 : memref<128x128xf32, #tpu.memory_space<vmem>>) offsets(%arg7 : memref<128xi32, #tpu.memory_space<vmem>>) semaphore(%arg13 : memref<!tpu.dma_semaphore, #tpu.memory_space<semaphore_mem>>)
    %dma_start3A_412 = arith.constant 0 : i32
    %dma_start3A_413 = arith.constant 0 : i32
    %dma_start3A_414 = tpu.memref_slice %arg3[%dma_start3A_412, %dma_start3A_413] : memref<8192x128xi32, #tpu.memory_space<hbm>> -> memref<8192x128xi32, #tpu.memory_space<hbm>>
    tpu.enqueue_indirect_dma source(%dma_start3A_414 : memref<8192x128xi32, #tpu.memory_space<hbm>>) target(%arg11 : memref<128x128xi32, #tpu.memory_space<vmem>>) offsets(%arg7 : memref<128xi32, #tpu.memory_space<vmem>>) semaphore(%arg13 : memref<!tpu.dma_semaphore, #tpu.memory_space<semaphore_mem>>)
    %dma_wait3A_415 = arith.constant 0 : i32
    %dma_wait3A_416 = arith.constant 0 : i32
    %dma_wait3A_417 = tpu.memref_slice %arg2[%dma_wait3A_415, %dma_wait3A_416] : memref<8192x128xf32, #tpu.memory_space<hbm>> -> memref<8192x128xf32, #tpu.memory_space<hbm>>
    tpu.wait_indirect_dma semaphore(%arg14 : memref<!tpu.dma_semaphore, #tpu.memory_space<semaphore_mem>>) src(%dma_wait3A_417 : memref<8192x128xf32, #tpu.memory_space<hbm>>) dst(%arg10 : memref<128x128xf32, #tpu.memory_space<vmem>>)
    %dma_wait3A_418 = arith.constant 0 : i32
    %dma_wait3A_419 = arith.constant 0 : i32
    %dma_wait3A_420 = tpu.memref_slice %arg3[%dma_wait3A_418, %dma_wait3A_419] : memref<8192x128xi32, #tpu.memory_space<hbm>> -> memref<8192x128xi32, #tpu.memory_space<hbm>>
    tpu.wait_indirect_dma semaphore(%arg14 : memref<!tpu.dma_semaphore, #tpu.memory_space<semaphore_mem>>) src(%dma_wait3A_420 : memref<8192x128xi32, #tpu.memory_space<hbm>>) dst(%arg12 : memref<128x128xi32, #tpu.memory_space<vmem>>)
    %mul3A_421 = arith.constant 2304 : i32
    %mul3A_422 = arith.muli %add3A, %mul3A_421 : i32
    %add3A_423 = arith.constant 1408 : i32
    %add3A_424 = arith.addi %mul3A_422, %add3A_423 : i32
    %dma_start3A_425 = arith.constant 0 : i32
    %dma_start3A_426 = tpu.memref_slice %arg5[%add3A_424, %dma_start3A_425] : memref<73728x128xf32, #tpu.memory_space<hbm>> -> memref<128x128xf32, #tpu.memory_space<hbm>>
    %dma_start3A_427 = arith.constant 0 : i32
    %dma_start3A_428 = tpu.memref_slice %arg5[%add3A_424, %dma_start3A_427] : memref<73728x128xf32, #tpu.memory_space<hbm>> -> memref<128x128xf32, #tpu.memory_space<hbm>>
    tpu.enqueue_dma source(%arg10 : memref<128x128xf32, #tpu.memory_space<vmem>>) target(%dma_start3A_428 : memref<128x128xf32, #tpu.memory_space<hbm>>) target_semaphore(%arg16 : memref<!tpu.dma_semaphore, #tpu.memory_space<semaphore_mem>>)
    %dma_start3A_429 = arith.constant 0 : i32
    %dma_start3A_430 = tpu.memref_slice %arg6[%add3A_424, %dma_start3A_429] : memref<73728x128xi32, #tpu.memory_space<hbm>> -> memref<128x128xi32, #tpu.memory_space<hbm>>
    %dma_start3A_431 = arith.constant 0 : i32
    %dma_start3A_432 = tpu.memref_slice %arg6[%add3A_424, %dma_start3A_431] : memref<73728x128xi32, #tpu.memory_space<hbm>> -> memref<128x128xi32, #tpu.memory_space<hbm>>
    tpu.enqueue_dma source(%arg12 : memref<128x128xi32, #tpu.memory_space<vmem>>) target(%dma_start3A_432 : memref<128x128xi32, #tpu.memory_space<hbm>>) target_semaphore(%arg16 : memref<!tpu.dma_semaphore, #tpu.memory_space<semaphore_mem>>)
    %dma_wait3A_433 = arith.constant 0 : i32
    %dma_wait3A_434 = tpu.memref_slice %arg5[%add3A_424, %dma_wait3A_433] : memref<73728x128xf32, #tpu.memory_space<hbm>> -> memref<128x128xf32, #tpu.memory_space<hbm>>
    %dma_wait3A_435 = arith.constant 0 : i32
    %dma_wait3A_436 = tpu.memref_slice %arg5[%add3A_424, %dma_wait3A_435] : memref<73728x128xf32, #tpu.memory_space<hbm>> -> memref<128x128xf32, #tpu.memory_space<hbm>>
    tpu.wait_dma2 semaphore(%arg16 : memref<!tpu.dma_semaphore, #tpu.memory_space<semaphore_mem>>) src(%arg10 : memref<128x128xf32, #tpu.memory_space<vmem>>) dst(%dma_wait3A_436 : memref<128x128xf32, #tpu.memory_space<hbm>>)
    %dma_wait3A_437 = arith.constant 0 : i32
    %dma_wait3A_438 = tpu.memref_slice %arg6[%add3A_424, %dma_wait3A_437] : memref<73728x128xi32, #tpu.memory_space<hbm>> -> memref<128x128xi32, #tpu.memory_space<hbm>>
    %dma_wait3A_439 = arith.constant 0 : i32
    %dma_wait3A_440 = tpu.memref_slice %arg6[%add3A_424, %dma_wait3A_439] : memref<73728x128xi32, #tpu.memory_space<hbm>> -> memref<128x128xi32, #tpu.memory_space<hbm>>
    tpu.wait_dma2 semaphore(%arg16 : memref<!tpu.dma_semaphore, #tpu.memory_space<semaphore_mem>>) src(%arg12 : memref<128x128xi32, #tpu.memory_space<vmem>>) dst(%dma_wait3A_440 : memref<128x128xi32, #tpu.memory_space<hbm>>)
    %mul3A_441 = arith.constant 2304 : i32
    %mul3A_442 = arith.muli %add3A, %mul3A_441 : i32
    %add3A_443 = arith.constant 1664 : i32
    %add3A_444 = arith.addi %mul3A_442, %add3A_443 : i32
    "tpu.region"() ({
      %run_scoped3A = tpu.sem_alloc : memref<!tpu.dma_semaphore, #tpu.memory_space<semaphore_mem>>
      %dma_start3A_647 = tpu.memref_slice %arg4[%add3A_444] : memref<73728xi32, #tpu.memory_space<hbm>> -> memref<128xi32, #tpu.memory_space<hbm>>
      %dma_start3A_648 = tpu.memref_slice %arg4[%add3A_444] : memref<73728xi32, #tpu.memory_space<hbm>> -> memref<128xi32, #tpu.memory_space<hbm>>
      tpu.enqueue_dma source(%dma_start3A_648 : memref<128xi32, #tpu.memory_space<hbm>>) target(%arg8 : memref<128xi32, #tpu.memory_space<vmem>>) target_semaphore(%run_scoped3A : memref<!tpu.dma_semaphore, #tpu.memory_space<semaphore_mem>>)
      %dma_wait3A_649 = tpu.memref_slice %arg4[%add3A_444] : memref<73728xi32, #tpu.memory_space<hbm>> -> memref<128xi32, #tpu.memory_space<hbm>>
      %dma_wait3A_650 = tpu.memref_slice %arg4[%add3A_444] : memref<73728xi32, #tpu.memory_space<hbm>> -> memref<128xi32, #tpu.memory_space<hbm>>
      tpu.wait_dma2 semaphore(%run_scoped3A : memref<!tpu.dma_semaphore, #tpu.memory_space<semaphore_mem>>) src(%dma_wait3A_650 : memref<128xi32, #tpu.memory_space<hbm>>) dst(%arg8 : memref<128xi32, #tpu.memory_space<vmem>>)
      tpu.yield
    }) : () -> ()
    %dma_start3A_445 = arith.constant 0 : i32
    %dma_start3A_446 = arith.constant 0 : i32
    %dma_start3A_447 = tpu.memref_slice %arg2[%dma_start3A_445, %dma_start3A_446] : memref<8192x128xf32, #tpu.memory_space<hbm>> -> memref<8192x128xf32, #tpu.memory_space<hbm>>
    tpu.enqueue_indirect_dma source(%dma_start3A_447 : memref<8192x128xf32, #tpu.memory_space<hbm>>) target(%arg10 : memref<128x128xf32, #tpu.memory_space<vmem>>) offsets(%arg8 : memref<128xi32, #tpu.memory_space<vmem>>) semaphore(%arg14 : memref<!tpu.dma_semaphore, #tpu.memory_space<semaphore_mem>>)
    %dma_start3A_448 = arith.constant 0 : i32
    %dma_start3A_449 = arith.constant 0 : i32
    %dma_start3A_450 = tpu.memref_slice %arg3[%dma_start3A_448, %dma_start3A_449] : memref<8192x128xi32, #tpu.memory_space<hbm>> -> memref<8192x128xi32, #tpu.memory_space<hbm>>
    tpu.enqueue_indirect_dma source(%dma_start3A_450 : memref<8192x128xi32, #tpu.memory_space<hbm>>) target(%arg12 : memref<128x128xi32, #tpu.memory_space<vmem>>) offsets(%arg8 : memref<128xi32, #tpu.memory_space<vmem>>) semaphore(%arg14 : memref<!tpu.dma_semaphore, #tpu.memory_space<semaphore_mem>>)
    %dma_wait3A_451 = arith.constant 0 : i32
    %dma_wait3A_452 = arith.constant 0 : i32
    %dma_wait3A_453 = tpu.memref_slice %arg2[%dma_wait3A_451, %dma_wait3A_452] : memref<8192x128xf32, #tpu.memory_space<hbm>> -> memref<8192x128xf32, #tpu.memory_space<hbm>>
    tpu.wait_indirect_dma semaphore(%arg13 : memref<!tpu.dma_semaphore, #tpu.memory_space<semaphore_mem>>) src(%dma_wait3A_453 : memref<8192x128xf32, #tpu.memory_space<hbm>>) dst(%arg9 : memref<128x128xf32, #tpu.memory_space<vmem>>)
    %dma_wait3A_454 = arith.constant 0 : i32
    %dma_wait3A_455 = arith.constant 0 : i32
    %dma_wait3A_456 = tpu.memref_slice %arg3[%dma_wait3A_454, %dma_wait3A_455] : memref<8192x128xi32, #tpu.memory_space<hbm>> -> memref<8192x128xi32, #tpu.memory_space<hbm>>
    tpu.wait_indirect_dma semaphore(%arg13 : memref<!tpu.dma_semaphore, #tpu.memory_space<semaphore_mem>>) src(%dma_wait3A_456 : memref<8192x128xi32, #tpu.memory_space<hbm>>) dst(%arg11 : memref<128x128xi32, #tpu.memory_space<vmem>>)
    %mul3A_457 = arith.constant 2304 : i32
    %mul3A_458 = arith.muli %add3A, %mul3A_457 : i32
    %add3A_459 = arith.constant 1536 : i32
    %add3A_460 = arith.addi %mul3A_458, %add3A_459 : i32
    %dma_start3A_461 = arith.constant 0 : i32
    %dma_start3A_462 = tpu.memref_slice %arg5[%add3A_460, %dma_start3A_461] : memref<73728x128xf32, #tpu.memory_space<hbm>> -> memref<128x128xf32, #tpu.memory_space<hbm>>
    %dma_start3A_463 = arith.constant 0 : i32
    %dma_start3A_464 = tpu.memref_slice %arg5[%add3A_460, %dma_start3A_463] : memref<73728x128xf32, #tpu.memory_space<hbm>> -> memref<128x128xf32, #tpu.memory_space<hbm>>
    tpu.enqueue_dma source(%arg9 : memref<128x128xf32, #tpu.memory_space<vmem>>) target(%dma_start3A_464 : memref<128x128xf32, #tpu.memory_space<hbm>>) target_semaphore(%arg15 : memref<!tpu.dma_semaphore, #tpu.memory_space<semaphore_mem>>)
    %dma_start3A_465 = arith.constant 0 : i32
    %dma_start3A_466 = tpu.memref_slice %arg6[%add3A_460, %dma_start3A_465] : memref<73728x128xi32, #tpu.memory_space<hbm>> -> memref<128x128xi32, #tpu.memory_space<hbm>>
    %dma_start3A_467 = arith.constant 0 : i32
    %dma_start3A_468 = tpu.memref_slice %arg6[%add3A_460, %dma_start3A_467] : memref<73728x128xi32, #tpu.memory_space<hbm>> -> memref<128x128xi32, #tpu.memory_space<hbm>>
    tpu.enqueue_dma source(%arg11 : memref<128x128xi32, #tpu.memory_space<vmem>>) target(%dma_start3A_468 : memref<128x128xi32, #tpu.memory_space<hbm>>) target_semaphore(%arg15 : memref<!tpu.dma_semaphore, #tpu.memory_space<semaphore_mem>>)
    %dma_wait3A_469 = arith.constant 0 : i32
    %dma_wait3A_470 = tpu.memref_slice %arg5[%add3A_460, %dma_wait3A_469] : memref<73728x128xf32, #tpu.memory_space<hbm>> -> memref<128x128xf32, #tpu.memory_space<hbm>>
    %dma_wait3A_471 = arith.constant 0 : i32
    %dma_wait3A_472 = tpu.memref_slice %arg5[%add3A_460, %dma_wait3A_471] : memref<73728x128xf32, #tpu.memory_space<hbm>> -> memref<128x128xf32, #tpu.memory_space<hbm>>
    tpu.wait_dma2 semaphore(%arg15 : memref<!tpu.dma_semaphore, #tpu.memory_space<semaphore_mem>>) src(%arg9 : memref<128x128xf32, #tpu.memory_space<vmem>>) dst(%dma_wait3A_472 : memref<128x128xf32, #tpu.memory_space<hbm>>)
    %dma_wait3A_473 = arith.constant 0 : i32
    %dma_wait3A_474 = tpu.memref_slice %arg6[%add3A_460, %dma_wait3A_473] : memref<73728x128xi32, #tpu.memory_space<hbm>> -> memref<128x128xi32, #tpu.memory_space<hbm>>
    %dma_wait3A_475 = arith.constant 0 : i32
    %dma_wait3A_476 = tpu.memref_slice %arg6[%add3A_460, %dma_wait3A_475] : memref<73728x128xi32, #tpu.memory_space<hbm>> -> memref<128x128xi32, #tpu.memory_space<hbm>>
    tpu.wait_dma2 semaphore(%arg15 : memref<!tpu.dma_semaphore, #tpu.memory_space<semaphore_mem>>) src(%arg11 : memref<128x128xi32, #tpu.memory_space<vmem>>) dst(%dma_wait3A_476 : memref<128x128xi32, #tpu.memory_space<hbm>>)
    %mul3A_477 = arith.constant 2304 : i32
    %mul3A_478 = arith.muli %add3A, %mul3A_477 : i32
    %add3A_479 = arith.constant 1792 : i32
    %add3A_480 = arith.addi %mul3A_478, %add3A_479 : i32
    "tpu.region"() ({
      %run_scoped3A = tpu.sem_alloc : memref<!tpu.dma_semaphore, #tpu.memory_space<semaphore_mem>>
      %dma_start3A_647 = tpu.memref_slice %arg4[%add3A_480] : memref<73728xi32, #tpu.memory_space<hbm>> -> memref<128xi32, #tpu.memory_space<hbm>>
      %dma_start3A_648 = tpu.memref_slice %arg4[%add3A_480] : memref<73728xi32, #tpu.memory_space<hbm>> -> memref<128xi32, #tpu.memory_space<hbm>>
      tpu.enqueue_dma source(%dma_start3A_648 : memref<128xi32, #tpu.memory_space<hbm>>) target(%arg7 : memref<128xi32, #tpu.memory_space<vmem>>) target_semaphore(%run_scoped3A : memref<!tpu.dma_semaphore, #tpu.memory_space<semaphore_mem>>)
      %dma_wait3A_649 = tpu.memref_slice %arg4[%add3A_480] : memref<73728xi32, #tpu.memory_space<hbm>> -> memref<128xi32, #tpu.memory_space<hbm>>
      %dma_wait3A_650 = tpu.memref_slice %arg4[%add3A_480] : memref<73728xi32, #tpu.memory_space<hbm>> -> memref<128xi32, #tpu.memory_space<hbm>>
      tpu.wait_dma2 semaphore(%run_scoped3A : memref<!tpu.dma_semaphore, #tpu.memory_space<semaphore_mem>>) src(%dma_wait3A_650 : memref<128xi32, #tpu.memory_space<hbm>>) dst(%arg7 : memref<128xi32, #tpu.memory_space<vmem>>)
      tpu.yield
    }) : () -> ()
    %dma_start3A_481 = arith.constant 0 : i32
    %dma_start3A_482 = arith.constant 0 : i32
    %dma_start3A_483 = tpu.memref_slice %arg2[%dma_start3A_481, %dma_start3A_482] : memref<8192x128xf32, #tpu.memory_space<hbm>> -> memref<8192x128xf32, #tpu.memory_space<hbm>>
    tpu.enqueue_indirect_dma source(%dma_start3A_483 : memref<8192x128xf32, #tpu.memory_space<hbm>>) target(%arg9 : memref<128x128xf32, #tpu.memory_space<vmem>>) offsets(%arg7 : memref<128xi32, #tpu.memory_space<vmem>>) semaphore(%arg13 : memref<!tpu.dma_semaphore, #tpu.memory_space<semaphore_mem>>)
    %dma_start3A_484 = arith.constant 0 : i32
    %dma_start3A_485 = arith.constant 0 : i32
    %dma_start3A_486 = tpu.memref_slice %arg3[%dma_start3A_484, %dma_start3A_485] : memref<8192x128xi32, #tpu.memory_space<hbm>> -> memref<8192x128xi32, #tpu.memory_space<hbm>>
    tpu.enqueue_indirect_dma source(%dma_start3A_486 : memref<8192x128xi32, #tpu.memory_space<hbm>>) target(%arg11 : memref<128x128xi32, #tpu.memory_space<vmem>>) offsets(%arg7 : memref<128xi32, #tpu.memory_space<vmem>>) semaphore(%arg13 : memref<!tpu.dma_semaphore, #tpu.memory_space<semaphore_mem>>)
    %dma_wait3A_487 = arith.constant 0 : i32
    %dma_wait3A_488 = arith.constant 0 : i32
    %dma_wait3A_489 = tpu.memref_slice %arg2[%dma_wait3A_487, %dma_wait3A_488] : memref<8192x128xf32, #tpu.memory_space<hbm>> -> memref<8192x128xf32, #tpu.memory_space<hbm>>
    tpu.wait_indirect_dma semaphore(%arg14 : memref<!tpu.dma_semaphore, #tpu.memory_space<semaphore_mem>>) src(%dma_wait3A_489 : memref<8192x128xf32, #tpu.memory_space<hbm>>) dst(%arg10 : memref<128x128xf32, #tpu.memory_space<vmem>>)
    %dma_wait3A_490 = arith.constant 0 : i32
    %dma_wait3A_491 = arith.constant 0 : i32
    %dma_wait3A_492 = tpu.memref_slice %arg3[%dma_wait3A_490, %dma_wait3A_491] : memref<8192x128xi32, #tpu.memory_space<hbm>> -> memref<8192x128xi32, #tpu.memory_space<hbm>>
    tpu.wait_indirect_dma semaphore(%arg14 : memref<!tpu.dma_semaphore, #tpu.memory_space<semaphore_mem>>) src(%dma_wait3A_492 : memref<8192x128xi32, #tpu.memory_space<hbm>>) dst(%arg12 : memref<128x128xi32, #tpu.memory_space<vmem>>)
    %mul3A_493 = arith.constant 2304 : i32
    %mul3A_494 = arith.muli %add3A, %mul3A_493 : i32
    %add3A_495 = arith.constant 1664 : i32
    %add3A_496 = arith.addi %mul3A_494, %add3A_495 : i32
    %dma_start3A_497 = arith.constant 0 : i32
    %dma_start3A_498 = tpu.memref_slice %arg5[%add3A_496, %dma_start3A_497] : memref<73728x128xf32, #tpu.memory_space<hbm>> -> memref<128x128xf32, #tpu.memory_space<hbm>>
    %dma_start3A_499 = arith.constant 0 : i32
    %dma_start3A_500 = tpu.memref_slice %arg5[%add3A_496, %dma_start3A_499] : memref<73728x128xf32, #tpu.memory_space<hbm>> -> memref<128x128xf32, #tpu.memory_space<hbm>>
    tpu.enqueue_dma source(%arg10 : memref<128x128xf32, #tpu.memory_space<vmem>>) target(%dma_start3A_500 : memref<128x128xf32, #tpu.memory_space<hbm>>) target_semaphore(%arg16 : memref<!tpu.dma_semaphore, #tpu.memory_space<semaphore_mem>>)
    %dma_start3A_501 = arith.constant 0 : i32
    %dma_start3A_502 = tpu.memref_slice %arg6[%add3A_496, %dma_start3A_501] : memref<73728x128xi32, #tpu.memory_space<hbm>> -> memref<128x128xi32, #tpu.memory_space<hbm>>
    %dma_start3A_503 = arith.constant 0 : i32
    %dma_start3A_504 = tpu.memref_slice %arg6[%add3A_496, %dma_start3A_503] : memref<73728x128xi32, #tpu.memory_space<hbm>> -> memref<128x128xi32, #tpu.memory_space<hbm>>
    tpu.enqueue_dma source(%arg12 : memref<128x128xi32, #tpu.memory_space<vmem>>) target(%dma_start3A_504 : memref<128x128xi32, #tpu.memory_space<hbm>>) target_semaphore(%arg16 : memref<!tpu.dma_semaphore, #tpu.memory_space<semaphore_mem>>)
    %dma_wait3A_505 = arith.constant 0 : i32
    %dma_wait3A_506 = tpu.memref_slice %arg5[%add3A_496, %dma_wait3A_505] : memref<73728x128xf32, #tpu.memory_space<hbm>> -> memref<128x128xf32, #tpu.memory_space<hbm>>
    %dma_wait3A_507 = arith.constant 0 : i32
    %dma_wait3A_508 = tpu.memref_slice %arg5[%add3A_496, %dma_wait3A_507] : memref<73728x128xf32, #tpu.memory_space<hbm>> -> memref<128x128xf32, #tpu.memory_space<hbm>>
    tpu.wait_dma2 semaphore(%arg16 : memref<!tpu.dma_semaphore, #tpu.memory_space<semaphore_mem>>) src(%arg10 : memref<128x128xf32, #tpu.memory_space<vmem>>) dst(%dma_wait3A_508 : memref<128x128xf32, #tpu.memory_space<hbm>>)
    %dma_wait3A_509 = arith.constant 0 : i32
    %dma_wait3A_510 = tpu.memref_slice %arg6[%add3A_496, %dma_wait3A_509] : memref<73728x128xi32, #tpu.memory_space<hbm>> -> memref<128x128xi32, #tpu.memory_space<hbm>>
    %dma_wait3A_511 = arith.constant 0 : i32
    %dma_wait3A_512 = tpu.memref_slice %arg6[%add3A_496, %dma_wait3A_511] : memref<73728x128xi32, #tpu.memory_space<hbm>> -> memref<128x128xi32, #tpu.memory_space<hbm>>
    tpu.wait_dma2 semaphore(%arg16 : memref<!tpu.dma_semaphore, #tpu.memory_space<semaphore_mem>>) src(%arg12 : memref<128x128xi32, #tpu.memory_space<vmem>>) dst(%dma_wait3A_512 : memref<128x128xi32, #tpu.memory_space<hbm>>)
    %mul3A_513 = arith.constant 2304 : i32
    %mul3A_514 = arith.muli %add3A, %mul3A_513 : i32
    %add3A_515 = arith.constant 1920 : i32
    %add3A_516 = arith.addi %mul3A_514, %add3A_515 : i32
    "tpu.region"() ({
      %run_scoped3A = tpu.sem_alloc : memref<!tpu.dma_semaphore, #tpu.memory_space<semaphore_mem>>
      %dma_start3A_647 = tpu.memref_slice %arg4[%add3A_516] : memref<73728xi32, #tpu.memory_space<hbm>> -> memref<128xi32, #tpu.memory_space<hbm>>
      %dma_start3A_648 = tpu.memref_slice %arg4[%add3A_516] : memref<73728xi32, #tpu.memory_space<hbm>> -> memref<128xi32, #tpu.memory_space<hbm>>
      tpu.enqueue_dma source(%dma_start3A_648 : memref<128xi32, #tpu.memory_space<hbm>>) target(%arg8 : memref<128xi32, #tpu.memory_space<vmem>>) target_semaphore(%run_scoped3A : memref<!tpu.dma_semaphore, #tpu.memory_space<semaphore_mem>>)
      %dma_wait3A_649 = tpu.memref_slice %arg4[%add3A_516] : memref<73728xi32, #tpu.memory_space<hbm>> -> memref<128xi32, #tpu.memory_space<hbm>>
      %dma_wait3A_650 = tpu.memref_slice %arg4[%add3A_516] : memref<73728xi32, #tpu.memory_space<hbm>> -> memref<128xi32, #tpu.memory_space<hbm>>
      tpu.wait_dma2 semaphore(%run_scoped3A : memref<!tpu.dma_semaphore, #tpu.memory_space<semaphore_mem>>) src(%dma_wait3A_650 : memref<128xi32, #tpu.memory_space<hbm>>) dst(%arg8 : memref<128xi32, #tpu.memory_space<vmem>>)
      tpu.yield
    }) : () -> ()
    %dma_start3A_517 = arith.constant 0 : i32
    %dma_start3A_518 = arith.constant 0 : i32
    %dma_start3A_519 = tpu.memref_slice %arg2[%dma_start3A_517, %dma_start3A_518] : memref<8192x128xf32, #tpu.memory_space<hbm>> -> memref<8192x128xf32, #tpu.memory_space<hbm>>
    tpu.enqueue_indirect_dma source(%dma_start3A_519 : memref<8192x128xf32, #tpu.memory_space<hbm>>) target(%arg10 : memref<128x128xf32, #tpu.memory_space<vmem>>) offsets(%arg8 : memref<128xi32, #tpu.memory_space<vmem>>) semaphore(%arg14 : memref<!tpu.dma_semaphore, #tpu.memory_space<semaphore_mem>>)
    %dma_start3A_520 = arith.constant 0 : i32
    %dma_start3A_521 = arith.constant 0 : i32
    %dma_start3A_522 = tpu.memref_slice %arg3[%dma_start3A_520, %dma_start3A_521] : memref<8192x128xi32, #tpu.memory_space<hbm>> -> memref<8192x128xi32, #tpu.memory_space<hbm>>
    tpu.enqueue_indirect_dma source(%dma_start3A_522 : memref<8192x128xi32, #tpu.memory_space<hbm>>) target(%arg12 : memref<128x128xi32, #tpu.memory_space<vmem>>) offsets(%arg8 : memref<128xi32, #tpu.memory_space<vmem>>) semaphore(%arg14 : memref<!tpu.dma_semaphore, #tpu.memory_space<semaphore_mem>>)
    %dma_wait3A_523 = arith.constant 0 : i32
    %dma_wait3A_524 = arith.constant 0 : i32
    %dma_wait3A_525 = tpu.memref_slice %arg2[%dma_wait3A_523, %dma_wait3A_524] : memref<8192x128xf32, #tpu.memory_space<hbm>> -> memref<8192x128xf32, #tpu.memory_space<hbm>>
    tpu.wait_indirect_dma semaphore(%arg13 : memref<!tpu.dma_semaphore, #tpu.memory_space<semaphore_mem>>) src(%dma_wait3A_525 : memref<8192x128xf32, #tpu.memory_space<hbm>>) dst(%arg9 : memref<128x128xf32, #tpu.memory_space<vmem>>)
    %dma_wait3A_526 = arith.constant 0 : i32
    %dma_wait3A_527 = arith.constant 0 : i32
    %dma_wait3A_528 = tpu.memref_slice %arg3[%dma_wait3A_526, %dma_wait3A_527] : memref<8192x128xi32, #tpu.memory_space<hbm>> -> memref<8192x128xi32, #tpu.memory_space<hbm>>
    tpu.wait_indirect_dma semaphore(%arg13 : memref<!tpu.dma_semaphore, #tpu.memory_space<semaphore_mem>>) src(%dma_wait3A_528 : memref<8192x128xi32, #tpu.memory_space<hbm>>) dst(%arg11 : memref<128x128xi32, #tpu.memory_space<vmem>>)
    %mul3A_529 = arith.constant 2304 : i32
    %mul3A_530 = arith.muli %add3A, %mul3A_529 : i32
    %add3A_531 = arith.constant 1792 : i32
    %add3A_532 = arith.addi %mul3A_530, %add3A_531 : i32
    %dma_start3A_533 = arith.constant 0 : i32
    %dma_start3A_534 = tpu.memref_slice %arg5[%add3A_532, %dma_start3A_533] : memref<73728x128xf32, #tpu.memory_space<hbm>> -> memref<128x128xf32, #tpu.memory_space<hbm>>
    %dma_start3A_535 = arith.constant 0 : i32
    %dma_start3A_536 = tpu.memref_slice %arg5[%add3A_532, %dma_start3A_535] : memref<73728x128xf32, #tpu.memory_space<hbm>> -> memref<128x128xf32, #tpu.memory_space<hbm>>
    tpu.enqueue_dma source(%arg9 : memref<128x128xf32, #tpu.memory_space<vmem>>) target(%dma_start3A_536 : memref<128x128xf32, #tpu.memory_space<hbm>>) target_semaphore(%arg15 : memref<!tpu.dma_semaphore, #tpu.memory_space<semaphore_mem>>)
    %dma_start3A_537 = arith.constant 0 : i32
    %dma_start3A_538 = tpu.memref_slice %arg6[%add3A_532, %dma_start3A_537] : memref<73728x128xi32, #tpu.memory_space<hbm>> -> memref<128x128xi32, #tpu.memory_space<hbm>>
    %dma_start3A_539 = arith.constant 0 : i32
    %dma_start3A_540 = tpu.memref_slice %arg6[%add3A_532, %dma_start3A_539] : memref<73728x128xi32, #tpu.memory_space<hbm>> -> memref<128x128xi32, #tpu.memory_space<hbm>>
    tpu.enqueue_dma source(%arg11 : memref<128x128xi32, #tpu.memory_space<vmem>>) target(%dma_start3A_540 : memref<128x128xi32, #tpu.memory_space<hbm>>) target_semaphore(%arg15 : memref<!tpu.dma_semaphore, #tpu.memory_space<semaphore_mem>>)
    %dma_wait3A_541 = arith.constant 0 : i32
    %dma_wait3A_542 = tpu.memref_slice %arg5[%add3A_532, %dma_wait3A_541] : memref<73728x128xf32, #tpu.memory_space<hbm>> -> memref<128x128xf32, #tpu.memory_space<hbm>>
    %dma_wait3A_543 = arith.constant 0 : i32
    %dma_wait3A_544 = tpu.memref_slice %arg5[%add3A_532, %dma_wait3A_543] : memref<73728x128xf32, #tpu.memory_space<hbm>> -> memref<128x128xf32, #tpu.memory_space<hbm>>
    tpu.wait_dma2 semaphore(%arg15 : memref<!tpu.dma_semaphore, #tpu.memory_space<semaphore_mem>>) src(%arg9 : memref<128x128xf32, #tpu.memory_space<vmem>>) dst(%dma_wait3A_544 : memref<128x128xf32, #tpu.memory_space<hbm>>)
    %dma_wait3A_545 = arith.constant 0 : i32
    %dma_wait3A_546 = tpu.memref_slice %arg6[%add3A_532, %dma_wait3A_545] : memref<73728x128xi32, #tpu.memory_space<hbm>> -> memref<128x128xi32, #tpu.memory_space<hbm>>
    %dma_wait3A_547 = arith.constant 0 : i32
    %dma_wait3A_548 = tpu.memref_slice %arg6[%add3A_532, %dma_wait3A_547] : memref<73728x128xi32, #tpu.memory_space<hbm>> -> memref<128x128xi32, #tpu.memory_space<hbm>>
    tpu.wait_dma2 semaphore(%arg15 : memref<!tpu.dma_semaphore, #tpu.memory_space<semaphore_mem>>) src(%arg11 : memref<128x128xi32, #tpu.memory_space<vmem>>) dst(%dma_wait3A_548 : memref<128x128xi32, #tpu.memory_space<hbm>>)
    %mul3A_549 = arith.constant 2304 : i32
    %mul3A_550 = arith.muli %add3A, %mul3A_549 : i32
    %add3A_551 = arith.constant 2048 : i32
    %add3A_552 = arith.addi %mul3A_550, %add3A_551 : i32
    "tpu.region"() ({
      %run_scoped3A = tpu.sem_alloc : memref<!tpu.dma_semaphore, #tpu.memory_space<semaphore_mem>>
      %dma_start3A_647 = tpu.memref_slice %arg4[%add3A_552] : memref<73728xi32, #tpu.memory_space<hbm>> -> memref<128xi32, #tpu.memory_space<hbm>>
      %dma_start3A_648 = tpu.memref_slice %arg4[%add3A_552] : memref<73728xi32, #tpu.memory_space<hbm>> -> memref<128xi32, #tpu.memory_space<hbm>>
      tpu.enqueue_dma source(%dma_start3A_648 : memref<128xi32, #tpu.memory_space<hbm>>) target(%arg7 : memref<128xi32, #tpu.memory_space<vmem>>) target_semaphore(%run_scoped3A : memref<!tpu.dma_semaphore, #tpu.memory_space<semaphore_mem>>)
      %dma_wait3A_649 = tpu.memref_slice %arg4[%add3A_552] : memref<73728xi32, #tpu.memory_space<hbm>> -> memref<128xi32, #tpu.memory_space<hbm>>
      %dma_wait3A_650 = tpu.memref_slice %arg4[%add3A_552] : memref<73728xi32, #tpu.memory_space<hbm>> -> memref<128xi32, #tpu.memory_space<hbm>>
      tpu.wait_dma2 semaphore(%run_scoped3A : memref<!tpu.dma_semaphore, #tpu.memory_space<semaphore_mem>>) src(%dma_wait3A_650 : memref<128xi32, #tpu.memory_space<hbm>>) dst(%arg7 : memref<128xi32, #tpu.memory_space<vmem>>)
      tpu.yield
    }) : () -> ()
    %dma_start3A_553 = arith.constant 0 : i32
    %dma_start3A_554 = arith.constant 0 : i32
    %dma_start3A_555 = tpu.memref_slice %arg2[%dma_start3A_553, %dma_start3A_554] : memref<8192x128xf32, #tpu.memory_space<hbm>> -> memref<8192x128xf32, #tpu.memory_space<hbm>>
    tpu.enqueue_indirect_dma source(%dma_start3A_555 : memref<8192x128xf32, #tpu.memory_space<hbm>>) target(%arg9 : memref<128x128xf32, #tpu.memory_space<vmem>>) offsets(%arg7 : memref<128xi32, #tpu.memory_space<vmem>>) semaphore(%arg13 : memref<!tpu.dma_semaphore, #tpu.memory_space<semaphore_mem>>)
    %dma_start3A_556 = arith.constant 0 : i32
    %dma_start3A_557 = arith.constant 0 : i32
    %dma_start3A_558 = tpu.memref_slice %arg3[%dma_start3A_556, %dma_start3A_557] : memref<8192x128xi32, #tpu.memory_space<hbm>> -> memref<8192x128xi32, #tpu.memory_space<hbm>>
    tpu.enqueue_indirect_dma source(%dma_start3A_558 : memref<8192x128xi32, #tpu.memory_space<hbm>>) target(%arg11 : memref<128x128xi32, #tpu.memory_space<vmem>>) offsets(%arg7 : memref<128xi32, #tpu.memory_space<vmem>>) semaphore(%arg13 : memref<!tpu.dma_semaphore, #tpu.memory_space<semaphore_mem>>)
    %dma_wait3A_559 = arith.constant 0 : i32
    %dma_wait3A_560 = arith.constant 0 : i32
    %dma_wait3A_561 = tpu.memref_slice %arg2[%dma_wait3A_559, %dma_wait3A_560] : memref<8192x128xf32, #tpu.memory_space<hbm>> -> memref<8192x128xf32, #tpu.memory_space<hbm>>
    tpu.wait_indirect_dma semaphore(%arg14 : memref<!tpu.dma_semaphore, #tpu.memory_space<semaphore_mem>>) src(%dma_wait3A_561 : memref<8192x128xf32, #tpu.memory_space<hbm>>) dst(%arg10 : memref<128x128xf32, #tpu.memory_space<vmem>>)
    %dma_wait3A_562 = arith.constant 0 : i32
    %dma_wait3A_563 = arith.constant 0 : i32
    %dma_wait3A_564 = tpu.memref_slice %arg3[%dma_wait3A_562, %dma_wait3A_563] : memref<8192x128xi32, #tpu.memory_space<hbm>> -> memref<8192x128xi32, #tpu.memory_space<hbm>>
    tpu.wait_indirect_dma semaphore(%arg14 : memref<!tpu.dma_semaphore, #tpu.memory_space<semaphore_mem>>) src(%dma_wait3A_564 : memref<8192x128xi32, #tpu.memory_space<hbm>>) dst(%arg12 : memref<128x128xi32, #tpu.memory_space<vmem>>)
    %mul3A_565 = arith.constant 2304 : i32
    %mul3A_566 = arith.muli %add3A, %mul3A_565 : i32
    %add3A_567 = arith.constant 1920 : i32
    %add3A_568 = arith.addi %mul3A_566, %add3A_567 : i32
    %dma_start3A_569 = arith.constant 0 : i32
    %dma_start3A_570 = tpu.memref_slice %arg5[%add3A_568, %dma_start3A_569] : memref<73728x128xf32, #tpu.memory_space<hbm>> -> memref<128x128xf32, #tpu.memory_space<hbm>>
    %dma_start3A_571 = arith.constant 0 : i32
    %dma_start3A_572 = tpu.memref_slice %arg5[%add3A_568, %dma_start3A_571] : memref<73728x128xf32, #tpu.memory_space<hbm>> -> memref<128x128xf32, #tpu.memory_space<hbm>>
    tpu.enqueue_dma source(%arg10 : memref<128x128xf32, #tpu.memory_space<vmem>>) target(%dma_start3A_572 : memref<128x128xf32, #tpu.memory_space<hbm>>) target_semaphore(%arg16 : memref<!tpu.dma_semaphore, #tpu.memory_space<semaphore_mem>>)
    %dma_start3A_573 = arith.constant 0 : i32
    %dma_start3A_574 = tpu.memref_slice %arg6[%add3A_568, %dma_start3A_573] : memref<73728x128xi32, #tpu.memory_space<hbm>> -> memref<128x128xi32, #tpu.memory_space<hbm>>
    %dma_start3A_575 = arith.constant 0 : i32
    %dma_start3A_576 = tpu.memref_slice %arg6[%add3A_568, %dma_start3A_575] : memref<73728x128xi32, #tpu.memory_space<hbm>> -> memref<128x128xi32, #tpu.memory_space<hbm>>
    tpu.enqueue_dma source(%arg12 : memref<128x128xi32, #tpu.memory_space<vmem>>) target(%dma_start3A_576 : memref<128x128xi32, #tpu.memory_space<hbm>>) target_semaphore(%arg16 : memref<!tpu.dma_semaphore, #tpu.memory_space<semaphore_mem>>)
    %dma_wait3A_577 = arith.constant 0 : i32
    %dma_wait3A_578 = tpu.memref_slice %arg5[%add3A_568, %dma_wait3A_577] : memref<73728x128xf32, #tpu.memory_space<hbm>> -> memref<128x128xf32, #tpu.memory_space<hbm>>
    %dma_wait3A_579 = arith.constant 0 : i32
    %dma_wait3A_580 = tpu.memref_slice %arg5[%add3A_568, %dma_wait3A_579] : memref<73728x128xf32, #tpu.memory_space<hbm>> -> memref<128x128xf32, #tpu.memory_space<hbm>>
    tpu.wait_dma2 semaphore(%arg16 : memref<!tpu.dma_semaphore, #tpu.memory_space<semaphore_mem>>) src(%arg10 : memref<128x128xf32, #tpu.memory_space<vmem>>) dst(%dma_wait3A_580 : memref<128x128xf32, #tpu.memory_space<hbm>>)
    %dma_wait3A_581 = arith.constant 0 : i32
    %dma_wait3A_582 = tpu.memref_slice %arg6[%add3A_568, %dma_wait3A_581] : memref<73728x128xi32, #tpu.memory_space<hbm>> -> memref<128x128xi32, #tpu.memory_space<hbm>>
    %dma_wait3A_583 = arith.constant 0 : i32
    %dma_wait3A_584 = tpu.memref_slice %arg6[%add3A_568, %dma_wait3A_583] : memref<73728x128xi32, #tpu.memory_space<hbm>> -> memref<128x128xi32, #tpu.memory_space<hbm>>
    tpu.wait_dma2 semaphore(%arg16 : memref<!tpu.dma_semaphore, #tpu.memory_space<semaphore_mem>>) src(%arg12 : memref<128x128xi32, #tpu.memory_space<vmem>>) dst(%dma_wait3A_584 : memref<128x128xi32, #tpu.memory_space<hbm>>)
    %mul3A_585 = arith.constant 2304 : i32
    %mul3A_586 = arith.muli %add3A, %mul3A_585 : i32
    %add3A_587 = arith.constant 2176 : i32
    %add3A_588 = arith.addi %mul3A_586, %add3A_587 : i32
    "tpu.region"() ({
      %run_scoped3A = tpu.sem_alloc : memref<!tpu.dma_semaphore, #tpu.memory_space<semaphore_mem>>
      %dma_start3A_647 = tpu.memref_slice %arg4[%add3A_588] : memref<73728xi32, #tpu.memory_space<hbm>> -> memref<128xi32, #tpu.memory_space<hbm>>
      %dma_start3A_648 = tpu.memref_slice %arg4[%add3A_588] : memref<73728xi32, #tpu.memory_space<hbm>> -> memref<128xi32, #tpu.memory_space<hbm>>
      tpu.enqueue_dma source(%dma_start3A_648 : memref<128xi32, #tpu.memory_space<hbm>>) target(%arg8 : memref<128xi32, #tpu.memory_space<vmem>>) target_semaphore(%run_scoped3A : memref<!tpu.dma_semaphore, #tpu.memory_space<semaphore_mem>>)
      %dma_wait3A_649 = tpu.memref_slice %arg4[%add3A_588] : memref<73728xi32, #tpu.memory_space<hbm>> -> memref<128xi32, #tpu.memory_space<hbm>>
      %dma_wait3A_650 = tpu.memref_slice %arg4[%add3A_588] : memref<73728xi32, #tpu.memory_space<hbm>> -> memref<128xi32, #tpu.memory_space<hbm>>
      tpu.wait_dma2 semaphore(%run_scoped3A : memref<!tpu.dma_semaphore, #tpu.memory_space<semaphore_mem>>) src(%dma_wait3A_650 : memref<128xi32, #tpu.memory_space<hbm>>) dst(%arg8 : memref<128xi32, #tpu.memory_space<vmem>>)
      tpu.yield
    }) : () -> ()
    %dma_start3A_589 = arith.constant 0 : i32
    %dma_start3A_590 = arith.constant 0 : i32
    %dma_start3A_591 = tpu.memref_slice %arg2[%dma_start3A_589, %dma_start3A_590] : memref<8192x128xf32, #tpu.memory_space<hbm>> -> memref<8192x128xf32, #tpu.memory_space<hbm>>
    tpu.enqueue_indirect_dma source(%dma_start3A_591 : memref<8192x128xf32, #tpu.memory_space<hbm>>) target(%arg10 : memref<128x128xf32, #tpu.memory_space<vmem>>) offsets(%arg8 : memref<128xi32, #tpu.memory_space<vmem>>) semaphore(%arg14 : memref<!tpu.dma_semaphore, #tpu.memory_space<semaphore_mem>>)
    %dma_start3A_592 = arith.constant 0 : i32
    %dma_start3A_593 = arith.constant 0 : i32
    %dma_start3A_594 = tpu.memref_slice %arg3[%dma_start3A_592, %dma_start3A_593] : memref<8192x128xi32, #tpu.memory_space<hbm>> -> memref<8192x128xi32, #tpu.memory_space<hbm>>
    tpu.enqueue_indirect_dma source(%dma_start3A_594 : memref<8192x128xi32, #tpu.memory_space<hbm>>) target(%arg12 : memref<128x128xi32, #tpu.memory_space<vmem>>) offsets(%arg8 : memref<128xi32, #tpu.memory_space<vmem>>) semaphore(%arg14 : memref<!tpu.dma_semaphore, #tpu.memory_space<semaphore_mem>>)
    %dma_wait3A_595 = arith.constant 0 : i32
    %dma_wait3A_596 = arith.constant 0 : i32
    %dma_wait3A_597 = tpu.memref_slice %arg2[%dma_wait3A_595, %dma_wait3A_596] : memref<8192x128xf32, #tpu.memory_space<hbm>> -> memref<8192x128xf32, #tpu.memory_space<hbm>>
    tpu.wait_indirect_dma semaphore(%arg13 : memref<!tpu.dma_semaphore, #tpu.memory_space<semaphore_mem>>) src(%dma_wait3A_597 : memref<8192x128xf32, #tpu.memory_space<hbm>>) dst(%arg9 : memref<128x128xf32, #tpu.memory_space<vmem>>)
    %dma_wait3A_598 = arith.constant 0 : i32
    %dma_wait3A_599 = arith.constant 0 : i32
    %dma_wait3A_600 = tpu.memref_slice %arg3[%dma_wait3A_598, %dma_wait3A_599] : memref<8192x128xi32, #tpu.memory_space<hbm>> -> memref<8192x128xi32, #tpu.memory_space<hbm>>
    tpu.wait_indirect_dma semaphore(%arg13 : memref<!tpu.dma_semaphore, #tpu.memory_space<semaphore_mem>>) src(%dma_wait3A_600 : memref<8192x128xi32, #tpu.memory_space<hbm>>) dst(%arg11 : memref<128x128xi32, #tpu.memory_space<vmem>>)
    %mul3A_601 = arith.constant 2304 : i32
    %mul3A_602 = arith.muli %add3A, %mul3A_601 : i32
    %add3A_603 = arith.constant 2048 : i32
    %add3A_604 = arith.addi %mul3A_602, %add3A_603 : i32
    %dma_start3A_605 = arith.constant 0 : i32
    %dma_start3A_606 = tpu.memref_slice %arg5[%add3A_604, %dma_start3A_605] : memref<73728x128xf32, #tpu.memory_space<hbm>> -> memref<128x128xf32, #tpu.memory_space<hbm>>
    %dma_start3A_607 = arith.constant 0 : i32
    %dma_start3A_608 = tpu.memref_slice %arg5[%add3A_604, %dma_start3A_607] : memref<73728x128xf32, #tpu.memory_space<hbm>> -> memref<128x128xf32, #tpu.memory_space<hbm>>
    tpu.enqueue_dma source(%arg9 : memref<128x128xf32, #tpu.memory_space<vmem>>) target(%dma_start3A_608 : memref<128x128xf32, #tpu.memory_space<hbm>>) target_semaphore(%arg15 : memref<!tpu.dma_semaphore, #tpu.memory_space<semaphore_mem>>)
    %dma_start3A_609 = arith.constant 0 : i32
    %dma_start3A_610 = tpu.memref_slice %arg6[%add3A_604, %dma_start3A_609] : memref<73728x128xi32, #tpu.memory_space<hbm>> -> memref<128x128xi32, #tpu.memory_space<hbm>>
    %dma_start3A_611 = arith.constant 0 : i32
    %dma_start3A_612 = tpu.memref_slice %arg6[%add3A_604, %dma_start3A_611] : memref<73728x128xi32, #tpu.memory_space<hbm>> -> memref<128x128xi32, #tpu.memory_space<hbm>>
    tpu.enqueue_dma source(%arg11 : memref<128x128xi32, #tpu.memory_space<vmem>>) target(%dma_start3A_612 : memref<128x128xi32, #tpu.memory_space<hbm>>) target_semaphore(%arg15 : memref<!tpu.dma_semaphore, #tpu.memory_space<semaphore_mem>>)
    %dma_wait3A_613 = arith.constant 0 : i32
    %dma_wait3A_614 = arith.constant 0 : i32
    %dma_wait3A_615 = tpu.memref_slice %arg2[%dma_wait3A_613, %dma_wait3A_614] : memref<8192x128xf32, #tpu.memory_space<hbm>> -> memref<8192x128xf32, #tpu.memory_space<hbm>>
    tpu.wait_indirect_dma semaphore(%arg14 : memref<!tpu.dma_semaphore, #tpu.memory_space<semaphore_mem>>) src(%dma_wait3A_615 : memref<8192x128xf32, #tpu.memory_space<hbm>>) dst(%arg10 : memref<128x128xf32, #tpu.memory_space<vmem>>)
    %dma_wait3A_616 = arith.constant 0 : i32
    %dma_wait3A_617 = arith.constant 0 : i32
    %dma_wait3A_618 = tpu.memref_slice %arg3[%dma_wait3A_616, %dma_wait3A_617] : memref<8192x128xi32, #tpu.memory_space<hbm>> -> memref<8192x128xi32, #tpu.memory_space<hbm>>
    tpu.wait_indirect_dma semaphore(%arg14 : memref<!tpu.dma_semaphore, #tpu.memory_space<semaphore_mem>>) src(%dma_wait3A_618 : memref<8192x128xi32, #tpu.memory_space<hbm>>) dst(%arg12 : memref<128x128xi32, #tpu.memory_space<vmem>>)
    %mul3A_619 = arith.constant 2304 : i32
    %mul3A_620 = arith.muli %add3A, %mul3A_619 : i32
    %add3A_621 = arith.constant 2176 : i32
    %add3A_622 = arith.addi %mul3A_620, %add3A_621 : i32
    %dma_start3A_623 = arith.constant 0 : i32
    %dma_start3A_624 = tpu.memref_slice %arg5[%add3A_622, %dma_start3A_623] : memref<73728x128xf32, #tpu.memory_space<hbm>> -> memref<128x128xf32, #tpu.memory_space<hbm>>
    %dma_start3A_625 = arith.constant 0 : i32
    %dma_start3A_626 = tpu.memref_slice %arg5[%add3A_622, %dma_start3A_625] : memref<73728x128xf32, #tpu.memory_space<hbm>> -> memref<128x128xf32, #tpu.memory_space<hbm>>
    tpu.enqueue_dma source(%arg10 : memref<128x128xf32, #tpu.memory_space<vmem>>) target(%dma_start3A_626 : memref<128x128xf32, #tpu.memory_space<hbm>>) target_semaphore(%arg16 : memref<!tpu.dma_semaphore, #tpu.memory_space<semaphore_mem>>)
    %dma_start3A_627 = arith.constant 0 : i32
    %dma_start3A_628 = tpu.memref_slice %arg6[%add3A_622, %dma_start3A_627] : memref<73728x128xi32, #tpu.memory_space<hbm>> -> memref<128x128xi32, #tpu.memory_space<hbm>>
    %dma_start3A_629 = arith.constant 0 : i32
    %dma_start3A_630 = tpu.memref_slice %arg6[%add3A_622, %dma_start3A_629] : memref<73728x128xi32, #tpu.memory_space<hbm>> -> memref<128x128xi32, #tpu.memory_space<hbm>>
    tpu.enqueue_dma source(%arg12 : memref<128x128xi32, #tpu.memory_space<vmem>>) target(%dma_start3A_630 : memref<128x128xi32, #tpu.memory_space<hbm>>) target_semaphore(%arg16 : memref<!tpu.dma_semaphore, #tpu.memory_space<semaphore_mem>>)
    %dma_wait3A_631 = arith.constant 0 : i32
    %dma_wait3A_632 = tpu.memref_slice %arg5[%add3A_604, %dma_wait3A_631] : memref<73728x128xf32, #tpu.memory_space<hbm>> -> memref<128x128xf32, #tpu.memory_space<hbm>>
    %dma_wait3A_633 = arith.constant 0 : i32
    %dma_wait3A_634 = tpu.memref_slice %arg5[%add3A_604, %dma_wait3A_633] : memref<73728x128xf32, #tpu.memory_space<hbm>> -> memref<128x128xf32, #tpu.memory_space<hbm>>
    tpu.wait_dma2 semaphore(%arg15 : memref<!tpu.dma_semaphore, #tpu.memory_space<semaphore_mem>>) src(%arg9 : memref<128x128xf32, #tpu.memory_space<vmem>>) dst(%dma_wait3A_634 : memref<128x128xf32, #tpu.memory_space<hbm>>)
    %dma_wait3A_635 = arith.constant 0 : i32
    %dma_wait3A_636 = tpu.memref_slice %arg6[%add3A_604, %dma_wait3A_635] : memref<73728x128xi32, #tpu.memory_space<hbm>> -> memref<128x128xi32, #tpu.memory_space<hbm>>
    %dma_wait3A_637 = arith.constant 0 : i32
    %dma_wait3A_638 = tpu.memref_slice %arg6[%add3A_604, %dma_wait3A_637] : memref<73728x128xi32, #tpu.memory_space<hbm>> -> memref<128x128xi32, #tpu.memory_space<hbm>>
    tpu.wait_dma2 semaphore(%arg15 : memref<!tpu.dma_semaphore, #tpu.memory_space<semaphore_mem>>) src(%arg11 : memref<128x128xi32, #tpu.memory_space<vmem>>) dst(%dma_wait3A_638 : memref<128x128xi32, #tpu.memory_space<hbm>>)
    %dma_wait3A_639 = arith.constant 0 : i32
    %dma_wait3A_640 = tpu.memref_slice %arg5[%add3A_622, %dma_wait3A_639] : memref<73728x128xf32, #tpu.memory_space<hbm>> -> memref<128x128xf32, #tpu.memory_space<hbm>>
    %dma_wait3A_641 = arith.constant 0 : i32
    %dma_wait3A_642 = tpu.memref_slice %arg5[%add3A_622, %dma_wait3A_641] : memref<73728x128xf32, #tpu.memory_space<hbm>> -> memref<128x128xf32, #tpu.memory_space<hbm>>
    tpu.wait_dma2 semaphore(%arg16 : memref<!tpu.dma_semaphore, #tpu.memory_space<semaphore_mem>>) src(%arg10 : memref<128x128xf32, #tpu.memory_space<vmem>>) dst(%dma_wait3A_642 : memref<128x128xf32, #tpu.memory_space<hbm>>)
    %dma_wait3A_643 = arith.constant 0 : i32
    %dma_wait3A_644 = tpu.memref_slice %arg6[%add3A_622, %dma_wait3A_643] : memref<73728x128xi32, #tpu.memory_space<hbm>> -> memref<128x128xi32, #tpu.memory_space<hbm>>
    %dma_wait3A_645 = arith.constant 0 : i32
    %dma_wait3A_646 = tpu.memref_slice %arg6[%add3A_622, %dma_wait3A_645] : memref<73728x128xi32, #tpu.memory_space<hbm>> -> memref<128x128xi32, #tpu.memory_space<hbm>>
    tpu.wait_dma2 semaphore(%arg16 : memref<!tpu.dma_semaphore, #tpu.memory_space<semaphore_mem>>) src(%arg12 : memref<128x128xi32, #tpu.memory_space<vmem>>) dst(%dma_wait3A_646 : memref<128x128xi32, #tpu.memory_space<hbm>>)
    return
  }
}

module attributes {stable_mosaic.version = 14 : i64} {
  func.func @_stats_body(%arg0: i32, %arg1: memref<512x128xf32, #tpu.memory_space<vmem>>, %arg2: memref<512x128xf32, #tpu.memory_space<vmem>>, %arg3: memref<512x128xf32, #tpu.memory_space<vmem>>, %arg4: memref<512x128xf32, #tpu.memory_space<vmem>>, %arg5: memref<512x128xf32, #tpu.memory_space<vmem>>, %arg6: memref<512x128xf32, #tpu.memory_space<vmem>>, %arg7: memref<512x128xf32, #tpu.memory_space<vmem>>, %arg8: memref<512x128xf32, #tpu.memory_space<vmem>>, %arg9: memref<512x128xf32, #tpu.memory_space<vmem>>, %arg10: memref<512x128xf32, #tpu.memory_space<vmem>>, %arg11: memref<8x128xf32, #tpu.memory_space<vmem>>) attributes {dimension_semantics = [#tpu.dimension_semantics<arbitrary>], iteration_bounds = array<i64: 16>, scalar_prefetch = 0 : i64, scratch_operands = 0 : i64, tpu.core_type = #tpu.core_type<tc>, window_params = [{transform_indices = @transform_0, window_bounds = array<i64: 512, 128>}, {transform_indices = @transform_1, window_bounds = array<i64: 512, 128>}, {transform_indices = @transform_2, window_bounds = array<i64: 512, 128>}, {transform_indices = @transform_3, window_bounds = array<i64: 512, 128>}, {transform_indices = @transform_4, window_bounds = array<i64: 512, 128>}, {transform_indices = @transform_5, window_bounds = array<i64: 512, 128>}, {transform_indices = @transform_6, window_bounds = array<i64: 512, 128>}, {transform_indices = @transform_7, window_bounds = array<i64: 512, 128>}, {transform_indices = @transform_8, window_bounds = array<i64: 512, 128>}, {transform_indices = @transform_9, window_bounds = array<i64: 512, 128>}, {pipeline_mode = #tpu.pipeline_mode<synchronous>, transform_indices = @transform_10, window_bounds = array<i64: 8, 128>}]} {
    %get3A = arith.constant 0 : index
    %get3A_0 = arith.constant 0 : index
    %get3A_1 = vector.load %arg10[%get3A, %get3A_0] : memref<512x128xf32, #tpu.memory_space<vmem>>, vector<512x128xf32>
    %broadcast_in_dim3A = arith.constant 0.000000e+00 : f32
    %broadcast_in_dim3A_2 = vector.broadcast %broadcast_in_dim3A : f32 to vector<1x128xf32>
    %broadcast_in_dim3A_3 = arith.constant 0.000000e+00 : f32
    %broadcast_in_dim3A_4 = vector.broadcast %broadcast_in_dim3A_3 : f32 to vector<1x128xf32>
    %get3A_5 = arith.constant 0 : index
    %get3A_6 = arith.constant 0 : index
    %get3A_7 = vector.load %arg1[%get3A_5, %get3A_6] : memref<512x128xf32, #tpu.memory_space<vmem>>, vector<512x128xf32>
    %sub3A = arith.subf %get3A_7, %get3A_1 : vector<512x128xf32>
    %reduce_sum3A = arith.constant dense<0.000000e+00> : vector<128xf32>
    %reduce_sum3A_8 = vector.multi_reduction <add>, %sub3A, %reduce_sum3A [0] : vector<512x128xf32> to vector<128xf32>
    %broadcast_in_dim3A_9 = vector.shape_cast %reduce_sum3A_8 : vector<128xf32> to vector<1x128xf32>
    %add3A = arith.addf %broadcast_in_dim3A_2, %broadcast_in_dim3A_9 : vector<1x128xf32>
    %mul3A = arith.mulf %sub3A, %sub3A : vector<512x128xf32>
    %reduce_sum3A_10 = arith.constant dense<0.000000e+00> : vector<128xf32>
    %reduce_sum3A_11 = vector.multi_reduction <add>, %mul3A, %reduce_sum3A_10 [0] : vector<512x128xf32> to vector<128xf32>
    %broadcast_in_dim3A_12 = vector.shape_cast %reduce_sum3A_11 : vector<128xf32> to vector<1x128xf32>
    %add3A_13 = arith.addf %broadcast_in_dim3A_4, %broadcast_in_dim3A_12 : vector<1x128xf32>
    %get3A_14 = arith.constant 0 : index
    %get3A_15 = arith.constant 0 : index
    %get3A_16 = vector.load %arg2[%get3A_14, %get3A_15] : memref<512x128xf32, #tpu.memory_space<vmem>>, vector<512x128xf32>
    %sub3A_17 = arith.subf %get3A_16, %get3A_1 : vector<512x128xf32>
    %reduce_sum3A_18 = arith.constant dense<0.000000e+00> : vector<128xf32>
    %reduce_sum3A_19 = vector.multi_reduction <add>, %sub3A_17, %reduce_sum3A_18 [0] : vector<512x128xf32> to vector<128xf32>
    %broadcast_in_dim3A_20 = vector.shape_cast %reduce_sum3A_19 : vector<128xf32> to vector<1x128xf32>
    %add3A_21 = arith.addf %add3A, %broadcast_in_dim3A_20 : vector<1x128xf32>
    %mul3A_22 = arith.mulf %sub3A_17, %sub3A_17 : vector<512x128xf32>
    %reduce_sum3A_23 = arith.constant dense<0.000000e+00> : vector<128xf32>
    %reduce_sum3A_24 = vector.multi_reduction <add>, %mul3A_22, %reduce_sum3A_23 [0] : vector<512x128xf32> to vector<128xf32>
    %broadcast_in_dim3A_25 = vector.shape_cast %reduce_sum3A_24 : vector<128xf32> to vector<1x128xf32>
    %add3A_26 = arith.addf %add3A_13, %broadcast_in_dim3A_25 : vector<1x128xf32>
    %get3A_27 = arith.constant 0 : index
    %get3A_28 = arith.constant 0 : index
    %get3A_29 = vector.load %arg3[%get3A_27, %get3A_28] : memref<512x128xf32, #tpu.memory_space<vmem>>, vector<512x128xf32>
    %sub3A_30 = arith.subf %get3A_29, %get3A_1 : vector<512x128xf32>
    %reduce_sum3A_31 = arith.constant dense<0.000000e+00> : vector<128xf32>
    %reduce_sum3A_32 = vector.multi_reduction <add>, %sub3A_30, %reduce_sum3A_31 [0] : vector<512x128xf32> to vector<128xf32>
    %broadcast_in_dim3A_33 = vector.shape_cast %reduce_sum3A_32 : vector<128xf32> to vector<1x128xf32>
    %add3A_34 = arith.addf %add3A_21, %broadcast_in_dim3A_33 : vector<1x128xf32>
    %mul3A_35 = arith.mulf %sub3A_30, %sub3A_30 : vector<512x128xf32>
    %reduce_sum3A_36 = arith.constant dense<0.000000e+00> : vector<128xf32>
    %reduce_sum3A_37 = vector.multi_reduction <add>, %mul3A_35, %reduce_sum3A_36 [0] : vector<512x128xf32> to vector<128xf32>
    %broadcast_in_dim3A_38 = vector.shape_cast %reduce_sum3A_37 : vector<128xf32> to vector<1x128xf32>
    %add3A_39 = arith.addf %add3A_26, %broadcast_in_dim3A_38 : vector<1x128xf32>
    %get3A_40 = arith.constant 0 : index
    %get3A_41 = arith.constant 0 : index
    %get3A_42 = vector.load %arg4[%get3A_40, %get3A_41] : memref<512x128xf32, #tpu.memory_space<vmem>>, vector<512x128xf32>
    %sub3A_43 = arith.subf %get3A_42, %get3A_1 : vector<512x128xf32>
    %reduce_sum3A_44 = arith.constant dense<0.000000e+00> : vector<128xf32>
    %reduce_sum3A_45 = vector.multi_reduction <add>, %sub3A_43, %reduce_sum3A_44 [0] : vector<512x128xf32> to vector<128xf32>
    %broadcast_in_dim3A_46 = vector.shape_cast %reduce_sum3A_45 : vector<128xf32> to vector<1x128xf32>
    %add3A_47 = arith.addf %add3A_34, %broadcast_in_dim3A_46 : vector<1x128xf32>
    %mul3A_48 = arith.mulf %sub3A_43, %sub3A_43 : vector<512x128xf32>
    %reduce_sum3A_49 = arith.constant dense<0.000000e+00> : vector<128xf32>
    %reduce_sum3A_50 = vector.multi_reduction <add>, %mul3A_48, %reduce_sum3A_49 [0] : vector<512x128xf32> to vector<128xf32>
    %broadcast_in_dim3A_51 = vector.shape_cast %reduce_sum3A_50 : vector<128xf32> to vector<1x128xf32>
    %add3A_52 = arith.addf %add3A_39, %broadcast_in_dim3A_51 : vector<1x128xf32>
    %get3A_53 = arith.constant 0 : index
    %get3A_54 = arith.constant 0 : index
    %get3A_55 = vector.load %arg5[%get3A_53, %get3A_54] : memref<512x128xf32, #tpu.memory_space<vmem>>, vector<512x128xf32>
    %sub3A_56 = arith.subf %get3A_55, %get3A_1 : vector<512x128xf32>
    %reduce_sum3A_57 = arith.constant dense<0.000000e+00> : vector<128xf32>
    %reduce_sum3A_58 = vector.multi_reduction <add>, %sub3A_56, %reduce_sum3A_57 [0] : vector<512x128xf32> to vector<128xf32>
    %broadcast_in_dim3A_59 = vector.shape_cast %reduce_sum3A_58 : vector<128xf32> to vector<1x128xf32>
    %add3A_60 = arith.addf %add3A_47, %broadcast_in_dim3A_59 : vector<1x128xf32>
    %mul3A_61 = arith.mulf %sub3A_56, %sub3A_56 : vector<512x128xf32>
    %reduce_sum3A_62 = arith.constant dense<0.000000e+00> : vector<128xf32>
    %reduce_sum3A_63 = vector.multi_reduction <add>, %mul3A_61, %reduce_sum3A_62 [0] : vector<512x128xf32> to vector<128xf32>
    %broadcast_in_dim3A_64 = vector.shape_cast %reduce_sum3A_63 : vector<128xf32> to vector<1x128xf32>
    %add3A_65 = arith.addf %add3A_52, %broadcast_in_dim3A_64 : vector<1x128xf32>
    %get3A_66 = arith.constant 0 : index
    %get3A_67 = arith.constant 0 : index
    %get3A_68 = vector.load %arg6[%get3A_66, %get3A_67] : memref<512x128xf32, #tpu.memory_space<vmem>>, vector<512x128xf32>
    %sub3A_69 = arith.subf %get3A_68, %get3A_1 : vector<512x128xf32>
    %reduce_sum3A_70 = arith.constant dense<0.000000e+00> : vector<128xf32>
    %reduce_sum3A_71 = vector.multi_reduction <add>, %sub3A_69, %reduce_sum3A_70 [0] : vector<512x128xf32> to vector<128xf32>
    %broadcast_in_dim3A_72 = vector.shape_cast %reduce_sum3A_71 : vector<128xf32> to vector<1x128xf32>
    %add3A_73 = arith.addf %add3A_60, %broadcast_in_dim3A_72 : vector<1x128xf32>
    %mul3A_74 = arith.mulf %sub3A_69, %sub3A_69 : vector<512x128xf32>
    %reduce_sum3A_75 = arith.constant dense<0.000000e+00> : vector<128xf32>
    %reduce_sum3A_76 = vector.multi_reduction <add>, %mul3A_74, %reduce_sum3A_75 [0] : vector<512x128xf32> to vector<128xf32>
    %broadcast_in_dim3A_77 = vector.shape_cast %reduce_sum3A_76 : vector<128xf32> to vector<1x128xf32>
    %add3A_78 = arith.addf %add3A_65, %broadcast_in_dim3A_77 : vector<1x128xf32>
    %get3A_79 = arith.constant 0 : index
    %get3A_80 = arith.constant 0 : index
    %get3A_81 = vector.load %arg7[%get3A_79, %get3A_80] : memref<512x128xf32, #tpu.memory_space<vmem>>, vector<512x128xf32>
    %sub3A_82 = arith.subf %get3A_81, %get3A_1 : vector<512x128xf32>
    %reduce_sum3A_83 = arith.constant dense<0.000000e+00> : vector<128xf32>
    %reduce_sum3A_84 = vector.multi_reduction <add>, %sub3A_82, %reduce_sum3A_83 [0] : vector<512x128xf32> to vector<128xf32>
    %broadcast_in_dim3A_85 = vector.shape_cast %reduce_sum3A_84 : vector<128xf32> to vector<1x128xf32>
    %add3A_86 = arith.addf %add3A_73, %broadcast_in_dim3A_85 : vector<1x128xf32>
    %mul3A_87 = arith.mulf %sub3A_82, %sub3A_82 : vector<512x128xf32>
    %reduce_sum3A_88 = arith.constant dense<0.000000e+00> : vector<128xf32>
    %reduce_sum3A_89 = vector.multi_reduction <add>, %mul3A_87, %reduce_sum3A_88 [0] : vector<512x128xf32> to vector<128xf32>
    %broadcast_in_dim3A_90 = vector.shape_cast %reduce_sum3A_89 : vector<128xf32> to vector<1x128xf32>
    %add3A_91 = arith.addf %add3A_78, %broadcast_in_dim3A_90 : vector<1x128xf32>
    %get3A_92 = arith.constant 0 : index
    %get3A_93 = arith.constant 0 : index
    %get3A_94 = vector.load %arg8[%get3A_92, %get3A_93] : memref<512x128xf32, #tpu.memory_space<vmem>>, vector<512x128xf32>
    %sub3A_95 = arith.subf %get3A_94, %get3A_1 : vector<512x128xf32>
    %reduce_sum3A_96 = arith.constant dense<0.000000e+00> : vector<128xf32>
    %reduce_sum3A_97 = vector.multi_reduction <add>, %sub3A_95, %reduce_sum3A_96 [0] : vector<512x128xf32> to vector<128xf32>
    %broadcast_in_dim3A_98 = vector.shape_cast %reduce_sum3A_97 : vector<128xf32> to vector<1x128xf32>
    %add3A_99 = arith.addf %add3A_86, %broadcast_in_dim3A_98 : vector<1x128xf32>
    %mul3A_100 = arith.mulf %sub3A_95, %sub3A_95 : vector<512x128xf32>
    %reduce_sum3A_101 = arith.constant dense<0.000000e+00> : vector<128xf32>
    %reduce_sum3A_102 = vector.multi_reduction <add>, %mul3A_100, %reduce_sum3A_101 [0] : vector<512x128xf32> to vector<128xf32>
    %broadcast_in_dim3A_103 = vector.shape_cast %reduce_sum3A_102 : vector<128xf32> to vector<1x128xf32>
    %add3A_104 = arith.addf %add3A_91, %broadcast_in_dim3A_103 : vector<1x128xf32>
    %get3A_105 = arith.constant 0 : index
    %get3A_106 = arith.constant 0 : index
    %get3A_107 = vector.load %arg9[%get3A_105, %get3A_106] : memref<512x128xf32, #tpu.memory_space<vmem>>, vector<512x128xf32>
    %sub3A_108 = arith.subf %get3A_107, %get3A_1 : vector<512x128xf32>
    %reduce_sum3A_109 = arith.constant dense<0.000000e+00> : vector<128xf32>
    %reduce_sum3A_110 = vector.multi_reduction <add>, %sub3A_108, %reduce_sum3A_109 [0] : vector<512x128xf32> to vector<128xf32>
    %broadcast_in_dim3A_111 = vector.shape_cast %reduce_sum3A_110 : vector<128xf32> to vector<1x128xf32>
    %add3A_112 = arith.addf %add3A_99, %broadcast_in_dim3A_111 : vector<1x128xf32>
    %mul3A_113 = arith.mulf %sub3A_108, %sub3A_108 : vector<512x128xf32>
    %reduce_sum3A_114 = arith.constant dense<0.000000e+00> : vector<128xf32>
    %reduce_sum3A_115 = vector.multi_reduction <add>, %mul3A_113, %reduce_sum3A_114 [0] : vector<512x128xf32> to vector<128xf32>
    %broadcast_in_dim3A_116 = vector.shape_cast %reduce_sum3A_115 : vector<128xf32> to vector<1x128xf32>
    %add3A_117 = arith.addf %add3A_104, %broadcast_in_dim3A_116 : vector<1x128xf32>
    %eq3A = arith.constant 0 : i32
    %eq3A_118 = arith.cmpi eq, %arg0, %eq3A : i32
    %convert_element_type3A = arith.extui %eq3A_118 : i1 to i32
    %cond3A = arith.constant 0 : i32
    %cond3A_119 = arith.cmpi ne, %convert_element_type3A, %cond3A : i32
    scf.if %cond3A_119 {
      %broadcast_in_dim3A_133 = arith.constant 0.000000e+00 : f32
      %broadcast_in_dim3A_134 = vector.broadcast %broadcast_in_dim3A_133 : f32 to vector<8x128xf32>
      %swap3A_135 = arith.constant 0 : index
      %swap3A_136 = arith.constant 0 : index
      %swap3A_137 = vector.load %arg11[%swap3A_135, %swap3A_136] : memref<8x128xf32, #tpu.memory_space<vmem>>, vector<8x128xf32>
      tpu.vector_store %arg11[%swap3A_135, %swap3A_136], %broadcast_in_dim3A_134 {strides = array<i32>} : memref<8x128xf32, #tpu.memory_space<vmem>>, vector<8x128xf32>,
    } else {
    }
    %get3A_120 = arith.constant 0 : index
    %get3A_121 = arith.constant 0 : index
    %get3A_122 = vector.load %arg11[%get3A_120, %get3A_121] : memref<8x128xf32, #tpu.memory_space<vmem>>, vector<1x128xf32>
    %add3A_123 = arith.addf %get3A_122, %add3A_112 : vector<1x128xf32>
    %swap3A = arith.constant 0 : index
    %swap3A_124 = arith.constant 0 : index
    %swap3A_125 = vector.load %arg11[%swap3A, %swap3A_124] : memref<8x128xf32, #tpu.memory_space<vmem>>, vector<1x128xf32>
    tpu.vector_store %arg11[%swap3A, %swap3A_124], %add3A_123 {strides = array<i32>} : memref<8x128xf32, #tpu.memory_space<vmem>>, vector<1x128xf32>,
    %get3A_126 = arith.constant 1 : index
    %get3A_127 = arith.constant 0 : index
    %get3A_128 = vector.load %arg11[%get3A_126, %get3A_127] : memref<8x128xf32, #tpu.memory_space<vmem>>, vector<1x128xf32>
    %add3A_129 = arith.addf %get3A_128, %add3A_117 : vector<1x128xf32>
    %swap3A_130 = arith.constant 1 : index
    %swap3A_131 = arith.constant 0 : index
    %swap3A_132 = vector.load %arg11[%swap3A_130, %swap3A_131] : memref<8x128xf32, #tpu.memory_space<vmem>>, vector<1x128xf32>
    tpu.vector_store %arg11[%swap3A_130, %swap3A_131], %add3A_129 {strides = array<i32>} : memref<8x128xf32, #tpu.memory_space<vmem>>, vector<1x128xf32>,
    return
  }
  func.func @transform_0(%arg0: i32) -> (i32, i32) {
    %add3A = arith.constant 0 : i32
    %add3A_0 = arith.addi %add3A, %arg0 : i32
    %c0_i32 = arith.constant 0 : i32
    %c0_i32_1 = arith.constant 0 : i32
    return %add3A_0, %c0_i32 : i32, i32
  }
  func.func @transform_1(%arg0: i32) -> (i32, i32) {
    %add3A = arith.constant 16 : i32
    %add3A_0 = arith.addi %add3A, %arg0 : i32
    %c0_i32 = arith.constant 0 : i32
    %c0_i32_1 = arith.constant 0 : i32
    return %add3A_0, %c0_i32 : i32, i32
  }
  func.func @transform_2(%arg0: i32) -> (i32, i32) {
    %add3A = arith.constant 32 : i32
    %add3A_0 = arith.addi %add3A, %arg0 : i32
    %c0_i32 = arith.constant 0 : i32
    %c0_i32_1 = arith.constant 0 : i32
    return %add3A_0, %c0_i32 : i32, i32
  }
  func.func @transform_3(%arg0: i32) -> (i32, i32) {
    %add3A = arith.constant 48 : i32
    %add3A_0 = arith.addi %add3A, %arg0 : i32
    %c0_i32 = arith.constant 0 : i32
    %c0_i32_1 = arith.constant 0 : i32
    return %add3A_0, %c0_i32 : i32, i32
  }
  func.func @transform_4(%arg0: i32) -> (i32, i32) {
    %add3A = arith.constant 64 : i32
    %add3A_0 = arith.addi %add3A, %arg0 : i32
    %c0_i32 = arith.constant 0 : i32
    %c0_i32_1 = arith.constant 0 : i32
    return %add3A_0, %c0_i32 : i32, i32
  }
  func.func @transform_5(%arg0: i32) -> (i32, i32) {
    %add3A = arith.constant 80 : i32
    %add3A_0 = arith.addi %add3A, %arg0 : i32
    %c0_i32 = arith.constant 0 : i32
    %c0_i32_1 = arith.constant 0 : i32
    return %add3A_0, %c0_i32 : i32, i32
  }
  func.func @transform_6(%arg0: i32) -> (i32, i32) {
    %add3A = arith.constant 96 : i32
    %add3A_0 = arith.addi %add3A, %arg0 : i32
    %c0_i32 = arith.constant 0 : i32
    %c0_i32_1 = arith.constant 0 : i32
    return %add3A_0, %c0_i32 : i32, i32
  }
  func.func @transform_7(%arg0: i32) -> (i32, i32) {
    %add3A = arith.constant 112 : i32
    %add3A_0 = arith.addi %add3A, %arg0 : i32
    %c0_i32 = arith.constant 0 : i32
    %c0_i32_1 = arith.constant 0 : i32
    return %add3A_0, %c0_i32 : i32, i32
  }
  func.func @transform_8(%arg0: i32) -> (i32, i32) {
    %add3A = arith.constant 128 : i32
    %add3A_0 = arith.addi %add3A, %arg0 : i32
    %c0_i32 = arith.constant 0 : i32
    %c0_i32_1 = arith.constant 0 : i32
    return %add3A_0, %c0_i32 : i32, i32
  }
  func.func @transform_9(%arg0: i32) -> (i32, i32) {
    %c0_i32 = arith.constant 0 : i32
    %c0_i32_0 = arith.constant 0 : i32
    return %arg0, %c0_i32 : i32, i32
  }
  func.func @transform_10(%arg0: i32) -> (i32, i32) {
    %c0_i32 = arith.constant 0 : i32
    %c0_i32_0 = arith.constant 0 : i32
    %c0_i32_1 = arith.constant 0 : i32
    return %c0_i32, %c0_i32_0 : i32, i32
  }
}

module attributes {stable_mosaic.version = 14 : i64} {
  func.func @_feat_body(%arg0: i32, %arg1: memref<512x256xf32, #tpu.memory_space<vmem>>, %arg2: memref<256x256xf32, #tpu.memory_space<vmem>>, %arg3: memref<1x256xf32, #tpu.memory_space<vmem>>, %arg4: memref<128x256xf32, #tpu.memory_space<vmem>>, %arg5: memref<512x256xf32, #tpu.memory_space<vmem>>, %arg6: memref<512x128xf32, #tpu.memory_space<vmem>>, %arg7: memref<1x1x512xf32, #tpu.memory_space<vmem>>, %arg8: memref<512x128xi32, #tpu.memory_space<vmem>>) attributes {dimension_semantics = [#tpu.dimension_semantics<arbitrary>], iteration_bounds = array<i64: 16>, scalar_prefetch = 0 : i64, scratch_operands = 0 : i64, tpu.core_type = #tpu.core_type<tc>, window_params = [{transform_indices = @transform_0, window_bounds = array<i64: 512, 256>}, {pipeline_mode = #tpu.pipeline_mode<synchronous>, transform_indices = @transform_1, window_bounds = array<i64: 256, 256>}, {pipeline_mode = #tpu.pipeline_mode<synchronous>, transform_indices = @transform_2, window_bounds = array<i64: 1, 256>}, {pipeline_mode = #tpu.pipeline_mode<synchronous>, transform_indices = @transform_3, window_bounds = array<i64: 128, 256>}, {transform_indices = @transform_4, window_bounds = array<i64: 512, 256>}, {transform_indices = @transform_5, window_bounds = array<i64: 512, 128>}, {transform_indices = @transform_6, window_bounds = array<i64: 1, 1, 512>}, {transform_indices = @transform_7, window_bounds = array<i64: 512, 128>}]} {
    %get3A = arith.constant 0 : index
    %get3A_0 = arith.constant 0 : index
    %get3A_1 = vector.load %arg1[%get3A, %get3A_0] : memref<512x256xf32, #tpu.memory_space<vmem>>, vector<512x256xf32>
    %get3A_2 = arith.constant 0 : index
    %get3A_3 = arith.constant 0 : index
    %get3A_4 = vector.load %arg2[%get3A_2, %get3A_3] : memref<256x256xf32, #tpu.memory_space<vmem>>, vector<256x256xf32>
    %dot_general3A = arith.constant dense<0.000000e+00> : vector<512x256xf32>
    %dot_general3A_5 = tpu.matmul %get3A_1, %get3A_4, %dot_general3A {dimension_numbers = #tpu.dot_dimension_numbers<[1], [1], [0], [0], [0, 0, 1, 0], [], []>, transpose_lhs_hint = false} : vector<512x256xf32>, vector<256x256xf32>, vector<512x256xf32> -> vector<512x256xf32>
    %get3A_6 = arith.constant 0 : index
    %get3A_7 = arith.constant 0 : index
    %get3A_8 = vector.load %arg3[%get3A_6, %get3A_7] : memref<1x256xf32, #tpu.memory_space<vmem>>, vector<1x256xf32>
    %add3A = vector.broadcast %get3A_8 : vector<1x256xf32> to vector<512x256xf32>
    %add3A_9 = arith.addf %dot_general3A_5, %add3A : vector<512x256xf32>
    %swap3A = arith.constant 0 : index
    %swap3A_10 = arith.constant 0 : index
    %swap3A_11 = vector.load %arg5[%swap3A, %swap3A_10] : memref<512x256xf32, #tpu.memory_space<vmem>>, vector<512x256xf32>
    tpu.vector_store %arg5[%swap3A, %swap3A_10], %add3A_9 {strides = array<i32>} : memref<512x256xf32, #tpu.memory_space<vmem>>, vector<512x256xf32>,
    %get3A_12 = arith.constant 0 : index
    %get3A_13 = arith.constant 0 : index
    %get3A_14 = vector.load %arg4[%get3A_12, %get3A_13] : memref<128x256xf32, #tpu.memory_space<vmem>>, vector<128x256xf32>
    %dot_general3A_15 = arith.constant dense<0.000000e+00> : vector<512x128xf32>
    %dot_general3A_16 = tpu.matmul %get3A_1, %get3A_14, %dot_general3A_15 {dimension_numbers = #tpu.dot_dimension_numbers<[1], [1], [0], [0], [0, 0, 1, 0], [], []>, transpose_lhs_hint = false} : vector<512x256xf32>, vector<128x256xf32>, vector<512x128xf32> -> vector<512x128xf32>
    %swap3A_17 = arith.constant 0 : index
    %swap3A_18 = arith.constant 0 : index
    %swap3A_19 = vector.load %arg6[%swap3A_17, %swap3A_18] : memref<512x128xf32, #tpu.memory_space<vmem>>, vector<512x128xf32>
    tpu.vector_store %arg6[%swap3A_17, %swap3A_18], %dot_general3A_16 {strides = array<i32>} : memref<512x128xf32, #tpu.memory_space<vmem>>, vector<512x128xf32>,
    %mul3A = arith.mulf %add3A_9, %add3A_9 : vector<512x256xf32>
    %reduce_sum3A = arith.constant dense<0.000000e+00> : vector<512xf32>
    %reduce_sum3A_20 = vector.multi_reduction <add>, %mul3A, %reduce_sum3A [1] : vector<512x256xf32> to vector<512xf32>
    %broadcast_in_dim3A = vector.shape_cast %reduce_sum3A_20 : vector<512xf32> to vector<1x1x512xf32>
    %swap3A_21 = arith.constant 0 : index
    %swap3A_22 = arith.constant 0 : index
    %swap3A_23 = arith.constant 0 : index
    %swap3A_24 = vector.load %arg7[%swap3A_21, %swap3A_22, %swap3A_23] : memref<1x1x512xf32, #tpu.memory_space<vmem>>, vector<1x1x512xf32>
    tpu.vector_store %arg7[%swap3A_21, %swap3A_22, %swap3A_23], %broadcast_in_dim3A {strides = array<i32>} : memref<1x1x512xf32, #tpu.memory_space<vmem>>, vector<1x1x512xf32>,
    %slice3A = vector.extract_strided_slice %get3A_1 {offsets = [0, 0], sizes = [512, 128], strides = [1, 1]} : vector<512x256xf32> to vector<512x128xf32>
    %slice3A_25 = vector.extract_strided_slice %get3A_1 {offsets = [0, 128], sizes = [512, 128], strides = [1, 1]} : vector<512x256xf32> to vector<512x128xf32>
    %bitcast_convert_type3A = tpu.bitcast %slice3A : vector<512x128xf32> -> vector<512x128xi32>
    %add3A_26 = arith.constant 32767 : i32
    %add3A_27 = vector.broadcast %add3A_26 : i32 to vector<512x128xi32>
    %add3A_28 = arith.addi %bitcast_convert_type3A, %add3A_27 : vector<512x128xi32>
    %shift_right_arithmetic3A = arith.constant 16 : i32
    %shift_right_arithmetic3A_29 = vector.broadcast %shift_right_arithmetic3A : i32 to vector<512x128xi32>
    %shift_right_arithmetic3A_30 = arith.shrsi %bitcast_convert_type3A, %shift_right_arithmetic3A_29 : vector<512x128xi32>
    %and3A = arith.constant 1 : i32
    %and3A_31 = vector.broadcast %and3A : i32 to vector<512x128xi32>
    %and3A_32 = arith.andi %shift_right_arithmetic3A_30, %and3A_31 : vector<512x128xi32>
    %add3A_33 = arith.addi %add3A_28, %and3A_32 : vector<512x128xi32>
    %and3A_34 = arith.constant -65536 : i32
    %and3A_35 = vector.broadcast %and3A_34 : i32 to vector<512x128xi32>
    %and3A_36 = arith.andi %add3A_33, %and3A_35 : vector<512x128xi32>
    %shift_right_logical3A = arith.constant 16 : i32
    %shift_right_logical3A_37 = vector.broadcast %shift_right_logical3A : i32 to vector<512x128xi32>
    %shift_right_logical3A_38 = arith.shrui %and3A_36, %shift_right_logical3A_37 : vector<512x128xi32>
    %bitcast_convert_type3A_39 = tpu.bitcast %slice3A_25 : vector<512x128xf32> -> vector<512x128xi32>
    %add3A_40 = arith.constant 32767 : i32
    %add3A_41 = vector.broadcast %add3A_40 : i32 to vector<512x128xi32>
    %add3A_42 = arith.addi %bitcast_convert_type3A_39, %add3A_41 : vector<512x128xi32>
    %shift_right_arithmetic3A_43 = arith.constant 16 : i32
    %shift_right_arithmetic3A_44 = vector.broadcast %shift_right_arithmetic3A_43 : i32 to vector<512x128xi32>
    %shift_right_arithmetic3A_45 = arith.shrsi %bitcast_convert_type3A_39, %shift_right_arithmetic3A_44 : vector<512x128xi32>
    %and3A_46 = arith.constant 1 : i32
    %and3A_47 = vector.broadcast %and3A_46 : i32 to vector<512x128xi32>
    %and3A_48 = arith.andi %shift_right_arithmetic3A_45, %and3A_47 : vector<512x128xi32>
    %add3A_49 = arith.addi %add3A_42, %and3A_48 : vector<512x128xi32>
    %and3A_50 = arith.constant -65536 : i32
    %and3A_51 = vector.broadcast %and3A_50 : i32 to vector<512x128xi32>
    %and3A_52 = arith.andi %add3A_49, %and3A_51 : vector<512x128xi32>
    %or3A = arith.ori %shift_right_logical3A_38, %and3A_52 : vector<512x128xi32>
    %swap3A_53 = arith.constant 0 : index
    %swap3A_54 = arith.constant 0 : index
    %swap3A_55 = vector.load %arg8[%swap3A_53, %swap3A_54] : memref<512x128xi32, #tpu.memory_space<vmem>>, vector<512x128xi32>
    tpu.vector_store %arg8[%swap3A_53, %swap3A_54], %or3A {strides = array<i32>} : memref<512x128xi32, #tpu.memory_space<vmem>>, vector<512x128xi32>,
    return
  }
  func.func @transform_0(%arg0: i32) -> (i32, i32) {
    %c0_i32 = arith.constant 0 : i32
    %c0_i32_0 = arith.constant 0 : i32
    return %arg0, %c0_i32 : i32, i32
  }
  func.func @transform_1(%arg0: i32) -> (i32, i32) {
    %c0_i32 = arith.constant 0 : i32
    %c0_i32_0 = arith.constant 0 : i32
    %c0_i32_1 = arith.constant 0 : i32
    return %c0_i32, %c0_i32_0 : i32, i32
  }
  func.func @transform_2(%arg0: i32) -> (i32, i32) {
    %c0_i32 = arith.constant 0 : i32
    %c0_i32_0 = arith.constant 0 : i32
    %c0_i32_1 = arith.constant 0 : i32
    return %c0_i32, %c0_i32_0 : i32, i32
  }
  func.func @transform_3(%arg0: i32) -> (i32, i32) {
    %c0_i32 = arith.constant 0 : i32
    %c0_i32_0 = arith.constant 0 : i32
    %c0_i32_1 = arith.constant 0 : i32
    return %c0_i32, %c0_i32_0 : i32, i32
  }
  func.func @transform_4(%arg0: i32) -> (i32, i32) {
    %c0_i32 = arith.constant 0 : i32
    %c0_i32_0 = arith.constant 0 : i32
    return %arg0, %c0_i32 : i32, i32
  }
  func.func @transform_5(%arg0: i32) -> (i32, i32) {
    %c0_i32 = arith.constant 0 : i32
    %c0_i32_0 = arith.constant 0 : i32
    return %arg0, %c0_i32 : i32, i32
  }
  func.func @transform_6(%arg0: i32) -> (i32, i32, i32) {
    %jit3A = arith.constant 4 : i32
    %div3A = arith.divsi %arg0, %jit3A : i32
    %sign3A = arith.constant 0 : i32
    %sign3A_0 = arith.cmpi sgt, %arg0, %sign3A : i32
    %sign3A_1 = arith.extui %sign3A_0 : i1 to i32
    %sign3A_2 = arith.constant 0 : i32
    %sign3A_3 = arith.cmpi slt, %arg0, %sign3A_2 : i32
    %sign3A_4 = arith.extui %sign3A_3 : i1 to i32
    %sign3A_5 = arith.subi %sign3A_1, %sign3A_4 : i32
    %sign3A_6 = arith.constant 0 : i32
    %sign3A_7 = arith.cmpi sgt, %jit3A, %sign3A_6 : i32
    %sign3A_8 = arith.extui %sign3A_7 : i1 to i32
    %sign3A_9 = arith.constant 0 : i32
    %sign3A_10 = arith.cmpi slt, %jit3A, %sign3A_9 : i32
    %sign3A_11 = arith.extui %sign3A_10 : i1 to i32
    %sign3A_12 = arith.subi %sign3A_8, %sign3A_11 : i32
    %ne3A = arith.cmpi ne, %sign3A_5, %sign3A_12 : i32
    %rem3A = arith.remsi %arg0, %jit3A : i32
    %ne3A_13 = arith.constant 0 : i32
    %ne3A_14 = arith.cmpi ne, %rem3A, %ne3A_13 : i32
    %and3A = arith.andi %ne3A, %ne3A_14 : i1
    %sub3A = arith.constant 1 : i32
    %sub3A_15 = arith.subi %div3A, %sub3A : i32
    %select_n3A = arith.select %and3A, %sub3A_15, %div3A : i32
    %jit3A_16 = arith.constant 4 : i32
    %eq3A = arith.constant 0 : i32
    %eq3A_17 = arith.cmpi eq, %jit3A_16, %eq3A : i32
    %jit3A_18 = arith.constant 1 : i32
    %select_n3A_19 = arith.select %eq3A_17, %jit3A_18, %jit3A_16 : i32
    %rem3A_20 = arith.remsi %arg0, %select_n3A_19 : i32
    %ne3A_21 = arith.constant 0 : i32
    %ne3A_22 = arith.cmpi ne, %rem3A_20, %ne3A_21 : i32
    %lt3A = arith.constant 0 : i32
    %lt3A_23 = arith.cmpi slt, %rem3A_20, %lt3A : i32
    %lt3A_24 = arith.constant 0 : i32
    %lt3A_25 = arith.cmpi slt, %select_n3A_19, %lt3A_24 : i32
    %ne3A_26 = arith.xori %lt3A_23, %lt3A_25 : i1
    %and3A_27 = arith.andi %ne3A_26, %ne3A_22 : i1
    %add3A = arith.addi %rem3A_20, %select_n3A_19 : i32
    %select_n3A_28 = arith.select %and3A_27, %add3A, %rem3A_20 : i32
    %c0_i32 = arith.constant 0 : i32
    %c0_i32_29 = arith.constant 0 : i32
    return %select_n3A, %c0_i32, %select_n3A_28 : i32, i32, i32
  }
  func.func @transform_7(%arg0: i32) -> (i32, i32) {
    %c0_i32 = arith.constant 0 : i32
    %c0_i32_0 = arith.constant 0 : i32
    return %arg0, %c0_i32 : i32, i32
  }
}

module attributes {stable_mosaic.version = 14 : i64} {
  func.func @_knn_body(%arg0: i32, %arg1: i32, %arg2: memref<1x512x256xf32, #tpu.memory_space<vmem>>, %arg3: memref<1x2048x256xf32, #tpu.memory_space<vmem>>, %arg4: memref<1x1x2048xf32, #tpu.memory_space<vmem>>, %arg5: memref<9x512xi32, #tpu.memory_space<vmem>>) attributes {dimension_semantics = [#tpu.dimension_semantics<arbitrary>, #tpu.dimension_semantics<arbitrary>], iteration_bounds = array<i64: 4, 4>, scalar_prefetch = 0 : i64, scratch_operands = 0 : i64, tpu.core_type = #tpu.core_type<tc>, window_params = [{transform_indices = @transform_0, window_bounds = array<i64: 1, 512, 256>}, {transform_indices = @transform_1, window_bounds = array<i64: 1, 2048, 256>}, {transform_indices = @transform_2, window_bounds = array<i64: 1, 1, 2048>}, {transform_indices = @transform_3, window_bounds = array<i64: 9, 512>}]} {
    %get3A = arith.constant 0 : index
    %get3A_0 = arith.constant 0 : index
    %get3A_1 = arith.constant 0 : index
    %get3A_2 = vector.load %arg2[%get3A, %get3A_0, %get3A_1] : memref<1x512x256xf32, #tpu.memory_space<vmem>>, vector<1x512x256xf32>
    %get3A_3 = vector.shape_cast %get3A_2 : vector<1x512x256xf32> to vector<512x256xf32>
    %get3A_4 = arith.constant 0 : index
    %get3A_5 = arith.constant 0 : index
    %get3A_6 = arith.constant 0 : index
    %get3A_7 = vector.load %arg3[%get3A_4, %get3A_5, %get3A_6] : memref<1x2048x256xf32, #tpu.memory_space<vmem>>, vector<1x2048x256xf32>
    %get3A_8 = vector.shape_cast %get3A_7 : vector<1x2048x256xf32> to vector<2048x256xf32>
    %mul3A = arith.mulf %get3A_3, %get3A_3 : vector<512x256xf32>
    %reduce_sum3A = arith.constant dense<0.000000e+00> : vector<512xf32>
    %reduce_sum3A_9 = vector.multi_reduction <add>, %mul3A, %reduce_sum3A [1] : vector<512x256xf32> to vector<512xf32>
    %broadcast_in_dim3A = vector.shape_cast %reduce_sum3A_9 : vector<512xf32> to vector<512x1xf32>
    %get3A_10 = arith.constant 0 : index
    %get3A_11 = arith.constant 0 : index
    %get3A_12 = arith.constant 0 : index
    %get3A_13 = vector.load %arg4[%get3A_10, %get3A_11, %get3A_12] : memref<1x1x2048xf32, #tpu.memory_space<vmem>>, vector<1x1x2048xf32>
    %get3A_14 = vector.shape_cast %get3A_13 : vector<1x1x2048xf32> to vector<1x2048xf32>
    %dot_general3A = arith.constant dense<0.000000e+00> : vector<512x2048xf32>
    %dot_general3A_15 = tpu.matmul %get3A_3, %get3A_8, %dot_general3A {dimension_numbers = #tpu.dot_dimension_numbers<[1], [1], [0], [0], [0, 0, 1, 0], [], []>, transpose_lhs_hint = false} : vector<512x256xf32>, vector<2048x256xf32>, vector<512x2048xf32> -> vector<512x2048xf32>
    %add3A = vector.broadcast %broadcast_in_dim3A : vector<512x1xf32> to vector<512x2048xf32>
    %add3A_16 = vector.broadcast %get3A_14 : vector<1x2048xf32> to vector<512x2048xf32>
    %add3A_17 = arith.addf %add3A, %add3A_16 : vector<512x2048xf32>
    %mul3A_18 = arith.constant 2.000000e+00 : f32
    %mul3A_19 = vector.broadcast %mul3A_18 : f32 to vector<512x2048xf32>
    %mul3A_20 = arith.mulf %mul3A_19, %dot_general3A_15 : vector<512x2048xf32>
    %sub3A = arith.subf %add3A_17, %mul3A_20 : vector<512x2048xf32>
    %iota3A = tpu.iota {dimensions = array<i32: 1>} : vector<512x2048xi32>
    %iota3A_21 = tpu.iota {dimensions = array<i32: 0>} : vector<512x1xi32>
    %mul3A_22 = arith.constant 512 : i32
    %mul3A_23 = arith.muli %arg1, %mul3A_22 : i32
    %add3A_24 = vector.broadcast %mul3A_23 : i32 to vector<512x1xi32>
    %add3A_25 = arith.addi %iota3A_21, %add3A_24 : vector<512x1xi32>
    %eq3A = vector.broadcast %add3A_25 : vector<512x1xi32> to vector<512x2048xi32>
    %eq3A_26 = arith.cmpi eq, %iota3A, %eq3A : vector<512x2048xi32>
    %jit3A = arith.constant 0x7F800000 : f32
    %broadcast_in_dim3A_27 = vector.broadcast %jit3A : f32 to vector<512x2048xf32>
    %select_n3A = arith.select %eq3A_26, %broadcast_in_dim3A_27, %sub3A : vector<512x2048xi1>, vector<512x2048xf32>
    %iota3A_28 = tpu.iota {dimensions = array<i32: 1>} : vector<512x128xi32>
    %convert_element_type3A = arith.sitofp %iota3A_28 : vector<512x128xi32> to vector<512x128xf32>
    %broadcast_in_dim3A_29 = arith.constant 0x7F800000 : f32
    %broadcast_in_dim3A_30 = vector.broadcast %broadcast_in_dim3A_29 : f32 to vector<512x128xf32>
    %broadcast_in_dim3A_31 = arith.constant 0x7F800000 : f32
    %broadcast_in_dim3A_32 = vector.broadcast %broadcast_in_dim3A_31 : f32 to vector<512x128xf32>
    %broadcast_in_dim3A_33 = arith.constant 0x7F800000 : f32
    %broadcast_in_dim3A_34 = vector.broadcast %broadcast_in_dim3A_33 : f32 to vector<512x128xf32>
    %broadcast_in_dim3A_35 = arith.constant 0x7F800000 : f32
    %broadcast_in_dim3A_36 = vector.broadcast %broadcast_in_dim3A_35 : f32 to vector<512x128xf32>
    %broadcast_in_dim3A_37 = arith.constant 0.000000e+00 : f32
    %broadcast_in_dim3A_38 = vector.broadcast %broadcast_in_dim3A_37 : f32 to vector<512x128xf32>
    %broadcast_in_dim3A_39 = arith.constant 0.000000e+00 : f32
    %broadcast_in_dim3A_40 = vector.broadcast %broadcast_in_dim3A_39 : f32 to vector<512x128xf32>
    %broadcast_in_dim3A_41 = arith.constant 0.000000e+00 : f32
    %broadcast_in_dim3A_42 = vector.broadcast %broadcast_in_dim3A_41 : f32 to vector<512x128xf32>
    %broadcast_in_dim3A_43 = arith.constant 0.000000e+00 : f32
    %broadcast_in_dim3A_44 = vector.broadcast %broadcast_in_dim3A_43 : f32 to vector<512x128xf32>
    %slice3A = vector.extract_strided_slice %select_n3A {offsets = [0, 0], sizes = [512, 128], strides = [1, 1]} : vector<512x2048xf32> to vector<512x128xf32>
    %add3A_45 = arith.constant 0.000000e+00 : f32
    %add3A_46 = vector.broadcast %add3A_45 : f32 to vector<512x128xf32>
    %add3A_47 = arith.addf %convert_element_type3A, %add3A_46 : vector<512x128xf32>
    %lt3A = arith.cmpf olt, %slice3A, %broadcast_in_dim3A_30 : vector<512x128xf32>
    %select_n3A_48 = arith.select %lt3A, %slice3A, %broadcast_in_dim3A_30 : vector<512x128xi1>, vector<512x128xf32>
    %select_n3A_49 = arith.select %lt3A, %add3A_47, %broadcast_in_dim3A_38 : vector<512x128xi1>, vector<512x128xf32>
    %select_n3A_50 = arith.select %lt3A, %broadcast_in_dim3A_30, %slice3A : vector<512x128xi1>, vector<512x128xf32>
    %select_n3A_51 = arith.select %lt3A, %broadcast_in_dim3A_38, %add3A_47 : vector<512x128xi1>, vector<512x128xf32>
    %lt3A_52 = arith.cmpf olt, %select_n3A_50, %broadcast_in_dim3A_32 : vector<512x128xf32>
    %select_n3A_53 = arith.select %lt3A_52, %select_n3A_50, %broadcast_in_dim3A_32 : vector<512x128xi1>, vector<512x128xf32>
    %select_n3A_54 = arith.select %lt3A_52, %select_n3A_51, %broadcast_in_dim3A_40 : vector<512x128xi1>, vector<512x128xf32>
    %select_n3A_55 = arith.select %lt3A_52, %broadcast_in_dim3A_32, %select_n3A_50 : vector<512x128xi1>, vector<512x128xf32>
    %select_n3A_56 = arith.select %lt3A_52, %broadcast_in_dim3A_40, %select_n3A_51 : vector<512x128xi1>, vector<512x128xf32>
    %lt3A_57 = arith.cmpf olt, %select_n3A_55, %broadcast_in_dim3A_34 : vector<512x128xf32>
    %select_n3A_58 = arith.select %lt3A_57, %select_n3A_55, %broadcast_in_dim3A_34 : vector<512x128xi1>, vector<512x128xf32>
    %select_n3A_59 = arith.select %lt3A_57, %select_n3A_56, %broadcast_in_dim3A_42 : vector<512x128xi1>, vector<512x128xf32>
    %select_n3A_60 = arith.select %lt3A_57, %broadcast_in_dim3A_34, %select_n3A_55 : vector<512x128xi1>, vector<512x128xf32>
    %select_n3A_61 = arith.select %lt3A_57, %broadcast_in_dim3A_42, %select_n3A_56 : vector<512x128xi1>, vector<512x128xf32>
    %lt3A_62 = arith.cmpf olt, %select_n3A_60, %broadcast_in_dim3A_36 : vector<512x128xf32>
    %select_n3A_63 = arith.select %lt3A_62, %select_n3A_60, %broadcast_in_dim3A_36 : vector<512x128xi1>, vector<512x128xf32>
    %select_n3A_64 = arith.select %lt3A_62, %select_n3A_61, %broadcast_in_dim3A_44 : vector<512x128xi1>, vector<512x128xf32>
    %slice3A_65 = vector.extract_strided_slice %select_n3A {offsets = [0, 128], sizes = [512, 128], strides = [1, 1]} : vector<512x2048xf32> to vector<512x128xf32>
    %add3A_66 = arith.constant 1.280000e+02 : f32
    %add3A_67 = vector.broadcast %add3A_66 : f32 to vector<512x128xf32>
    %add3A_68 = arith.addf %convert_element_type3A, %add3A_67 : vector<512x128xf32>
    %lt3A_69 = arith.cmpf olt, %slice3A_65, %select_n3A_48 : vector<512x128xf32>
    %select_n3A_70 = arith.select %lt3A_69, %slice3A_65, %select_n3A_48 : vector<512x128xi1>, vector<512x128xf32>
    %select_n3A_71 = arith.select %lt3A_69, %add3A_68, %select_n3A_49 : vector<512x128xi1>, vector<512x128xf32>
    %select_n3A_72 = arith.select %lt3A_69, %select_n3A_48, %slice3A_65 : vector<512x128xi1>, vector<512x128xf32>
    %select_n3A_73 = arith.select %lt3A_69, %select_n3A_49, %add3A_68 : vector<512x128xi1>, vector<512x128xf32>
    %lt3A_74 = arith.cmpf olt, %select_n3A_72, %select_n3A_53 : vector<512x128xf32>
    %select_n3A_75 = arith.select %lt3A_74, %select_n3A_72, %select_n3A_53 : vector<512x128xi1>, vector<512x128xf32>
    %select_n3A_76 = arith.select %lt3A_74, %select_n3A_73, %select_n3A_54 : vector<512x128xi1>, vector<512x128xf32>
    %select_n3A_77 = arith.select %lt3A_74, %select_n3A_53, %select_n3A_72 : vector<512x128xi1>, vector<512x128xf32>
    %select_n3A_78 = arith.select %lt3A_74, %select_n3A_54, %select_n3A_73 : vector<512x128xi1>, vector<512x128xf32>
    %lt3A_79 = arith.cmpf olt, %select_n3A_77, %select_n3A_58 : vector<512x128xf32>
    %select_n3A_80 = arith.select %lt3A_79, %select_n3A_77, %select_n3A_58 : vector<512x128xi1>, vector<512x128xf32>
    %select_n3A_81 = arith.select %lt3A_79, %select_n3A_78, %select_n3A_59 : vector<512x128xi1>, vector<512x128xf32>
    %select_n3A_82 = arith.select %lt3A_79, %select_n3A_58, %select_n3A_77 : vector<512x128xi1>, vector<512x128xf32>
    %select_n3A_83 = arith.select %lt3A_79, %select_n3A_59, %select_n3A_78 : vector<512x128xi1>, vector<512x128xf32>
    %lt3A_84 = arith.cmpf olt, %select_n3A_82, %select_n3A_63 : vector<512x128xf32>
    %select_n3A_85 = arith.select %lt3A_84, %select_n3A_82, %select_n3A_63 : vector<512x128xi1>, vector<512x128xf32>
    %select_n3A_86 = arith.select %lt3A_84, %select_n3A_83, %select_n3A_64 : vector<512x128xi1>, vector<512x128xf32>
    %slice3A_87 = vector.extract_strided_slice %select_n3A {offsets = [0, 256], sizes = [512, 128], strides = [1, 1]} : vector<512x2048xf32> to vector<512x128xf32>
    %add3A_88 = arith.constant 2.560000e+02 : f32
    %add3A_89 = vector.broadcast %add3A_88 : f32 to vector<512x128xf32>
    %add3A_90 = arith.addf %convert_element_type3A, %add3A_89 : vector<512x128xf32>
    %lt3A_91 = arith.cmpf olt, %slice3A_87, %select_n3A_70 : vector<512x128xf32>
    %select_n3A_92 = arith.select %lt3A_91, %slice3A_87, %select_n3A_70 : vector<512x128xi1>, vector<512x128xf32>
    %select_n3A_93 = arith.select %lt3A_91, %add3A_90, %select_n3A_71 : vector<512x128xi1>, vector<512x128xf32>
    %select_n3A_94 = arith.select %lt3A_91, %select_n3A_70, %slice3A_87 : vector<512x128xi1>, vector<512x128xf32>
    %select_n3A_95 = arith.select %lt3A_91, %select_n3A_71, %add3A_90 : vector<512x128xi1>, vector<512x128xf32>
    %lt3A_96 = arith.cmpf olt, %select_n3A_94, %select_n3A_75 : vector<512x128xf32>
    %select_n3A_97 = arith.select %lt3A_96, %select_n3A_94, %select_n3A_75 : vector<512x128xi1>, vector<512x128xf32>
    %select_n3A_98 = arith.select %lt3A_96, %select_n3A_95, %select_n3A_76 : vector<512x128xi1>, vector<512x128xf32>
    %select_n3A_99 = arith.select %lt3A_96, %select_n3A_75, %select_n3A_94 : vector<512x128xi1>, vector<512x128xf32>
    %select_n3A_100 = arith.select %lt3A_96, %select_n3A_76, %select_n3A_95 : vector<512x128xi1>, vector<512x128xf32>
    %lt3A_101 = arith.cmpf olt, %select_n3A_99, %select_n3A_80 : vector<512x128xf32>
    %select_n3A_102 = arith.select %lt3A_101, %select_n3A_99, %select_n3A_80 : vector<512x128xi1>, vector<512x128xf32>
    %select_n3A_103 = arith.select %lt3A_101, %select_n3A_100, %select_n3A_81 : vector<512x128xi1>, vector<512x128xf32>
    %select_n3A_104 = arith.select %lt3A_101, %select_n3A_80, %select_n3A_99 : vector<512x128xi1>, vector<512x128xf32>
    %select_n3A_105 = arith.select %lt3A_101, %select_n3A_81, %select_n3A_100 : vector<512x128xi1>, vector<512x128xf32>
    %lt3A_106 = arith.cmpf olt, %select_n3A_104, %select_n3A_85 : vector<512x128xf32>
    %select_n3A_107 = arith.select %lt3A_106, %select_n3A_104, %select_n3A_85 : vector<512x128xi1>, vector<512x128xf32>
    %select_n3A_108 = arith.select %lt3A_106, %select_n3A_105, %select_n3A_86 : vector<512x128xi1>, vector<512x128xf32>
    %slice3A_109 = vector.extract_strided_slice %select_n3A {offsets = [0, 384], sizes = [512, 128], strides = [1, 1]} : vector<512x2048xf32> to vector<512x128xf32>
    %add3A_110 = arith.constant 3.840000e+02 : f32
    %add3A_111 = vector.broadcast %add3A_110 : f32 to vector<512x128xf32>
    %add3A_112 = arith.addf %convert_element_type3A, %add3A_111 : vector<512x128xf32>
    %lt3A_113 = arith.cmpf olt, %slice3A_109, %select_n3A_92 : vector<512x128xf32>
    %select_n3A_114 = arith.select %lt3A_113, %slice3A_109, %select_n3A_92 : vector<512x128xi1>, vector<512x128xf32>
    %select_n3A_115 = arith.select %lt3A_113, %add3A_112, %select_n3A_93 : vector<512x128xi1>, vector<512x128xf32>
    %select_n3A_116 = arith.select %lt3A_113, %select_n3A_92, %slice3A_109 : vector<512x128xi1>, vector<512x128xf32>
    %select_n3A_117 = arith.select %lt3A_113, %select_n3A_93, %add3A_112 : vector<512x128xi1>, vector<512x128xf32>
    %lt3A_118 = arith.cmpf olt, %select_n3A_116, %select_n3A_97 : vector<512x128xf32>
    %select_n3A_119 = arith.select %lt3A_118, %select_n3A_116, %select_n3A_97 : vector<512x128xi1>, vector<512x128xf32>
    %select_n3A_120 = arith.select %lt3A_118, %select_n3A_117, %select_n3A_98 : vector<512x128xi1>, vector<512x128xf32>
    %select_n3A_121 = arith.select %lt3A_118, %select_n3A_97, %select_n3A_116 : vector<512x128xi1>, vector<512x128xf32>
    %select_n3A_122 = arith.select %lt3A_118, %select_n3A_98, %select_n3A_117 : vector<512x128xi1>, vector<512x128xf32>
    %lt3A_123 = arith.cmpf olt, %select_n3A_121, %select_n3A_102 : vector<512x128xf32>
    %select_n3A_124 = arith.select %lt3A_123, %select_n3A_121, %select_n3A_102 : vector<512x128xi1>, vector<512x128xf32>
    %select_n3A_125 = arith.select %lt3A_123, %select_n3A_122, %select_n3A_103 : vector<512x128xi1>, vector<512x128xf32>
    %select_n3A_126 = arith.select %lt3A_123, %select_n3A_102, %select_n3A_121 : vector<512x128xi1>, vector<512x128xf32>
    %select_n3A_127 = arith.select %lt3A_123, %select_n3A_103, %select_n3A_122 : vector<512x128xi1>, vector<512x128xf32>
    %lt3A_128 = arith.cmpf olt, %select_n3A_126, %select_n3A_107 : vector<512x128xf32>
    %select_n3A_129 = arith.select %lt3A_128, %select_n3A_126, %select_n3A_107 : vector<512x128xi1>, vector<512x128xf32>
    %select_n3A_130 = arith.select %lt3A_128, %select_n3A_127, %select_n3A_108 : vector<512x128xi1>, vector<512x128xf32>
    %slice3A_131 = vector.extract_strided_slice %select_n3A {offsets = [0, 512], sizes = [512, 128], strides = [1, 1]} : vector<512x2048xf32> to vector<512x128xf32>
    %add3A_132 = arith.constant 5.120000e+02 : f32
    %add3A_133 = vector.broadcast %add3A_132 : f32 to vector<512x128xf32>
    %add3A_134 = arith.addf %convert_element_type3A, %add3A_133 : vector<512x128xf32>
    %lt3A_135 = arith.cmpf olt, %slice3A_131, %select_n3A_114 : vector<512x128xf32>
    %select_n3A_136 = arith.select %lt3A_135, %slice3A_131, %select_n3A_114 : vector<512x128xi1>, vector<512x128xf32>
    %select_n3A_137 = arith.select %lt3A_135, %add3A_134, %select_n3A_115 : vector<512x128xi1>, vector<512x128xf32>
    %select_n3A_138 = arith.select %lt3A_135, %select_n3A_114, %slice3A_131 : vector<512x128xi1>, vector<512x128xf32>
    %select_n3A_139 = arith.select %lt3A_135, %select_n3A_115, %add3A_134 : vector<512x128xi1>, vector<512x128xf32>
    %lt3A_140 = arith.cmpf olt, %select_n3A_138, %select_n3A_119 : vector<512x128xf32>
    %select_n3A_141 = arith.select %lt3A_140, %select_n3A_138, %select_n3A_119 : vector<512x128xi1>, vector<512x128xf32>
    %select_n3A_142 = arith.select %lt3A_140, %select_n3A_139, %select_n3A_120 : vector<512x128xi1>, vector<512x128xf32>
    %select_n3A_143 = arith.select %lt3A_140, %select_n3A_119, %select_n3A_138 : vector<512x128xi1>, vector<512x128xf32>
    %select_n3A_144 = arith.select %lt3A_140, %select_n3A_120, %select_n3A_139 : vector<512x128xi1>, vector<512x128xf32>
    %lt3A_145 = arith.cmpf olt, %select_n3A_143, %select_n3A_124 : vector<512x128xf32>
    %select_n3A_146 = arith.select %lt3A_145, %select_n3A_143, %select_n3A_124 : vector<512x128xi1>, vector<512x128xf32>
    %select_n3A_147 = arith.select %lt3A_145, %select_n3A_144, %select_n3A_125 : vector<512x128xi1>, vector<512x128xf32>
    %select_n3A_148 = arith.select %lt3A_145, %select_n3A_124, %select_n3A_143 : vector<512x128xi1>, vector<512x128xf32>
    %select_n3A_149 = arith.select %lt3A_145, %select_n3A_125, %select_n3A_144 : vector<512x128xi1>, vector<512x128xf32>
    %lt3A_150 = arith.cmpf olt, %select_n3A_148, %select_n3A_129 : vector<512x128xf32>
    %select_n3A_151 = arith.select %lt3A_150, %select_n3A_148, %select_n3A_129 : vector<512x128xi1>, vector<512x128xf32>
    %select_n3A_152 = arith.select %lt3A_150, %select_n3A_149, %select_n3A_130 : vector<512x128xi1>, vector<512x128xf32>
    %slice3A_153 = vector.extract_strided_slice %select_n3A {offsets = [0, 640], sizes = [512, 128], strides = [1, 1]} : vector<512x2048xf32> to vector<512x128xf32>
    %add3A_154 = arith.constant 6.400000e+02 : f32
    %add3A_155 = vector.broadcast %add3A_154 : f32 to vector<512x128xf32>
    %add3A_156 = arith.addf %convert_element_type3A, %add3A_155 : vector<512x128xf32>
    %lt3A_157 = arith.cmpf olt, %slice3A_153, %select_n3A_136 : vector<512x128xf32>
    %select_n3A_158 = arith.select %lt3A_157, %slice3A_153, %select_n3A_136 : vector<512x128xi1>, vector<512x128xf32>
    %select_n3A_159 = arith.select %lt3A_157, %add3A_156, %select_n3A_137 : vector<512x128xi1>, vector<512x128xf32>
    %select_n3A_160 = arith.select %lt3A_157, %select_n3A_136, %slice3A_153 : vector<512x128xi1>, vector<512x128xf32>
    %select_n3A_161 = arith.select %lt3A_157, %select_n3A_137, %add3A_156 : vector<512x128xi1>, vector<512x128xf32>
    %lt3A_162 = arith.cmpf olt, %select_n3A_160, %select_n3A_141 : vector<512x128xf32>
    %select_n3A_163 = arith.select %lt3A_162, %select_n3A_160, %select_n3A_141 : vector<512x128xi1>, vector<512x128xf32>
    %select_n3A_164 = arith.select %lt3A_162, %select_n3A_161, %select_n3A_142 : vector<512x128xi1>, vector<512x128xf32>
    %select_n3A_165 = arith.select %lt3A_162, %select_n3A_141, %select_n3A_160 : vector<512x128xi1>, vector<512x128xf32>
    %select_n3A_166 = arith.select %lt3A_162, %select_n3A_142, %select_n3A_161 : vector<512x128xi1>, vector<512x128xf32>
    %lt3A_167 = arith.cmpf olt, %select_n3A_165, %select_n3A_146 : vector<512x128xf32>
    %select_n3A_168 = arith.select %lt3A_167, %select_n3A_165, %select_n3A_146 : vector<512x128xi1>, vector<512x128xf32>
    %select_n3A_169 = arith.select %lt3A_167, %select_n3A_166, %select_n3A_147 : vector<512x128xi1>, vector<512x128xf32>
    %select_n3A_170 = arith.select %lt3A_167, %select_n3A_146, %select_n3A_165 : vector<512x128xi1>, vector<512x128xf32>
    %select_n3A_171 = arith.select %lt3A_167, %select_n3A_147, %select_n3A_166 : vector<512x128xi1>, vector<512x128xf32>
    %lt3A_172 = arith.cmpf olt, %select_n3A_170, %select_n3A_151 : vector<512x128xf32>
    %select_n3A_173 = arith.select %lt3A_172, %select_n3A_170, %select_n3A_151 : vector<512x128xi1>, vector<512x128xf32>
    %select_n3A_174 = arith.select %lt3A_172, %select_n3A_171, %select_n3A_152 : vector<512x128xi1>, vector<512x128xf32>
    %slice3A_175 = vector.extract_strided_slice %select_n3A {offsets = [0, 768], sizes = [512, 128], strides = [1, 1]} : vector<512x2048xf32> to vector<512x128xf32>
    %add3A_176 = arith.constant 7.680000e+02 : f32
    %add3A_177 = vector.broadcast %add3A_176 : f32 to vector<512x128xf32>
    %add3A_178 = arith.addf %convert_element_type3A, %add3A_177 : vector<512x128xf32>
    %lt3A_179 = arith.cmpf olt, %slice3A_175, %select_n3A_158 : vector<512x128xf32>
    %select_n3A_180 = arith.select %lt3A_179, %slice3A_175, %select_n3A_158 : vector<512x128xi1>, vector<512x128xf32>
    %select_n3A_181 = arith.select %lt3A_179, %add3A_178, %select_n3A_159 : vector<512x128xi1>, vector<512x128xf32>
    %select_n3A_182 = arith.select %lt3A_179, %select_n3A_158, %slice3A_175 : vector<512x128xi1>, vector<512x128xf32>
    %select_n3A_183 = arith.select %lt3A_179, %select_n3A_159, %add3A_178 : vector<512x128xi1>, vector<512x128xf32>
    %lt3A_184 = arith.cmpf olt, %select_n3A_182, %select_n3A_163 : vector<512x128xf32>
    %select_n3A_185 = arith.select %lt3A_184, %select_n3A_182, %select_n3A_163 : vector<512x128xi1>, vector<512x128xf32>
    %select_n3A_186 = arith.select %lt3A_184, %select_n3A_183, %select_n3A_164 : vector<512x128xi1>, vector<512x128xf32>
    %select_n3A_187 = arith.select %lt3A_184, %select_n3A_163, %select_n3A_182 : vector<512x128xi1>, vector<512x128xf32>
    %select_n3A_188 = arith.select %lt3A_184, %select_n3A_164, %select_n3A_183 : vector<512x128xi1>, vector<512x128xf32>
    %lt3A_189 = arith.cmpf olt, %select_n3A_187, %select_n3A_168 : vector<512x128xf32>
    %select_n3A_190 = arith.select %lt3A_189, %select_n3A_187, %select_n3A_168 : vector<512x128xi1>, vector<512x128xf32>
    %select_n3A_191 = arith.select %lt3A_189, %select_n3A_188, %select_n3A_169 : vector<512x128xi1>, vector<512x128xf32>
    %select_n3A_192 = arith.select %lt3A_189, %select_n3A_168, %select_n3A_187 : vector<512x128xi1>, vector<512x128xf32>
    %select_n3A_193 = arith.select %lt3A_189, %select_n3A_169, %select_n3A_188 : vector<512x128xi1>, vector<512x128xf32>
    %lt3A_194 = arith.cmpf olt, %select_n3A_192, %select_n3A_173 : vector<512x128xf32>
    %select_n3A_195 = arith.select %lt3A_194, %select_n3A_192, %select_n3A_173 : vector<512x128xi1>, vector<512x128xf32>
    %select_n3A_196 = arith.select %lt3A_194, %select_n3A_193, %select_n3A_174 : vector<512x128xi1>, vector<512x128xf32>
    %slice3A_197 = vector.extract_strided_slice %select_n3A {offsets = [0, 896], sizes = [512, 128], strides = [1, 1]} : vector<512x2048xf32> to vector<512x128xf32>
    %add3A_198 = arith.constant 8.960000e+02 : f32
    %add3A_199 = vector.broadcast %add3A_198 : f32 to vector<512x128xf32>
    %add3A_200 = arith.addf %convert_element_type3A, %add3A_199 : vector<512x128xf32>
    %lt3A_201 = arith.cmpf olt, %slice3A_197, %select_n3A_180 : vector<512x128xf32>
    %select_n3A_202 = arith.select %lt3A_201, %slice3A_197, %select_n3A_180 : vector<512x128xi1>, vector<512x128xf32>
    %select_n3A_203 = arith.select %lt3A_201, %add3A_200, %select_n3A_181 : vector<512x128xi1>, vector<512x128xf32>
    %select_n3A_204 = arith.select %lt3A_201, %select_n3A_180, %slice3A_197 : vector<512x128xi1>, vector<512x128xf32>
    %select_n3A_205 = arith.select %lt3A_201, %select_n3A_181, %add3A_200 : vector<512x128xi1>, vector<512x128xf32>
    %lt3A_206 = arith.cmpf olt, %select_n3A_204, %select_n3A_185 : vector<512x128xf32>
    %select_n3A_207 = arith.select %lt3A_206, %select_n3A_204, %select_n3A_185 : vector<512x128xi1>, vector<512x128xf32>
    %select_n3A_208 = arith.select %lt3A_206, %select_n3A_205, %select_n3A_186 : vector<512x128xi1>, vector<512x128xf32>
    %select_n3A_209 = arith.select %lt3A_206, %select_n3A_185, %select_n3A_204 : vector<512x128xi1>, vector<512x128xf32>
    %select_n3A_210 = arith.select %lt3A_206, %select_n3A_186, %select_n3A_205 : vector<512x128xi1>, vector<512x128xf32>
    %lt3A_211 = arith.cmpf olt, %select_n3A_209, %select_n3A_190 : vector<512x128xf32>
    %select_n3A_212 = arith.select %lt3A_211, %select_n3A_209, %select_n3A_190 : vector<512x128xi1>, vector<512x128xf32>
    %select_n3A_213 = arith.select %lt3A_211, %select_n3A_210, %select_n3A_191 : vector<512x128xi1>, vector<512x128xf32>
    %select_n3A_214 = arith.select %lt3A_211, %select_n3A_190, %select_n3A_209 : vector<512x128xi1>, vector<512x128xf32>
    %select_n3A_215 = arith.select %lt3A_211, %select_n3A_191, %select_n3A_210 : vector<512x128xi1>, vector<512x128xf32>
    %lt3A_216 = arith.cmpf olt, %select_n3A_214, %select_n3A_195 : vector<512x128xf32>
    %select_n3A_217 = arith.select %lt3A_216, %select_n3A_214, %select_n3A_195 : vector<512x128xi1>, vector<512x128xf32>
    %select_n3A_218 = arith.select %lt3A_216, %select_n3A_215, %select_n3A_196 : vector<512x128xi1>, vector<512x128xf32>
    %slice3A_219 = vector.extract_strided_slice %select_n3A {offsets = [0, 1024], sizes = [512, 128], strides = [1, 1]} : vector<512x2048xf32> to vector<512x128xf32>
    %add3A_220 = arith.constant 1.024000e+03 : f32
    %add3A_221 = vector.broadcast %add3A_220 : f32 to vector<512x128xf32>
    %add3A_222 = arith.addf %convert_element_type3A, %add3A_221 : vector<512x128xf32>
    %lt3A_223 = arith.cmpf olt, %slice3A_219, %select_n3A_202 : vector<512x128xf32>
    %select_n3A_224 = arith.select %lt3A_223, %slice3A_219, %select_n3A_202 : vector<512x128xi1>, vector<512x128xf32>
    %select_n3A_225 = arith.select %lt3A_223, %add3A_222, %select_n3A_203 : vector<512x128xi1>, vector<512x128xf32>
    %select_n3A_226 = arith.select %lt3A_223, %select_n3A_202, %slice3A_219 : vector<512x128xi1>, vector<512x128xf32>
    %select_n3A_227 = arith.select %lt3A_223, %select_n3A_203, %add3A_222 : vector<512x128xi1>, vector<512x128xf32>
    %lt3A_228 = arith.cmpf olt, %select_n3A_226, %select_n3A_207 : vector<512x128xf32>
    %select_n3A_229 = arith.select %lt3A_228, %select_n3A_226, %select_n3A_207 : vector<512x128xi1>, vector<512x128xf32>
    %select_n3A_230 = arith.select %lt3A_228, %select_n3A_227, %select_n3A_208 : vector<512x128xi1>, vector<512x128xf32>
    %select_n3A_231 = arith.select %lt3A_228, %select_n3A_207, %select_n3A_226 : vector<512x128xi1>, vector<512x128xf32>
    %select_n3A_232 = arith.select %lt3A_228, %select_n3A_208, %select_n3A_227 : vector<512x128xi1>, vector<512x128xf32>
    %lt3A_233 = arith.cmpf olt, %select_n3A_231, %select_n3A_212 : vector<512x128xf32>
    %select_n3A_234 = arith.select %lt3A_233, %select_n3A_231, %select_n3A_212 : vector<512x128xi1>, vector<512x128xf32>
    %select_n3A_235 = arith.select %lt3A_233, %select_n3A_232, %select_n3A_213 : vector<512x128xi1>, vector<512x128xf32>
    %select_n3A_236 = arith.select %lt3A_233, %select_n3A_212, %select_n3A_231 : vector<512x128xi1>, vector<512x128xf32>
    %select_n3A_237 = arith.select %lt3A_233, %select_n3A_213, %select_n3A_232 : vector<512x128xi1>, vector<512x128xf32>
    %lt3A_238 = arith.cmpf olt, %select_n3A_236, %select_n3A_217 : vector<512x128xf32>
    %select_n3A_239 = arith.select %lt3A_238, %select_n3A_236, %select_n3A_217 : vector<512x128xi1>, vector<512x128xf32>
    %select_n3A_240 = arith.select %lt3A_238, %select_n3A_237, %select_n3A_218 : vector<512x128xi1>, vector<512x128xf32>
    %slice3A_241 = vector.extract_strided_slice %select_n3A {offsets = [0, 1152], sizes = [512, 128], strides = [1, 1]} : vector<512x2048xf32> to vector<512x128xf32>
    %add3A_242 = arith.constant 1.152000e+03 : f32
    %add3A_243 = vector.broadcast %add3A_242 : f32 to vector<512x128xf32>
    %add3A_244 = arith.addf %convert_element_type3A, %add3A_243 : vector<512x128xf32>
    %lt3A_245 = arith.cmpf olt, %slice3A_241, %select_n3A_224 : vector<512x128xf32>
    %select_n3A_246 = arith.select %lt3A_245, %slice3A_241, %select_n3A_224 : vector<512x128xi1>, vector<512x128xf32>
    %select_n3A_247 = arith.select %lt3A_245, %add3A_244, %select_n3A_225 : vector<512x128xi1>, vector<512x128xf32>
    %select_n3A_248 = arith.select %lt3A_245, %select_n3A_224, %slice3A_241 : vector<512x128xi1>, vector<512x128xf32>
    %select_n3A_249 = arith.select %lt3A_245, %select_n3A_225, %add3A_244 : vector<512x128xi1>, vector<512x128xf32>
    %lt3A_250 = arith.cmpf olt, %select_n3A_248, %select_n3A_229 : vector<512x128xf32>
    %select_n3A_251 = arith.select %lt3A_250, %select_n3A_248, %select_n3A_229 : vector<512x128xi1>, vector<512x128xf32>
    %select_n3A_252 = arith.select %lt3A_250, %select_n3A_249, %select_n3A_230 : vector<512x128xi1>, vector<512x128xf32>
    %select_n3A_253 = arith.select %lt3A_250, %select_n3A_229, %select_n3A_248 : vector<512x128xi1>, vector<512x128xf32>
    %select_n3A_254 = arith.select %lt3A_250, %select_n3A_230, %select_n3A_249 : vector<512x128xi1>, vector<512x128xf32>
    %lt3A_255 = arith.cmpf olt, %select_n3A_253, %select_n3A_234 : vector<512x128xf32>
    %select_n3A_256 = arith.select %lt3A_255, %select_n3A_253, %select_n3A_234 : vector<512x128xi1>, vector<512x128xf32>
    %select_n3A_257 = arith.select %lt3A_255, %select_n3A_254, %select_n3A_235 : vector<512x128xi1>, vector<512x128xf32>
    %select_n3A_258 = arith.select %lt3A_255, %select_n3A_234, %select_n3A_253 : vector<512x128xi1>, vector<512x128xf32>
    %select_n3A_259 = arith.select %lt3A_255, %select_n3A_235, %select_n3A_254 : vector<512x128xi1>, vector<512x128xf32>
    %lt3A_260 = arith.cmpf olt, %select_n3A_258, %select_n3A_239 : vector<512x128xf32>
    %select_n3A_261 = arith.select %lt3A_260, %select_n3A_258, %select_n3A_239 : vector<512x128xi1>, vector<512x128xf32>
    %select_n3A_262 = arith.select %lt3A_260, %select_n3A_259, %select_n3A_240 : vector<512x128xi1>, vector<512x128xf32>
    %slice3A_263 = vector.extract_strided_slice %select_n3A {offsets = [0, 1280], sizes = [512, 128], strides = [1, 1]} : vector<512x2048xf32> to vector<512x128xf32>
    %add3A_264 = arith.constant 1.280000e+03 : f32
    %add3A_265 = vector.broadcast %add3A_264 : f32 to vector<512x128xf32>
    %add3A_266 = arith.addf %convert_element_type3A, %add3A_265 : vector<512x128xf32>
    %lt3A_267 = arith.cmpf olt, %slice3A_263, %select_n3A_246 : vector<512x128xf32>
    %select_n3A_268 = arith.select %lt3A_267, %slice3A_263, %select_n3A_246 : vector<512x128xi1>, vector<512x128xf32>
    %select_n3A_269 = arith.select %lt3A_267, %add3A_266, %select_n3A_247 : vector<512x128xi1>, vector<512x128xf32>
    %select_n3A_270 = arith.select %lt3A_267, %select_n3A_246, %slice3A_263 : vector<512x128xi1>, vector<512x128xf32>
    %select_n3A_271 = arith.select %lt3A_267, %select_n3A_247, %add3A_266 : vector<512x128xi1>, vector<512x128xf32>
    %lt3A_272 = arith.cmpf olt, %select_n3A_270, %select_n3A_251 : vector<512x128xf32>
    %select_n3A_273 = arith.select %lt3A_272, %select_n3A_270, %select_n3A_251 : vector<512x128xi1>, vector<512x128xf32>
    %select_n3A_274 = arith.select %lt3A_272, %select_n3A_271, %select_n3A_252 : vector<512x128xi1>, vector<512x128xf32>
    %select_n3A_275 = arith.select %lt3A_272, %select_n3A_251, %select_n3A_270 : vector<512x128xi1>, vector<512x128xf32>
    %select_n3A_276 = arith.select %lt3A_272, %select_n3A_252, %select_n3A_271 : vector<512x128xi1>, vector<512x128xf32>
    %lt3A_277 = arith.cmpf olt, %select_n3A_275, %select_n3A_256 : vector<512x128xf32>
    %select_n3A_278 = arith.select %lt3A_277, %select_n3A_275, %select_n3A_256 : vector<512x128xi1>, vector<512x128xf32>
    %select_n3A_279 = arith.select %lt3A_277, %select_n3A_276, %select_n3A_257 : vector<512x128xi1>, vector<512x128xf32>
    %select_n3A_280 = arith.select %lt3A_277, %select_n3A_256, %select_n3A_275 : vector<512x128xi1>, vector<512x128xf32>
    %select_n3A_281 = arith.select %lt3A_277, %select_n3A_257, %select_n3A_276 : vector<512x128xi1>, vector<512x128xf32>
    %lt3A_282 = arith.cmpf olt, %select_n3A_280, %select_n3A_261 : vector<512x128xf32>
    %select_n3A_283 = arith.select %lt3A_282, %select_n3A_280, %select_n3A_261 : vector<512x128xi1>, vector<512x128xf32>
    %select_n3A_284 = arith.select %lt3A_282, %select_n3A_281, %select_n3A_262 : vector<512x128xi1>, vector<512x128xf32>
    %slice3A_285 = vector.extract_strided_slice %select_n3A {offsets = [0, 1408], sizes = [512, 128], strides = [1, 1]} : vector<512x2048xf32> to vector<512x128xf32>
    %add3A_286 = arith.constant 1.408000e+03 : f32
    %add3A_287 = vector.broadcast %add3A_286 : f32 to vector<512x128xf32>
    %add3A_288 = arith.addf %convert_element_type3A, %add3A_287 : vector<512x128xf32>
    %lt3A_289 = arith.cmpf olt, %slice3A_285, %select_n3A_268 : vector<512x128xf32>
    %select_n3A_290 = arith.select %lt3A_289, %slice3A_285, %select_n3A_268 : vector<512x128xi1>, vector<512x128xf32>
    %select_n3A_291 = arith.select %lt3A_289, %add3A_288, %select_n3A_269 : vector<512x128xi1>, vector<512x128xf32>
    %select_n3A_292 = arith.select %lt3A_289, %select_n3A_268, %slice3A_285 : vector<512x128xi1>, vector<512x128xf32>
    %select_n3A_293 = arith.select %lt3A_289, %select_n3A_269, %add3A_288 : vector<512x128xi1>, vector<512x128xf32>
    %lt3A_294 = arith.cmpf olt, %select_n3A_292, %select_n3A_273 : vector<512x128xf32>
    %select_n3A_295 = arith.select %lt3A_294, %select_n3A_292, %select_n3A_273 : vector<512x128xi1>, vector<512x128xf32>
    %select_n3A_296 = arith.select %lt3A_294, %select_n3A_293, %select_n3A_274 : vector<512x128xi1>, vector<512x128xf32>
    %select_n3A_297 = arith.select %lt3A_294, %select_n3A_273, %select_n3A_292 : vector<512x128xi1>, vector<512x128xf32>
    %select_n3A_298 = arith.select %lt3A_294, %select_n3A_274, %select_n3A_293 : vector<512x128xi1>, vector<512x128xf32>
    %lt3A_299 = arith.cmpf olt, %select_n3A_297, %select_n3A_278 : vector<512x128xf32>
    %select_n3A_300 = arith.select %lt3A_299, %select_n3A_297, %select_n3A_278 : vector<512x128xi1>, vector<512x128xf32>
    %select_n3A_301 = arith.select %lt3A_299, %select_n3A_298, %select_n3A_279 : vector<512x128xi1>, vector<512x128xf32>
    %select_n3A_302 = arith.select %lt3A_299, %select_n3A_278, %select_n3A_297 : vector<512x128xi1>, vector<512x128xf32>
    %select_n3A_303 = arith.select %lt3A_299, %select_n3A_279, %select_n3A_298 : vector<512x128xi1>, vector<512x128xf32>
    %lt3A_304 = arith.cmpf olt, %select_n3A_302, %select_n3A_283 : vector<512x128xf32>
    %select_n3A_305 = arith.select %lt3A_304, %select_n3A_302, %select_n3A_283 : vector<512x128xi1>, vector<512x128xf32>
    %select_n3A_306 = arith.select %lt3A_304, %select_n3A_303, %select_n3A_284 : vector<512x128xi1>, vector<512x128xf32>
    %slice3A_307 = vector.extract_strided_slice %select_n3A {offsets = [0, 1536], sizes = [512, 128], strides = [1, 1]} : vector<512x2048xf32> to vector<512x128xf32>
    %add3A_308 = arith.constant 1.536000e+03 : f32
    %add3A_309 = vector.broadcast %add3A_308 : f32 to vector<512x128xf32>
    %add3A_310 = arith.addf %convert_element_type3A, %add3A_309 : vector<512x128xf32>
    %lt3A_311 = arith.cmpf olt, %slice3A_307, %select_n3A_290 : vector<512x128xf32>
    %select_n3A_312 = arith.select %lt3A_311, %slice3A_307, %select_n3A_290 : vector<512x128xi1>, vector<512x128xf32>
    %select_n3A_313 = arith.select %lt3A_311, %add3A_310, %select_n3A_291 : vector<512x128xi1>, vector<512x128xf32>
    %select_n3A_314 = arith.select %lt3A_311, %select_n3A_290, %slice3A_307 : vector<512x128xi1>, vector<512x128xf32>
    %select_n3A_315 = arith.select %lt3A_311, %select_n3A_291, %add3A_310 : vector<512x128xi1>, vector<512x128xf32>
    %lt3A_316 = arith.cmpf olt, %select_n3A_314, %select_n3A_295 : vector<512x128xf32>
    %select_n3A_317 = arith.select %lt3A_316, %select_n3A_314, %select_n3A_295 : vector<512x128xi1>, vector<512x128xf32>
    %select_n3A_318 = arith.select %lt3A_316, %select_n3A_315, %select_n3A_296 : vector<512x128xi1>, vector<512x128xf32>
    %select_n3A_319 = arith.select %lt3A_316, %select_n3A_295, %select_n3A_314 : vector<512x128xi1>, vector<512x128xf32>
    %select_n3A_320 = arith.select %lt3A_316, %select_n3A_296, %select_n3A_315 : vector<512x128xi1>, vector<512x128xf32>
    %lt3A_321 = arith.cmpf olt, %select_n3A_319, %select_n3A_300 : vector<512x128xf32>
    %select_n3A_322 = arith.select %lt3A_321, %select_n3A_319, %select_n3A_300 : vector<512x128xi1>, vector<512x128xf32>
    %select_n3A_323 = arith.select %lt3A_321, %select_n3A_320, %select_n3A_301 : vector<512x128xi1>, vector<512x128xf32>
    %select_n3A_324 = arith.select %lt3A_321, %select_n3A_300, %select_n3A_319 : vector<512x128xi1>, vector<512x128xf32>
    %select_n3A_325 = arith.select %lt3A_321, %select_n3A_301, %select_n3A_320 : vector<512x128xi1>, vector<512x128xf32>
    %lt3A_326 = arith.cmpf olt, %select_n3A_324, %select_n3A_305 : vector<512x128xf32>
    %select_n3A_327 = arith.select %lt3A_326, %select_n3A_324, %select_n3A_305 : vector<512x128xi1>, vector<512x128xf32>
    %select_n3A_328 = arith.select %lt3A_326, %select_n3A_325, %select_n3A_306 : vector<512x128xi1>, vector<512x128xf32>
    %slice3A_329 = vector.extract_strided_slice %select_n3A {offsets = [0, 1664], sizes = [512, 128], strides = [1, 1]} : vector<512x2048xf32> to vector<512x128xf32>
    %add3A_330 = arith.constant 1.664000e+03 : f32
    %add3A_331 = vector.broadcast %add3A_330 : f32 to vector<512x128xf32>
    %add3A_332 = arith.addf %convert_element_type3A, %add3A_331 : vector<512x128xf32>
    %lt3A_333 = arith.cmpf olt, %slice3A_329, %select_n3A_312 : vector<512x128xf32>
    %select_n3A_334 = arith.select %lt3A_333, %slice3A_329, %select_n3A_312 : vector<512x128xi1>, vector<512x128xf32>
    %select_n3A_335 = arith.select %lt3A_333, %add3A_332, %select_n3A_313 : vector<512x128xi1>, vector<512x128xf32>
    %select_n3A_336 = arith.select %lt3A_333, %select_n3A_312, %slice3A_329 : vector<512x128xi1>, vector<512x128xf32>
    %select_n3A_337 = arith.select %lt3A_333, %select_n3A_313, %add3A_332 : vector<512x128xi1>, vector<512x128xf32>
    %lt3A_338 = arith.cmpf olt, %select_n3A_336, %select_n3A_317 : vector<512x128xf32>
    %select_n3A_339 = arith.select %lt3A_338, %select_n3A_336, %select_n3A_317 : vector<512x128xi1>, vector<512x128xf32>
    %select_n3A_340 = arith.select %lt3A_338, %select_n3A_337, %select_n3A_318 : vector<512x128xi1>, vector<512x128xf32>
    %select_n3A_341 = arith.select %lt3A_338, %select_n3A_317, %select_n3A_336 : vector<512x128xi1>, vector<512x128xf32>
    %select_n3A_342 = arith.select %lt3A_338, %select_n3A_318, %select_n3A_337 : vector<512x128xi1>, vector<512x128xf32>
    %lt3A_343 = arith.cmpf olt, %select_n3A_341, %select_n3A_322 : vector<512x128xf32>
    %select_n3A_344 = arith.select %lt3A_343, %select_n3A_341, %select_n3A_322 : vector<512x128xi1>, vector<512x128xf32>
    %select_n3A_345 = arith.select %lt3A_343, %select_n3A_342, %select_n3A_323 : vector<512x128xi1>, vector<512x128xf32>
    %select_n3A_346 = arith.select %lt3A_343, %select_n3A_322, %select_n3A_341 : vector<512x128xi1>, vector<512x128xf32>
    %select_n3A_347 = arith.select %lt3A_343, %select_n3A_323, %select_n3A_342 : vector<512x128xi1>, vector<512x128xf32>
    %lt3A_348 = arith.cmpf olt, %select_n3A_346, %select_n3A_327 : vector<512x128xf32>
    %select_n3A_349 = arith.select %lt3A_348, %select_n3A_346, %select_n3A_327 : vector<512x128xi1>, vector<512x128xf32>
    %select_n3A_350 = arith.select %lt3A_348, %select_n3A_347, %select_n3A_328 : vector<512x128xi1>, vector<512x128xf32>
    %slice3A_351 = vector.extract_strided_slice %select_n3A {offsets = [0, 1792], sizes = [512, 128], strides = [1, 1]} : vector<512x2048xf32> to vector<512x128xf32>
    %add3A_352 = arith.constant 1.792000e+03 : f32
    %add3A_353 = vector.broadcast %add3A_352 : f32 to vector<512x128xf32>
    %add3A_354 = arith.addf %convert_element_type3A, %add3A_353 : vector<512x128xf32>
    %lt3A_355 = arith.cmpf olt, %slice3A_351, %select_n3A_334 : vector<512x128xf32>
    %select_n3A_356 = arith.select %lt3A_355, %slice3A_351, %select_n3A_334 : vector<512x128xi1>, vector<512x128xf32>
    %select_n3A_357 = arith.select %lt3A_355, %add3A_354, %select_n3A_335 : vector<512x128xi1>, vector<512x128xf32>
    %select_n3A_358 = arith.select %lt3A_355, %select_n3A_334, %slice3A_351 : vector<512x128xi1>, vector<512x128xf32>
    %select_n3A_359 = arith.select %lt3A_355, %select_n3A_335, %add3A_354 : vector<512x128xi1>, vector<512x128xf32>
    %lt3A_360 = arith.cmpf olt, %select_n3A_358, %select_n3A_339 : vector<512x128xf32>
    %select_n3A_361 = arith.select %lt3A_360, %select_n3A_358, %select_n3A_339 : vector<512x128xi1>, vector<512x128xf32>
    %select_n3A_362 = arith.select %lt3A_360, %select_n3A_359, %select_n3A_340 : vector<512x128xi1>, vector<512x128xf32>
    %select_n3A_363 = arith.select %lt3A_360, %select_n3A_339, %select_n3A_358 : vector<512x128xi1>, vector<512x128xf32>
    %select_n3A_364 = arith.select %lt3A_360, %select_n3A_340, %select_n3A_359 : vector<512x128xi1>, vector<512x128xf32>
    %lt3A_365 = arith.cmpf olt, %select_n3A_363, %select_n3A_344 : vector<512x128xf32>
    %select_n3A_366 = arith.select %lt3A_365, %select_n3A_363, %select_n3A_344 : vector<512x128xi1>, vector<512x128xf32>
    %select_n3A_367 = arith.select %lt3A_365, %select_n3A_364, %select_n3A_345 : vector<512x128xi1>, vector<512x128xf32>
    %select_n3A_368 = arith.select %lt3A_365, %select_n3A_344, %select_n3A_363 : vector<512x128xi1>, vector<512x128xf32>
    %select_n3A_369 = arith.select %lt3A_365, %select_n3A_345, %select_n3A_364 : vector<512x128xi1>, vector<512x128xf32>
    %lt3A_370 = arith.cmpf olt, %select_n3A_368, %select_n3A_349 : vector<512x128xf32>
    %select_n3A_371 = arith.select %lt3A_370, %select_n3A_368, %select_n3A_349 : vector<512x128xi1>, vector<512x128xf32>
    %select_n3A_372 = arith.select %lt3A_370, %select_n3A_369, %select_n3A_350 : vector<512x128xi1>, vector<512x128xf32>
    %slice3A_373 = vector.extract_strided_slice %select_n3A {offsets = [0, 1920], sizes = [512, 128], strides = [1, 1]} : vector<512x2048xf32> to vector<512x128xf32>
    %add3A_374 = arith.constant 1.920000e+03 : f32
    %add3A_375 = vector.broadcast %add3A_374 : f32 to vector<512x128xf32>
    %add3A_376 = arith.addf %convert_element_type3A, %add3A_375 : vector<512x128xf32>
    %lt3A_377 = arith.cmpf olt, %slice3A_373, %select_n3A_356 : vector<512x128xf32>
    %select_n3A_378 = arith.select %lt3A_377, %slice3A_373, %select_n3A_356 : vector<512x128xi1>, vector<512x128xf32>
    %select_n3A_379 = arith.select %lt3A_377, %add3A_376, %select_n3A_357 : vector<512x128xi1>, vector<512x128xf32>
    %select_n3A_380 = arith.select %lt3A_377, %select_n3A_356, %slice3A_373 : vector<512x128xi1>, vector<512x128xf32>
    %select_n3A_381 = arith.select %lt3A_377, %select_n3A_357, %add3A_376 : vector<512x128xi1>, vector<512x128xf32>
    %lt3A_382 = arith.cmpf olt, %select_n3A_380, %select_n3A_361 : vector<512x128xf32>
    %select_n3A_383 = arith.select %lt3A_382, %select_n3A_380, %select_n3A_361 : vector<512x128xi1>, vector<512x128xf32>
    %select_n3A_384 = arith.select %lt3A_382, %select_n3A_381, %select_n3A_362 : vector<512x128xi1>, vector<512x128xf32>
    %select_n3A_385 = arith.select %lt3A_382, %select_n3A_361, %select_n3A_380 : vector<512x128xi1>, vector<512x128xf32>
    %select_n3A_386 = arith.select %lt3A_382, %select_n3A_362, %select_n3A_381 : vector<512x128xi1>, vector<512x128xf32>
    %lt3A_387 = arith.cmpf olt, %select_n3A_385, %select_n3A_366 : vector<512x128xf32>
    %select_n3A_388 = arith.select %lt3A_387, %select_n3A_385, %select_n3A_366 : vector<512x128xi1>, vector<512x128xf32>
    %select_n3A_389 = arith.select %lt3A_387, %select_n3A_386, %select_n3A_367 : vector<512x128xi1>, vector<512x128xf32>
    %select_n3A_390 = arith.select %lt3A_387, %select_n3A_366, %select_n3A_385 : vector<512x128xi1>, vector<512x128xf32>
    %select_n3A_391 = arith.select %lt3A_387, %select_n3A_367, %select_n3A_386 : vector<512x128xi1>, vector<512x128xf32>
    %lt3A_392 = arith.cmpf olt, %select_n3A_390, %select_n3A_371 : vector<512x128xf32>
    %select_n3A_393 = arith.select %lt3A_392, %select_n3A_390, %select_n3A_371 : vector<512x128xi1>, vector<512x128xf32>
    %select_n3A_394 = arith.select %lt3A_392, %select_n3A_391, %select_n3A_372 : vector<512x128xi1>, vector<512x128xf32>
    %reduce_min3A = arith.constant dense<0x7F800000> : vector<512xf32>
    %reduce_min3A_395 = vector.multi_reduction <minimumf>, %select_n3A_378, %reduce_min3A [1] : vector<512x128xf32> to vector<512xf32>
    %broadcast_in_dim3A_396 = vector.shape_cast %reduce_min3A_395 : vector<512xf32> to vector<512x1xf32>
    %eq3A_397 = vector.broadcast %broadcast_in_dim3A_396 : vector<512x1xf32> to vector<512x128xf32>
    %eq3A_398 = arith.cmpf oeq, %select_n3A_378, %eq3A_397 : vector<512x128xf32>
    %jit3A_399 = arith.constant 2.048000e+03 : f32
    %broadcast_in_dim3A_400 = vector.broadcast %jit3A_399 : f32 to vector<512x128xf32>
    %select_n3A_401 = arith.select %eq3A_398, %select_n3A_379, %broadcast_in_dim3A_400 : vector<512x128xi1>, vector<512x128xf32>
    %reduce_min3A_402 = arith.constant dense<0x7F800000> : vector<512xf32>
    %reduce_min3A_403 = vector.multi_reduction <minimumf>, %select_n3A_401, %reduce_min3A_402 [1] : vector<512x128xf32> to vector<512xf32>
    %broadcast_in_dim3A_404 = vector.shape_cast %reduce_min3A_403 : vector<512xf32> to vector<512x1xf32>
    %eq3A_405 = vector.broadcast %broadcast_in_dim3A_404 : vector<512x1xf32> to vector<512x128xf32>
    %eq3A_406 = arith.cmpf oeq, %select_n3A_379, %eq3A_405 : vector<512x128xf32>
    %select_n3A_407 = arith.select %eq3A_406, %select_n3A_383, %select_n3A_378 : vector<512x128xi1>, vector<512x128xf32>
    %select_n3A_408 = arith.select %eq3A_406, %select_n3A_384, %select_n3A_379 : vector<512x128xi1>, vector<512x128xf32>
    %select_n3A_409 = arith.select %eq3A_406, %select_n3A_388, %select_n3A_383 : vector<512x128xi1>, vector<512x128xf32>
    %select_n3A_410 = arith.select %eq3A_406, %select_n3A_389, %select_n3A_384 : vector<512x128xi1>, vector<512x128xf32>
    %select_n3A_411 = arith.select %eq3A_406, %select_n3A_393, %select_n3A_388 : vector<512x128xi1>, vector<512x128xf32>
    %select_n3A_412 = arith.select %eq3A_406, %select_n3A_394, %select_n3A_389 : vector<512x128xi1>, vector<512x128xf32>
    %jit3A_413 = arith.constant 0x7F800000 : f32
    %broadcast_in_dim3A_414 = vector.broadcast %jit3A_413 : f32 to vector<512x128xf32>
    %select_n3A_415 = arith.select %eq3A_406, %broadcast_in_dim3A_414, %select_n3A_393 : vector<512x128xi1>, vector<512x128xf32>
    %jit3A_416 = arith.constant 0.000000e+00 : f32
    %broadcast_in_dim3A_417 = vector.broadcast %jit3A_416 : f32 to vector<512x128xf32>
    %select_n3A_418 = arith.select %eq3A_406, %broadcast_in_dim3A_417, %select_n3A_394 : vector<512x128xi1>, vector<512x128xf32>
    %reduce_min3A_419 = arith.constant dense<0x7F800000> : vector<512xf32>
    %reduce_min3A_420 = vector.multi_reduction <minimumf>, %select_n3A_407, %reduce_min3A_419 [1] : vector<512x128xf32> to vector<512xf32>
    %broadcast_in_dim3A_421 = vector.shape_cast %reduce_min3A_420 : vector<512xf32> to vector<512x1xf32>
    %eq3A_422 = vector.broadcast %broadcast_in_dim3A_421 : vector<512x1xf32> to vector<512x128xf32>
    %eq3A_423 = arith.cmpf oeq, %select_n3A_407, %eq3A_422 : vector<512x128xf32>
    %jit3A_424 = arith.constant 2.048000e+03 : f32
    %broadcast_in_dim3A_425 = vector.broadcast %jit3A_424 : f32 to vector<512x128xf32>
    %select_n3A_426 = arith.select %eq3A_423, %select_n3A_408, %broadcast_in_dim3A_425 : vector<512x128xi1>, vector<512x128xf32>
    %reduce_min3A_427 = arith.constant dense<0x7F800000> : vector<512xf32>
    %reduce_min3A_428 = vector.multi_reduction <minimumf>, %select_n3A_426, %reduce_min3A_427 [1] : vector<512x128xf32> to vector<512xf32>
    %broadcast_in_dim3A_429 = vector.shape_cast %reduce_min3A_428 : vector<512xf32> to vector<512x1xf32>
    %eq3A_430 = vector.broadcast %broadcast_in_dim3A_429 : vector<512x1xf32> to vector<512x128xf32>
    %eq3A_431 = arith.cmpf oeq, %select_n3A_408, %eq3A_430 : vector<512x128xf32>
    %select_n3A_432 = arith.select %eq3A_431, %select_n3A_409, %select_n3A_407 : vector<512x128xi1>, vector<512x128xf32>
    %select_n3A_433 = arith.select %eq3A_431, %select_n3A_410, %select_n3A_408 : vector<512x128xi1>, vector<512x128xf32>
    %select_n3A_434 = arith.select %eq3A_431, %select_n3A_411, %select_n3A_409 : vector<512x128xi1>, vector<512x128xf32>
    %select_n3A_435 = arith.select %eq3A_431, %select_n3A_412, %select_n3A_410 : vector<512x128xi1>, vector<512x128xf32>
    %select_n3A_436 = arith.select %eq3A_431, %select_n3A_415, %select_n3A_411 : vector<512x128xi1>, vector<512x128xf32>
    %select_n3A_437 = arith.select %eq3A_431, %select_n3A_418, %select_n3A_412 : vector<512x128xi1>, vector<512x128xf32>
    %jit3A_438 = arith.constant 0x7F800000 : f32
    %broadcast_in_dim3A_439 = vector.broadcast %jit3A_438 : f32 to vector<512x128xf32>
    %select_n3A_440 = arith.select %eq3A_431, %broadcast_in_dim3A_439, %select_n3A_415 : vector<512x128xi1>, vector<512x128xf32>
    %jit3A_441 = arith.constant 0.000000e+00 : f32
    %broadcast_in_dim3A_442 = vector.broadcast %jit3A_441 : f32 to vector<512x128xf32>
    %select_n3A_443 = arith.select %eq3A_431, %broadcast_in_dim3A_442, %select_n3A_418 : vector<512x128xi1>, vector<512x128xf32>
    %reduce_min3A_444 = arith.constant dense<0x7F800000> : vector<512xf32>
    %reduce_min3A_445 = vector.multi_reduction <minimumf>, %select_n3A_432, %reduce_min3A_444 [1] : vector<512x128xf32> to vector<512xf32>
    %broadcast_in_dim3A_446 = vector.shape_cast %reduce_min3A_445 : vector<512xf32> to vector<512x1xf32>
    %eq3A_447 = vector.broadcast %broadcast_in_dim3A_446 : vector<512x1xf32> to vector<512x128xf32>
    %eq3A_448 = arith.cmpf oeq, %select_n3A_432, %eq3A_447 : vector<512x128xf32>
    %jit3A_449 = arith.constant 2.048000e+03 : f32
    %broadcast_in_dim3A_450 = vector.broadcast %jit3A_449 : f32 to vector<512x128xf32>
    %select_n3A_451 = arith.select %eq3A_448, %select_n3A_433, %broadcast_in_dim3A_450 : vector<512x128xi1>, vector<512x128xf32>
    %reduce_min3A_452 = arith.constant dense<0x7F800000> : vector<512xf32>
    %reduce_min3A_453 = vector.multi_reduction <minimumf>, %select_n3A_451, %reduce_min3A_452 [1] : vector<512x128xf32> to vector<512xf32>
    %broadcast_in_dim3A_454 = vector.shape_cast %reduce_min3A_453 : vector<512xf32> to vector<512x1xf32>
    %eq3A_455 = vector.broadcast %broadcast_in_dim3A_454 : vector<512x1xf32> to vector<512x128xf32>
    %eq3A_456 = arith.cmpf oeq, %select_n3A_433, %eq3A_455 : vector<512x128xf32>
    %select_n3A_457 = arith.select %eq3A_456, %select_n3A_434, %select_n3A_432 : vector<512x128xi1>, vector<512x128xf32>
    %select_n3A_458 = arith.select %eq3A_456, %select_n3A_435, %select_n3A_433 : vector<512x128xi1>, vector<512x128xf32>
    %select_n3A_459 = arith.select %eq3A_456, %select_n3A_436, %select_n3A_434 : vector<512x128xi1>, vector<512x128xf32>
    %select_n3A_460 = arith.select %eq3A_456, %select_n3A_437, %select_n3A_435 : vector<512x128xi1>, vector<512x128xf32>
    %select_n3A_461 = arith.select %eq3A_456, %select_n3A_440, %select_n3A_436 : vector<512x128xi1>, vector<512x128xf32>
    %select_n3A_462 = arith.select %eq3A_456, %select_n3A_443, %select_n3A_437 : vector<512x128xi1>, vector<512x128xf32>
    %jit3A_463 = arith.constant 0x7F800000 : f32
    %broadcast_in_dim3A_464 = vector.broadcast %jit3A_463 : f32 to vector<512x128xf32>
    %select_n3A_465 = arith.select %eq3A_456, %broadcast_in_dim3A_464, %select_n3A_440 : vector<512x128xi1>, vector<512x128xf32>
    %jit3A_466 = arith.constant 0.000000e+00 : f32
    %broadcast_in_dim3A_467 = vector.broadcast %jit3A_466 : f32 to vector<512x128xf32>
    %select_n3A_468 = arith.select %eq3A_456, %broadcast_in_dim3A_467, %select_n3A_443 : vector<512x128xi1>, vector<512x128xf32>
    %reduce_min3A_469 = arith.constant dense<0x7F800000> : vector<512xf32>
    %reduce_min3A_470 = vector.multi_reduction <minimumf>, %select_n3A_457, %reduce_min3A_469 [1] : vector<512x128xf32> to vector<512xf32>
    %broadcast_in_dim3A_471 = vector.shape_cast %reduce_min3A_470 : vector<512xf32> to vector<512x1xf32>
    %eq3A_472 = vector.broadcast %broadcast_in_dim3A_471 : vector<512x1xf32> to vector<512x128xf32>
    %eq3A_473 = arith.cmpf oeq, %select_n3A_457, %eq3A_472 : vector<512x128xf32>
    %jit3A_474 = arith.constant 2.048000e+03 : f32
    %broadcast_in_dim3A_475 = vector.broadcast %jit3A_474 : f32 to vector<512x128xf32>
    %select_n3A_476 = arith.select %eq3A_473, %select_n3A_458, %broadcast_in_dim3A_475 : vector<512x128xi1>, vector<512x128xf32>
    %reduce_min3A_477 = arith.constant dense<0x7F800000> : vector<512xf32>
    %reduce_min3A_478 = vector.multi_reduction <minimumf>, %select_n3A_476, %reduce_min3A_477 [1] : vector<512x128xf32> to vector<512xf32>
    %broadcast_in_dim3A_479 = vector.shape_cast %reduce_min3A_478 : vector<512xf32> to vector<512x1xf32>
    %eq3A_480 = vector.broadcast %broadcast_in_dim3A_479 : vector<512x1xf32> to vector<512x128xf32>
    %eq3A_481 = arith.cmpf oeq, %select_n3A_458, %eq3A_480 : vector<512x128xf32>
    %select_n3A_482 = arith.select %eq3A_481, %select_n3A_459, %select_n3A_457 : vector<512x128xi1>, vector<512x128xf32>
    %select_n3A_483 = arith.select %eq3A_481, %select_n3A_460, %select_n3A_458 : vector<512x128xi1>, vector<512x128xf32>
    %select_n3A_484 = arith.select %eq3A_481, %select_n3A_461, %select_n3A_459 : vector<512x128xi1>, vector<512x128xf32>
    %select_n3A_485 = arith.select %eq3A_481, %select_n3A_462, %select_n3A_460 : vector<512x128xi1>, vector<512x128xf32>
    %select_n3A_486 = arith.select %eq3A_481, %select_n3A_465, %select_n3A_461 : vector<512x128xi1>, vector<512x128xf32>
    %select_n3A_487 = arith.select %eq3A_481, %select_n3A_468, %select_n3A_462 : vector<512x128xi1>, vector<512x128xf32>
    %jit3A_488 = arith.constant 0x7F800000 : f32
    %broadcast_in_dim3A_489 = vector.broadcast %jit3A_488 : f32 to vector<512x128xf32>
    %select_n3A_490 = arith.select %eq3A_481, %broadcast_in_dim3A_489, %select_n3A_465 : vector<512x128xi1>, vector<512x128xf32>
    %jit3A_491 = arith.constant 0.000000e+00 : f32
    %broadcast_in_dim3A_492 = vector.broadcast %jit3A_491 : f32 to vector<512x128xf32>
    %select_n3A_493 = arith.select %eq3A_481, %broadcast_in_dim3A_492, %select_n3A_468 : vector<512x128xi1>, vector<512x128xf32>
    %reduce_min3A_494 = arith.constant dense<0x7F800000> : vector<512xf32>
    %reduce_min3A_495 = vector.multi_reduction <minimumf>, %select_n3A_482, %reduce_min3A_494 [1] : vector<512x128xf32> to vector<512xf32>
    %broadcast_in_dim3A_496 = vector.shape_cast %reduce_min3A_495 : vector<512xf32> to vector<512x1xf32>
    %eq3A_497 = vector.broadcast %broadcast_in_dim3A_496 : vector<512x1xf32> to vector<512x128xf32>
    %eq3A_498 = arith.cmpf oeq, %select_n3A_482, %eq3A_497 : vector<512x128xf32>
    %jit3A_499 = arith.constant 2.048000e+03 : f32
    %broadcast_in_dim3A_500 = vector.broadcast %jit3A_499 : f32 to vector<512x128xf32>
    %select_n3A_501 = arith.select %eq3A_498, %select_n3A_483, %broadcast_in_dim3A_500 : vector<512x128xi1>, vector<512x128xf32>
    %reduce_min3A_502 = arith.constant dense<0x7F800000> : vector<512xf32>
    %reduce_min3A_503 = vector.multi_reduction <minimumf>, %select_n3A_501, %reduce_min3A_502 [1] : vector<512x128xf32> to vector<512xf32>
    %broadcast_in_dim3A_504 = vector.shape_cast %reduce_min3A_503 : vector<512xf32> to vector<512x1xf32>
    %eq3A_505 = vector.broadcast %broadcast_in_dim3A_504 : vector<512x1xf32> to vector<512x128xf32>
    %eq3A_506 = arith.cmpf oeq, %select_n3A_483, %eq3A_505 : vector<512x128xf32>
    %select_n3A_507 = arith.select %eq3A_506, %select_n3A_484, %select_n3A_482 : vector<512x128xi1>, vector<512x128xf32>
    %select_n3A_508 = arith.select %eq3A_506, %select_n3A_485, %select_n3A_483 : vector<512x128xi1>, vector<512x128xf32>
    %select_n3A_509 = arith.select %eq3A_506, %select_n3A_486, %select_n3A_484 : vector<512x128xi1>, vector<512x128xf32>
    %select_n3A_510 = arith.select %eq3A_506, %select_n3A_487, %select_n3A_485 : vector<512x128xi1>, vector<512x128xf32>
    %select_n3A_511 = arith.select %eq3A_506, %select_n3A_490, %select_n3A_486 : vector<512x128xi1>, vector<512x128xf32>
    %select_n3A_512 = arith.select %eq3A_506, %select_n3A_493, %select_n3A_487 : vector<512x128xi1>, vector<512x128xf32>
    %jit3A_513 = arith.constant 0x7F800000 : f32
    %broadcast_in_dim3A_514 = vector.broadcast %jit3A_513 : f32 to vector<512x128xf32>
    %select_n3A_515 = arith.select %eq3A_506, %broadcast_in_dim3A_514, %select_n3A_490 : vector<512x128xi1>, vector<512x128xf32>
    %jit3A_516 = arith.constant 0.000000e+00 : f32
    %broadcast_in_dim3A_517 = vector.broadcast %jit3A_516 : f32 to vector<512x128xf32>
    %select_n3A_518 = arith.select %eq3A_506, %broadcast_in_dim3A_517, %select_n3A_493 : vector<512x128xi1>, vector<512x128xf32>
    %reduce_min3A_519 = arith.constant dense<0x7F800000> : vector<512xf32>
    %reduce_min3A_520 = vector.multi_reduction <minimumf>, %select_n3A_507, %reduce_min3A_519 [1] : vector<512x128xf32> to vector<512xf32>
    %broadcast_in_dim3A_521 = vector.shape_cast %reduce_min3A_520 : vector<512xf32> to vector<512x1xf32>
    %eq3A_522 = vector.broadcast %broadcast_in_dim3A_521 : vector<512x1xf32> to vector<512x128xf32>
    %eq3A_523 = arith.cmpf oeq, %select_n3A_507, %eq3A_522 : vector<512x128xf32>
    %jit3A_524 = arith.constant 2.048000e+03 : f32
    %broadcast_in_dim3A_525 = vector.broadcast %jit3A_524 : f32 to vector<512x128xf32>
    %select_n3A_526 = arith.select %eq3A_523, %select_n3A_508, %broadcast_in_dim3A_525 : vector<512x128xi1>, vector<512x128xf32>
    %reduce_min3A_527 = arith.constant dense<0x7F800000> : vector<512xf32>
    %reduce_min3A_528 = vector.multi_reduction <minimumf>, %select_n3A_526, %reduce_min3A_527 [1] : vector<512x128xf32> to vector<512xf32>
    %broadcast_in_dim3A_529 = vector.shape_cast %reduce_min3A_528 : vector<512xf32> to vector<512x1xf32>
    %eq3A_530 = vector.broadcast %broadcast_in_dim3A_529 : vector<512x1xf32> to vector<512x128xf32>
    %eq3A_531 = arith.cmpf oeq, %select_n3A_508, %eq3A_530 : vector<512x128xf32>
    %select_n3A_532 = arith.select %eq3A_531, %select_n3A_509, %select_n3A_507 : vector<512x128xi1>, vector<512x128xf32>
    %select_n3A_533 = arith.select %eq3A_531, %select_n3A_510, %select_n3A_508 : vector<512x128xi1>, vector<512x128xf32>
    %select_n3A_534 = arith.select %eq3A_531, %select_n3A_511, %select_n3A_509 : vector<512x128xi1>, vector<512x128xf32>
    %select_n3A_535 = arith.select %eq3A_531, %select_n3A_512, %select_n3A_510 : vector<512x128xi1>, vector<512x128xf32>
    %select_n3A_536 = arith.select %eq3A_531, %select_n3A_515, %select_n3A_511 : vector<512x128xi1>, vector<512x128xf32>
    %select_n3A_537 = arith.select %eq3A_531, %select_n3A_518, %select_n3A_512 : vector<512x128xi1>, vector<512x128xf32>
    %reduce_min3A_538 = arith.constant dense<0x7F800000> : vector<512xf32>
    %reduce_min3A_539 = vector.multi_reduction <minimumf>, %select_n3A_532, %reduce_min3A_538 [1] : vector<512x128xf32> to vector<512xf32>
    %broadcast_in_dim3A_540 = vector.shape_cast %reduce_min3A_539 : vector<512xf32> to vector<512x1xf32>
    %eq3A_541 = vector.broadcast %broadcast_in_dim3A_540 : vector<512x1xf32> to vector<512x128xf32>
    %eq3A_542 = arith.cmpf oeq, %select_n3A_532, %eq3A_541 : vector<512x128xf32>
    %jit3A_543 = arith.constant 2.048000e+03 : f32
    %broadcast_in_dim3A_544 = vector.broadcast %jit3A_543 : f32 to vector<512x128xf32>
    %select_n3A_545 = arith.select %eq3A_542, %select_n3A_533, %broadcast_in_dim3A_544 : vector<512x128xi1>, vector<512x128xf32>
    %reduce_min3A_546 = arith.constant dense<0x7F800000> : vector<512xf32>
    %reduce_min3A_547 = vector.multi_reduction <minimumf>, %select_n3A_545, %reduce_min3A_546 [1] : vector<512x128xf32> to vector<512xf32>
    %broadcast_in_dim3A_548 = vector.shape_cast %reduce_min3A_547 : vector<512xf32> to vector<512x1xf32>
    %eq3A_549 = vector.broadcast %broadcast_in_dim3A_548 : vector<512x1xf32> to vector<512x128xf32>
    %eq3A_550 = arith.cmpf oeq, %select_n3A_533, %eq3A_549 : vector<512x128xf32>
    %select_n3A_551 = arith.select %eq3A_550, %select_n3A_534, %select_n3A_532 : vector<512x128xi1>, vector<512x128xf32>
    %select_n3A_552 = arith.select %eq3A_550, %select_n3A_535, %select_n3A_533 : vector<512x128xi1>, vector<512x128xf32>
    %select_n3A_553 = arith.select %eq3A_550, %select_n3A_536, %select_n3A_534 : vector<512x128xi1>, vector<512x128xf32>
    %select_n3A_554 = arith.select %eq3A_550, %select_n3A_537, %select_n3A_535 : vector<512x128xi1>, vector<512x128xf32>
    %reduce_min3A_555 = arith.constant dense<0x7F800000> : vector<512xf32>
    %reduce_min3A_556 = vector.multi_reduction <minimumf>, %select_n3A_551, %reduce_min3A_555 [1] : vector<512x128xf32> to vector<512xf32>
    %broadcast_in_dim3A_557 = vector.shape_cast %reduce_min3A_556 : vector<512xf32> to vector<512x1xf32>
    %eq3A_558 = vector.broadcast %broadcast_in_dim3A_557 : vector<512x1xf32> to vector<512x128xf32>
    %eq3A_559 = arith.cmpf oeq, %select_n3A_551, %eq3A_558 : vector<512x128xf32>
    %jit3A_560 = arith.constant 2.048000e+03 : f32
    %broadcast_in_dim3A_561 = vector.broadcast %jit3A_560 : f32 to vector<512x128xf32>
    %select_n3A_562 = arith.select %eq3A_559, %select_n3A_552, %broadcast_in_dim3A_561 : vector<512x128xi1>, vector<512x128xf32>
    %reduce_min3A_563 = arith.constant dense<0x7F800000> : vector<512xf32>
    %reduce_min3A_564 = vector.multi_reduction <minimumf>, %select_n3A_562, %reduce_min3A_563 [1] : vector<512x128xf32> to vector<512xf32>
    %broadcast_in_dim3A_565 = vector.shape_cast %reduce_min3A_564 : vector<512xf32> to vector<512x1xf32>
    %eq3A_566 = vector.broadcast %broadcast_in_dim3A_565 : vector<512x1xf32> to vector<512x128xf32>
    %eq3A_567 = arith.cmpf oeq, %select_n3A_552, %eq3A_566 : vector<512x128xf32>
    %select_n3A_568 = arith.select %eq3A_567, %select_n3A_553, %select_n3A_551 : vector<512x128xi1>, vector<512x128xf32>
    %select_n3A_569 = arith.select %eq3A_567, %select_n3A_554, %select_n3A_552 : vector<512x128xi1>, vector<512x128xf32>
    %reduce_min3A_570 = arith.constant dense<0x7F800000> : vector<512xf32>
    %reduce_min3A_571 = vector.multi_reduction <minimumf>, %select_n3A_568, %reduce_min3A_570 [1] : vector<512x128xf32> to vector<512xf32>
    %broadcast_in_dim3A_572 = vector.shape_cast %reduce_min3A_571 : vector<512xf32> to vector<512x1xf32>
    %eq3A_573 = vector.broadcast %broadcast_in_dim3A_572 : vector<512x1xf32> to vector<512x128xf32>
    %eq3A_574 = arith.cmpf oeq, %select_n3A_568, %eq3A_573 : vector<512x128xf32>
    %jit3A_575 = arith.constant 2.048000e+03 : f32
    %broadcast_in_dim3A_576 = vector.broadcast %jit3A_575 : f32 to vector<512x128xf32>
    %select_n3A_577 = arith.select %eq3A_574, %select_n3A_569, %broadcast_in_dim3A_576 : vector<512x128xi1>, vector<512x128xf32>
    %reduce_min3A_578 = arith.constant dense<0x7F800000> : vector<512xf32>
    %reduce_min3A_579 = vector.multi_reduction <minimumf>, %select_n3A_577, %reduce_min3A_578 [1] : vector<512x128xf32> to vector<512xf32>
    %broadcast_in_dim3A_580 = vector.shape_cast %reduce_min3A_579 : vector<512xf32> to vector<512x1xf32>
    %concatenate3A = tpu.concatenate %broadcast_in_dim3A_404, %broadcast_in_dim3A_429, %broadcast_in_dim3A_454, %broadcast_in_dim3A_479, %broadcast_in_dim3A_504, %broadcast_in_dim3A_529, %broadcast_in_dim3A_548, %broadcast_in_dim3A_565, %broadcast_in_dim3A_580 in 1 : vector<512x1xf32>, vector<512x1xf32>, vector<512x1xf32>, vector<512x1xf32>, vector<512x1xf32>, vector<512x1xf32>, vector<512x1xf32>, vector<512x1xf32>, vector<512x1xf32> -> vector<512x9xf32>
    %convert_element_type3A_581 = arith.fptosi %concatenate3A : vector<512x9xf32> to vector<512x9xi32>
    %mul3A_582 = arith.constant 2048 : i32
    %mul3A_583 = arith.muli %arg0, %mul3A_582 : i32
    %add3A_584 = vector.broadcast %mul3A_583 : i32 to vector<512x9xi32>
    %add3A_585 = arith.addi %convert_element_type3A_581, %add3A_584 : vector<512x9xi32>
    %transpose3A = tpu.transpose %add3A_585, [1, 0] : vector<512x9xi32> -> vector<9x512xi32>
    %swap3A = arith.constant 0 : index
    %swap3A_586 = arith.constant 0 : index
    %swap3A_587 = vector.load %arg5[%swap3A, %swap3A_586] : memref<9x512xi32, #tpu.memory_space<vmem>>, vector<9x512xi32>
    tpu.vector_store %arg5[%swap3A, %swap3A_586], %transpose3A {strides = array<i32>} : memref<9x512xi32, #tpu.memory_space<vmem>>, vector<9x512xi32>,
    return
  }
  func.func @transform_0(%arg0: i32, %arg1: i32) -> (i32, i32, i32) {
    %c0_i32 = arith.constant 0 : i32
    %c0_i32_0 = arith.constant 0 : i32
    return %arg0, %arg1, %c0_i32 : i32, i32, i32
  }
  func.func @transform_1(%arg0: i32, %arg1: i32) -> (i32, i32, i32) {
    %c0_i32 = arith.constant 0 : i32
    %c0_i32_0 = arith.constant 0 : i32
    %c0_i32_1 = arith.constant 0 : i32
    return %arg0, %c0_i32, %c0_i32_0 : i32, i32, i32
  }
  func.func @transform_2(%arg0: i32, %arg1: i32) -> (i32, i32, i32) {
    %c0_i32 = arith.constant 0 : i32
    %c0_i32_0 = arith.constant 0 : i32
    %c0_i32_1 = arith.constant 0 : i32
    return %arg0, %c0_i32, %c0_i32_0 : i32, i32, i32
  }
  func.func @transform_3(%arg0: i32, %arg1: i32) -> (i32, i32) {
    %mul3A = arith.constant 4 : i32
    %mul3A_0 = arith.muli %arg0, %mul3A : i32
    %add3A = arith.addi %mul3A_0, %arg1 : i32
    %c0_i32 = arith.constant 0 : i32
    %c0_i32_1 = arith.constant 0 : i32
    return %c0_i32, %add3A : i32, i32
  }
}

module attributes {stable_mosaic.version = 14 : i64} {
  func.func @_agg_body(%arg0: i32, %arg1: memref<512x128xf32, #tpu.memory_space<vmem>>, %arg2: memref<512x128xf32, #tpu.memory_space<vmem>>, %arg3: memref<512x128xf32, #tpu.memory_space<vmem>>, %arg4: memref<512x128xf32, #tpu.memory_space<vmem>>, %arg5: memref<512x128xf32, #tpu.memory_space<vmem>>, %arg6: memref<512x128xf32, #tpu.memory_space<vmem>>, %arg7: memref<512x128xf32, #tpu.memory_space<vmem>>, %arg8: memref<512x128xf32, #tpu.memory_space<vmem>>, %arg9: memref<512x128xf32, #tpu.memory_space<vmem>>, %arg10: memref<512x128xi32, #tpu.memory_space<vmem>>, %arg11: memref<512x128xi32, #tpu.memory_space<vmem>>, %arg12: memref<512x128xi32, #tpu.memory_space<vmem>>, %arg13: memref<512x128xi32, #tpu.memory_space<vmem>>, %arg14: memref<512x128xi32, #tpu.memory_space<vmem>>, %arg15: memref<512x128xi32, #tpu.memory_space<vmem>>, %arg16: memref<512x128xi32, #tpu.memory_space<vmem>>, %arg17: memref<512x128xi32, #tpu.memory_space<vmem>>, %arg18: memref<512x128xi32, #tpu.memory_space<vmem>>, %arg19: memref<512x128xf32, #tpu.memory_space<vmem>>, %arg20: memref<512x256xf32, #tpu.memory_space<vmem>>, %arg21: memref<8x128xf32, #tpu.memory_space<vmem>>, %arg22: memref<1x128xf32, #tpu.memory_space<vmem>>, %arg23: memref<1x128xf32, #tpu.memory_space<vmem>>, %arg24: memref<1x128xf32, #tpu.memory_space<vmem>>, %arg25: memref<1x1xf32, #tpu.memory_space<vmem>>, %arg26: memref<256x512xf32, #tpu.memory_space<vmem>>, %arg27: memref<1x256xf32, #tpu.memory_space<vmem>>, %arg28: memref<512x256xf32, #tpu.memory_space<vmem>>, %arg29: memref<8x256xf32, #tpu.memory_space<vmem>>) attributes {dimension_semantics = [#tpu.dimension_semantics<arbitrary>], iteration_bounds = array<i64: 16>, scalar_prefetch = 0 : i64, scratch_operands = 0 : i64, tpu.core_type = #tpu.core_type<tc>, window_params = [{transform_indices = @transform_0, window_bounds = array<i64: 512, 128>}, {transform_indices = @transform_1, window_bounds = array<i64: 512, 128>}, {transform_indices = @transform_2, window_bounds = array<i64: 512, 128>}, {transform_indices = @transform_3, window_bounds = array<i64: 512, 128>}, {transform_indices = @transform_4, window_bounds = array<i64: 512, 128>}, {transform_indices = @transform_5, window_bounds = array<i64: 512, 128>}, {transform_indices = @transform_6, window_bounds = array<i64: 512, 128>}, {transform_indices = @transform_7, window_bounds = array<i64: 512, 128>}, {transform_indices = @transform_8, window_bounds = array<i64: 512, 128>}, {transform_indices = @transform_9, window_bounds = array<i64: 512, 128>}, {transform_indices = @transform_10, window_bounds = array<i64: 512, 128>}, {transform_indices = @transform_11, window_bounds = array<i64: 512, 128>}, {transform_indices = @transform_12, window_bounds = array<i64: 512, 128>}, {transform_indices = @transform_13, window_bounds = array<i64: 512, 128>}, {transform_indices = @transform_14, window_bounds = array<i64: 512, 128>}, {transform_indices = @transform_15, window_bounds = array<i64: 512, 128>}, {transform_indices = @transform_16, window_bounds = array<i64: 512, 128>}, {transform_indices = @transform_17, window_bounds = array<i64: 512, 128>}, {transform_indices = @transform_18, window_bounds = array<i64: 512, 128>}, {transform_indices = @transform_19, window_bounds = array<i64: 512, 256>}, {pipeline_mode = #tpu.pipeline_mode<synchronous>, transform_indices = @transform_20, window_bounds = array<i64: 8, 128>}, {pipeline_mode = #tpu.pipeline_mode<synchronous>, transform_indices = @transform_21, window_bounds = array<i64: 1, 128>}, {pipeline_mode = #tpu.pipeline_mode<synchronous>, transform_indices = @transform_22, window_bounds = array<i64: 1, 128>}, {pipeline_mode = #tpu.pipeline_mode<synchronous>, transform_indices = @transform_23, window_bounds = array<i64: 1, 128>}, {pipeline_mode = #tpu.pipeline_mode<synchronous>, transform_indices = @transform_24, window_bounds = array<i64: 1, 1>}, {pipeline_mode = #tpu.pipeline_mode<synchronous>, transform_indices = @transform_25, window_bounds = array<i64: 256, 512>}, {pipeline_mode = #tpu.pipeline_mode<synchronous>, transform_indices = @transform_26, window_bounds = array<i64: 1, 256>}, {transform_indices = @transform_27, window_bounds = array<i64: 512, 256>}, {pipeline_mode = #tpu.pipeline_mode<synchronous>, transform_indices = @transform_28, window_bounds = array<i64: 8, 256>}]} {
    %get3A = arith.constant 0 : index
    %get3A_0 = arith.constant 0 : index
    %get3A_1 = vector.load %arg21[%get3A, %get3A_0] : memref<8x128xf32, #tpu.memory_space<vmem>>, vector<1x128xf32>
    %div3A = arith.constant 7.372800e+04 : f32
    %div3A_2 = vector.broadcast %div3A : f32 to vector<1x128xf32>
    %div3A_3 = arith.divf %get3A_1, %div3A_2 : vector<1x128xf32>
    %get3A_4 = arith.constant 1 : index
    %get3A_5 = arith.constant 0 : index
    %get3A_6 = vector.load %arg21[%get3A_4, %get3A_5] : memref<8x128xf32, #tpu.memory_space<vmem>>, vector<1x128xf32>
    %div3A_7 = arith.constant 7.372800e+04 : f32
    %div3A_8 = vector.broadcast %div3A_7 : f32 to vector<1x128xf32>
    %div3A_9 = arith.divf %get3A_6, %div3A_8 : vector<1x128xf32>
    %mul3A = arith.mulf %div3A_3, %div3A_3 : vector<1x128xf32>
    %sub3A = arith.subf %div3A_9, %mul3A : vector<1x128xf32>
    %get3A_10 = arith.constant 0 : index
    %get3A_11 = arith.constant 0 : index
    %get3A_12 = vector.load %arg22[%get3A_10, %get3A_11] : memref<1x128xf32, #tpu.memory_space<vmem>>, vector<1x128xf32>
    %add3A = arith.constant 9.99999974E-6 : f32
    %add3A_13 = vector.broadcast %add3A : f32 to vector<1x128xf32>
    %add3A_14 = arith.addf %sub3A, %add3A_13 : vector<1x128xf32>
    %rsqrt3A = math.rsqrt %add3A_14 : vector<1x128xf32>
    %mul3A_15 = arith.mulf %get3A_12, %rsqrt3A : vector<1x128xf32>
    %get3A_16 = arith.constant 0 : index
    %get3A_17 = arith.constant 0 : index
    %get3A_18 = vector.load %arg23[%get3A_16, %get3A_17] : memref<1x128xf32, #tpu.memory_space<vmem>>, vector<1x128xf32>
    %mul3A_19 = arith.mulf %div3A_3, %mul3A_15 : vector<1x128xf32>
    %sub3A_20 = arith.subf %get3A_18, %mul3A_19 : vector<1x128xf32>
    %get3A_21 = arith.constant 0 : index
    %get3A_22 = arith.constant 0 : index
    %get3A_23 = vector.load %arg24[%get3A_21, %get3A_22] : memref<1x128xf32, #tpu.memory_space<vmem>>, vector<1x128xf32>
    %get3A_24 = arith.constant 0 : index
    %get3A_25 = arith.constant 0 : index
    %get3A_26 = vector.load %arg25[%get3A_24, %get3A_25] : memref<1x1xf32, #tpu.memory_space<vmem>>, vector<1x1xf32>
    %get3A_27 = arith.constant 0 : index
    %get3A_28 = arith.constant 0 : index
    %get3A_29 = vector.load %arg26[%get3A_27, %get3A_28] : memref<256x512xf32, #tpu.memory_space<vmem>>, vector<256x512xf32>
    %slice3A = vector.extract_strided_slice %get3A_29 {offsets = [0, 0], sizes = [256, 256], strides = [1, 1]} : vector<256x512xf32> to vector<256x256xf32>
    %slice3A_30 = vector.extract_strided_slice %get3A_29 {offsets = [0, 256], sizes = [256, 256], strides = [1, 1]} : vector<256x512xf32> to vector<256x256xf32>
    %get3A_31 = arith.constant 0 : index
    %get3A_32 = arith.constant 0 : index
    %get3A_33 = vector.load %arg19[%get3A_31, %get3A_32] : memref<512x128xf32, #tpu.memory_space<vmem>>, vector<512x128xf32>
    %get3A_34 = arith.constant 0 : index
    %get3A_35 = arith.constant 0 : index
    %get3A_36 = vector.load %arg20[%get3A_34, %get3A_35] : memref<512x256xf32, #tpu.memory_space<vmem>>, vector<512x256xf32>
    %broadcast_in_dim3A = arith.constant 0.000000e+00 : f32
    %broadcast_in_dim3A_37 = vector.broadcast %broadcast_in_dim3A : f32 to vector<512x128xf32>
    %broadcast_in_dim3A_38 = arith.constant 0.000000e+00 : f32
    %broadcast_in_dim3A_39 = vector.broadcast %broadcast_in_dim3A_38 : f32 to vector<512x128xf32>
    %broadcast_in_dim3A_40 = arith.constant 0.000000e+00 : f32
    %broadcast_in_dim3A_41 = vector.broadcast %broadcast_in_dim3A_40 : f32 to vector<512x1xf32>
    %get3A_42 = arith.constant 0 : index
    %get3A_43 = arith.constant 0 : index
    %get3A_44 = vector.load %arg1[%get3A_42, %get3A_43] : memref<512x128xf32, #tpu.memory_space<vmem>>, vector<512x128xf32>
    %sub3A_45 = arith.subf %get3A_44, %get3A_33 : vector<512x128xf32>
    %mul3A_46 = vector.broadcast %mul3A_15 : vector<1x128xf32> to vector<512x128xf32>
    %mul3A_47 = arith.mulf %sub3A_45, %mul3A_46 : vector<512x128xf32>
    %add3A_48 = vector.broadcast %sub3A_20 : vector<1x128xf32> to vector<512x128xf32>
    %add3A_49 = arith.addf %mul3A_47, %add3A_48 : vector<512x128xf32>
    %mul3A_50 = arith.constant 5.000000e-01 : f32
    %mul3A_51 = vector.broadcast %mul3A_50 : f32 to vector<512x128xf32>
    %mul3A_52 = arith.mulf %mul3A_51, %add3A_49 : vector<512x128xf32>
    %mul3A_53 = arith.constant 0.707106769 : f32
    %mul3A_54 = vector.broadcast %mul3A_53 : f32 to vector<512x128xf32>
    %mul3A_55 = arith.mulf %add3A_49, %mul3A_54 : vector<512x128xf32>
    %erf3A = math.erf %mul3A_55 : vector<512x128xf32>
    %add3A_56 = arith.constant 1.000000e+00 : f32
    %add3A_57 = vector.broadcast %add3A_56 : f32 to vector<512x128xf32>
    %add3A_58 = arith.addf %add3A_57, %erf3A : vector<512x128xf32>
    %mul3A_59 = arith.mulf %mul3A_52, %add3A_58 : vector<512x128xf32>
    %mul3A_60 = vector.broadcast %get3A_23 : vector<1x128xf32> to vector<512x128xf32>
    %mul3A_61 = arith.mulf %mul3A_59, %mul3A_60 : vector<512x128xf32>
    %reduce_sum3A = arith.constant dense<0.000000e+00> : vector<512xf32>
    %reduce_sum3A_62 = vector.multi_reduction <add>, %mul3A_61, %reduce_sum3A [1] : vector<512x128xf32> to vector<512xf32>
    %broadcast_in_dim3A_63 = vector.shape_cast %reduce_sum3A_62 : vector<512xf32> to vector<512x1xf32>
    %add3A_64 = vector.broadcast %get3A_26 : vector<1x1xf32> to vector<512x1xf32>
    %add3A_65 = arith.addf %broadcast_in_dim3A_63, %add3A_64 : vector<512x1xf32>
    %neg3A = arith.constant 0.000000e+00 : f32
    %neg3A_66 = vector.broadcast %neg3A : f32 to vector<512x1xf32>
    %neg3A_67 = arith.subf %neg3A_66, %add3A_65 : vector<512x1xf32>
    %exp3A = math.exp %neg3A_67 : vector<512x1xf32>
    %add3A_68 = arith.constant 1.000000e+00 : f32
    %add3A_69 = vector.broadcast %add3A_68 : f32 to vector<512x1xf32>
    %add3A_70 = arith.addf %add3A_69, %exp3A : vector<512x1xf32>
    %div3A_71 = arith.constant 1.000000e+00 : f32
    %div3A_72 = vector.broadcast %div3A_71 : f32 to vector<512x1xf32>
    %div3A_73 = arith.divf %div3A_72, %add3A_70 : vector<512x1xf32>
    %get3A_74 = arith.constant 0 : index
    %get3A_75 = arith.constant 0 : index
    %get3A_76 = vector.load %arg10[%get3A_74, %get3A_75] : memref<512x128xi32, #tpu.memory_space<vmem>>, vector<512x128xi32>
    %shift_left3A = arith.constant 16 : i32
    %shift_left3A_77 = vector.broadcast %shift_left3A : i32 to vector<512x128xi32>
    %shift_left3A_78 = arith.shli %get3A_76, %shift_left3A_77 : vector<512x128xi32>
    %bitcast_convert_type3A = tpu.bitcast %shift_left3A_78 : vector<512x128xi32> -> vector<512x128xf32>
    %and3A = arith.constant -65536 : i32
    %and3A_79 = vector.broadcast %and3A : i32 to vector<512x128xi32>
    %and3A_80 = arith.andi %get3A_76, %and3A_79 : vector<512x128xi32>
    %bitcast_convert_type3A_81 = tpu.bitcast %and3A_80 : vector<512x128xi32> -> vector<512x128xf32>
    %mul3A_82 = vector.broadcast %div3A_73 : vector<512x1xf32> to vector<512x128xf32>
    %mul3A_83 = arith.mulf %mul3A_82, %bitcast_convert_type3A : vector<512x128xf32>
    %add3A_84 = arith.addf %broadcast_in_dim3A_37, %mul3A_83 : vector<512x128xf32>
    %mul3A_85 = vector.broadcast %div3A_73 : vector<512x1xf32> to vector<512x128xf32>
    %mul3A_86 = arith.mulf %mul3A_85, %bitcast_convert_type3A_81 : vector<512x128xf32>
    %add3A_87 = arith.addf %broadcast_in_dim3A_39, %mul3A_86 : vector<512x128xf32>
    %add3A_88 = arith.addf %broadcast_in_dim3A_41, %div3A_73 : vector<512x1xf32>
    %get3A_89 = arith.constant 0 : index
    %get3A_90 = arith.constant 0 : index
    %get3A_91 = vector.load %arg2[%get3A_89, %get3A_90] : memref<512x128xf32, #tpu.memory_space<vmem>>, vector<512x128xf32>
    %sub3A_92 = arith.subf %get3A_91, %get3A_33 : vector<512x128xf32>
    %mul3A_93 = vector.broadcast %mul3A_15 : vector<1x128xf32> to vector<512x128xf32>
    %mul3A_94 = arith.mulf %sub3A_92, %mul3A_93 : vector<512x128xf32>
    %add3A_95 = vector.broadcast %sub3A_20 : vector<1x128xf32> to vector<512x128xf32>
    %add3A_96 = arith.addf %mul3A_94, %add3A_95 : vector<512x128xf32>
    %mul3A_97 = arith.constant 5.000000e-01 : f32
    %mul3A_98 = vector.broadcast %mul3A_97 : f32 to vector<512x128xf32>
    %mul3A_99 = arith.mulf %mul3A_98, %add3A_96 : vector<512x128xf32>
    %mul3A_100 = arith.constant 0.707106769 : f32
    %mul3A_101 = vector.broadcast %mul3A_100 : f32 to vector<512x128xf32>
    %mul3A_102 = arith.mulf %add3A_96, %mul3A_101 : vector<512x128xf32>
    %erf3A_103 = math.erf %mul3A_102 : vector<512x128xf32>
    %add3A_104 = arith.constant 1.000000e+00 : f32
    %add3A_105 = vector.broadcast %add3A_104 : f32 to vector<512x128xf32>
    %add3A_106 = arith.addf %add3A_105, %erf3A_103 : vector<512x128xf32>
    %mul3A_107 = arith.mulf %mul3A_99, %add3A_106 : vector<512x128xf32>
    %mul3A_108 = vector.broadcast %get3A_23 : vector<1x128xf32> to vector<512x128xf32>
    %mul3A_109 = arith.mulf %mul3A_107, %mul3A_108 : vector<512x128xf32>
    %reduce_sum3A_110 = arith.constant dense<0.000000e+00> : vector<512xf32>
    %reduce_sum3A_111 = vector.multi_reduction <add>, %mul3A_109, %reduce_sum3A_110 [1] : vector<512x128xf32> to vector<512xf32>
    %broadcast_in_dim3A_112 = vector.shape_cast %reduce_sum3A_111 : vector<512xf32> to vector<512x1xf32>
    %add3A_113 = vector.broadcast %get3A_26 : vector<1x1xf32> to vector<512x1xf32>
    %add3A_114 = arith.addf %broadcast_in_dim3A_112, %add3A_113 : vector<512x1xf32>
    %neg3A_115 = arith.constant 0.000000e+00 : f32
    %neg3A_116 = vector.broadcast %neg3A_115 : f32 to vector<512x1xf32>
    %neg3A_117 = arith.subf %neg3A_116, %add3A_114 : vector<512x1xf32>
    %exp3A_118 = math.exp %neg3A_117 : vector<512x1xf32>
    %add3A_119 = arith.constant 1.000000e+00 : f32
    %add3A_120 = vector.broadcast %add3A_119 : f32 to vector<512x1xf32>
    %add3A_121 = arith.addf %add3A_120, %exp3A_118 : vector<512x1xf32>
    %div3A_122 = arith.constant 1.000000e+00 : f32
    %div3A_123 = vector.broadcast %div3A_122 : f32 to vector<512x1xf32>
    %div3A_124 = arith.divf %div3A_123, %add3A_121 : vector<512x1xf32>
    %get3A_125 = arith.constant 0 : index
    %get3A_126 = arith.constant 0 : index
    %get3A_127 = vector.load %arg11[%get3A_125, %get3A_126] : memref<512x128xi32, #tpu.memory_space<vmem>>, vector<512x128xi32>
    %shift_left3A_128 = arith.constant 16 : i32
    %shift_left3A_129 = vector.broadcast %shift_left3A_128 : i32 to vector<512x128xi32>
    %shift_left3A_130 = arith.shli %get3A_127, %shift_left3A_129 : vector<512x128xi32>
    %bitcast_convert_type3A_131 = tpu.bitcast %shift_left3A_130 : vector<512x128xi32> -> vector<512x128xf32>
    %and3A_132 = arith.constant -65536 : i32
    %and3A_133 = vector.broadcast %and3A_132 : i32 to vector<512x128xi32>
    %and3A_134 = arith.andi %get3A_127, %and3A_133 : vector<512x128xi32>
    %bitcast_convert_type3A_135 = tpu.bitcast %and3A_134 : vector<512x128xi32> -> vector<512x128xf32>
    %mul3A_136 = vector.broadcast %div3A_124 : vector<512x1xf32> to vector<512x128xf32>
    %mul3A_137 = arith.mulf %mul3A_136, %bitcast_convert_type3A_131 : vector<512x128xf32>
    %add3A_138 = arith.addf %add3A_84, %mul3A_137 : vector<512x128xf32>
    %mul3A_139 = vector.broadcast %div3A_124 : vector<512x1xf32> to vector<512x128xf32>
    %mul3A_140 = arith.mulf %mul3A_139, %bitcast_convert_type3A_135 : vector<512x128xf32>
    %add3A_141 = arith.addf %add3A_87, %mul3A_140 : vector<512x128xf32>
    %add3A_142 = arith.addf %add3A_88, %div3A_124 : vector<512x1xf32>
    %get3A_143 = arith.constant 0 : index
    %get3A_144 = arith.constant 0 : index
    %get3A_145 = vector.load %arg3[%get3A_143, %get3A_144] : memref<512x128xf32, #tpu.memory_space<vmem>>, vector<512x128xf32>
    %sub3A_146 = arith.subf %get3A_145, %get3A_33 : vector<512x128xf32>
    %mul3A_147 = vector.broadcast %mul3A_15 : vector<1x128xf32> to vector<512x128xf32>
    %mul3A_148 = arith.mulf %sub3A_146, %mul3A_147 : vector<512x128xf32>
    %add3A_149 = vector.broadcast %sub3A_20 : vector<1x128xf32> to vector<512x128xf32>
    %add3A_150 = arith.addf %mul3A_148, %add3A_149 : vector<512x128xf32>
    %mul3A_151 = arith.constant 5.000000e-01 : f32
    %mul3A_152 = vector.broadcast %mul3A_151 : f32 to vector<512x128xf32>
    %mul3A_153 = arith.mulf %mul3A_152, %add3A_150 : vector<512x128xf32>
    %mul3A_154 = arith.constant 0.707106769 : f32
    %mul3A_155 = vector.broadcast %mul3A_154 : f32 to vector<512x128xf32>
    %mul3A_156 = arith.mulf %add3A_150, %mul3A_155 : vector<512x128xf32>
    %erf3A_157 = math.erf %mul3A_156 : vector<512x128xf32>
    %add3A_158 = arith.constant 1.000000e+00 : f32
    %add3A_159 = vector.broadcast %add3A_158 : f32 to vector<512x128xf32>
    %add3A_160 = arith.addf %add3A_159, %erf3A_157 : vector<512x128xf32>
    %mul3A_161 = arith.mulf %mul3A_153, %add3A_160 : vector<512x128xf32>
    %mul3A_162 = vector.broadcast %get3A_23 : vector<1x128xf32> to vector<512x128xf32>
    %mul3A_163 = arith.mulf %mul3A_161, %mul3A_162 : vector<512x128xf32>
    %reduce_sum3A_164 = arith.constant dense<0.000000e+00> : vector<512xf32>
    %reduce_sum3A_165 = vector.multi_reduction <add>, %mul3A_163, %reduce_sum3A_164 [1] : vector<512x128xf32> to vector<512xf32>
    %broadcast_in_dim3A_166 = vector.shape_cast %reduce_sum3A_165 : vector<512xf32> to vector<512x1xf32>
    %add3A_167 = vector.broadcast %get3A_26 : vector<1x1xf32> to vector<512x1xf32>
    %add3A_168 = arith.addf %broadcast_in_dim3A_166, %add3A_167 : vector<512x1xf32>
    %neg3A_169 = arith.constant 0.000000e+00 : f32
    %neg3A_170 = vector.broadcast %neg3A_169 : f32 to vector<512x1xf32>
    %neg3A_171 = arith.subf %neg3A_170, %add3A_168 : vector<512x1xf32>
    %exp3A_172 = math.exp %neg3A_171 : vector<512x1xf32>
    %add3A_173 = arith.constant 1.000000e+00 : f32
    %add3A_174 = vector.broadcast %add3A_173 : f32 to vector<512x1xf32>
    %add3A_175 = arith.addf %add3A_174, %exp3A_172 : vector<512x1xf32>
    %div3A_176 = arith.constant 1.000000e+00 : f32
    %div3A_177 = vector.broadcast %div3A_176 : f32 to vector<512x1xf32>
    %div3A_178 = arith.divf %div3A_177, %add3A_175 : vector<512x1xf32>
    %get3A_179 = arith.constant 0 : index
    %get3A_180 = arith.constant 0 : index
    %get3A_181 = vector.load %arg12[%get3A_179, %get3A_180] : memref<512x128xi32, #tpu.memory_space<vmem>>, vector<512x128xi32>
    %shift_left3A_182 = arith.constant 16 : i32
    %shift_left3A_183 = vector.broadcast %shift_left3A_182 : i32 to vector<512x128xi32>
    %shift_left3A_184 = arith.shli %get3A_181, %shift_left3A_183 : vector<512x128xi32>
    %bitcast_convert_type3A_185 = tpu.bitcast %shift_left3A_184 : vector<512x128xi32> -> vector<512x128xf32>
    %and3A_186 = arith.constant -65536 : i32
    %and3A_187 = vector.broadcast %and3A_186 : i32 to vector<512x128xi32>
    %and3A_188 = arith.andi %get3A_181, %and3A_187 : vector<512x128xi32>
    %bitcast_convert_type3A_189 = tpu.bitcast %and3A_188 : vector<512x128xi32> -> vector<512x128xf32>
    %mul3A_190 = vector.broadcast %div3A_178 : vector<512x1xf32> to vector<512x128xf32>
    %mul3A_191 = arith.mulf %mul3A_190, %bitcast_convert_type3A_185 : vector<512x128xf32>
    %add3A_192 = arith.addf %add3A_138, %mul3A_191 : vector<512x128xf32>
    %mul3A_193 = vector.broadcast %div3A_178 : vector<512x1xf32> to vector<512x128xf32>
    %mul3A_194 = arith.mulf %mul3A_193, %bitcast_convert_type3A_189 : vector<512x128xf32>
    %add3A_195 = arith.addf %add3A_141, %mul3A_194 : vector<512x128xf32>
    %add3A_196 = arith.addf %add3A_142, %div3A_178 : vector<512x1xf32>
    %get3A_197 = arith.constant 0 : index
    %get3A_198 = arith.constant 0 : index
    %get3A_199 = vector.load %arg4[%get3A_197, %get3A_198] : memref<512x128xf32, #tpu.memory_space<vmem>>, vector<512x128xf32>
    %sub3A_200 = arith.subf %get3A_199, %get3A_33 : vector<512x128xf32>
    %mul3A_201 = vector.broadcast %mul3A_15 : vector<1x128xf32> to vector<512x128xf32>
    %mul3A_202 = arith.mulf %sub3A_200, %mul3A_201 : vector<512x128xf32>
    %add3A_203 = vector.broadcast %sub3A_20 : vector<1x128xf32> to vector<512x128xf32>
    %add3A_204 = arith.addf %mul3A_202, %add3A_203 : vector<512x128xf32>
    %mul3A_205 = arith.constant 5.000000e-01 : f32
    %mul3A_206 = vector.broadcast %mul3A_205 : f32 to vector<512x128xf32>
    %mul3A_207 = arith.mulf %mul3A_206, %add3A_204 : vector<512x128xf32>
    %mul3A_208 = arith.constant 0.707106769 : f32
    %mul3A_209 = vector.broadcast %mul3A_208 : f32 to vector<512x128xf32>
    %mul3A_210 = arith.mulf %add3A_204, %mul3A_209 : vector<512x128xf32>
    %erf3A_211 = math.erf %mul3A_210 : vector<512x128xf32>
    %add3A_212 = arith.constant 1.000000e+00 : f32
    %add3A_213 = vector.broadcast %add3A_212 : f32 to vector<512x128xf32>
    %add3A_214 = arith.addf %add3A_213, %erf3A_211 : vector<512x128xf32>
    %mul3A_215 = arith.mulf %mul3A_207, %add3A_214 : vector<512x128xf32>
    %mul3A_216 = vector.broadcast %get3A_23 : vector<1x128xf32> to vector<512x128xf32>
    %mul3A_217 = arith.mulf %mul3A_215, %mul3A_216 : vector<512x128xf32>
    %reduce_sum3A_218 = arith.constant dense<0.000000e+00> : vector<512xf32>
    %reduce_sum3A_219 = vector.multi_reduction <add>, %mul3A_217, %reduce_sum3A_218 [1] : vector<512x128xf32> to vector<512xf32>
    %broadcast_in_dim3A_220 = vector.shape_cast %reduce_sum3A_219 : vector<512xf32> to vector<512x1xf32>
    %add3A_221 = vector.broadcast %get3A_26 : vector<1x1xf32> to vector<512x1xf32>
    %add3A_222 = arith.addf %broadcast_in_dim3A_220, %add3A_221 : vector<512x1xf32>
    %neg3A_223 = arith.constant 0.000000e+00 : f32
    %neg3A_224 = vector.broadcast %neg3A_223 : f32 to vector<512x1xf32>
    %neg3A_225 = arith.subf %neg3A_224, %add3A_222 : vector<512x1xf32>
    %exp3A_226 = math.exp %neg3A_225 : vector<512x1xf32>
    %add3A_227 = arith.constant 1.000000e+00 : f32
    %add3A_228 = vector.broadcast %add3A_227 : f32 to vector<512x1xf32>
    %add3A_229 = arith.addf %add3A_228, %exp3A_226 : vector<512x1xf32>
    %div3A_230 = arith.constant 1.000000e+00 : f32
    %div3A_231 = vector.broadcast %div3A_230 : f32 to vector<512x1xf32>
    %div3A_232 = arith.divf %div3A_231, %add3A_229 : vector<512x1xf32>
    %get3A_233 = arith.constant 0 : index
    %get3A_234 = arith.constant 0 : index
    %get3A_235 = vector.load %arg13[%get3A_233, %get3A_234] : memref<512x128xi32, #tpu.memory_space<vmem>>, vector<512x128xi32>
    %shift_left3A_236 = arith.constant 16 : i32
    %shift_left3A_237 = vector.broadcast %shift_left3A_236 : i32 to vector<512x128xi32>
    %shift_left3A_238 = arith.shli %get3A_235, %shift_left3A_237 : vector<512x128xi32>
    %bitcast_convert_type3A_239 = tpu.bitcast %shift_left3A_238 : vector<512x128xi32> -> vector<512x128xf32>
    %and3A_240 = arith.constant -65536 : i32
    %and3A_241 = vector.broadcast %and3A_240 : i32 to vector<512x128xi32>
    %and3A_242 = arith.andi %get3A_235, %and3A_241 : vector<512x128xi32>
    %bitcast_convert_type3A_243 = tpu.bitcast %and3A_242 : vector<512x128xi32> -> vector<512x128xf32>
    %mul3A_244 = vector.broadcast %div3A_232 : vector<512x1xf32> to vector<512x128xf32>
    %mul3A_245 = arith.mulf %mul3A_244, %bitcast_convert_type3A_239 : vector<512x128xf32>
    %add3A_246 = arith.addf %add3A_192, %mul3A_245 : vector<512x128xf32>
    %mul3A_247 = vector.broadcast %div3A_232 : vector<512x1xf32> to vector<512x128xf32>
    %mul3A_248 = arith.mulf %mul3A_247, %bitcast_convert_type3A_243 : vector<512x128xf32>
    %add3A_249 = arith.addf %add3A_195, %mul3A_248 : vector<512x128xf32>
    %add3A_250 = arith.addf %add3A_196, %div3A_232 : vector<512x1xf32>
    %get3A_251 = arith.constant 0 : index
    %get3A_252 = arith.constant 0 : index
    %get3A_253 = vector.load %arg5[%get3A_251, %get3A_252] : memref<512x128xf32, #tpu.memory_space<vmem>>, vector<512x128xf32>
    %sub3A_254 = arith.subf %get3A_253, %get3A_33 : vector<512x128xf32>
    %mul3A_255 = vector.broadcast %mul3A_15 : vector<1x128xf32> to vector<512x128xf32>
    %mul3A_256 = arith.mulf %sub3A_254, %mul3A_255 : vector<512x128xf32>
    %add3A_257 = vector.broadcast %sub3A_20 : vector<1x128xf32> to vector<512x128xf32>
    %add3A_258 = arith.addf %mul3A_256, %add3A_257 : vector<512x128xf32>
    %mul3A_259 = arith.constant 5.000000e-01 : f32
    %mul3A_260 = vector.broadcast %mul3A_259 : f32 to vector<512x128xf32>
    %mul3A_261 = arith.mulf %mul3A_260, %add3A_258 : vector<512x128xf32>
    %mul3A_262 = arith.constant 0.707106769 : f32
    %mul3A_263 = vector.broadcast %mul3A_262 : f32 to vector<512x128xf32>
    %mul3A_264 = arith.mulf %add3A_258, %mul3A_263 : vector<512x128xf32>
    %erf3A_265 = math.erf %mul3A_264 : vector<512x128xf32>
    %add3A_266 = arith.constant 1.000000e+00 : f32
    %add3A_267 = vector.broadcast %add3A_266 : f32 to vector<512x128xf32>
    %add3A_268 = arith.addf %add3A_267, %erf3A_265 : vector<512x128xf32>
    %mul3A_269 = arith.mulf %mul3A_261, %add3A_268 : vector<512x128xf32>
    %mul3A_270 = vector.broadcast %get3A_23 : vector<1x128xf32> to vector<512x128xf32>
    %mul3A_271 = arith.mulf %mul3A_269, %mul3A_270 : vector<512x128xf32>
    %reduce_sum3A_272 = arith.constant dense<0.000000e+00> : vector<512xf32>
    %reduce_sum3A_273 = vector.multi_reduction <add>, %mul3A_271, %reduce_sum3A_272 [1] : vector<512x128xf32> to vector<512xf32>
    %broadcast_in_dim3A_274 = vector.shape_cast %reduce_sum3A_273 : vector<512xf32> to vector<512x1xf32>
    %add3A_275 = vector.broadcast %get3A_26 : vector<1x1xf32> to vector<512x1xf32>
    %add3A_276 = arith.addf %broadcast_in_dim3A_274, %add3A_275 : vector<512x1xf32>
    %neg3A_277 = arith.constant 0.000000e+00 : f32
    %neg3A_278 = vector.broadcast %neg3A_277 : f32 to vector<512x1xf32>
    %neg3A_279 = arith.subf %neg3A_278, %add3A_276 : vector<512x1xf32>
    %exp3A_280 = math.exp %neg3A_279 : vector<512x1xf32>
    %add3A_281 = arith.constant 1.000000e+00 : f32
    %add3A_282 = vector.broadcast %add3A_281 : f32 to vector<512x1xf32>
    %add3A_283 = arith.addf %add3A_282, %exp3A_280 : vector<512x1xf32>
    %div3A_284 = arith.constant 1.000000e+00 : f32
    %div3A_285 = vector.broadcast %div3A_284 : f32 to vector<512x1xf32>
    %div3A_286 = arith.divf %div3A_285, %add3A_283 : vector<512x1xf32>
    %get3A_287 = arith.constant 0 : index
    %get3A_288 = arith.constant 0 : index
    %get3A_289 = vector.load %arg14[%get3A_287, %get3A_288] : memref<512x128xi32, #tpu.memory_space<vmem>>, vector<512x128xi32>
    %shift_left3A_290 = arith.constant 16 : i32
    %shift_left3A_291 = vector.broadcast %shift_left3A_290 : i32 to vector<512x128xi32>
    %shift_left3A_292 = arith.shli %get3A_289, %shift_left3A_291 : vector<512x128xi32>
    %bitcast_convert_type3A_293 = tpu.bitcast %shift_left3A_292 : vector<512x128xi32> -> vector<512x128xf32>
    %and3A_294 = arith.constant -65536 : i32
    %and3A_295 = vector.broadcast %and3A_294 : i32 to vector<512x128xi32>
    %and3A_296 = arith.andi %get3A_289, %and3A_295 : vector<512x128xi32>
    %bitcast_convert_type3A_297 = tpu.bitcast %and3A_296 : vector<512x128xi32> -> vector<512x128xf32>
    %mul3A_298 = vector.broadcast %div3A_286 : vector<512x1xf32> to vector<512x128xf32>
    %mul3A_299 = arith.mulf %mul3A_298, %bitcast_convert_type3A_293 : vector<512x128xf32>
    %add3A_300 = arith.addf %add3A_246, %mul3A_299 : vector<512x128xf32>
    %mul3A_301 = vector.broadcast %div3A_286 : vector<512x1xf32> to vector<512x128xf32>
    %mul3A_302 = arith.mulf %mul3A_301, %bitcast_convert_type3A_297 : vector<512x128xf32>
    %add3A_303 = arith.addf %add3A_249, %mul3A_302 : vector<512x128xf32>
    %add3A_304 = arith.addf %add3A_250, %div3A_286 : vector<512x1xf32>
    %get3A_305 = arith.constant 0 : index
    %get3A_306 = arith.constant 0 : index
    %get3A_307 = vector.load %arg6[%get3A_305, %get3A_306] : memref<512x128xf32, #tpu.memory_space<vmem>>, vector<512x128xf32>
    %sub3A_308 = arith.subf %get3A_307, %get3A_33 : vector<512x128xf32>
    %mul3A_309 = vector.broadcast %mul3A_15 : vector<1x128xf32> to vector<512x128xf32>
    %mul3A_310 = arith.mulf %sub3A_308, %mul3A_309 : vector<512x128xf32>
    %add3A_311 = vector.broadcast %sub3A_20 : vector<1x128xf32> to vector<512x128xf32>
    %add3A_312 = arith.addf %mul3A_310, %add3A_311 : vector<512x128xf32>
    %mul3A_313 = arith.constant 5.000000e-01 : f32
    %mul3A_314 = vector.broadcast %mul3A_313 : f32 to vector<512x128xf32>
    %mul3A_315 = arith.mulf %mul3A_314, %add3A_312 : vector<512x128xf32>
    %mul3A_316 = arith.constant 0.707106769 : f32
    %mul3A_317 = vector.broadcast %mul3A_316 : f32 to vector<512x128xf32>
    %mul3A_318 = arith.mulf %add3A_312, %mul3A_317 : vector<512x128xf32>
    %erf3A_319 = math.erf %mul3A_318 : vector<512x128xf32>
    %add3A_320 = arith.constant 1.000000e+00 : f32
    %add3A_321 = vector.broadcast %add3A_320 : f32 to vector<512x128xf32>
    %add3A_322 = arith.addf %add3A_321, %erf3A_319 : vector<512x128xf32>
    %mul3A_323 = arith.mulf %mul3A_315, %add3A_322 : vector<512x128xf32>
    %mul3A_324 = vector.broadcast %get3A_23 : vector<1x128xf32> to vector<512x128xf32>
    %mul3A_325 = arith.mulf %mul3A_323, %mul3A_324 : vector<512x128xf32>
    %reduce_sum3A_326 = arith.constant dense<0.000000e+00> : vector<512xf32>
    %reduce_sum3A_327 = vector.multi_reduction <add>, %mul3A_325, %reduce_sum3A_326 [1] : vector<512x128xf32> to vector<512xf32>
    %broadcast_in_dim3A_328 = vector.shape_cast %reduce_sum3A_327 : vector<512xf32> to vector<512x1xf32>
    %add3A_329 = vector.broadcast %get3A_26 : vector<1x1xf32> to vector<512x1xf32>
    %add3A_330 = arith.addf %broadcast_in_dim3A_328, %add3A_329 : vector<512x1xf32>
    %neg3A_331 = arith.constant 0.000000e+00 : f32
    %neg3A_332 = vector.broadcast %neg3A_331 : f32 to vector<512x1xf32>
    %neg3A_333 = arith.subf %neg3A_332, %add3A_330 : vector<512x1xf32>
    %exp3A_334 = math.exp %neg3A_333 : vector<512x1xf32>
    %add3A_335 = arith.constant 1.000000e+00 : f32
    %add3A_336 = vector.broadcast %add3A_335 : f32 to vector<512x1xf32>
    %add3A_337 = arith.addf %add3A_336, %exp3A_334 : vector<512x1xf32>
    %div3A_338 = arith.constant 1.000000e+00 : f32
    %div3A_339 = vector.broadcast %div3A_338 : f32 to vector<512x1xf32>
    %div3A_340 = arith.divf %div3A_339, %add3A_337 : vector<512x1xf32>
    %get3A_341 = arith.constant 0 : index
    %get3A_342 = arith.constant 0 : index
    %get3A_343 = vector.load %arg15[%get3A_341, %get3A_342] : memref<512x128xi32, #tpu.memory_space<vmem>>, vector<512x128xi32>
    %shift_left3A_344 = arith.constant 16 : i32
    %shift_left3A_345 = vector.broadcast %shift_left3A_344 : i32 to vector<512x128xi32>
    %shift_left3A_346 = arith.shli %get3A_343, %shift_left3A_345 : vector<512x128xi32>
    %bitcast_convert_type3A_347 = tpu.bitcast %shift_left3A_346 : vector<512x128xi32> -> vector<512x128xf32>
    %and3A_348 = arith.constant -65536 : i32
    %and3A_349 = vector.broadcast %and3A_348 : i32 to vector<512x128xi32>
    %and3A_350 = arith.andi %get3A_343, %and3A_349 : vector<512x128xi32>
    %bitcast_convert_type3A_351 = tpu.bitcast %and3A_350 : vector<512x128xi32> -> vector<512x128xf32>
    %mul3A_352 = vector.broadcast %div3A_340 : vector<512x1xf32> to vector<512x128xf32>
    %mul3A_353 = arith.mulf %mul3A_352, %bitcast_convert_type3A_347 : vector<512x128xf32>
    %add3A_354 = arith.addf %add3A_300, %mul3A_353 : vector<512x128xf32>
    %mul3A_355 = vector.broadcast %div3A_340 : vector<512x1xf32> to vector<512x128xf32>
    %mul3A_356 = arith.mulf %mul3A_355, %bitcast_convert_type3A_351 : vector<512x128xf32>
    %add3A_357 = arith.addf %add3A_303, %mul3A_356 : vector<512x128xf32>
    %add3A_358 = arith.addf %add3A_304, %div3A_340 : vector<512x1xf32>
    %get3A_359 = arith.constant 0 : index
    %get3A_360 = arith.constant 0 : index
    %get3A_361 = vector.load %arg7[%get3A_359, %get3A_360] : memref<512x128xf32, #tpu.memory_space<vmem>>, vector<512x128xf32>
    %sub3A_362 = arith.subf %get3A_361, %get3A_33 : vector<512x128xf32>
    %mul3A_363 = vector.broadcast %mul3A_15 : vector<1x128xf32> to vector<512x128xf32>
    %mul3A_364 = arith.mulf %sub3A_362, %mul3A_363 : vector<512x128xf32>
    %add3A_365 = vector.broadcast %sub3A_20 : vector<1x128xf32> to vector<512x128xf32>
    %add3A_366 = arith.addf %mul3A_364, %add3A_365 : vector<512x128xf32>
    %mul3A_367 = arith.constant 5.000000e-01 : f32
    %mul3A_368 = vector.broadcast %mul3A_367 : f32 to vector<512x128xf32>
    %mul3A_369 = arith.mulf %mul3A_368, %add3A_366 : vector<512x128xf32>
    %mul3A_370 = arith.constant 0.707106769 : f32
    %mul3A_371 = vector.broadcast %mul3A_370 : f32 to vector<512x128xf32>
    %mul3A_372 = arith.mulf %add3A_366, %mul3A_371 : vector<512x128xf32>
    %erf3A_373 = math.erf %mul3A_372 : vector<512x128xf32>
    %add3A_374 = arith.constant 1.000000e+00 : f32
    %add3A_375 = vector.broadcast %add3A_374 : f32 to vector<512x128xf32>
    %add3A_376 = arith.addf %add3A_375, %erf3A_373 : vector<512x128xf32>
    %mul3A_377 = arith.mulf %mul3A_369, %add3A_376 : vector<512x128xf32>
    %mul3A_378 = vector.broadcast %get3A_23 : vector<1x128xf32> to vector<512x128xf32>
    %mul3A_379 = arith.mulf %mul3A_377, %mul3A_378 : vector<512x128xf32>
    %reduce_sum3A_380 = arith.constant dense<0.000000e+00> : vector<512xf32>
    %reduce_sum3A_381 = vector.multi_reduction <add>, %mul3A_379, %reduce_sum3A_380 [1] : vector<512x128xf32> to vector<512xf32>
    %broadcast_in_dim3A_382 = vector.shape_cast %reduce_sum3A_381 : vector<512xf32> to vector<512x1xf32>
    %add3A_383 = vector.broadcast %get3A_26 : vector<1x1xf32> to vector<512x1xf32>
    %add3A_384 = arith.addf %broadcast_in_dim3A_382, %add3A_383 : vector<512x1xf32>
    %neg3A_385 = arith.constant 0.000000e+00 : f32
    %neg3A_386 = vector.broadcast %neg3A_385 : f32 to vector<512x1xf32>
    %neg3A_387 = arith.subf %neg3A_386, %add3A_384 : vector<512x1xf32>
    %exp3A_388 = math.exp %neg3A_387 : vector<512x1xf32>
    %add3A_389 = arith.constant 1.000000e+00 : f32
    %add3A_390 = vector.broadcast %add3A_389 : f32 to vector<512x1xf32>
    %add3A_391 = arith.addf %add3A_390, %exp3A_388 : vector<512x1xf32>
    %div3A_392 = arith.constant 1.000000e+00 : f32
    %div3A_393 = vector.broadcast %div3A_392 : f32 to vector<512x1xf32>
    %div3A_394 = arith.divf %div3A_393, %add3A_391 : vector<512x1xf32>
    %get3A_395 = arith.constant 0 : index
    %get3A_396 = arith.constant 0 : index
    %get3A_397 = vector.load %arg16[%get3A_395, %get3A_396] : memref<512x128xi32, #tpu.memory_space<vmem>>, vector<512x128xi32>
    %shift_left3A_398 = arith.constant 16 : i32
    %shift_left3A_399 = vector.broadcast %shift_left3A_398 : i32 to vector<512x128xi32>
    %shift_left3A_400 = arith.shli %get3A_397, %shift_left3A_399 : vector<512x128xi32>
    %bitcast_convert_type3A_401 = tpu.bitcast %shift_left3A_400 : vector<512x128xi32> -> vector<512x128xf32>
    %and3A_402 = arith.constant -65536 : i32
    %and3A_403 = vector.broadcast %and3A_402 : i32 to vector<512x128xi32>
    %and3A_404 = arith.andi %get3A_397, %and3A_403 : vector<512x128xi32>
    %bitcast_convert_type3A_405 = tpu.bitcast %and3A_404 : vector<512x128xi32> -> vector<512x128xf32>
    %mul3A_406 = vector.broadcast %div3A_394 : vector<512x1xf32> to vector<512x128xf32>
    %mul3A_407 = arith.mulf %mul3A_406, %bitcast_convert_type3A_401 : vector<512x128xf32>
    %add3A_408 = arith.addf %add3A_354, %mul3A_407 : vector<512x128xf32>
    %mul3A_409 = vector.broadcast %div3A_394 : vector<512x1xf32> to vector<512x128xf32>
    %mul3A_410 = arith.mulf %mul3A_409, %bitcast_convert_type3A_405 : vector<512x128xf32>
    %add3A_411 = arith.addf %add3A_357, %mul3A_410 : vector<512x128xf32>
    %add3A_412 = arith.addf %add3A_358, %div3A_394 : vector<512x1xf32>
    %get3A_413 = arith.constant 0 : index
    %get3A_414 = arith.constant 0 : index
    %get3A_415 = vector.load %arg8[%get3A_413, %get3A_414] : memref<512x128xf32, #tpu.memory_space<vmem>>, vector<512x128xf32>
    %sub3A_416 = arith.subf %get3A_415, %get3A_33 : vector<512x128xf32>
    %mul3A_417 = vector.broadcast %mul3A_15 : vector<1x128xf32> to vector<512x128xf32>
    %mul3A_418 = arith.mulf %sub3A_416, %mul3A_417 : vector<512x128xf32>
    %add3A_419 = vector.broadcast %sub3A_20 : vector<1x128xf32> to vector<512x128xf32>
    %add3A_420 = arith.addf %mul3A_418, %add3A_419 : vector<512x128xf32>
    %mul3A_421 = arith.constant 5.000000e-01 : f32
    %mul3A_422 = vector.broadcast %mul3A_421 : f32 to vector<512x128xf32>
    %mul3A_423 = arith.mulf %mul3A_422, %add3A_420 : vector<512x128xf32>
    %mul3A_424 = arith.constant 0.707106769 : f32
    %mul3A_425 = vector.broadcast %mul3A_424 : f32 to vector<512x128xf32>
    %mul3A_426 = arith.mulf %add3A_420, %mul3A_425 : vector<512x128xf32>
    %erf3A_427 = math.erf %mul3A_426 : vector<512x128xf32>
    %add3A_428 = arith.constant 1.000000e+00 : f32
    %add3A_429 = vector.broadcast %add3A_428 : f32 to vector<512x128xf32>
    %add3A_430 = arith.addf %add3A_429, %erf3A_427 : vector<512x128xf32>
    %mul3A_431 = arith.mulf %mul3A_423, %add3A_430 : vector<512x128xf32>
    %mul3A_432 = vector.broadcast %get3A_23 : vector<1x128xf32> to vector<512x128xf32>
    %mul3A_433 = arith.mulf %mul3A_431, %mul3A_432 : vector<512x128xf32>
    %reduce_sum3A_434 = arith.constant dense<0.000000e+00> : vector<512xf32>
    %reduce_sum3A_435 = vector.multi_reduction <add>, %mul3A_433, %reduce_sum3A_434 [1] : vector<512x128xf32> to vector<512xf32>
    %broadcast_in_dim3A_436 = vector.shape_cast %reduce_sum3A_435 : vector<512xf32> to vector<512x1xf32>
    %add3A_437 = vector.broadcast %get3A_26 : vector<1x1xf32> to vector<512x1xf32>
    %add3A_438 = arith.addf %broadcast_in_dim3A_436, %add3A_437 : vector<512x1xf32>
    %neg3A_439 = arith.constant 0.000000e+00 : f32
    %neg3A_440 = vector.broadcast %neg3A_439 : f32 to vector<512x1xf32>
    %neg3A_441 = arith.subf %neg3A_440, %add3A_438 : vector<512x1xf32>
    %exp3A_442 = math.exp %neg3A_441 : vector<512x1xf32>
    %add3A_443 = arith.constant 1.000000e+00 : f32
    %add3A_444 = vector.broadcast %add3A_443 : f32 to vector<512x1xf32>
    %add3A_445 = arith.addf %add3A_444, %exp3A_442 : vector<512x1xf32>
    %div3A_446 = arith.constant 1.000000e+00 : f32
    %div3A_447 = vector.broadcast %div3A_446 : f32 to vector<512x1xf32>
    %div3A_448 = arith.divf %div3A_447, %add3A_445 : vector<512x1xf32>
    %get3A_449 = arith.constant 0 : index
    %get3A_450 = arith.constant 0 : index
    %get3A_451 = vector.load %arg17[%get3A_449, %get3A_450] : memref<512x128xi32, #tpu.memory_space<vmem>>, vector<512x128xi32>
    %shift_left3A_452 = arith.constant 16 : i32
    %shift_left3A_453 = vector.broadcast %shift_left3A_452 : i32 to vector<512x128xi32>
    %shift_left3A_454 = arith.shli %get3A_451, %shift_left3A_453 : vector<512x128xi32>
    %bitcast_convert_type3A_455 = tpu.bitcast %shift_left3A_454 : vector<512x128xi32> -> vector<512x128xf32>
    %and3A_456 = arith.constant -65536 : i32
    %and3A_457 = vector.broadcast %and3A_456 : i32 to vector<512x128xi32>
    %and3A_458 = arith.andi %get3A_451, %and3A_457 : vector<512x128xi32>
    %bitcast_convert_type3A_459 = tpu.bitcast %and3A_458 : vector<512x128xi32> -> vector<512x128xf32>
    %mul3A_460 = vector.broadcast %div3A_448 : vector<512x1xf32> to vector<512x128xf32>
    %mul3A_461 = arith.mulf %mul3A_460, %bitcast_convert_type3A_455 : vector<512x128xf32>
    %add3A_462 = arith.addf %add3A_408, %mul3A_461 : vector<512x128xf32>
    %mul3A_463 = vector.broadcast %div3A_448 : vector<512x1xf32> to vector<512x128xf32>
    %mul3A_464 = arith.mulf %mul3A_463, %bitcast_convert_type3A_459 : vector<512x128xf32>
    %add3A_465 = arith.addf %add3A_411, %mul3A_464 : vector<512x128xf32>
    %add3A_466 = arith.addf %add3A_412, %div3A_448 : vector<512x1xf32>
    %get3A_467 = arith.constant 0 : index
    %get3A_468 = arith.constant 0 : index
    %get3A_469 = vector.load %arg9[%get3A_467, %get3A_468] : memref<512x128xf32, #tpu.memory_space<vmem>>, vector<512x128xf32>
    %sub3A_470 = arith.subf %get3A_469, %get3A_33 : vector<512x128xf32>
    %mul3A_471 = vector.broadcast %mul3A_15 : vector<1x128xf32> to vector<512x128xf32>
    %mul3A_472 = arith.mulf %sub3A_470, %mul3A_471 : vector<512x128xf32>
    %add3A_473 = vector.broadcast %sub3A_20 : vector<1x128xf32> to vector<512x128xf32>
    %add3A_474 = arith.addf %mul3A_472, %add3A_473 : vector<512x128xf32>
    %mul3A_475 = arith.constant 5.000000e-01 : f32
    %mul3A_476 = vector.broadcast %mul3A_475 : f32 to vector<512x128xf32>
    %mul3A_477 = arith.mulf %mul3A_476, %add3A_474 : vector<512x128xf32>
    %mul3A_478 = arith.constant 0.707106769 : f32
    %mul3A_479 = vector.broadcast %mul3A_478 : f32 to vector<512x128xf32>
    %mul3A_480 = arith.mulf %add3A_474, %mul3A_479 : vector<512x128xf32>
    %erf3A_481 = math.erf %mul3A_480 : vector<512x128xf32>
    %add3A_482 = arith.constant 1.000000e+00 : f32
    %add3A_483 = vector.broadcast %add3A_482 : f32 to vector<512x128xf32>
    %add3A_484 = arith.addf %add3A_483, %erf3A_481 : vector<512x128xf32>
    %mul3A_485 = arith.mulf %mul3A_477, %add3A_484 : vector<512x128xf32>
    %mul3A_486 = vector.broadcast %get3A_23 : vector<1x128xf32> to vector<512x128xf32>
    %mul3A_487 = arith.mulf %mul3A_485, %mul3A_486 : vector<512x128xf32>
    %reduce_sum3A_488 = arith.constant dense<0.000000e+00> : vector<512xf32>
    %reduce_sum3A_489 = vector.multi_reduction <add>, %mul3A_487, %reduce_sum3A_488 [1] : vector<512x128xf32> to vector<512xf32>
    %broadcast_in_dim3A_490 = vector.shape_cast %reduce_sum3A_489 : vector<512xf32> to vector<512x1xf32>
    %add3A_491 = vector.broadcast %get3A_26 : vector<1x1xf32> to vector<512x1xf32>
    %add3A_492 = arith.addf %broadcast_in_dim3A_490, %add3A_491 : vector<512x1xf32>
    %neg3A_493 = arith.constant 0.000000e+00 : f32
    %neg3A_494 = vector.broadcast %neg3A_493 : f32 to vector<512x1xf32>
    %neg3A_495 = arith.subf %neg3A_494, %add3A_492 : vector<512x1xf32>
    %exp3A_496 = math.exp %neg3A_495 : vector<512x1xf32>
    %add3A_497 = arith.constant 1.000000e+00 : f32
    %add3A_498 = vector.broadcast %add3A_497 : f32 to vector<512x1xf32>
    %add3A_499 = arith.addf %add3A_498, %exp3A_496 : vector<512x1xf32>
    %div3A_500 = arith.constant 1.000000e+00 : f32
    %div3A_501 = vector.broadcast %div3A_500 : f32 to vector<512x1xf32>
    %div3A_502 = arith.divf %div3A_501, %add3A_499 : vector<512x1xf32>
    %get3A_503 = arith.constant 0 : index
    %get3A_504 = arith.constant 0 : index
    %get3A_505 = vector.load %arg18[%get3A_503, %get3A_504] : memref<512x128xi32, #tpu.memory_space<vmem>>, vector<512x128xi32>
    %shift_left3A_506 = arith.constant 16 : i32
    %shift_left3A_507 = vector.broadcast %shift_left3A_506 : i32 to vector<512x128xi32>
    %shift_left3A_508 = arith.shli %get3A_505, %shift_left3A_507 : vector<512x128xi32>
    %bitcast_convert_type3A_509 = tpu.bitcast %shift_left3A_508 : vector<512x128xi32> -> vector<512x128xf32>
    %and3A_510 = arith.constant -65536 : i32
    %and3A_511 = vector.broadcast %and3A_510 : i32 to vector<512x128xi32>
    %and3A_512 = arith.andi %get3A_505, %and3A_511 : vector<512x128xi32>
    %bitcast_convert_type3A_513 = tpu.bitcast %and3A_512 : vector<512x128xi32> -> vector<512x128xf32>
    %mul3A_514 = vector.broadcast %div3A_502 : vector<512x1xf32> to vector<512x128xf32>
    %mul3A_515 = arith.mulf %mul3A_514, %bitcast_convert_type3A_509 : vector<512x128xf32>
    %add3A_516 = arith.addf %add3A_462, %mul3A_515 : vector<512x128xf32>
    %mul3A_517 = vector.broadcast %div3A_502 : vector<512x1xf32> to vector<512x128xf32>
    %mul3A_518 = arith.mulf %mul3A_517, %bitcast_convert_type3A_513 : vector<512x128xf32>
    %add3A_519 = arith.addf %add3A_465, %mul3A_518 : vector<512x128xf32>
    %add3A_520 = arith.addf %add3A_466, %div3A_502 : vector<512x1xf32>
    %concatenate3A = tpu.concatenate %add3A_516, %add3A_519 in 1 : vector<512x128xf32>, vector<512x128xf32> -> vector<512x256xf32>
    %mul3A_521 = vector.broadcast %add3A_520 : vector<512x1xf32> to vector<512x256xf32>
    %mul3A_522 = arith.mulf %mul3A_521, %get3A_36 : vector<512x256xf32>
    %sub3A_523 = arith.subf %concatenate3A, %mul3A_522 : vector<512x256xf32>
    %dot_general3A = arith.constant dense<0.000000e+00> : vector<512x256xf32>
    %dot_general3A_524 = tpu.matmul %get3A_36, %slice3A, %dot_general3A {dimension_numbers = #tpu.dot_dimension_numbers<[1], [1], [0], [0], [0, 0, 1, 0], [], []>, transpose_lhs_hint = false} : vector<512x256xf32>, vector<256x256xf32>, vector<512x256xf32> -> vector<512x256xf32>
    %dot_general3A_525 = arith.constant dense<0.000000e+00> : vector<512x256xf32>
    %dot_general3A_526 = tpu.matmul %sub3A_523, %slice3A_30, %dot_general3A_525 {dimension_numbers = #tpu.dot_dimension_numbers<[1], [1], [0], [0], [0, 0, 1, 0], [], []>, transpose_lhs_hint = false} : vector<512x256xf32>, vector<256x256xf32>, vector<512x256xf32> -> vector<512x256xf32>
    %add3A_527 = arith.addf %dot_general3A_524, %dot_general3A_526 : vector<512x256xf32>
    %get3A_528 = arith.constant 0 : index
    %get3A_529 = arith.constant 0 : index
    %get3A_530 = vector.load %arg27[%get3A_528, %get3A_529] : memref<1x256xf32, #tpu.memory_space<vmem>>, vector<1x256xf32>
    %add3A_531 = vector.broadcast %get3A_530 : vector<1x256xf32> to vector<512x256xf32>
    %add3A_532 = arith.addf %add3A_527, %add3A_531 : vector<512x256xf32>
    %swap3A = arith.constant 0 : index
    %swap3A_533 = arith.constant 0 : index
    %swap3A_534 = vector.load %arg28[%swap3A, %swap3A_533] : memref<512x256xf32, #tpu.memory_space<vmem>>, vector<512x256xf32>
    tpu.vector_store %arg28[%swap3A, %swap3A_533], %add3A_532 {strides = array<i32>} : memref<512x256xf32, #tpu.memory_space<vmem>>, vector<512x256xf32>,
    %eq3A = arith.constant 0 : i32
    %eq3A_535 = arith.cmpi eq, %arg0, %eq3A : i32
    %convert_element_type3A = arith.extui %eq3A_535 : i1 to i32
    %cond3A = arith.constant 0 : i32
    %cond3A_536 = arith.cmpi ne, %convert_element_type3A, %cond3A : i32
    scf.if %cond3A_536 {
      %broadcast_in_dim3A_558 = arith.constant 0.000000e+00 : f32
      %broadcast_in_dim3A_559 = vector.broadcast %broadcast_in_dim3A_558 : f32 to vector<8x256xf32>
      %swap3A_560 = arith.constant 0 : index
      %swap3A_561 = arith.constant 0 : index
      %swap3A_562 = vector.load %arg29[%swap3A_560, %swap3A_561] : memref<8x256xf32, #tpu.memory_space<vmem>>, vector<8x256xf32>
      tpu.vector_store %arg29[%swap3A_560, %swap3A_561], %broadcast_in_dim3A_559 {strides = array<i32>} : memref<8x256xf32, #tpu.memory_space<vmem>>, vector<8x256xf32>,
    } else {
    }
    %get3A_537 = arith.constant 0 : index
    %get3A_538 = arith.constant 0 : index
    %get3A_539 = vector.load %arg29[%get3A_537, %get3A_538] : memref<8x256xf32, #tpu.memory_space<vmem>>, vector<1x256xf32>
    %reduce_sum3A_540 = arith.constant dense<0.000000e+00> : vector<256xf32>
    %reduce_sum3A_541 = vector.multi_reduction <add>, %add3A_532, %reduce_sum3A_540 [0] : vector<512x256xf32> to vector<256xf32>
    %broadcast_in_dim3A_542 = vector.shape_cast %reduce_sum3A_541 : vector<256xf32> to vector<1x256xf32>
    %add3A_543 = arith.addf %get3A_539, %broadcast_in_dim3A_542 : vector<1x256xf32>
    %swap3A_544 = arith.constant 0 : index
    %swap3A_545 = arith.constant 0 : index
    %swap3A_546 = vector.load %arg29[%swap3A_544, %swap3A_545] : memref<8x256xf32, #tpu.memory_space<vmem>>, vector<1x256xf32>
    tpu.vector_store %arg29[%swap3A_544, %swap3A_545], %add3A_543 {strides = array<i32>} : memref<8x256xf32, #tpu.memory_space<vmem>>, vector<1x256xf32>,
    %get3A_547 = arith.constant 1 : index
    %get3A_548 = arith.constant 0 : index
    %get3A_549 = vector.load %arg29[%get3A_547, %get3A_548] : memref<8x256xf32, #tpu.memory_space<vmem>>, vector<1x256xf32>
    %mul3A_550 = arith.mulf %add3A_532, %add3A_532 : vector<512x256xf32>
    %reduce_sum3A_551 = arith.constant dense<0.000000e+00> : vector<256xf32>
    %reduce_sum3A_552 = vector.multi_reduction <add>, %mul3A_550, %reduce_sum3A_551 [0] : vector<512x256xf32> to vector<256xf32>
    %broadcast_in_dim3A_553 = vector.shape_cast %reduce_sum3A_552 : vector<256xf32> to vector<1x256xf32>
    %add3A_554 = arith.addf %get3A_549, %broadcast_in_dim3A_553 : vector<1x256xf32>
    %swap3A_555 = arith.constant 1 : index
    %swap3A_556 = arith.constant 0 : index
    %swap3A_557 = vector.load %arg29[%swap3A_555, %swap3A_556] : memref<8x256xf32, #tpu.memory_space<vmem>>, vector<1x256xf32>
    tpu.vector_store %arg29[%swap3A_555, %swap3A_556], %add3A_554 {strides = array<i32>} : memref<8x256xf32, #tpu.memory_space<vmem>>, vector<1x256xf32>,
    return
  }
  func.func @transform_0(%arg0: i32) -> (i32, i32) {
    %add3A = arith.constant 0 : i32
    %add3A_0 = arith.addi %add3A, %arg0 : i32
    %c0_i32 = arith.constant 0 : i32
    %c0_i32_1 = arith.constant 0 : i32
    return %add3A_0, %c0_i32 : i32, i32
  }
  func.func @transform_1(%arg0: i32) -> (i32, i32) {
    %add3A = arith.constant 16 : i32
    %add3A_0 = arith.addi %add3A, %arg0 : i32
    %c0_i32 = arith.constant 0 : i32
    %c0_i32_1 = arith.constant 0 : i32
    return %add3A_0, %c0_i32 : i32, i32
  }
  func.func @transform_2(%arg0: i32) -> (i32, i32) {
    %add3A = arith.constant 32 : i32
    %add3A_0 = arith.addi %add3A, %arg0 : i32
    %c0_i32 = arith.constant 0 : i32
    %c0_i32_1 = arith.constant 0 : i32
    return %add3A_0, %c0_i32 : i32, i32
  }
  func.func @transform_3(%arg0: i32) -> (i32, i32) {
    %add3A = arith.constant 48 : i32
    %add3A_0 = arith.addi %add3A, %arg0 : i32
    %c0_i32 = arith.constant 0 : i32
    %c0_i32_1 = arith.constant 0 : i32
    return %add3A_0, %c0_i32 : i32, i32
  }
  func.func @transform_4(%arg0: i32) -> (i32, i32) {
    %add3A = arith.constant 64 : i32
    %add3A_0 = arith.addi %add3A, %arg0 : i32
    %c0_i32 = arith.constant 0 : i32
    %c0_i32_1 = arith.constant 0 : i32
    return %add3A_0, %c0_i32 : i32, i32
  }
  func.func @transform_5(%arg0: i32) -> (i32, i32) {
    %add3A = arith.constant 80 : i32
    %add3A_0 = arith.addi %add3A, %arg0 : i32
    %c0_i32 = arith.constant 0 : i32
    %c0_i32_1 = arith.constant 0 : i32
    return %add3A_0, %c0_i32 : i32, i32
  }
  func.func @transform_6(%arg0: i32) -> (i32, i32) {
    %add3A = arith.constant 96 : i32
    %add3A_0 = arith.addi %add3A, %arg0 : i32
    %c0_i32 = arith.constant 0 : i32
    %c0_i32_1 = arith.constant 0 : i32
    return %add3A_0, %c0_i32 : i32, i32
  }
  func.func @transform_7(%arg0: i32) -> (i32, i32) {
    %add3A = arith.constant 112 : i32
    %add3A_0 = arith.addi %add3A, %arg0 : i32
    %c0_i32 = arith.constant 0 : i32
    %c0_i32_1 = arith.constant 0 : i32
    return %add3A_0, %c0_i32 : i32, i32
  }
  func.func @transform_8(%arg0: i32) -> (i32, i32) {
    %add3A = arith.constant 128 : i32
    %add3A_0 = arith.addi %add3A, %arg0 : i32
    %c0_i32 = arith.constant 0 : i32
    %c0_i32_1 = arith.constant 0 : i32
    return %add3A_0, %c0_i32 : i32, i32
  }
  func.func @transform_9(%arg0: i32) -> (i32, i32) {
    %add3A = arith.constant 0 : i32
    %add3A_0 = arith.addi %add3A, %arg0 : i32
    %c0_i32 = arith.constant 0 : i32
    %c0_i32_1 = arith.constant 0 : i32
    return %add3A_0, %c0_i32 : i32, i32
  }
  func.func @transform_10(%arg0: i32) -> (i32, i32) {
    %add3A = arith.constant 16 : i32
    %add3A_0 = arith.addi %add3A, %arg0 : i32
    %c0_i32 = arith.constant 0 : i32
    %c0_i32_1 = arith.constant 0 : i32
    return %add3A_0, %c0_i32 : i32, i32
  }
  func.func @transform_11(%arg0: i32) -> (i32, i32) {
    %add3A = arith.constant 32 : i32
    %add3A_0 = arith.addi %add3A, %arg0 : i32
    %c0_i32 = arith.constant 0 : i32
    %c0_i32_1 = arith.constant 0 : i32
    return %add3A_0, %c0_i32 : i32, i32
  }
  func.func @transform_12(%arg0: i32) -> (i32, i32) {
    %add3A = arith.constant 48 : i32
    %add3A_0 = arith.addi %add3A, %arg0 : i32
    %c0_i32 = arith.constant 0 : i32
    %c0_i32_1 = arith.constant 0 : i32
    return %add3A_0, %c0_i32 : i32, i32
  }
  func.func @transform_13(%arg0: i32) -> (i32, i32) {
    %add3A = arith.constant 64 : i32
    %add3A_0 = arith.addi %add3A, %arg0 : i32
    %c0_i32 = arith.constant 0 : i32
    %c0_i32_1 = arith.constant 0 : i32
    return %add3A_0, %c0_i32 : i32, i32
  }
  func.func @transform_14(%arg0: i32) -> (i32, i32) {
    %add3A = arith.constant 80 : i32
    %add3A_0 = arith.addi %add3A, %arg0 : i32
    %c0_i32 = arith.constant 0 : i32
    %c0_i32_1 = arith.constant 0 : i32
    return %add3A_0, %c0_i32 : i32, i32
  }
  func.func @transform_15(%arg0: i32) -> (i32, i32) {
    %add3A = arith.constant 96 : i32
    %add3A_0 = arith.addi %add3A, %arg0 : i32
    %c0_i32 = arith.constant 0 : i32
    %c0_i32_1 = arith.constant 0 : i32
    return %add3A_0, %c0_i32 : i32, i32
  }
  func.func @transform_16(%arg0: i32) -> (i32, i32) {
    %add3A = arith.constant 112 : i32
    %add3A_0 = arith.addi %add3A, %arg0 : i32
    %c0_i32 = arith.constant 0 : i32
    %c0_i32_1 = arith.constant 0 : i32
    return %add3A_0, %c0_i32 : i32, i32
  }
  func.func @transform_17(%arg0: i32) -> (i32, i32) {
    %add3A = arith.constant 128 : i32
    %add3A_0 = arith.addi %add3A, %arg0 : i32
    %c0_i32 = arith.constant 0 : i32
    %c0_i32_1 = arith.constant 0 : i32
    return %add3A_0, %c0_i32 : i32, i32
  }
  func.func @transform_18(%arg0: i32) -> (i32, i32) {
    %c0_i32 = arith.constant 0 : i32
    %c0_i32_0 = arith.constant 0 : i32
    return %arg0, %c0_i32 : i32, i32
  }
  func.func @transform_19(%arg0: i32) -> (i32, i32) {
    %c0_i32 = arith.constant 0 : i32
    %c0_i32_0 = arith.constant 0 : i32
    return %arg0, %c0_i32 : i32, i32
  }
  func.func @transform_20(%arg0: i32) -> (i32, i32) {
    %c0_i32 = arith.constant 0 : i32
    %c0_i32_0 = arith.constant 0 : i32
    %c0_i32_1 = arith.constant 0 : i32
    return %c0_i32, %c0_i32_0 : i32, i32
  }
  func.func @transform_21(%arg0: i32) -> (i32, i32) {
    %c0_i32 = arith.constant 0 : i32
    %c0_i32_0 = arith.constant 0 : i32
    %c0_i32_1 = arith.constant 0 : i32
    return %c0_i32, %c0_i32_0 : i32, i32
  }
  func.func @transform_22(%arg0: i32) -> (i32, i32) {
    %c0_i32 = arith.constant 0 : i32
    %c0_i32_0 = arith.constant 0 : i32
    %c0_i32_1 = arith.constant 0 : i32
    return %c0_i32, %c0_i32_0 : i32, i32
  }
  func.func @transform_23(%arg0: i32) -> (i32, i32) {
    %c0_i32 = arith.constant 0 : i32
    %c0_i32_0 = arith.constant 0 : i32
    %c0_i32_1 = arith.constant 0 : i32
    return %c0_i32, %c0_i32_0 : i32, i32
  }
  func.func @transform_24(%arg0: i32) -> (i32, i32) {
    %c0_i32 = arith.constant 0 : i32
    %c0_i32_0 = arith.constant 0 : i32
    %c0_i32_1 = arith.constant 0 : i32
    return %c0_i32, %c0_i32_0 : i32, i32
  }
  func.func @transform_25(%arg0: i32) -> (i32, i32) {
    %c0_i32 = arith.constant 0 : i32
    %c0_i32_0 = arith.constant 0 : i32
    %c0_i32_1 = arith.constant 0 : i32
    return %c0_i32, %c0_i32_0 : i32, i32
  }
  func.func @transform_26(%arg0: i32) -> (i32, i32) {
    %c0_i32 = arith.constant 0 : i32
    %c0_i32_0 = arith.constant 0 : i32
    %c0_i32_1 = arith.constant 0 : i32
    return %c0_i32, %c0_i32_0 : i32, i32
  }
  func.func @transform_27(%arg0: i32) -> (i32, i32) {
    %c0_i32 = arith.constant 0 : i32
    %c0_i32_0 = arith.constant 0 : i32
    return %arg0, %c0_i32 : i32, i32
  }
  func.func @transform_28(%arg0: i32) -> (i32, i32) {
    %c0_i32 = arith.constant 0 : i32
    %c0_i32_0 = arith.constant 0 : i32
    %c0_i32_1 = arith.constant 0 : i32
    return %c0_i32, %c0_i32_0 : i32, i32
  }
}

module attributes {stable_mosaic.version = 14 : i64} {
  func.func @_final_body(%arg0: i32, %arg1: memref<512x256xf32, #tpu.memory_space<vmem>>, %arg2: memref<8x256xf32, #tpu.memory_space<vmem>>, %arg3: memref<1x256xf32, #tpu.memory_space<vmem>>, %arg4: memref<1x256xf32, #tpu.memory_space<vmem>>, %arg5: memref<512x256xf32, #tpu.memory_space<vmem>>) attributes {dimension_semantics = [#tpu.dimension_semantics<arbitrary>], iteration_bounds = array<i64: 16>, scalar_prefetch = 0 : i64, scratch_operands = 0 : i64, tpu.core_type = #tpu.core_type<tc>, window_params = [{transform_indices = @transform_0, window_bounds = array<i64: 512, 256>}, {pipeline_mode = #tpu.pipeline_mode<synchronous>, transform_indices = @transform_1, window_bounds = array<i64: 8, 256>}, {pipeline_mode = #tpu.pipeline_mode<synchronous>, transform_indices = @transform_2, window_bounds = array<i64: 1, 256>}, {pipeline_mode = #tpu.pipeline_mode<synchronous>, transform_indices = @transform_3, window_bounds = array<i64: 1, 256>}, {transform_indices = @transform_4, window_bounds = array<i64: 512, 256>}]} {
    %get3A = arith.constant 0 : index
    %get3A_0 = arith.constant 0 : index
    %get3A_1 = vector.load %arg2[%get3A, %get3A_0] : memref<8x256xf32, #tpu.memory_space<vmem>>, vector<1x256xf32>
    %div3A = arith.constant 8.192000e+03 : f32
    %div3A_2 = vector.broadcast %div3A : f32 to vector<1x256xf32>
    %div3A_3 = arith.divf %get3A_1, %div3A_2 : vector<1x256xf32>
    %get3A_4 = arith.constant 1 : index
    %get3A_5 = arith.constant 0 : index
    %get3A_6 = vector.load %arg2[%get3A_4, %get3A_5] : memref<8x256xf32, #tpu.memory_space<vmem>>, vector<1x256xf32>
    %div3A_7 = arith.constant 8.192000e+03 : f32
    %div3A_8 = vector.broadcast %div3A_7 : f32 to vector<1x256xf32>
    %div3A_9 = arith.divf %get3A_6, %div3A_8 : vector<1x256xf32>
    %mul3A = arith.mulf %div3A_3, %div3A_3 : vector<1x256xf32>
    %sub3A = arith.subf %div3A_9, %mul3A : vector<1x256xf32>
    %get3A_10 = arith.constant 0 : index
    %get3A_11 = arith.constant 0 : index
    %get3A_12 = vector.load %arg3[%get3A_10, %get3A_11] : memref<1x256xf32, #tpu.memory_space<vmem>>, vector<1x256xf32>
    %add3A = arith.constant 9.99999974E-6 : f32
    %add3A_13 = vector.broadcast %add3A : f32 to vector<1x256xf32>
    %add3A_14 = arith.addf %sub3A, %add3A_13 : vector<1x256xf32>
    %rsqrt3A = math.rsqrt %add3A_14 : vector<1x256xf32>
    %mul3A_15 = arith.mulf %get3A_12, %rsqrt3A : vector<1x256xf32>
    %get3A_16 = arith.constant 0 : index
    %get3A_17 = arith.constant 0 : index
    %get3A_18 = vector.load %arg4[%get3A_16, %get3A_17] : memref<1x256xf32, #tpu.memory_space<vmem>>, vector<1x256xf32>
    %mul3A_19 = arith.mulf %div3A_3, %mul3A_15 : vector<1x256xf32>
    %sub3A_20 = arith.subf %get3A_18, %mul3A_19 : vector<1x256xf32>
    %get3A_21 = arith.constant 0 : index
    %get3A_22 = arith.constant 0 : index
    %get3A_23 = vector.load %arg1[%get3A_21, %get3A_22] : memref<512x256xf32, #tpu.memory_space<vmem>>, vector<512x256xf32>
    %mul3A_24 = vector.broadcast %mul3A_15 : vector<1x256xf32> to vector<512x256xf32>
    %mul3A_25 = arith.mulf %get3A_23, %mul3A_24 : vector<512x256xf32>
    %add3A_26 = vector.broadcast %sub3A_20 : vector<1x256xf32> to vector<512x256xf32>
    %add3A_27 = arith.addf %mul3A_25, %add3A_26 : vector<512x256xf32>
    %mul3A_28 = arith.constant 5.000000e-01 : f32
    %mul3A_29 = vector.broadcast %mul3A_28 : f32 to vector<512x256xf32>
    %mul3A_30 = arith.mulf %mul3A_29, %add3A_27 : vector<512x256xf32>
    %mul3A_31 = arith.constant 0.707106769 : f32
    %mul3A_32 = vector.broadcast %mul3A_31 : f32 to vector<512x256xf32>
    %mul3A_33 = arith.mulf %add3A_27, %mul3A_32 : vector<512x256xf32>
    %erf3A = math.erf %mul3A_33 : vector<512x256xf32>
    %add3A_34 = arith.constant 1.000000e+00 : f32
    %add3A_35 = vector.broadcast %add3A_34 : f32 to vector<512x256xf32>
    %add3A_36 = arith.addf %add3A_35, %erf3A : vector<512x256xf32>
    %mul3A_37 = arith.mulf %mul3A_30, %add3A_36 : vector<512x256xf32>
    %swap3A = arith.constant 0 : index
    %swap3A_38 = arith.constant 0 : index
    %swap3A_39 = vector.load %arg5[%swap3A, %swap3A_38] : memref<512x256xf32, #tpu.memory_space<vmem>>, vector<512x256xf32>
    tpu.vector_store %arg5[%swap3A, %swap3A_38], %mul3A_37 {strides = array<i32>} : memref<512x256xf32, #tpu.memory_space<vmem>>, vector<512x256xf32>,
    return
  }
  func.func @transform_0(%arg0: i32) -> (i32, i32) {
    %c0_i32 = arith.constant 0 : i32
    %c0_i32_0 = arith.constant 0 : i32
    return %arg0, %c0_i32 : i32, i32
  }
  func.func @transform_1(%arg0: i32) -> (i32, i32) {
    %c0_i32 = arith.constant 0 : i32
    %c0_i32_0 = arith.constant 0 : i32
    %c0_i32_1 = arith.constant 0 : i32
    return %c0_i32, %c0_i32_0 : i32, i32
  }
  func.func @transform_2(%arg0: i32) -> (i32, i32) {
    %c0_i32 = arith.constant 0 : i32
    %c0_i32_0 = arith.constant 0 : i32
    %c0_i32_1 = arith.constant 0 : i32
    return %c0_i32, %c0_i32_0 : i32, i32
  }
  func.func @transform_3(%arg0: i32) -> (i32, i32) {
    %c0_i32 = arith.constant 0 : i32
    %c0_i32_0 = arith.constant 0 : i32
    %c0_i32_1 = arith.constant 0 : i32
    return %c0_i32, %c0_i32_0 : i32, i32
  }
  func.func @transform_4(%arg0: i32) -> (i32, i32) {
    %c0_i32 = arith.constant 0 : i32
    %c0_i32_0 = arith.constant 0 : i32
    return %arg0, %c0_i32 : i32, i32
  }
}

</mosaic_0001>

<sc_bundles>
// kernel: kernel.8.cloned.1.call-start
scs
__scs_entry_jumppad:
0x0: {  	(pc) =	sbr.rel $0x88, $3  }
0x1: {  	(tag) =	ssettag $0x0;
	lr =	simm.s32 $0x1  }
0x2: {  	[smem:$0x3F95] =	sst lr;
	_ =	strace $0xD0000000  }
0x3: {  	_ = 	snop  }
0x4: {  	_ = 	snop  }
0x5: {  	_ = 	snop  }
0x6: {  	_ = 	snop  }
0x7: {  	_ = 	snop  }
__scs_overlays_trampoline_lowered:
0x8: {  	[smem:$0x3FA4] =	sst s0  }
0x9: {  	[smem:$0x3FA5] =	sst s1  }
0xa: {  	[smem:$0x3FA6] =	sst s2  }
0xb: {  	[smem:$0x3FA7] =	sst s3  }
0xc: {  	[smem:$0x3FA8] =	sst s4  }
0xd: {  	[smem:$0x3FA9] =	sst s5  }
0xe: {  	[smem:$0x3FAA] =	sst s6  }
0xf: {  	[smem:$0x3FAB] =	sst s7  }
0x10: {  	[smem:$0x3FAC] =	sst s8  }
0x11: {  	[smem:$0x3FAD] =	sst s9;
	s0 =	simm.s32 @!p0 $0x0  }
0x12: {  	s1 =	sld [smem:$0x3F93];
	s0 =	simm.s32 @p0 $0x1  }
0x13: {  	[smem:$0x3FAE] =	sst s0;
	s0 =	simm.s32 @!p1 $0x0  }
0x14: {  	s2 =	sld [smem:$0x3F92];
	s0 =	simm.s32 @p1 $0x1  }
0x15: {  	[smem:$0x3FAF] =	sst s0;
	s0 =	simm.s32 @!p2 $0x0  }
0x16: {  	s3 =	sld [smem:$0x3FDB];
	s0 =	simm.s32 @p2 $0x1  }
0x17: {  	s4 =	simm.s32 $0x1BF5;
	[smem:$0x3FB1] =	sst s0  }
0x18: {  	s0 =	sld [smem:$0x3F94];
	_ =	swait.ge [sflag:s4], $0x0  }
0x19: {  	s7 =	sld [smem:$0x3F95]  }
0x1a: {  	s8 =	sadd.s32 $0xFFFFE003, lr  }
0x1b: {  	s9 =	sadd.s32 $0xFFFFFEF7, lr;
	s5 =	simm.s32 $0xFFFFFFFF;
	p2 =	slt.u32 s8, $0xFFFFF086  }
0x1c: {  	p1 =	slt.u32 s9, $0xF7A;
	s5 =	simm.s32 @!p2 $0x0  }
0x1d: {  	s5 =	simm.s32 @p1 $0x1;
	p0 =	seq.s32 s7, s2  }
0x1e: {  	s7 =	smul.u32 @!p0 $0xF7A, s2;
	p2 =	seq.s32 @!p0 s5, $0x0  }
0x1f: {  	s9 =	smul.u32 $0xF7A, s1;
	s8 =	simm.s32 @!p0 $0x1BF5;
	p2 =	por !p2, p0  }
0x20: {  	[sflag:s8] =	ssyncset.s32 @!p0 $0xFFFFF086;
	s6 =	sadd.s32 @!p0 s3, s7;
	s7 =	simm.s32 @!p0 $0x108  }
0x21: {  	s3 =	sadd.s32 s3, s9;
	s6 =	sadd.s32 @!p0 $0x88, s6;
	s7 =	simm.s32 @p2 $0x1082  }
0x22: {  	[simem:s7], [sflag:s8] =	dma.local @!p0 [hbm:s6], $0xF7A  }
0x23: {  	s9 =	sor.u32 $0xD0000000, s2;
	s6 =	simm.s32 $0x108;
	_ =	swait.ge @!p0 [sflag:s8], $0x0  }
0x24: {  	s3 =	sadd.s32 $0x88, s3;
	s6 =	simm.s32 @!p1 $0x1082;
	[sflag:s4] =	ssyncset.s32 $0xFFFFF086  }
0x25: {  	[simem:s6], [sflag:s4] =	dma.local [hbm:s3], $0xF7A  }
0x26: {  	[smem:$0x3F95] =	sst s1;
	(tag) =	ssettag s2;
	_ =	strace s9  }
0x27: {  	s1 =	sld [smem:$0x3FA5]  }
0x28: {  	s2 =	sld [smem:$0x3FA6]  }
0x29: {  	s4 =	sld [smem:$0x3FA8]  }
0x2a: {  	p0 =	seq.s32 s5, $0x0;
	s5 =	sld [smem:$0x3FA9]  }
0x2b: {  	s6 =	sld [smem:$0x3FAA]  }
0x2c: {  	s7 =	sld [smem:$0x3FAB]  }
0x2d: {  	s3 =	simm.s32 $0x108;
	s8 =	sld [smem:$0x3FAC]  }
0x2e: {  	s3 =	simm.s32 @!p0 $0x1082;
	s9 =	sld [smem:$0x3FAD]  }
0x2f: {  	lr =	sadd.s32 s0, s3;
	s0 =	sld [smem:$0x3FA4]  }
0x30: {  	s3 =	sld [smem:$0x3FA7]  }
0x31: {  	[smem:$0x3FB0] =	sst s10  }
0x32: {  	s10 =	sld [smem:$0x3FAE];
	_ =	sdelay $0x3  }
0x33: {  	p0 =	seq.s32 s10, $0x1;
	s10 =	sld [smem:$0x3FB0];
	_ =	sdelay $0x3  }
0x34: {  	[smem:$0x3FB0] =	sst s10  }
0x35: {  	s10 =	sld [smem:$0x3FAF];
	_ =	sdelay $0x3  }
0x36: {  	p1 =	seq.s32 s10, $0x1;
	s10 =	sld [smem:$0x3FB0];
	_ =	sdelay $0x3  }
0x37: {  	[smem:$0x3FB0] =	sst s10  }
0x38: {  	s10 =	sld [smem:$0x3FB1]  }
0x39: {  	_ = 	snop;
	(pc) =	sbr.ind lr, $3  }
0x3a: {  	_ = 	snop  }
0x3b: {  	_ = 	snop  }
0x3c: {  	p2 =	seq.s32 s10, $0x1;
	s10 =	sld [smem:$0x3FB0]  }
0x3d: {  	_ =	shalt  }
0x3e: {  	_ =	shalt  }
0x3f: {  	_ =	shalt  }
0x40: {  	_ =	shalt  }
0x41: {  	_ =	shalt  }
0x42: {  	_ =	shalt  }
0x43: {  	_ =	shalt  }
0x44: {  	_ =	shalt  }
0x45: {  	_ =	shalt  }
0x46: {  	_ =	shalt  }
0x47: {  	_ =	shalt  }
0x48: {  	_ =	shalt  }
0x49: {  	_ =	shalt  }
0x4a: {  	_ =	shalt  }
0x4b: {  	_ =	shalt  }
0x4c: {  	_ =	shalt  }
0x4d: {  	_ =	shalt  }
0x4e: {  	_ =	shalt  }
0x4f: {  	_ =	shalt  }
0x50: {  	_ =	shalt  }
0x51: {  	_ =	shalt  }
0x52: {  	_ =	shalt  }
0x53: {  	_ =	shalt  }
0x54: {  	_ =	shalt  }
0x55: {  	_ =	shalt  }
0x56: {  	_ =	shalt  }
0x57: {  	_ =	shalt  }
0x58: {  	_ =	shalt  }
0x59: {  	_ =	shalt  }
0x5a: {  	_ =	shalt  }
0x5b: {  	_ =	shalt  }
0x5c: {  	_ =	shalt  }
0x5d: {  	_ =	shalt  }
0x5e: {  	_ =	shalt  }
0x5f: {  	_ =	shalt  }
0x60: {  	_ =	shalt  }
0x61: {  	_ =	shalt  }
0x62: {  	_ =	shalt  }
0x63: {  	_ =	shalt  }
0x64: {  	_ =	shalt  }
0x65: {  	_ =	shalt  }
0x66: {  	_ =	shalt  }
0x67: {  	_ =	shalt  }
0x68: {  	_ =	shalt  }
0x69: {  	_ =	shalt  }
0x6a: {  	_ =	shalt  }
0x6b: {  	_ =	shalt  }
0x6c: {  	_ =	shalt  }
0x6d: {  	_ =	shalt  }
0x6e: {  	_ =	shalt  }
0x6f: {  	_ =	shalt  }
0x70: {  	_ =	shalt  }
0x71: {  	_ =	shalt  }
0x72: {  	_ =	shalt  }
0x73: {  	_ =	shalt  }
0x74: {  	_ =	shalt  }
0x75: {  	_ =	shalt  }
0x76: {  	_ =	shalt  }
0x77: {  	_ =	shalt  }
0x78: {  	_ =	shalt  }
0x79: {  	_ =	shalt  }
0x7a: {  	_ =	shalt  }
0x7b: {  	_ =	shalt  }
0x7c: {  	_ =	shalt  }
0x7d: {  	_ =	shalt  }
0x7e: {  	_ =	shalt  }
0x7f: {  	_ =	shalt  }
0x80: {  	_ =	shalt  }
0x81: {  	_ =	shalt  }
0x82: {  	_ =	shalt  }
0x83: {  	_ =	shalt  }
0x84: {  	_ =	shalt  }
0x85: {  	_ =	shalt  }
0x86: {  	_ =	shalt  }
0x87: {  	_ =	shalt  }
.Lfunc_end0:
.L_simem_size_0:
called_computation_lowered:
.L_overlay_start_0:
0x88: {  	s2 =	sld [smem:$0x3FD9]  }
0x89: {  	s3 =	sld [smem:$0x3FFE];
	_ =	sdelay $0x1  }
0x8a: {  	s1 =	srdreg.scid  }
0x8b: {  	s0 =	sand.u32 $0x1, s1  }
0x8c: {  	s17 =	sshll.u32 s0, $0xA;
	s2 =	sadd.s32 s3, s2  }
0x8d: {  	s2 =	sadd.s32 s2, s17  }
0x8e: {  	[smem:$0x3FBC] =	sst s2  }
0x8f: {  	_ = 	snop  }
0x90: {  	s2 =	sld [smem:$0x3FD0];
	(tm) =	ssettm $0x1  }
0x91: {  	s18 =	sld [smem:$0x3FFB];
	_ =	sdelay $0x3  }
0x92: {  	_ =	strace s18  }
0x93: {  	s3 =	sld [smem:$0x3FFC];
	_ =	sdelay $0x3  }
0x94: {  	_ =	strace s3  }
0x95: {  	s3 =	sld [smem:$0x3FFD];
	_ =	sdelay $0x3  }
0x96: {  	_ =	strace s3  }
0x97: {  	_ =	strace $0x8FFFFFFF  }
0x98: {  	s19 =	sld [smem:$0x3FDB];
	_ =	sdelay $0x1  }
0x99: {  	s4 =	simm.s32 $_scs_section_size  }
0x9a: {  	s5 =	simm.s32 $_size__tile_overlayer_lowered;
	s6 =	simm.s32 $_tile_overlayer_lowered  }
0x9b: {  	s22 =	simm.s32 $0x1BFF;
	s21 =	sshll.u32 s6, $0x1;
	s3 =	sadd.s32 s4, s19  }
0x9c: {  	s7 =	simm.s32 $0x0;
	s20 =	sshll.u32 s5, $0x1;
	s5 =	sadd.s32 s21, s3  }
0x9d: {  	[timem:s7], [sflag:s22] =	dma.local [hbm:s5], s20  }
0x9e: {  	_ =	swait.ge [sflag:s22], s20  }
0x9f: {  	s4 =	ssub.s32 $0x0, s20;
	[sflag:s22] =	ssyncset.done $0x0  }
0xa0: {  	[sflag:s22] =	ssyncadd.s32 s4;
	_ =	sdelay $0x1  }
0xa1: {  	s23 =	simm.s32 $0x1B8B  }
0xa2: {  	_ =	swait.ge [sflag:s23], $0x1  }
0xa3: {  	[sflag:s23] =	ssyncset.done $0x0  }
0xa4: {  	s25 =	simm.s32 $0x1B8E;
	s24 =	sld [smem:$0x3FFE];
	[sflag:s23] =	ssyncadd.s32 $0xFFFFFFFF  }
0xa5: {  	s26 =	simm.s32 $execute0_lowered;
	[smem:$0x3FD2] =	sst s25  }
0xa6: {  	s5 =	sshll.u32 s26, $0x1;
	_ =	strace $0x80000046;
	[dreg:$0x1] =	wrdreg $0xFFFFFFFF  }
0xa7: {  	s28 =	simm.s32 $_size_execute0_lowered;
	s3 =	sadd.s32 s3, s5;
	[dreg:$0x0] =	wrdreg $0x0  }
0xa8: {  	s5 =	sshll.u32 s28, $0x1;
	[dreg:$0x2] =	wrdreg s3  }
0xa9: {  	[dreg:$0x3] =	wrdreg s5  }
0xaa: {  	[dreg:$0x4] =	wrdreg $0xC0  }
0xab: {  	_ =	task [dreg:s7], $0x5FFFF  }
0xac: {  	[dreg:$0x1] =	wrdreg $0xFFFFFFFF  }
0xad: {  	[dreg:$0x0] =	wrdreg $0x60  }
0xae: {  	[dreg:$0x2] =	wrdreg s2  }
0xaf: {  	[dreg:$0x3] =	wrdreg s24  }
0xb0: {  	[dreg:$0x4] =	wrdreg $0x9  }
0xb1: {  	_ =	task.clear_ibuf [dreg:s7], $0x5FFFF;
	_ =	strace $0x90000046  }
0xb2: {  	s29 =	simm.s32 $0x9;
	_ =	strace $0x80000048  }
0xb3: {  	_ =	swait.ge [sflag:s29], $0x1  }
0xb4: {  	[sflag:s29] =	ssyncadd.s32 $0xFFFFFFFF  }
0xb5: {  	_ =	strace $0x90000048  }
0xb6: {  	_ =	sfence  }
0xb7: {  	s30 =	sld [smem:$0x0];
	_ =	sdelay $0x2  }
0xb8: {  	s31 =	sshll.u32 s1, $0xD;
	s1 =	sshrl.u32 s1, $0x2  }
0xb9: {  	s3 =	sand.u32 $0x4000, s31;
	s1 =	sadd.s32 s1, s30  }
0xba: {  	s0 =	sor.u32 s3, s0;
	s1 =	sshll.u32 s1, $0x11  }
0xbb: {  	s0 =	sor.u32 s1, s0  }
0xbc: {  	s0 =	sadd.s32 $0x8F2B, s0  }
0xbd: {  	[sflag:s0] =	ssyncadd.remote.s32 $0x1  }
0xbe: {  	_ =	sfence.sel $0xFFFF  }
0xbf: {  	[dreg:$0x0] =	wrdreg $0xFFFFFFFF;
	(pc) =	sbr.abs _section_cstart, $3  }
0xc0: {  	[dreg:$0x1] =	wrdreg $0xFFFFFFFF  }
0xc1: {  	_ =	task.clear_ibuf [dreg:s7], $0x2FFFF;
	_ =	strace $0x9FFFFFFF  }
0xc2: {  	(tm) =	ssettm $0x7FFFFFFF  }
0xc3: {  	_ =	shalt  }
tec
execute0_lowered:
.L_overlay_start_1:
0x0: {  	(tag) =	ssettag $0x1  }
0x1: {  	s3 =	rddreg [dreg:$0x0]  }
0x2: {  	s1 =	rddreg [dreg:$0x1]  }
0x3: {  	s2 =	simm.s32 $0x0;
	s0 =	srdreg.scid;
	s4 =	stileid.u32  }
0x4: {  	p0 =	por $0x0, $0x0;
	s7 =	sand.u32 $0x1, s0;
	s14 =	sshll.u32 s4, $0x1  }
0x5: {  	[smem:$0x7FF] =	sst s2;
	s4 =	sadd.s32 $0x2800, s1;
	s9 =	sor.u32 s7, s14  }
0x6: {  	s5 =	sadd.s32 $0x22800, s1;
	s15 =	ssub.s32 $0x2, s7;
	s8 =	smul.u32 $0x900, s9  }
0x7: {  	s0 =	sadd.s32 $0x24C00, s1;
	s7 =	sshrl.u32 s15, $0x1;
	s9 =	smul.u32 $0x9000, s9  }
0x8: {  	s6 =	sadd.s32 $0x144C00, s1;
	_ =	strace $0x80000047;
	s7 =	ssub.s32 s15, s7  }
0x9: {  	s10 =	sshrl.u32 s8, $0x3;
	s11 =	sor.u32 $0x80, s8;
	s17 =	sadd.s32 s0, s9  }
0xa: {  	s18 =	sadd.s32 $0x100, s8;
	s19 =	sadd.s32 s6, s9;
	s24 =	sadd.s32 $0x180, s8  }
0xb: {  	s14 =	sadd.s32 $0x200, s8;
	s10 =	sadd.s32 s5, s10;
	[dreg:$0x5] =	wrdreg s17  }
0xc: {  	s12 =	sshrl.u32 s11, $0x3;
	s20 =	sshrl.u32 s18, $0x3;
	[dreg:$0x6] =	wrdreg s19  }
0xd: {  	s22 =	sshll.u32 s11, $0x4;
	[dreg:$0x3] =	wrdreg s10;
	s16 =	sadd.s32 s5, s12  }
0xe: {  	s26 =	sshrl.u32 s24, $0x3;
	s21 =	sadd.s32 s5, s20;
	[dreg:$0x4] =	wrdreg s16  }
0xf: {  	s23 =	sadd.s32 s0, s22;
	s25 =	sadd.s32 s6, s22;
	[dreg:$0x7] =	wrdreg s21  }
0x10: {  	s9 =	sadd.s32 s5, s26;
	s12 =	sshll.u32 s18, $0x4;
	[dreg:$0x8] =	wrdreg s23  }
0x11: {  	s18 =	sshll.u32 s24, $0x4;
	s20 =	sadd.s32 $0x280, s8;
	[dreg:$0x9] =	wrdreg s25  }
0x12: {  	s24 =	sshll.u32 s14, $0x4;
	[dreg:$0xa] =	wrdreg s9;
	s13 =	sadd.s32 s0, s12  }
0x13: {  	s26 =	sadd.s32 $0x300, s8;
	s15 =	sadd.s32 s6, s12;
	[dreg:$0xb] =	wrdreg s13  }
0x14: {  	s10 =	simm.s32 $0x3;
	s19 =	sadd.s32 s0, s18;
	[dreg:$0xc] =	wrdreg s15  }
0x15: {  	s16 =	sshrl.u32 s14, $0x3;
	s21 =	sadd.s32 s6, s18;
	[dreg:$0xe] =	wrdreg s19  }
0x16: {  	s22 =	sshrl.u32 s20, $0x3;
	s25 =	sadd.s32 s0, s24;
	[dreg:$0xf] =	wrdreg s21  }
0x17: {  	s9 =	sadd.s32 s6, s24;
	s12 =	sshrl.u32 s26, $0x3;
	[dreg:$0x11] =	wrdreg s25  }
0x18: {  	s14 =	sshll.u32 s20, $0x4;
	s17 =	sadd.s32 s5, s16;
	[dreg:$0x12] =	wrdreg s9  }
0x19: {  	s20 =	sshll.u32 s26, $0x4;
	s23 =	sadd.s32 s5, s22;
	[dreg:$0xd] =	wrdreg s17  }
0x1a: {  	s13 =	sadd.s32 s5, s12;
	s15 =	sadd.s32 s0, s14;
	[dreg:$0x10] =	wrdreg s23  }
0x1b: {  	s16 =	sadd.s32 $0x380, s8;
	s21 =	sadd.s32 s0, s20;
	[dreg:$0x13] =	wrdreg s13  }
0x1c: {  	s22 =	sadd.s32 $0x400, s8;
	s12 =	sadd.s32 $0x480, s8;
	[dreg:$0x14] =	wrdreg s15  }
0x1d: {  	s17 =	sadd.s32 s6, s14;
	s18 =	sshrl.u32 s16, $0x3;
	[dreg:$0x17] =	wrdreg s21  }
0x1e: {  	s23 =	sadd.s32 s6, s20;
	s24 =	sshrl.u32 s22, $0x3;
	[dreg:$0x15] =	wrdreg s17  }
0x1f: {  	s26 =	sshll.u32 s16, $0x4;
	s19 =	sadd.s32 s5, s18;
	[dreg:$0x18] =	wrdreg s23  }
0x20: {  	s14 =	sshrl.u32 s12, $0x3;
	s25 =	sadd.s32 s5, s24;
	[dreg:$0x16] =	wrdreg s19  }
0x21: {  	s16 =	sshll.u32 s22, $0x4;
	s11 =	sadd.s32 s0, s26;
	[dreg:$0x19] =	wrdreg s25  }
0x22: {  	s22 =	sshll.u32 s12, $0x4;
	s13 =	sadd.s32 s6, s26;
	[dreg:$0x1a] =	wrdreg s11  }
0x23: {  	s15 =	sadd.s32 s5, s14;
	s17 =	sadd.s32 s0, s16;
	[dreg:$0x1b] =	wrdreg s13  }
0x24: {  	s18 =	sadd.s32 $0x500, s8;
	s23 =	sadd.s32 s0, s22;
	[dreg:$0x1c] =	wrdreg s15  }
0x25: {  	s24 =	sadd.s32 $0x580, s8;
	s14 =	sadd.s32 $0x600, s8;
	[dreg:$0x1d] =	wrdreg s17  }
0x26: {  	s19 =	sadd.s32 s6, s16;
	s20 =	sshrl.u32 s18, $0x3;
	[smem:$0x7F5] =	sst s23  }
0x27: {  	s25 =	sadd.s32 s6, s22;
	s26 =	sshrl.u32 s24, $0x3;
	s12 =	sshll.u32 s18, $0x4  }
0x28: {  	s16 =	sshrl.u32 s14, $0x3;
	s18 =	sshll.u32 s24, $0x4;
	[dreg:$0x1e] =	wrdreg s19  }
0x29: {  	s24 =	sshll.u32 s14, $0x4;
	s21 =	sadd.s32 s5, s20;
	[smem:$0x7F6] =	sst s25  }
0x2a: {  	s14 =	sadd.s32 $0x780, s8;
	s9 =	sadd.s32 s5, s26;
	[dreg:$0x1f] =	wrdreg s21  }
0x2b: {  	s11 =	simm.s32 $0x4100;
	s13 =	sadd.s32 s0, s12;
	[smem:$0x7F7] =	sst s9  }
0x2c: {  	s15 =	sadd.s32 s6, s12;
	s17 =	sadd.s32 s5, s16;
	[smem:$0x7F8] =	sst s13  }
0x2d: {  	s19 =	sadd.s32 s0, s18;
	s20 =	sadd.s32 $0x680, s8;
	[smem:$0x7F9] =	sst s15  }
0x2e: {  	s30 =	sadd.s32 s0, s24;
	s25 =	sadd.s32 $0x700, s8;
	[smem:$0x7FA] =	sst s17  }
0x2f: {  	s31 =	sadd.s32 s6, s24;
	s16 =	sadd.s32 $0x800, s8;
	[smem:$0x7FB] =	sst s19  }
0x30: {  	s21 =	sadd.s32 s6, s18;
	s22 =	sshrl.u32 s20, $0x3;
	s12 =	sshrl.u32 s25, $0x3  }
0x31: {  	s13 =	sshll.u32 s20, $0x4;
	s15 =	sshrl.u32 s14, $0x3;
	s1 =	sshll.u32 s25, $0x4  }
0x32: {  	s17 =	sshrl.u32 s16, $0x3;
	s9 =	sshll.u32 s14, $0x4;
	s18 =	sadd.s32 $0x880, s8  }
0x33: {  	s20 =	sshll.u32 s16, $0x4;
	s14 =	simm.s32 $0x8100;
	[smem:$0x7FC] =	sst s21  }
0x34: {  	s23 =	sadd.s32 s5, s22;
	s29 =	sadd.s32 s5, s12;
	s26 =	sadd.s32 s0, s13  }
0x35: {  	s28 =	sadd.s32 s6, s13;
	s25 =	sadd.s32 s5, s15;
	s24 =	sadd.s32 s6, s1  }
0x36: {  	s22 =	sadd.s32 s5, s17;
	s17 =	sadd.s32 s0, s9;
	s19 =	sadd.s32 s6, s9  }
0x37: {  	s8 =	sshrl.u32 s18, $0x3;
	s9 =	sadd.s32 s6, s20;
	s21 =	smax.u32 s7, $0x1  }
0x38: {  	s13 =	simm.s32 $0x100;
	s12 =	simm.s32 $0xC100;
	p1 =	sne.s32 s21, $0x1  }
.Ltmp0:
0x39: {  	s15 =	simm.s32 $0x2;
	s7 =	simm.s32 $0x4;
	(pc) =	sbr.rel @!p1 .LBB2_3-.Ltmp0, $4  }
0x3a: {  	[smem:$0x7FD] =	sst s23;
	s23 =	sadd.s32 s0, s1;
	s16 =	sadd.s32 s5, s8  }
0x3b: {  	s8 =	sadd.s32 s0, s20;
	s1 =	sshll.u32 s18, $0x4;
	s20 =	simm.s32 $0x5  }
0x3c: {  	s18 =	simm.s32 $0x80;
	s5 =	sadd.s32 s0, s1;
	s6 =	sadd.s32 s6, s1  }
0x3d: {  	s0 =	sadd.s32 $0xFFFFFFFF, s21;
	s21 =	simm.s32 $0x1;
	s1 =	rddreg [dreg:$0x3]  }
0x3e: {  	[tilespmem:s2], [sflag:$0x5] =	stream.linear.gather [hbm4b:s1+s2], $0x80, $0x38;
	[tilespmem:$0x10100] =	vst v63  }
0x3f: {  	_ =	swait.ge [sflag:s20], $0x80  }
0x40: {  	[sflag:s20] =	ssyncset.done $0x0  }
0x41: {  	[sflag:s20] =	ssyncadd.s32 $0xFFFFFF80  }
0x42: {  	[tilespmem:s13], [sflag:$0x1] =	stream.indirect.gather [hbm4b:s3+s18], $0x80, s2, s18, $0xb8;
	[tilespmem:$0x10100] =	vst v63  }
0x43: {  	_ = 	snop  }
0x44: {  	[tilespmem:s14], [sflag:$0x1] =	stream.indirect.gather [hbm4b:s4+s18], $0x80, s2, s18, $0xb8;
	[tilespmem:$0x10100] =	vst v63  }
0x45: {  	s1 =	rddreg [dreg:$0x4]  }
0x46: {  	[tilespmem:s18], [sflag:$0x5] =	stream.linear.gather [hbm4b:s1+s2], $0x80, $0x38;
	[tilespmem:$0x10100] =	vst v63  }
0x47: {  	_ =	swait.ge [sflag:s20], $0x80  }
0x48: {  	[sflag:s20] =	ssyncset.done $0x0  }
0x49: {  	[sflag:s20] =	ssyncadd.s32 $0xFFFFFF80  }
0x4a: {  	[tilespmem:s11], [sflag:$0x2] =	stream.indirect.gather [hbm4b:s3+s18], $0x80, s18, s18, $0xb8;
	[tilespmem:$0x10100] =	vst v63  }
0x4b: {  	_ = 	snop  }
0x4c: {  	[tilespmem:s12], [sflag:$0x2] =	stream.indirect.gather [hbm4b:s4+s18], $0x80, s18, s18, $0xb8;
	[tilespmem:$0x10100] =	vst v63  }
0x4d: {  	_ =	swait.ge [sflag:s21], $0x4000  }
0x4e: {  	[sflag:s21] =	ssyncset.done $0x0  }
0x4f: {  	[sflag:s21] =	ssyncadd.s32 $0xFFFFC000  }
0x50: {  	_ =	swait.ge [sflag:s21], $0x4000  }
0x51: {  	s1 =	rddreg [dreg:$0x5];
	[sflag:s21] =	ssyncset.done $0x0  }
0x52: {  	[smem:$0x7F3] =	sst s0;
	[sflag:s21] =	ssyncadd.s32 $0xFFFFC000  }
0x53: {  	[hbm4b:s1+s2] =	stream.linear.scatter [tilespmem:s13], [sflag:$0x3], $0x4000, $0x38;
	[tilespmem:$0x10100] =	vst v63  }
0x54: {  	s0 =	rddreg [dreg:$0x6]  }
0x55: {  	[hbm4b:s0+s2] =	stream.linear.scatter [tilespmem:s14], [sflag:$0x3], $0x4000, $0x38;
	[tilespmem:$0x10100] =	vst v63  }
0x56: {  	_ =	swait.ge [sflag:s10], $0x4000  }
0x57: {  	[sflag:s10] =	ssyncset.done $0x0  }
0x58: {  	[sflag:s10] =	ssyncadd.s32 $0xFFFFC000  }
0x59: {  	_ =	swait.ge [sflag:s10], $0x4000  }
0x5a: {  	[sflag:s10] =	ssyncset.done $0x0  }
0x5b: {  	s1 =	rddreg [dreg:$0x7];
	[sflag:s10] =	ssyncadd.s32 $0xFFFFC000  }
0x5c: {  	[tilespmem:s2], [sflag:$0x5] =	stream.linear.gather [hbm4b:s1+s2], $0x80, $0x38;
	[tilespmem:$0x10100] =	vst v63  }
0x5d: {  	_ =	swait.ge [sflag:s20], $0x80  }
0x5e: {  	[sflag:s20] =	ssyncset.done $0x0  }
0x5f: {  	[sflag:s20] =	ssyncadd.s32 $0xFFFFFF80  }
0x60: {  	[tilespmem:s13], [sflag:$0x1] =	stream.indirect.gather [hbm4b:s3+s18], $0x80, s2, s18, $0xb8;
	[tilespmem:$0x10100] =	vst v63  }
0x61: {  	_ = 	snop  }
0x62: {  	[tilespmem:s14], [sflag:$0x1] =	stream.indirect.gather [hbm4b:s4+s18], $0x80, s2, s18, $0xb8;
	[tilespmem:$0x10100] =	vst v63  }
0x63: {  	_ =	swait.ge [sflag:s15], $0x4000  }
0x64: {  	[sflag:s15] =	ssyncset.done $0x0  }
0x65: {  	[sflag:s15] =	ssyncadd.s32 $0xFFFFC000  }
0x66: {  	_ =	swait.ge [sflag:s15], $0x4000  }
0x67: {  	[sflag:s15] =	ssyncset.done $0x0  }
0x68: {  	s0 =	rddreg [dreg:$0x8];
	[sflag:s15] =	ssyncadd.s32 $0xFFFFC000  }
0x69: {  	[hbm4b:s0+s2] =	stream.linear.scatter [tilespmem:s11], [sflag:$0x4], $0x4000, $0x38;
	[tilespmem:$0x10100] =	vst v63  }
0x6a: {  	s1 =	rddreg [dreg:$0x9]  }
0x6b: {  	[hbm4b:s1+s2] =	stream.linear.scatter [tilespmem:s12], [sflag:$0x4], $0x4000, $0x38;
	[tilespmem:$0x10100] =	vst v63  }
0x6c: {  	_ =	swait.ge [sflag:s7], $0x4000  }
0x6d: {  	[sflag:s7] =	ssyncset.done $0x0  }
0x6e: {  	[sflag:s7] =	ssyncadd.s32 $0xFFFFC000  }
0x6f: {  	_ =	swait.ge [sflag:s7], $0x4000  }
0x70: {  	[sflag:s7] =	ssyncset.done $0x0  }
0x71: {  	s1 =	rddreg [dreg:$0xa];
	[sflag:s7] =	ssyncadd.s32 $0xFFFFC000  }
0x72: {  	[tilespmem:s18], [sflag:$0x5] =	stream.linear.gather [hbm4b:s1+s2], $0x80, $0x38;
	[tilespmem:$0x10100] =	vst v63  }
0x73: {  	_ =	swait.ge [sflag:s20], $0x80  }
0x74: {  	[sflag:s20] =	ssyncset.done $0x0  }
0x75: {  	[sflag:s20] =	ssyncadd.s32 $0xFFFFFF80  }
0x76: {  	[tilespmem:s11], [sflag:$0x2] =	stream.indirect.gather [hbm4b:s3+s18], $0x80, s18, s18, $0xb8;
	[tilespmem:$0x10100] =	vst v63  }
0x77: {  	_ = 	snop  }
0x78: {  	[tilespmem:s12], [sflag:$0x2] =	stream.indirect.gather [hbm4b:s4+s18], $0x80, s18, s18, $0xb8;
	[tilespmem:$0x10100] =	vst v63  }
0x79: {  	_ =	swait.ge [sflag:s21], $0x4000  }
0x7a: {  	[sflag:s21] =	ssyncset.done $0x0  }
0x7b: {  	[sflag:s21] =	ssyncadd.s32 $0xFFFFC000  }
0x7c: {  	_ =	swait.ge [sflag:s21], $0x4000  }
0x7d: {  	[sflag:s21] =	ssyncset.done $0x0  }
0x7e: {  	s0 =	rddreg [dreg:$0xb];
	[sflag:s21] =	ssyncadd.s32 $0xFFFFC000  }
0x7f: {  	[hbm4b:s0+s2] =	stream.linear.scatter [tilespmem:s13], [sflag:$0x3], $0x4000, $0x38;
	[tilespmem:$0x10100] =	vst v63  }
0x80: {  	s1 =	rddreg [dreg:$0xc]  }
0x81: {  	[hbm4b:s1+s2] =	stream.linear.scatter [tilespmem:s14], [sflag:$0x3], $0x4000, $0x38;
	[tilespmem:$0x10100] =	vst v63  }
0x82: {  	_ =	swait.ge [sflag:s10], $0x4000  }
0x83: {  	[sflag:s10] =	ssyncset.done $0x0  }
0x84: {  	[sflag:s10] =	ssyncadd.s32 $0xFFFFC000  }
0x85: {  	_ =	swait.ge [sflag:s10], $0x4000  }
0x86: {  	[sflag:s10] =	ssyncset.done $0x0  }
0x87: {  	s1 =	rddreg [dreg:$0xd];
	[sflag:s10] =	ssyncadd.s32 $0xFFFFC000  }
0x88: {  	[tilespmem:s2], [sflag:$0x5] =	stream.linear.gather [hbm4b:s1+s2], $0x80, $0x38;
	[tilespmem:$0x10100] =	vst v63  }
0x89: {  	_ =	swait.ge [sflag:s20], $0x80  }
0x8a: {  	[sflag:s20] =	ssyncset.done $0x0  }
0x8b: {  	[sflag:s20] =	ssyncadd.s32 $0xFFFFFF80  }
0x8c: {  	[tilespmem:s13], [sflag:$0x1] =	stream.indirect.gather [hbm4b:s3+s18], $0x80, s2, s18, $0xb8;
	[tilespmem:$0x10100] =	vst v63  }
0x8d: {  	_ = 	snop  }
0x8e: {  	[tilespmem:s14], [sflag:$0x1] =	stream.indirect.gather [hbm4b:s4+s18], $0x80, s2, s18, $0xb8;
	[tilespmem:$0x10100] =	vst v63  }
0x8f: {  	_ =	swait.ge [sflag:s15], $0x4000  }
0x90: {  	[sflag:s15] =	ssyncset.done $0x0  }
0x91: {  	[sflag:s15] =	ssyncadd.s32 $0xFFFFC000  }
0x92: {  	_ =	swait.ge [sflag:s15], $0x4000  }
0x93: {  	[sflag:s15] =	ssyncset.done $0x0  }
0x94: {  	s0 =	rddreg [dreg:$0xe];
	[sflag:s15] =	ssyncadd.s32 $0xFFFFC000  }
0x95: {  	[hbm4b:s0+s2] =	stream.linear.scatter [tilespmem:s11], [sflag:$0x4], $0x4000, $0x38;
	[tilespmem:$0x10100] =	vst v63  }
0x96: {  	s1 =	rddreg [dreg:$0xf]  }
0x97: {  	[hbm4b:s1+s2] =	stream.linear.scatter [tilespmem:s12], [sflag:$0x4], $0x4000, $0x38;
	[tilespmem:$0x10100] =	vst v63  }
0x98: {  	_ =	swait.ge [sflag:s7], $0x4000  }
0x99: {  	[sflag:s7] =	ssyncset.done $0x0  }
0x9a: {  	[sflag:s7] =	ssyncadd.s32 $0xFFFFC000  }
0x9b: {  	_ =	swait.ge [sflag:s7], $0x4000  }
0x9c: {  	[sflag:s7] =	ssyncset.done $0x0  }
0x9d: {  	s1 =	rddreg [dreg:$0x10];
	[sflag:s7] =	ssyncadd.s32 $0xFFFFC000  }
0x9e: {  	[tilespmem:s18], [sflag:$0x5] =	stream.linear.gather [hbm4b:s1+s2], $0x80, $0x38;
	[tilespmem:$0x10100] =	vst v63  }
0x9f: {  	_ =	swait.ge [sflag:s20], $0x80  }
0xa0: {  	[sflag:s20] =	ssyncset.done $0x0  }
0xa1: {  	[sflag:s20] =	ssyncadd.s32 $0xFFFFFF80  }
0xa2: {  	[tilespmem:s11], [sflag:$0x2] =	stream.indirect.gather [hbm4b:s3+s18], $0x80, s18, s18, $0xb8;
	[tilespmem:$0x10100] =	vst v63  }
0xa3: {  	_ = 	snop  }
0xa4: {  	[tilespmem:s12], [sflag:$0x2] =	stream.indirect.gather [hbm4b:s4+s18], $0x80, s18, s18, $0xb8;
	[tilespmem:$0x10100] =	vst v63  }
0xa5: {  	_ =	swait.ge [sflag:s21], $0x4000  }
0xa6: {  	[sflag:s21] =	ssyncset.done $0x0  }
0xa7: {  	[sflag:s21] =	ssyncadd.s32 $0xFFFFC000  }
0xa8: {  	_ =	swait.ge [sflag:s21], $0x4000  }
0xa9: {  	[sflag:s21] =	ssyncset.done $0x0  }
0xaa: {  	s0 =	rddreg [dreg:$0x11];
	[sflag:s21] =	ssyncadd.s32 $0xFFFFC000  }
0xab: {  	[hbm4b:s0+s2] =	stream.linear.scatter [tilespmem:s13], [sflag:$0x3], $0x4000, $0x38;
	[tilespmem:$0x10100] =	vst v63  }
0xac: {  	s1 =	rddreg [dreg:$0x12]  }
0xad: {  	[hbm4b:s1+s2] =	stream.linear.scatter [tilespmem:s14], [sflag:$0x3], $0x4000, $0x38;
	[tilespmem:$0x10100] =	vst v63  }
0xae: {  	_ =	swait.ge [sflag:s10], $0x4000  }
0xaf: {  	[sflag:s10] =	ssyncset.done $0x0  }
0xb0: {  	[sflag:s10] =	ssyncadd.s32 $0xFFFFC000  }
0xb1: {  	_ =	swait.ge [sflag:s10], $0x4000  }
0xb2: {  	[sflag:s10] =	ssyncset.done $0x0  }
0xb3: {  	s1 =	rddreg [dreg:$0x13];
	[sflag:s10] =	ssyncadd.s32 $0xFFFFC000  }
0xb4: {  	[tilespmem:s2], [sflag:$0x5] =	stream.linear.gather [hbm4b:s1+s2], $0x80, $0x38;
	[tilespmem:$0x10100] =	vst v63  }
0xb5: {  	_ =	swait.ge [sflag:s20], $0x80  }
0xb6: {  	[sflag:s20] =	ssyncset.done $0x0  }
0xb7: {  	[sflag:s20] =	ssyncadd.s32 $0xFFFFFF80  }
0xb8: {  	[tilespmem:s13], [sflag:$0x1] =	stream.indirect.gather [hbm4b:s3+s18], $0x80, s2, s18, $0xb8;
	[tilespmem:$0x10100] =	vst v63  }
0xb9: {  	_ = 	snop  }
0xba: {  	[tilespmem:s14], [sflag:$0x1] =	stream.indirect.gather [hbm4b:s4+s18], $0x80, s2, s18, $0xb8;
	[tilespmem:$0x10100] =	vst v63  }
0xbb: {  	_ =	swait.ge [sflag:s15], $0x4000  }
0xbc: {  	[sflag:s15] =	ssyncset.done $0x0  }
0xbd: {  	[sflag:s15] =	ssyncadd.s32 $0xFFFFC000  }
0xbe: {  	_ =	swait.ge [sflag:s15], $0x4000  }
0xbf: {  	[sflag:s15] =	ssyncset.done $0x0  }
0xc0: {  	s0 =	rddreg [dreg:$0x14];
	[sflag:s15] =	ssyncadd.s32 $0xFFFFC000  }
0xc1: {  	[hbm4b:s0+s2] =	stream.linear.scatter [tilespmem:s11], [sflag:$0x4], $0x4000, $0x38;
	[tilespmem:$0x10100] =	vst v63  }
0xc2: {  	s1 =	rddreg [dreg:$0x15]  }
0xc3: {  	[hbm4b:s1+s2] =	stream.linear.scatter [tilespmem:s12], [sflag:$0x4], $0x4000, $0x38;
	[tilespmem:$0x10100] =	vst v63  }
0xc4: {  	_ =	swait.ge [sflag:s7], $0x4000  }
0xc5: {  	[sflag:s7] =	ssyncset.done $0x0  }
0xc6: {  	[sflag:s7] =	ssyncadd.s32 $0xFFFFC000  }
0xc7: {  	_ =	swait.ge [sflag:s7], $0x4000  }
0xc8: {  	[sflag:s7] =	ssyncset.done $0x0  }
0xc9: {  	s1 =	rddreg [dreg:$0x16];
	[sflag:s7] =	ssyncadd.s32 $0xFFFFC000  }
0xca: {  	[tilespmem:s18], [sflag:$0x5] =	stream.linear.gather [hbm4b:s1+s2], $0x80, $0x38;
	[tilespmem:$0x10100] =	vst v63  }
0xcb: {  	_ =	swait.ge [sflag:s20], $0x80  }
0xcc: {  	[sflag:s20] =	ssyncset.done $0x0  }
0xcd: {  	[sflag:s20] =	ssyncadd.s32 $0xFFFFFF80  }
0xce: {  	[tilespmem:s11], [sflag:$0x2] =	stream.indirect.gather [hbm4b:s3+s18], $0x80, s18, s18, $0xb8;
	[tilespmem:$0x10100] =	vst v63  }
0xcf: {  	_ = 	snop  }
0xd0: {  	[tilespmem:s12], [sflag:$0x2] =	stream.indirect.gather [hbm4b:s4+s18], $0x80, s18, s18, $0xb8;
	[tilespmem:$0x10100] =	vst v63  }
0xd1: {  	_ =	swait.ge [sflag:s21], $0x4000  }
0xd2: {  	[sflag:s21] =	ssyncset.done $0x0  }
0xd3: {  	[sflag:s21] =	ssyncadd.s32 $0xFFFFC000  }
0xd4: {  	_ =	swait.ge [sflag:s21], $0x4000  }
0xd5: {  	[sflag:s21] =	ssyncset.done $0x0  }
0xd6: {  	s0 =	rddreg [dreg:$0x17];
	[sflag:s21] =	ssyncadd.s32 $0xFFFFC000  }
0xd7: {  	[hbm4b:s0+s2] =	stream.linear.scatter [tilespmem:s13], [sflag:$0x3], $0x4000, $0x38;
	[tilespmem:$0x10100] =	vst v63  }
0xd8: {  	s1 =	rddreg [dreg:$0x18]  }
0xd9: {  	[hbm4b:s1+s2] =	stream.linear.scatter [tilespmem:s14], [sflag:$0x3], $0x4000, $0x38;
	[tilespmem:$0x10100] =	vst v63  }
0xda: {  	_ =	swait.ge [sflag:s10], $0x4000  }
0xdb: {  	[sflag:s10] =	ssyncset.done $0x0  }
0xdc: {  	[sflag:s10] =	ssyncadd.s32 $0xFFFFC000  }
0xdd: {  	_ =	swait.ge [sflag:s10], $0x4000  }
0xde: {  	[sflag:s10] =	ssyncset.done $0x0  }
0xdf: {  	s1 =	rddreg [dreg:$0x19];
	[sflag:s10] =	ssyncadd.s32 $0xFFFFC000  }
0xe0: {  	[tilespmem:s2], [sflag:$0x5] =	stream.linear.gather [hbm4b:s1+s2], $0x80, $0x38;
	[tilespmem:$0x10100] =	vst v63  }
0xe1: {  	_ =	swait.ge [sflag:s20], $0x80  }
0xe2: {  	[sflag:s20] =	ssyncset.done $0x0  }
0xe3: {  	[sflag:s20] =	ssyncadd.s32 $0xFFFFFF80  }
0xe4: {  	[tilespmem:s13], [sflag:$0x1] =	stream.indirect.gather [hbm4b:s3+s18], $0x80, s2, s18, $0xb8;
	[tilespmem:$0x10100] =	vst v63  }
0xe5: {  	_ = 	snop  }
0xe6: {  	[tilespmem:s14], [sflag:$0x1] =	stream.indirect.gather [hbm4b:s4+s18], $0x80, s2, s18, $0xb8;
	[tilespmem:$0x10100] =	vst v63  }
0xe7: {  	_ =	swait.ge [sflag:s15], $0x4000  }
0xe8: {  	[sflag:s15] =	ssyncset.done $0x0  }
0xe9: {  	[sflag:s15] =	ssyncadd.s32 $0xFFFFC000  }
0xea: {  	_ =	swait.ge [sflag:s15], $0x4000  }
0xeb: {  	[sflag:s15] =	ssyncset.done $0x0  }
0xec: {  	s0 =	rddreg [dreg:$0x1a];
	[sflag:s15] =	ssyncadd.s32 $0xFFFFC000  }
0xed: {  	[hbm4b:s0+s2] =	stream.linear.scatter [tilespmem:s11], [sflag:$0x4], $0x4000, $0x38;
	[tilespmem:$0x10100] =	vst v63  }
0xee: {  	s1 =	rddreg [dreg:$0x1b]  }
0xef: {  	[hbm4b:s1+s2] =	stream.linear.scatter [tilespmem:s12], [sflag:$0x4], $0x4000, $0x38;
	[tilespmem:$0x10100] =	vst v63  }
0xf0: {  	_ =	swait.ge [sflag:s7], $0x4000  }
0xf1: {  	[sflag:s7] =	ssyncset.done $0x0  }
0xf2: {  	[sflag:s7] =	ssyncadd.s32 $0xFFFFC000  }
0xf3: {  	_ =	swait.ge [sflag:s7], $0x4000  }
0xf4: {  	[sflag:s7] =	ssyncset.done $0x0  }
0xf5: {  	s1 =	rddreg [dreg:$0x1c];
	[sflag:s7] =	ssyncadd.s32 $0xFFFFC000  }
0xf6: {  	[tilespmem:s18], [sflag:$0x5] =	stream.linear.gather [hbm4b:s1+s2], $0x80, $0x38;
	[tilespmem:$0x10100] =	vst v63  }
0xf7: {  	_ =	swait.ge [sflag:s20], $0x80  }
0xf8: {  	[sflag:s20] =	ssyncset.done $0x0  }
0xf9: {  	[sflag:s20] =	ssyncadd.s32 $0xFFFFFF80  }
0xfa: {  	[tilespmem:s11], [sflag:$0x2] =	stream.indirect.gather [hbm4b:s3+s18], $0x80, s18, s18, $0xb8;
	[tilespmem:$0x10100] =	vst v63  }
0xfb: {  	_ = 	snop  }
0xfc: {  	[tilespmem:s12], [sflag:$0x2] =	stream.indirect.gather [hbm4b:s4+s18], $0x80, s18, s18, $0xb8;
	[tilespmem:$0x10100] =	vst v63  }
0xfd: {  	_ =	swait.ge [sflag:s21], $0x4000  }
0xfe: {  	[sflag:s21] =	ssyncset.done $0x0  }
0xff: {  	[sflag:s21] =	ssyncadd.s32 $0xFFFFC000  }
0x100: {  	_ =	swait.ge [sflag:s21], $0x4000  }
0x101: {  	[sflag:s21] =	ssyncset.done $0x0  }
0x102: {  	s0 =	rddreg [dreg:$0x1d];
	[sflag:s21] =	ssyncadd.s32 $0xFFFFC000  }
0x103: {  	[hbm4b:s0+s2] =	stream.linear.scatter [tilespmem:s13], [sflag:$0x3], $0x4000, $0x38;
	[tilespmem:$0x10100] =	vst v63  }
0x104: {  	s1 =	rddreg [dreg:$0x1e]  }
0x105: {  	[hbm4b:s1+s2] =	stream.linear.scatter [tilespmem:s14], [sflag:$0x3], $0x4000, $0x38;
	[tilespmem:$0x10100] =	vst v63  }
0x106: {  	_ =	swait.ge [sflag:s10], $0x4000  }
0x107: {  	[sflag:s10] =	ssyncset.done $0x0  }
0x108: {  	[sflag:s10] =	ssyncadd.s32 $0xFFFFC000  }
0x109: {  	_ =	swait.ge [sflag:s10], $0x4000  }
0x10a: {  	[sflag:s10] =	ssyncset.done $0x0  }
0x10b: {  	s1 =	rddreg [dreg:$0x1f];
	[sflag:s10] =	ssyncadd.s32 $0xFFFFC000  }
0x10c: {  	[tilespmem:s2], [sflag:$0x5] =	stream.linear.gather [hbm4b:s1+s2], $0x80, $0x38;
	[tilespmem:$0x10100] =	vst v63  }
0x10d: {  	_ =	swait.ge [sflag:s20], $0x80  }
0x10e: {  	[sflag:s20] =	ssyncset.done $0x0  }
0x10f: {  	[sflag:s20] =	ssyncadd.s32 $0xFFFFFF80  }
0x110: {  	[tilespmem:s13], [sflag:$0x1] =	stream.indirect.gather [hbm4b:s3+s18], $0x80, s2, s18, $0xb8;
	[tilespmem:$0x10100] =	vst v63  }
0x111: {  	_ = 	snop  }
0x112: {  	[tilespmem:s14], [sflag:$0x1] =	stream.indirect.gather [hbm4b:s4+s18], $0x80, s2, s18, $0xb8;
	[tilespmem:$0x10100] =	vst v63  }
0x113: {  	_ =	swait.ge [sflag:s15], $0x4000  }
0x114: {  	[sflag:s15] =	ssyncset.done $0x0  }
0x115: {  	[sflag:s15] =	ssyncadd.s32 $0xFFFFC000  }
0x116: {  	_ =	swait.ge [sflag:s15], $0x4000  }
0x117: {  	s0 =	sld [smem:$0x7F5]  }
0x118: {  	[sflag:s15] =	ssyncset.done $0x0  }
0x119: {  	s1 =	sld [smem:$0x7F6];
	[sflag:s15] =	ssyncadd.s32 $0xFFFFC000  }
0x11a: {  	[hbm4b:s0+s2] =	stream.linear.scatter [tilespmem:s11], [sflag:$0x4], $0x4000, $0x38;
	[tilespmem:$0x10100] =	vst v63  }
0x11b: {  	_ = 	snop  }
0x11c: {  	[hbm4b:s1+s2] =	stream.linear.scatter [tilespmem:s12], [sflag:$0x4], $0x4000, $0x38;
	[tilespmem:$0x10100] =	vst v63  }
0x11d: {  	_ =	swait.ge [sflag:s7], $0x4000  }
0x11e: {  	[sflag:s7] =	ssyncset.done $0x0  }
0x11f: {  	[sflag:s7] =	ssyncadd.s32 $0xFFFFC000  }
0x120: {  	_ =	swait.ge [sflag:s7], $0x4000  }
0x121: {  	s1 =	sld [smem:$0x7F7]  }
0x122: {  	[sflag:s7] =	ssyncset.done $0x0  }
0x123: {  	[sflag:s7] =	ssyncadd.s32 $0xFFFFC000  }
0x124: {  	[tilespmem:s18], [sflag:$0x5] =	stream.linear.gather [hbm4b:s1+s2], $0x80, $0x38;
	[tilespmem:$0x10100] =	vst v63  }
0x125: {  	_ =	swait.ge [sflag:s20], $0x80  }
0x126: {  	[sflag:s20] =	ssyncset.done $0x0  }
0x127: {  	[sflag:s20] =	ssyncadd.s32 $0xFFFFFF80  }
0x128: {  	[tilespmem:s11], [sflag:$0x2] =	stream.indirect.gather [hbm4b:s3+s18], $0x80, s18, s18, $0xb8;
	[tilespmem:$0x10100] =	vst v63  }
0x129: {  	_ = 	snop  }
0x12a: {  	[tilespmem:s12], [sflag:$0x2] =	stream.indirect.gather [hbm4b:s4+s18], $0x80, s18, s18, $0xb8;
	[tilespmem:$0x10100] =	vst v63  }
0x12b: {  	_ =	swait.ge [sflag:s21], $0x4000  }
0x12c: {  	[sflag:s21] =	ssyncset.done $0x0  }
0x12d: {  	[sflag:s21] =	ssyncadd.s32 $0xFFFFC000  }
0x12e: {  	_ =	swait.ge [sflag:s21], $0x4000  }
0x12f: {  	s0 =	sld [smem:$0x7F8]  }
0x130: {  	[sflag:s21] =	ssyncset.done $0x0  }
0x131: {  	s1 =	sld [smem:$0x7F9];
	[sflag:s21] =	ssyncadd.s32 $0xFFFFC000  }
0x132: {  	[hbm4b:s0+s2] =	stream.linear.scatter [tilespmem:s13], [sflag:$0x3], $0x4000, $0x38;
	[tilespmem:$0x10100] =	vst v63  }
0x133: {  	_ = 	snop  }
0x134: {  	[hbm4b:s1+s2] =	stream.linear.scatter [tilespmem:s14], [sflag:$0x3], $0x4000, $0x38;
	[tilespmem:$0x10100] =	vst v63  }
0x135: {  	_ =	swait.ge [sflag:s10], $0x4000  }
0x136: {  	[sflag:s10] =	ssyncset.done $0x0  }
0x137: {  	[sflag:s10] =	ssyncadd.s32 $0xFFFFC000  }
0x138: {  	_ =	swait.ge [sflag:s10], $0x4000  }
0x139: {  	s1 =	sld [smem:$0x7FA]  }
0x13a: {  	[sflag:s10] =	ssyncset.done $0x0  }
0x13b: {  	[sflag:s10] =	ssyncadd.s32 $0xFFFFC000  }
0x13c: {  	[tilespmem:s2], [sflag:$0x5] =	stream.linear.gather [hbm4b:s1+s2], $0x80, $0x38;
	[tilespmem:$0x10100] =	vst v63  }
0x13d: {  	_ =	swait.ge [sflag:s20], $0x80  }
0x13e: {  	[sflag:s20] =	ssyncset.done $0x0  }
0x13f: {  	[sflag:s20] =	ssyncadd.s32 $0xFFFFFF80  }
0x140: {  	[tilespmem:s13], [sflag:$0x1] =	stream.indirect.gather [hbm4b:s3+s18], $0x80, s2, s18, $0xb8;
	[tilespmem:$0x10100] =	vst v63  }
0x141: {  	_ = 	snop  }
0x142: {  	[tilespmem:s14], [sflag:$0x1] =	stream.indirect.gather [hbm4b:s4+s18], $0x80, s2, s18, $0xb8;
	[tilespmem:$0x10100] =	vst v63  }
0x143: {  	_ =	swait.ge [sflag:s15], $0x4000  }
0x144: {  	[sflag:s15] =	ssyncset.done $0x0  }
0x145: {  	[sflag:s15] =	ssyncadd.s32 $0xFFFFC000  }
0x146: {  	_ =	swait.ge [sflag:s15], $0x4000  }
0x147: {  	s0 =	sld [smem:$0x7FB]  }
0x148: {  	[sflag:s15] =	ssyncset.done $0x0  }
0x149: {  	s1 =	sld [smem:$0x7FC];
	[sflag:s15] =	ssyncadd.s32 $0xFFFFC000  }
0x14a: {  	[hbm4b:s0+s2] =	stream.linear.scatter [tilespmem:s11], [sflag:$0x4], $0x4000, $0x38;
	[tilespmem:$0x10100] =	vst v63  }
0x14b: {  	_ = 	snop  }
0x14c: {  	[hbm4b:s1+s2] =	stream.linear.scatter [tilespmem:s12], [sflag:$0x4], $0x4000, $0x38;
	[tilespmem:$0x10100] =	vst v63  }
0x14d: {  	_ =	swait.ge [sflag:s7], $0x4000  }
0x14e: {  	[sflag:s7] =	ssyncset.done $0x0  }
0x14f: {  	[sflag:s7] =	ssyncadd.s32 $0xFFFFC000  }
0x150: {  	_ =	swait.ge [sflag:s7], $0x4000  }
0x151: {  	s1 =	sld [smem:$0x7FD]  }
0x152: {  	[sflag:s7] =	ssyncset.done $0x0  }
0x153: {  	[sflag:s7] =	ssyncadd.s32 $0xFFFFC000  }
0x154: {  	[tilespmem:s18], [sflag:$0x5] =	stream.linear.gather [hbm4b:s1+s2], $0x80, $0x38;
	[tilespmem:$0x10100] =	vst v63  }
0x155: {  	_ =	swait.ge [sflag:s20], $0x80  }
0x156: {  	[sflag:s20] =	ssyncset.done $0x0  }
0x157: {  	[sflag:s20] =	ssyncadd.s32 $0xFFFFFF80  }
0x158: {  	[tilespmem:s11], [sflag:$0x2] =	stream.indirect.gather [hbm4b:s3+s18], $0x80, s18, s18, $0xb8;
	[tilespmem:$0x10100] =	vst v63  }
0x159: {  	_ = 	snop  }
0x15a: {  	[tilespmem:s12], [sflag:$0x2] =	stream.indirect.gather [hbm4b:s4+s18], $0x80, s18, s18, $0xb8;
	[tilespmem:$0x10100] =	vst v63  }
0x15b: {  	_ =	swait.ge [sflag:s21], $0x4000  }
0x15c: {  	[sflag:s21] =	ssyncset.done $0x0  }
0x15d: {  	[sflag:s21] =	ssyncadd.s32 $0xFFFFC000  }
0x15e: {  	_ =	swait.ge [sflag:s21], $0x4000  }
0x15f: {  	[sflag:s21] =	ssyncset.done $0x0  }
0x160: {  	[sflag:s21] =	ssyncadd.s32 $0xFFFFC000  }
0x161: {  	[hbm4b:s30+s2] =	stream.linear.scatter [tilespmem:s13], [sflag:$0x3], $0x4000, $0x38;
	[tilespmem:$0x10100] =	vst v63  }
0x162: {  	_ = 	snop  }
0x163: {  	[hbm4b:s31+s2] =	stream.linear.scatter [tilespmem:s14], [sflag:$0x3], $0x4000, $0x38;
	[tilespmem:$0x10100] =	vst v63  }
0x164: {  	_ =	swait.ge [sflag:s10], $0x4000  }
0x165: {  	[sflag:s10] =	ssyncset.done $0x0  }
0x166: {  	[sflag:s10] =	ssyncadd.s32 $0xFFFFC000  }
0x167: {  	_ =	swait.ge [sflag:s10], $0x4000  }
0x168: {  	[sflag:s10] =	ssyncset.done $0x0  }
0x169: {  	[sflag:s10] =	ssyncadd.s32 $0xFFFFC000  }
0x16a: {  	[tilespmem:s2], [sflag:$0x5] =	stream.linear.gather [hbm4b:s29+s2], $0x80, $0x38;
	[tilespmem:$0x10100] =	vst v63  }
0x16b: {  	_ =	swait.ge [sflag:s20], $0x80  }
0x16c: {  	[sflag:s20] =	ssyncset.done $0x0  }
0x16d: {  	[sflag:s20] =	ssyncadd.s32 $0xFFFFFF80  }
0x16e: {  	[tilespmem:s13], [sflag:$0x1] =	stream.indirect.gather [hbm4b:s3+s18], $0x80, s2, s18, $0xb8;
	[tilespmem:$0x10100] =	vst v63  }
0x16f: {  	_ = 	snop  }
0x170: {  	[tilespmem:s14], [sflag:$0x1] =	stream.indirect.gather [hbm4b:s4+s18], $0x80, s2, s18, $0xb8;
	[tilespmem:$0x10100] =	vst v63  }
0x171: {  	_ =	swait.ge [sflag:s15], $0x4000  }
0x172: {  	[sflag:s15] =	ssyncset.done $0x0  }
0x173: {  	[sflag:s15] =	ssyncadd.s32 $0xFFFFC000  }
0x174: {  	_ =	swait.ge [sflag:s15], $0x4000  }
0x175: {  	[sflag:s15] =	ssyncset.done $0x0  }
0x176: {  	[sflag:s15] =	ssyncadd.s32 $0xFFFFC000  }
0x177: {  	[hbm4b:s26+s2] =	stream.linear.scatter [tilespmem:s11], [sflag:$0x4], $0x4000, $0x38;
	[tilespmem:$0x10100] =	vst v63  }
0x178: {  	_ = 	snop  }
0x179: {  	[hbm4b:s28+s2] =	stream.linear.scatter [tilespmem:s12], [sflag:$0x4], $0x4000, $0x38;
	[tilespmem:$0x10100] =	vst v63  }
0x17a: {  	_ =	swait.ge [sflag:s7], $0x4000  }
0x17b: {  	[sflag:s7] =	ssyncset.done $0x0  }
0x17c: {  	[sflag:s7] =	ssyncadd.s32 $0xFFFFC000  }
0x17d: {  	_ =	swait.ge [sflag:s7], $0x4000  }
0x17e: {  	[sflag:s7] =	ssyncset.done $0x0  }
0x17f: {  	[sflag:s7] =	ssyncadd.s32 $0xFFFFC000  }
0x180: {  	[tilespmem:s18], [sflag:$0x5] =	stream.linear.gather [hbm4b:s25+s2], $0x80, $0x38;
	[tilespmem:$0x10100] =	vst v63  }
0x181: {  	_ =	swait.ge [sflag:s20], $0x80  }
0x182: {  	[sflag:s20] =	ssyncset.done $0x0  }
0x183: {  	[sflag:s20] =	ssyncadd.s32 $0xFFFFFF80  }
0x184: {  	[tilespmem:s11], [sflag:$0x2] =	stream.indirect.gather [hbm4b:s3+s18], $0x80, s18, s18, $0xb8;
	[tilespmem:$0x10100] =	vst v63  }
0x185: {  	_ = 	snop  }
0x186: {  	[tilespmem:s12], [sflag:$0x2] =	stream.indirect.gather [hbm4b:s4+s18], $0x80, s18, s18, $0xb8;
	[tilespmem:$0x10100] =	vst v63  }
0x187: {  	_ =	swait.ge [sflag:s21], $0x4000  }
0x188: {  	[sflag:s21] =	ssyncset.done $0x0  }
0x189: {  	[sflag:s21] =	ssyncadd.s32 $0xFFFFC000  }
0x18a: {  	_ =	swait.ge [sflag:s21], $0x4000  }
0x18b: {  	[sflag:s21] =	ssyncset.done $0x0  }
0x18c: {  	[sflag:s21] =	ssyncadd.s32 $0xFFFFC000  }
0x18d: {  	[hbm4b:s23+s2] =	stream.linear.scatter [tilespmem:s13], [sflag:$0x3], $0x4000, $0x38;
	[tilespmem:$0x10100] =	vst v63  }
0x18e: {  	_ = 	snop  }
0x18f: {  	[hbm4b:s24+s2] =	stream.linear.scatter [tilespmem:s14], [sflag:$0x3], $0x4000, $0x38;
	[tilespmem:$0x10100] =	vst v63  }
0x190: {  	_ =	swait.ge [sflag:s10], $0x4000  }
0x191: {  	[sflag:s10] =	ssyncset.done $0x0  }
0x192: {  	[sflag:s10] =	ssyncadd.s32 $0xFFFFC000  }
0x193: {  	_ =	swait.ge [sflag:s10], $0x4000  }
0x194: {  	[sflag:s10] =	ssyncset.done $0x0  }
0x195: {  	[sflag:s10] =	ssyncadd.s32 $0xFFFFC000  }
0x196: {  	[tilespmem:s2], [sflag:$0x5] =	stream.linear.gather [hbm4b:s22+s2], $0x80, $0x38;
	[tilespmem:$0x10100] =	vst v63  }
0x197: {  	_ =	swait.ge [sflag:s20], $0x80  }
0x198: {  	[sflag:s20] =	ssyncset.done $0x0  }
0x199: {  	[sflag:s20] =	ssyncadd.s32 $0xFFFFFF80  }
0x19a: {  	[tilespmem:s13], [sflag:$0x1] =	stream.indirect.gather [hbm4b:s3+s18], $0x80, s2, s18, $0xb8;
	[tilespmem:$0x10100] =	vst v63  }
0x19b: {  	_ = 	snop  }
0x19c: {  	[tilespmem:s14], [sflag:$0x1] =	stream.indirect.gather [hbm4b:s4+s18], $0x80, s2, s18, $0xb8;
	[tilespmem:$0x10100] =	vst v63  }
0x19d: {  	_ =	swait.ge [sflag:s15], $0x4000  }
0x19e: {  	[sflag:s15] =	ssyncset.done $0x0  }
0x19f: {  	[sflag:s15] =	ssyncadd.s32 $0xFFFFC000  }
0x1a0: {  	_ =	swait.ge [sflag:s15], $0x4000  }
0x1a1: {  	[sflag:s15] =	ssyncset.done $0x0  }
0x1a2: {  	[sflag:s15] =	ssyncadd.s32 $0xFFFFC000  }
0x1a3: {  	[hbm4b:s17+s2] =	stream.linear.scatter [tilespmem:s11], [sflag:$0x4], $0x4000, $0x38;
	[tilespmem:$0x10100] =	vst v63  }
0x1a4: {  	_ = 	snop  }
0x1a5: {  	[hbm4b:s19+s2] =	stream.linear.scatter [tilespmem:s12], [sflag:$0x4], $0x4000, $0x38;
	[tilespmem:$0x10100] =	vst v63  }
0x1a6: {  	_ =	swait.ge [sflag:s7], $0x4000  }
0x1a7: {  	[sflag:s7] =	ssyncset.done $0x0  }
0x1a8: {  	[sflag:s7] =	ssyncadd.s32 $0xFFFFC000  }
0x1a9: {  	_ =	swait.ge [sflag:s7], $0x4000  }
0x1aa: {  	[sflag:s7] =	ssyncset.done $0x0  }
0x1ab: {  	[sflag:s7] =	ssyncadd.s32 $0xFFFFC000  }
0x1ac: {  	[tilespmem:s18], [sflag:$0x5] =	stream.linear.gather [hbm4b:s16+s2], $0x80, $0x38;
	[tilespmem:$0x10100] =	vst v63  }
0x1ad: {  	_ =	swait.ge [sflag:s20], $0x80  }
0x1ae: {  	[sflag:s20] =	ssyncset.done $0x0  }
0x1af: {  	[sflag:s20] =	ssyncadd.s32 $0xFFFFFF80  }
0x1b0: {  	[tilespmem:s11], [sflag:$0x2] =	stream.indirect.gather [hbm4b:s3+s18], $0x80, s18, s18, $0xb8;
	[tilespmem:$0x10100] =	vst v63  }
0x1b1: {  	_ = 	snop  }
0x1b2: {  	[tilespmem:s12], [sflag:$0x2] =	stream.indirect.gather [hbm4b:s4+s18], $0x80, s18, s18, $0xb8;
	[tilespmem:$0x10100] =	vst v63  }
0x1b3: {  	_ =	swait.ge [sflag:s21], $0x4000  }
0x1b4: {  	[sflag:s21] =	ssyncset.done $0x0  }
0x1b5: {  	[sflag:s21] =	ssyncadd.s32 $0xFFFFC000  }
0x1b6: {  	_ =	swait.ge [sflag:s21], $0x4000  }
0x1b7: {  	[sflag:s21] =	ssyncset.done $0x0  }
0x1b8: {  	[sflag:s21] =	ssyncadd.s32 $0xFFFFC000  }
0x1b9: {  	[hbm4b:s8+s2] =	stream.linear.scatter [tilespmem:s13], [sflag:$0x3], $0x4000, $0x38;
	[tilespmem:$0x10100] =	vst v63  }
0x1ba: {  	_ = 	snop  }
0x1bb: {  	[hbm4b:s9+s2] =	stream.linear.scatter [tilespmem:s14], [sflag:$0x3], $0x4000, $0x38;
	[tilespmem:$0x10100] =	vst v63  }
0x1bc: {  	_ =	swait.ge [sflag:s15], $0x4000  }
0x1bd: {  	[sflag:s15] =	ssyncset.done $0x0  }
0x1be: {  	[sflag:s15] =	ssyncadd.s32 $0xFFFFC000  }
0x1bf: {  	_ =	swait.ge [sflag:s15], $0x4000  }
0x1c0: {  	[sflag:s15] =	ssyncset.done $0x0  }
0x1c1: {  	[sflag:s15] =	ssyncadd.s32 $0xFFFFC000  }
0x1c2: {  	[hbm4b:s5+s2] =	stream.linear.scatter [tilespmem:s11], [sflag:$0x4], $0x4000, $0x38;
	[tilespmem:$0x10100] =	vst v63  }
0x1c3: {  	_ = 	snop  }
0x1c4: {  	[hbm4b:s6+s2] =	stream.linear.scatter [tilespmem:s12], [sflag:$0x4], $0x4000, $0x38;
	[tilespmem:$0x10100] =	vst v63  }
0x1c5: {  	_ =	swait.ge [sflag:s10], $0x4000  }
0x1c6: {  	[sflag:s10] =	ssyncset.done $0x0  }
0x1c7: {  	[sflag:s10] =	ssyncadd.s32 $0xFFFFC000  }
0x1c8: {  	_ =	swait.ge [sflag:s10], $0x4000  }
0x1c9: {  	[sflag:s10] =	ssyncset.done $0x0  }
0x1ca: {  	[sflag:s10] =	ssyncadd.s32 $0xFFFFC000  }
0x1cb: {  	_ =	swait.ge [sflag:s7], $0x4000  }
0x1cc: {  	s1 =	sld [smem:$0x7F3];
	_ =	sdelay $0x2  }
0x1cd: {  	p1 =	sne.s32 s1, $0x1  }
.Ltmp1:
0x1ce: {  	[sflag:s7] =	ssyncset.done $0x0;
	(pc) =	sbr.rel @!p1 .LBB2_3-.Ltmp1, $4  }
0x1cf: {  	[sflag:s7] =	ssyncadd.s32 $0xFFFFC000  }
0x1d0: {  	_ =	swait.ge [sflag:s7], $0x4000  }
0x1d1: {  	s0 =	sadd.s32 $0xFFFFFFFF, s1;
	s1 =	rddreg [dreg:$0x3]  }
0x1d2: {  	p0 =	por $0x1, $0x1;
	[sflag:s7] =	ssyncset.done $0x0;
	[smem:$0x7F4] =	sst s31  }
.LBB2_2:
0x1d3: {  	[sflag:s7] =	ssyncadd.s32 $0xFFFFC000  }
0x1d4: {  	[tilespmem:s2], [sflag:$0x5] =	stream.linear.gather [hbm4b:s1+s2], $0x80, $0x38;
	[tilespmem:$0x10100] =	vst v63  }
0x1d5: {  	_ =	swait.ge [sflag:s20], $0x80  }
0x1d6: {  	[sflag:s20] =	ssyncset.done $0x0  }
0x1d7: {  	[sflag:s20] =	ssyncadd.s32 $0xFFFFFF80  }
0x1d8: {  	[tilespmem:s13], [sflag:$0x1] =	stream.indirect.gather [hbm4b:s3+s18], $0x80, s2, s18, $0xb8;
	[tilespmem:$0x10100] =	vst v63  }
0x1d9: {  	_ = 	snop  }
0x1da: {  	[tilespmem:s14], [sflag:$0x1] =	stream.indirect.gather [hbm4b:s4+s18], $0x80, s2, s18, $0xb8;
	[tilespmem:$0x10100] =	vst v63  }
0x1db: {  	s1 =	rddreg [dreg:$0x4]  }
0x1dc: {  	[tilespmem:s18], [sflag:$0x5] =	stream.linear.gather [hbm4b:s1+s2], $0x80, $0x38;
	[tilespmem:$0x10100] =	vst v63  }
0x1dd: {  	_ =	swait.ge [sflag:s20], $0x80  }
0x1de: {  	[sflag:s20] =	ssyncset.done $0x0  }
0x1df: {  	[sflag:s20] =	ssyncadd.s32 $0xFFFFFF80  }
0x1e0: {  	[tilespmem:s11], [sflag:$0x2] =	stream.indirect.gather [hbm4b:s3+s18], $0x80, s18, s18, $0xb8;
	[tilespmem:$0x10100] =	vst v63  }
0x1e1: {  	s31 =	smov.u32 s30;
	s30 =	smov.u32 s29  }
0x1e2: {  	[tilespmem:s12], [sflag:$0x2] =	stream.indirect.gather [hbm4b:s4+s18], $0x80, s18, s18, $0xb8;
	[tilespmem:$0x10100] =	vst v63  }
0x1e3: {  	s29 =	smov.u32 s28;
	s28 =	smov.u32 s26;
	_ =	swait.ge [sflag:s21], $0x4000  }
0x1e4: {  	s26 =	smov.u32 s25;
	s25 =	smov.u32 s24;
	[sflag:s21] =	ssyncset.done $0x0  }
0x1e5: {  	s24 =	smov.u32 s23;
	s23 =	smov.u32 s22;
	[sflag:s21] =	ssyncadd.s32 $0xFFFFC000  }
0x1e6: {  	s22 =	smov.u32 s19;
	s19 =	smov.u32 s17;
	_ =	swait.ge [sflag:s21], $0x4000  }
0x1e7: {  	s17 =	smov.u32 s16;
	s16 =	smov.u32 s9;
	[sflag:s21] =	ssyncset.done $0x0  }
0x1e8: {  	s9 =	smov.u32 s8;
	s1 =	rddreg [dreg:$0x5];
	[sflag:s21] =	ssyncadd.s32 $0xFFFFC000  }
0x1e9: {  	[hbm4b:s1+s2] =	stream.linear.scatter [tilespmem:s13], [sflag:$0x3], $0x4000, $0x38;
	[tilespmem:$0x10100] =	vst v63  }
0x1ea: {  	s8 =	smov.u32 s6;
	s6 =	smov.u32 s5;
	s5 =	rddreg [dreg:$0x6]  }
0x1eb: {  	[hbm4b:s5+s2] =	stream.linear.scatter [tilespmem:s14], [sflag:$0x3], $0x4000, $0x38;
	[tilespmem:$0x10100] =	vst v63  }
0x1ec: {  	_ =	swait.ge [sflag:s10], $0x4000  }
0x1ed: {  	[sflag:s10] =	ssyncset.done $0x0  }
0x1ee: {  	[sflag:s10] =	ssyncadd.s32 $0xFFFFC000  }
0x1ef: {  	_ =	swait.ge [sflag:s10], $0x4000  }
0x1f0: {  	[sflag:s10] =	ssyncset.done $0x0  }
0x1f1: {  	s5 =	rddreg [dreg:$0x7];
	[sflag:s10] =	ssyncadd.s32 $0xFFFFC000  }
0x1f2: {  	[tilespmem:s2], [sflag:$0x5] =	stream.linear.gather [hbm4b:s5+s2], $0x80, $0x38;
	[tilespmem:$0x10100] =	vst v63  }
0x1f3: {  	_ =	swait.ge [sflag:s20], $0x80  }
0x1f4: {  	[sflag:s20] =	ssyncset.done $0x0  }
0x1f5: {  	[sflag:s20] =	ssyncadd.s32 $0xFFFFFF80  }
0x1f6: {  	[tilespmem:s13], [sflag:$0x1] =	stream.indirect.gather [hbm4b:s3+s18], $0x80, s2, s18, $0xb8;
	[tilespmem:$0x10100] =	vst v63  }
0x1f7: {  	_ = 	snop  }
0x1f8: {  	[tilespmem:s14], [sflag:$0x1] =	stream.indirect.gather [hbm4b:s4+s18], $0x80, s2, s18, $0xb8;
	[tilespmem:$0x10100] =	vst v63  }
0x1f9: {  	_ =	swait.ge [sflag:s15], $0x4000  }
0x1fa: {  	[sflag:s15] =	ssyncset.done $0x0  }
0x1fb: {  	[sflag:s15] =	ssyncadd.s32 $0xFFFFC000  }
0x1fc: {  	_ =	swait.ge [sflag:s15], $0x4000  }
0x1fd: {  	[sflag:s15] =	ssyncset.done $0x0  }
0x1fe: {  	s1 =	rddreg [dreg:$0x8];
	[sflag:s15] =	ssyncadd.s32 $0xFFFFC000  }
0x1ff: {  	[hbm4b:s1+s2] =	stream.linear.scatter [tilespmem:s11], [sflag:$0x4], $0x4000, $0x38;
	[tilespmem:$0x10100] =	vst v63  }
0x200: {  	s5 =	rddreg [dreg:$0x9]  }
0x201: {  	[hbm4b:s5+s2] =	stream.linear.scatter [tilespmem:s12], [sflag:$0x4], $0x4000, $0x38;
	[tilespmem:$0x10100] =	vst v63  }
0x202: {  	_ =	swait.ge [sflag:s7], $0x4000  }
0x203: {  	[sflag:s7] =	ssyncset.done $0x0  }
0x204: {  	[sflag:s7] =	ssyncadd.s32 $0xFFFFC000  }
0x205: {  	_ =	swait.ge [sflag:s7], $0x4000  }
0x206: {  	[sflag:s7] =	ssyncset.done $0x0  }
0x207: {  	s5 =	rddreg [dreg:$0xa];
	[sflag:s7] =	ssyncadd.s32 $0xFFFFC000  }
0x208: {  	[tilespmem:s18], [sflag:$0x5] =	stream.linear.gather [hbm4b:s5+s2], $0x80, $0x38;
	[tilespmem:$0x10100] =	vst v63  }
0x209: {  	_ =	swait.ge [sflag:s20], $0x80  }
0x20a: {  	[sflag:s20] =	ssyncset.done $0x0  }
0x20b: {  	[sflag:s20] =	ssyncadd.s32 $0xFFFFFF80  }
0x20c: {  	[tilespmem:s11], [sflag:$0x2] =	stream.indirect.gather [hbm4b:s3+s18], $0x80, s18, s18, $0xb8;
	[tilespmem:$0x10100] =	vst v63  }
0x20d: {  	_ = 	snop  }
0x20e: {  	[tilespmem:s12], [sflag:$0x2] =	stream.indirect.gather [hbm4b:s4+s18], $0x80, s18, s18, $0xb8;
	[tilespmem:$0x10100] =	vst v63  }
0x20f: {  	_ =	swait.ge [sflag:s21], $0x4000  }
0x210: {  	[sflag:s21] =	ssyncset.done $0x0  }
0x211: {  	[sflag:s21] =	ssyncadd.s32 $0xFFFFC000  }
0x212: {  	_ =	swait.ge [sflag:s21], $0x4000  }
0x213: {  	[sflag:s21] =	ssyncset.done $0x0  }
0x214: {  	s1 =	rddreg [dreg:$0xb];
	[sflag:s21] =	ssyncadd.s32 $0xFFFFC000  }
0x215: {  	[hbm4b:s1+s2] =	stream.linear.scatter [tilespmem:s13], [sflag:$0x3], $0x4000, $0x38;
	[tilespmem:$0x10100] =	vst v63  }
0x216: {  	s5 =	rddreg [dreg:$0xc]  }
0x217: {  	[hbm4b:s5+s2] =	stream.linear.scatter [tilespmem:s14], [sflag:$0x3], $0x4000, $0x38;
	[tilespmem:$0x10100] =	vst v63  }
0x218: {  	_ =	swait.ge [sflag:s10], $0x4000  }
0x219: {  	[sflag:s10] =	ssyncset.done $0x0  }
0x21a: {  	[sflag:s10] =	ssyncadd.s32 $0xFFFFC000  }
0x21b: {  	_ =	swait.ge [sflag:s10], $0x4000  }
0x21c: {  	[sflag:s10] =	ssyncset.done $0x0  }
0x21d: {  	s5 =	rddreg [dreg:$0xd];
	[sflag:s10] =	ssyncadd.s32 $0xFFFFC000  }
0x21e: {  	[tilespmem:s2], [sflag:$0x5] =	stream.linear.gather [hbm4b:s5+s2], $0x80, $0x38;
	[tilespmem:$0x10100] =	vst v63  }
0x21f: {  	_ =	swait.ge [sflag:s20], $0x80  }
0x220: {  	[sflag:s20] =	ssyncset.done $0x0  }
0x221: {  	[sflag:s20] =	ssyncadd.s32 $0xFFFFFF80  }
0x222: {  	[tilespmem:s13], [sflag:$0x1] =	stream.indirect.gather [hbm4b:s3+s18], $0x80, s2, s18, $0xb8;
	[tilespmem:$0x10100] =	vst v63  }
0x223: {  	_ = 	snop  }
0x224: {  	[tilespmem:s14], [sflag:$0x1] =	stream.indirect.gather [hbm4b:s4+s18], $0x80, s2, s18, $0xb8;
	[tilespmem:$0x10100] =	vst v63  }
0x225: {  	_ =	swait.ge [sflag:s15], $0x4000  }
0x226: {  	[sflag:s15] =	ssyncset.done $0x0  }
0x227: {  	[sflag:s15] =	ssyncadd.s32 $0xFFFFC000  }
0x228: {  	_ =	swait.ge [sflag:s15], $0x4000  }
0x229: {  	[sflag:s15] =	ssyncset.done $0x0  }
0x22a: {  	s1 =	rddreg [dreg:$0xe];
	[sflag:s15] =	ssyncadd.s32 $0xFFFFC000  }
0x22b: {  	[hbm4b:s1+s2] =	stream.linear.scatter [tilespmem:s11], [sflag:$0x4], $0x4000, $0x38;
	[tilespmem:$0x10100] =	vst v63  }
0x22c: {  	s5 =	rddreg [dreg:$0xf]  }
0x22d: {  	[hbm4b:s5+s2] =	stream.linear.scatter [tilespmem:s12], [sflag:$0x4], $0x4000, $0x38;
	[tilespmem:$0x10100] =	vst v63  }
0x22e: {  	_ =	swait.ge [sflag:s7], $0x4000  }
0x22f: {  	[sflag:s7] =	ssyncset.done $0x0  }
0x230: {  	[sflag:s7] =	ssyncadd.s32 $0xFFFFC000  }
0x231: {  	_ =	swait.ge [sflag:s7], $0x4000  }
0x232: {  	[sflag:s7] =	ssyncset.done $0x0  }
0x233: {  	s5 =	rddreg [dreg:$0x10];
	[sflag:s7] =	ssyncadd.s32 $0xFFFFC000  }
0x234: {  	[tilespmem:s18], [sflag:$0x5] =	stream.linear.gather [hbm4b:s5+s2], $0x80, $0x38;
	[tilespmem:$0x10100] =	vst v63  }
0x235: {  	_ =	swait.ge [sflag:s20], $0x80  }
0x236: {  	[sflag:s20] =	ssyncset.done $0x0  }
0x237: {  	[sflag:s20] =	ssyncadd.s32 $0xFFFFFF80  }
0x238: {  	[tilespmem:s11], [sflag:$0x2] =	stream.indirect.gather [hbm4b:s3+s18], $0x80, s18, s18, $0xb8;
	[tilespmem:$0x10100] =	vst v63  }
0x239: {  	_ = 	snop  }
0x23a: {  	[tilespmem:s12], [sflag:$0x2] =	stream.indirect.gather [hbm4b:s4+s18], $0x80, s18, s18, $0xb8;
	[tilespmem:$0x10100] =	vst v63  }
0x23b: {  	_ =	swait.ge [sflag:s21], $0x4000  }
0x23c: {  	[sflag:s21] =	ssyncset.done $0x0  }
0x23d: {  	[sflag:s21] =	ssyncadd.s32 $0xFFFFC000  }
0x23e: {  	_ =	swait.ge [sflag:s21], $0x4000  }
0x23f: {  	[sflag:s21] =	ssyncset.done $0x0  }
0x240: {  	s1 =	rddreg [dreg:$0x11];
	[sflag:s21] =	ssyncadd.s32 $0xFFFFC000  }
0x241: {  	[hbm4b:s1+s2] =	stream.linear.scatter [tilespmem:s13], [sflag:$0x3], $0x4000, $0x38;
	[tilespmem:$0x10100] =	vst v63  }
0x242: {  	s5 =	rddreg [dreg:$0x12]  }
0x243: {  	[hbm4b:s5+s2] =	stream.linear.scatter [tilespmem:s14], [sflag:$0x3], $0x4000, $0x38;
	[tilespmem:$0x10100] =	vst v63  }
0x244: {  	_ =	swait.ge [sflag:s10], $0x4000  }
0x245: {  	[sflag:s10] =	ssyncset.done $0x0  }
0x246: {  	[sflag:s10] =	ssyncadd.s32 $0xFFFFC000  }
0x247: {  	_ =	swait.ge [sflag:s10], $0x4000  }
0x248: {  	[sflag:s10] =	ssyncset.done $0x0  }
0x249: {  	s5 =	rddreg [dreg:$0x13];
	[sflag:s10] =	ssyncadd.s32 $0xFFFFC000  }
0x24a: {  	[tilespmem:s2], [sflag:$0x5] =	stream.linear.gather [hbm4b:s5+s2], $0x80, $0x38;
	[tilespmem:$0x10100] =	vst v63  }
0x24b: {  	_ =	swait.ge [sflag:s20], $0x80  }
0x24c: {  	[sflag:s20] =	ssyncset.done $0x0  }
0x24d: {  	[sflag:s20] =	ssyncadd.s32 $0xFFFFFF80  }
0x24e: {  	[tilespmem:s13], [sflag:$0x1] =	stream.indirect.gather [hbm4b:s3+s18], $0x80, s2, s18, $0xb8;
	[tilespmem:$0x10100] =	vst v63  }
0x24f: {  	_ = 	snop  }
0x250: {  	[tilespmem:s14], [sflag:$0x1] =	stream.indirect.gather [hbm4b:s4+s18], $0x80, s2, s18, $0xb8;
	[tilespmem:$0x10100] =	vst v63  }
0x251: {  	_ =	swait.ge [sflag:s15], $0x4000  }
0x252: {  	[sflag:s15] =	ssyncset.done $0x0  }
0x253: {  	[sflag:s15] =	ssyncadd.s32 $0xFFFFC000  }
0x254: {  	_ =	swait.ge [sflag:s15], $0x4000  }
0x255: {  	[sflag:s15] =	ssyncset.done $0x0  }
0x256: {  	s1 =	rddreg [dreg:$0x14];
	[sflag:s15] =	ssyncadd.s32 $0xFFFFC000  }
0x257: {  	[hbm4b:s1+s2] =	stream.linear.scatter [tilespmem:s11], [sflag:$0x4], $0x4000, $0x38;
	[tilespmem:$0x10100] =	vst v63  }
0x258: {  	s5 =	rddreg [dreg:$0x15]  }
0x259: {  	[hbm4b:s5+s2] =	stream.linear.scatter [tilespmem:s12], [sflag:$0x4], $0x4000, $0x38;
	[tilespmem:$0x10100] =	vst v63  }
0x25a: {  	_ =	swait.ge [sflag:s7], $0x4000  }
0x25b: {  	[sflag:s7] =	ssyncset.done $0x0  }
0x25c: {  	[sflag:s7] =	ssyncadd.s32 $0xFFFFC000  }
0x25d: {  	_ =	swait.ge [sflag:s7], $0x4000  }
0x25e: {  	[sflag:s7] =	ssyncset.done $0x0  }
0x25f: {  	s5 =	rddreg [dreg:$0x16];
	[sflag:s7] =	ssyncadd.s32 $0xFFFFC000  }
0x260: {  	[tilespmem:s18], [sflag:$0x5] =	stream.linear.gather [hbm4b:s5+s2], $0x80, $0x38;
	[tilespmem:$0x10100] =	vst v63  }
0x261: {  	_ =	swait.ge [sflag:s20], $0x80  }
0x262: {  	[sflag:s20] =	ssyncset.done $0x0  }
0x263: {  	[sflag:s20] =	ssyncadd.s32 $0xFFFFFF80  }
0x264: {  	[tilespmem:s11], [sflag:$0x2] =	stream.indirect.gather [hbm4b:s3+s18], $0x80, s18, s18, $0xb8;
	[tilespmem:$0x10100] =	vst v63  }
0x265: {  	_ = 	snop  }
0x266: {  	[tilespmem:s12], [sflag:$0x2] =	stream.indirect.gather [hbm4b:s4+s18], $0x80, s18, s18, $0xb8;
	[tilespmem:$0x10100] =	vst v63  }
0x267: {  	_ =	swait.ge [sflag:s21], $0x4000  }
0x268: {  	[sflag:s21] =	ssyncset.done $0x0  }
0x269: {  	[sflag:s21] =	ssyncadd.s32 $0xFFFFC000  }
0x26a: {  	_ =	swait.ge [sflag:s21], $0x4000  }
0x26b: {  	[sflag:s21] =	ssyncset.done $0x0  }
0x26c: {  	s1 =	rddreg [dreg:$0x17];
	[sflag:s21] =	ssyncadd.s32 $0xFFFFC000  }
0x26d: {  	[hbm4b:s1+s2] =	stream.linear.scatter [tilespmem:s13], [sflag:$0x3], $0x4000, $0x38;
	[tilespmem:$0x10100] =	vst v63  }
0x26e: {  	s5 =	rddreg [dreg:$0x18]  }
0x26f: {  	[hbm4b:s5+s2] =	stream.linear.scatter [tilespmem:s14], [sflag:$0x3], $0x4000, $0x38;
	[tilespmem:$0x10100] =	vst v63  }
0x270: {  	_ =	swait.ge [sflag:s10], $0x4000  }
0x271: {  	[sflag:s10] =	ssyncset.done $0x0  }
0x272: {  	[sflag:s10] =	ssyncadd.s32 $0xFFFFC000  }
0x273: {  	_ =	swait.ge [sflag:s10], $0x4000  }
0x274: {  	[sflag:s10] =	ssyncset.done $0x0  }
0x275: {  	s5 =	rddreg [dreg:$0x19];
	[sflag:s10] =	ssyncadd.s32 $0xFFFFC000  }
0x276: {  	[tilespmem:s2], [sflag:$0x5] =	stream.linear.gather [hbm4b:s5+s2], $0x80, $0x38;
	[tilespmem:$0x10100] =	vst v63  }
0x277: {  	_ =	swait.ge [sflag:s20], $0x80  }
0x278: {  	[sflag:s20] =	ssyncset.done $0x0  }
0x279: {  	[sflag:s20] =	ssyncadd.s32 $0xFFFFFF80  }
0x27a: {  	[tilespmem:s13], [sflag:$0x1] =	stream.indirect.gather [hbm4b:s3+s18], $0x80, s2, s18, $0xb8;
	[tilespmem:$0x10100] =	vst v63  }
0x27b: {  	_ = 	snop  }
0x27c: {  	[tilespmem:s14], [sflag:$0x1] =	stream.indirect.gather [hbm4b:s4+s18], $0x80, s2, s18, $0xb8;
	[tilespmem:$0x10100] =	vst v63  }
0x27d: {  	_ =	swait.ge [sflag:s15], $0x4000  }
0x27e: {  	[sflag:s15] =	ssyncset.done $0x0  }
0x27f: {  	[sflag:s15] =	ssyncadd.s32 $0xFFFFC000  }
0x280: {  	_ =	swait.ge [sflag:s15], $0x4000  }
0x281: {  	[sflag:s15] =	ssyncset.done $0x0  }
0x282: {  	s1 =	rddreg [dreg:$0x1a];
	[sflag:s15] =	ssyncadd.s32 $0xFFFFC000  }
0x283: {  	[hbm4b:s1+s2] =	stream.linear.scatter [tilespmem:s11], [sflag:$0x4], $0x4000, $0x38;
	[tilespmem:$0x10100] =	vst v63  }
0x284: {  	s5 =	rddreg [dreg:$0x1b]  }
0x285: {  	[hbm4b:s5+s2] =	stream.linear.scatter [tilespmem:s12], [sflag:$0x4], $0x4000, $0x38;
	[tilespmem:$0x10100] =	vst v63  }
0x286: {  	_ =	swait.ge [sflag:s7], $0x4000  }
0x287: {  	[sflag:s7] =	ssyncset.done $0x0  }
0x288: {  	[sflag:s7] =	ssyncadd.s32 $0xFFFFC000  }
0x289: {  	_ =	swait.ge [sflag:s7], $0x4000  }
0x28a: {  	[sflag:s7] =	ssyncset.done $0x0  }
0x28b: {  	s5 =	rddreg [dreg:$0x1c];
	[sflag:s7] =	ssyncadd.s32 $0xFFFFC000  }
0x28c: {  	[tilespmem:s18], [sflag:$0x5] =	stream.linear.gather [hbm4b:s5+s2], $0x80, $0x38;
	[tilespmem:$0x10100] =	vst v63  }
0x28d: {  	_ =	swait.ge [sflag:s20], $0x80  }
0x28e: {  	[sflag:s20] =	ssyncset.done $0x0  }
0x28f: {  	[sflag:s20] =	ssyncadd.s32 $0xFFFFFF80  }
0x290: {  	[tilespmem:s11], [sflag:$0x2] =	stream.indirect.gather [hbm4b:s3+s18], $0x80, s18, s18, $0xb8;
	[tilespmem:$0x10100] =	vst v63  }
0x291: {  	_ = 	snop  }
0x292: {  	[tilespmem:s12], [sflag:$0x2] =	stream.indirect.gather [hbm4b:s4+s18], $0x80, s18, s18, $0xb8;
	[tilespmem:$0x10100] =	vst v63  }
0x293: {  	_ =	swait.ge [sflag:s21], $0x4000  }
0x294: {  	[sflag:s21] =	ssyncset.done $0x0  }
0x295: {  	[sflag:s21] =	ssyncadd.s32 $0xFFFFC000  }
0x296: {  	_ =	swait.ge [sflag:s21], $0x4000  }
0x297: {  	[sflag:s21] =	ssyncset.done $0x0  }
0x298: {  	s1 =	rddreg [dreg:$0x1d];
	[sflag:s21] =	ssyncadd.s32 $0xFFFFC000  }
0x299: {  	[hbm4b:s1+s2] =	stream.linear.scatter [tilespmem:s13], [sflag:$0x3], $0x4000, $0x38;
	[tilespmem:$0x10100] =	vst v63  }
0x29a: {  	s5 =	rddreg [dreg:$0x1e]  }
0x29b: {  	[hbm4b:s5+s2] =	stream.linear.scatter [tilespmem:s14], [sflag:$0x3], $0x4000, $0x38;
	[tilespmem:$0x10100] =	vst v63  }
0x29c: {  	_ =	swait.ge [sflag:s10], $0x4000  }
0x29d: {  	[sflag:s10] =	ssyncset.done $0x0  }
0x29e: {  	[sflag:s10] =	ssyncadd.s32 $0xFFFFC000  }
0x29f: {  	_ =	swait.ge [sflag:s10], $0x4000  }
0x2a0: {  	[sflag:s10] =	ssyncset.done $0x0  }
0x2a1: {  	s5 =	rddreg [dreg:$0x1f];
	[sflag:s10] =	ssyncadd.s32 $0xFFFFC000  }
0x2a2: {  	[tilespmem:s2], [sflag:$0x5] =	stream.linear.gather [hbm4b:s5+s2], $0x80, $0x38;
	[tilespmem:$0x10100] =	vst v63  }
0x2a3: {  	_ =	swait.ge [sflag:s20], $0x80  }
0x2a4: {  	[sflag:s20] =	ssyncset.done $0x0  }
0x2a5: {  	[sflag:s20] =	ssyncadd.s32 $0xFFFFFF80  }
0x2a6: {  	[tilespmem:s13], [sflag:$0x1] =	stream.indirect.gather [hbm4b:s3+s18], $0x80, s2, s18, $0xb8;
	[tilespmem:$0x10100] =	vst v63  }
0x2a7: {  	_ = 	snop  }
0x2a8: {  	[tilespmem:s14], [sflag:$0x1] =	stream.indirect.gather [hbm4b:s4+s18], $0x80, s2, s18, $0xb8;
	[tilespmem:$0x10100] =	vst v63  }
0x2a9: {  	_ =	swait.ge [sflag:s15], $0x4000  }
0x2aa: {  	[sflag:s15] =	ssyncset.done $0x0  }
0x2ab: {  	[sflag:s15] =	ssyncadd.s32 $0xFFFFC000  }
0x2ac: {  	_ =	swait.ge [sflag:s15], $0x4000  }
0x2ad: {  	s1 =	sld [smem:$0x7F5]  }
0x2ae: {  	[sflag:s15] =	ssyncset.done $0x0  }
0x2af: {  	s5 =	sld [smem:$0x7F6];
	[sflag:s15] =	ssyncadd.s32 $0xFFFFC000  }
0x2b0: {  	[hbm4b:s1+s2] =	stream.linear.scatter [tilespmem:s11], [sflag:$0x4], $0x4000, $0x38;
	[tilespmem:$0x10100] =	vst v63  }
0x2b1: {  	_ = 	snop  }
0x2b2: {  	[hbm4b:s5+s2] =	stream.linear.scatter [tilespmem:s12], [sflag:$0x4], $0x4000, $0x38;
	[tilespmem:$0x10100] =	vst v63  }
0x2b3: {  	_ =	swait.ge [sflag:s7], $0x4000  }
0x2b4: {  	[sflag:s7] =	ssyncset.done $0x0  }
0x2b5: {  	[sflag:s7] =	ssyncadd.s32 $0xFFFFC000  }
0x2b6: {  	_ =	swait.ge [sflag:s7], $0x4000  }
0x2b7: {  	s5 =	sld [smem:$0x7F7]  }
0x2b8: {  	[sflag:s7] =	ssyncset.done $0x0  }
0x2b9: {  	[sflag:s7] =	ssyncadd.s32 $0xFFFFC000  }
0x2ba: {  	[tilespmem:s18], [sflag:$0x5] =	stream.linear.gather [hbm4b:s5+s2], $0x80, $0x38;
	[tilespmem:$0x10100] =	vst v63  }
0x2bb: {  	_ =	swait.ge [sflag:s20], $0x80  }
0x2bc: {  	[sflag:s20] =	ssyncset.done $0x0  }
0x2bd: {  	[sflag:s20] =	ssyncadd.s32 $0xFFFFFF80  }
0x2be: {  	[tilespmem:s11], [sflag:$0x2] =	stream.indirect.gather [hbm4b:s3+s18], $0x80, s18, s18, $0xb8;
	[tilespmem:$0x10100] =	vst v63  }
0x2bf: {  	_ = 	snop  }
0x2c0: {  	[tilespmem:s12], [sflag:$0x2] =	stream.indirect.gather [hbm4b:s4+s18], $0x80, s18, s18, $0xb8;
	[tilespmem:$0x10100] =	vst v63  }
0x2c1: {  	_ =	swait.ge [sflag:s21], $0x4000  }
0x2c2: {  	[sflag:s21] =	ssyncset.done $0x0  }
0x2c3: {  	[sflag:s21] =	ssyncadd.s32 $0xFFFFC000  }
0x2c4: {  	_ =	swait.ge [sflag:s21], $0x4000  }
0x2c5: {  	s1 =	sld [smem:$0x7F8]  }
0x2c6: {  	[sflag:s21] =	ssyncset.done $0x0  }
0x2c7: {  	s5 =	sld [smem:$0x7F9];
	[sflag:s21] =	ssyncadd.s32 $0xFFFFC000  }
0x2c8: {  	[hbm4b:s1+s2] =	stream.linear.scatter [tilespmem:s13], [sflag:$0x3], $0x4000, $0x38;
	[tilespmem:$0x10100] =	vst v63  }
0x2c9: {  	_ = 	snop  }
0x2ca: {  	[hbm4b:s5+s2] =	stream.linear.scatter [tilespmem:s14], [sflag:$0x3], $0x4000, $0x38;
	[tilespmem:$0x10100] =	vst v63  }
0x2cb: {  	_ =	swait.ge [sflag:s10], $0x4000  }
0x2cc: {  	[sflag:s10] =	ssyncset.done $0x0  }
0x2cd: {  	[sflag:s10] =	ssyncadd.s32 $0xFFFFC000  }
0x2ce: {  	_ =	swait.ge [sflag:s10], $0x4000  }
0x2cf: {  	s5 =	sld [smem:$0x7FA]  }
0x2d0: {  	[sflag:s10] =	ssyncset.done $0x0  }
0x2d1: {  	[sflag:s10] =	ssyncadd.s32 $0xFFFFC000  }
0x2d2: {  	[tilespmem:s2], [sflag:$0x5] =	stream.linear.gather [hbm4b:s5+s2], $0x80, $0x38;
	[tilespmem:$0x10100] =	vst v63  }
0x2d3: {  	_ =	swait.ge [sflag:s20], $0x80  }
0x2d4: {  	[sflag:s20] =	ssyncset.done $0x0  }
0x2d5: {  	[sflag:s20] =	ssyncadd.s32 $0xFFFFFF80  }
0x2d6: {  	[tilespmem:s13], [sflag:$0x1] =	stream.indirect.gather [hbm4b:s3+s18], $0x80, s2, s18, $0xb8;
	[tilespmem:$0x10100] =	vst v63  }
0x2d7: {  	_ = 	snop  }
0x2d8: {  	[tilespmem:s14], [sflag:$0x1] =	stream.indirect.gather [hbm4b:s4+s18], $0x80, s2, s18, $0xb8;
	[tilespmem:$0x10100] =	vst v63  }
0x2d9: {  	_ =	swait.ge [sflag:s15], $0x4000  }
0x2da: {  	[sflag:s15] =	ssyncset.done $0x0  }
0x2db: {  	[sflag:s15] =	ssyncadd.s32 $0xFFFFC000  }
0x2dc: {  	_ =	swait.ge [sflag:s15], $0x4000  }
0x2dd: {  	s1 =	sld [smem:$0x7FB]  }
0x2de: {  	[sflag:s15] =	ssyncset.done $0x0  }
0x2df: {  	s5 =	sld [smem:$0x7FC];
	[sflag:s15] =	ssyncadd.s32 $0xFFFFC000  }
0x2e0: {  	[hbm4b:s1+s2] =	stream.linear.scatter [tilespmem:s11], [sflag:$0x4], $0x4000, $0x38;
	[tilespmem:$0x10100] =	vst v63  }
0x2e1: {  	_ = 	snop  }
0x2e2: {  	[hbm4b:s5+s2] =	stream.linear.scatter [tilespmem:s12], [sflag:$0x4], $0x4000, $0x38;
	[tilespmem:$0x10100] =	vst v63  }
0x2e3: {  	s5 =	smov.u32 s6;
	s6 =	smov.u32 s8  }
0x2e4: {  	s8 =	smov.u32 s9;
	s9 =	smov.u32 s16;
	s16 =	smov.u32 s17  }
0x2e5: {  	s17 =	smov.u32 s19;
	s19 =	smov.u32 s22;
	s22 =	smov.u32 s23  }
0x2e6: {  	s23 =	smov.u32 s24;
	s24 =	smov.u32 s25;
	s25 =	smov.u32 s26  }
0x2e7: {  	s26 =	smov.u32 s28;
	s28 =	smov.u32 s29;
	s29 =	smov.u32 s30  }
0x2e8: {  	s30 =	smov.u32 s31;
	s31 =	sld [smem:$0x7F4];
	_ =	swait.ge [sflag:s7], $0x4000  }
0x2e9: {  	[sflag:s7] =	ssyncset.done $0x0  }
0x2ea: {  	[sflag:s7] =	ssyncadd.s32 $0xFFFFC000  }
0x2eb: {  	_ =	swait.ge [sflag:s7], $0x4000  }
0x2ec: {  	s1 =	sld [smem:$0x7FD]  }
0x2ed: {  	[sflag:s7] =	ssyncset.done $0x0  }
0x2ee: {  	[sflag:s7] =	ssyncadd.s32 $0xFFFFC000  }
0x2ef: {  	[tilespmem:s18], [sflag:$0x5] =	stream.linear.gather [hbm4b:s1+s2], $0x80, $0x38;
	[tilespmem:$0x10100] =	vst v63  }
0x2f0: {  	_ =	swait.ge [sflag:s20], $0x80  }
0x2f1: {  	[sflag:s20] =	ssyncset.done $0x0  }
0x2f2: {  	[sflag:s20] =	ssyncadd.s32 $0xFFFFFF80  }
0x2f3: {  	[tilespmem:s11], [sflag:$0x2] =	stream.indirect.gather [hbm4b:s3+s18], $0x80, s18, s18, $0xb8;
	[tilespmem:$0x10100] =	vst v63  }
0x2f4: {  	_ = 	snop  }
0x2f5: {  	[tilespmem:s12], [sflag:$0x2] =	stream.indirect.gather [hbm4b:s4+s18], $0x80, s18, s18, $0xb8;
	[tilespmem:$0x10100] =	vst v63  }
0x2f6: {  	_ =	swait.ge [sflag:s21], $0x4000  }
0x2f7: {  	[sflag:s21] =	ssyncset.done $0x0  }
0x2f8: {  	[sflag:s21] =	ssyncadd.s32 $0xFFFFC000  }
0x2f9: {  	_ =	swait.ge [sflag:s21], $0x4000  }
0x2fa: {  	[sflag:s21] =	ssyncset.done $0x0  }
0x2fb: {  	[sflag:s21] =	ssyncadd.s32 $0xFFFFC000  }
0x2fc: {  	[hbm4b:s30+s2] =	stream.linear.scatter [tilespmem:s13], [sflag:$0x3], $0x4000, $0x38;
	[tilespmem:$0x10100] =	vst v63  }
0x2fd: {  	_ = 	snop  }
0x2fe: {  	[hbm4b:s31+s2] =	stream.linear.scatter [tilespmem:s14], [sflag:$0x3], $0x4000, $0x38;
	[tilespmem:$0x10100] =	vst v63  }
0x2ff: {  	_ =	swait.ge [sflag:s10], $0x4000  }
0x300: {  	[sflag:s10] =	ssyncset.done $0x0  }
0x301: {  	[sflag:s10] =	ssyncadd.s32 $0xFFFFC000  }
0x302: {  	_ =	swait.ge [sflag:s10], $0x4000  }
0x303: {  	[sflag:s10] =	ssyncset.done $0x0  }
0x304: {  	[sflag:s10] =	ssyncadd.s32 $0xFFFFC000  }
0x305: {  	[tilespmem:s2], [sflag:$0x5] =	stream.linear.gather [hbm4b:s29+s2], $0x80, $0x38;
	[tilespmem:$0x10100] =	vst v63  }
0x306: {  	_ =	swait.ge [sflag:s20], $0x80  }
0x307: {  	[sflag:s20] =	ssyncset.done $0x0  }
0x308: {  	[sflag:s20] =	ssyncadd.s32 $0xFFFFFF80  }
0x309: {  	[tilespmem:s13], [sflag:$0x1] =	stream.indirect.gather [hbm4b:s3+s18], $0x80, s2, s18, $0xb8;
	[tilespmem:$0x10100] =	vst v63  }
0x30a: {  	_ = 	snop  }
0x30b: {  	[tilespmem:s14], [sflag:$0x1] =	stream.indirect.gather [hbm4b:s4+s18], $0x80, s2, s18, $0xb8;
	[tilespmem:$0x10100] =	vst v63  }
0x30c: {  	_ =	swait.ge [sflag:s15], $0x4000  }
0x30d: {  	[sflag:s15] =	ssyncset.done $0x0  }
0x30e: {  	[sflag:s15] =	ssyncadd.s32 $0xFFFFC000  }
0x30f: {  	_ =	swait.ge [sflag:s15], $0x4000  }
0x310: {  	[sflag:s15] =	ssyncset.done $0x0  }
0x311: {  	[sflag:s15] =	ssyncadd.s32 $0xFFFFC000  }
0x312: {  	[hbm4b:s26+s2] =	stream.linear.scatter [tilespmem:s11], [sflag:$0x4], $0x4000, $0x38;
	[tilespmem:$0x10100] =	vst v63  }
0x313: {  	_ = 	snop  }
0x314: {  	[hbm4b:s28+s2] =	stream.linear.scatter [tilespmem:s12], [sflag:$0x4], $0x4000, $0x38;
	[tilespmem:$0x10100] =	vst v63  }
0x315: {  	_ =	swait.ge [sflag:s7], $0x4000  }
0x316: {  	[sflag:s7] =	ssyncset.done $0x0  }
0x317: {  	[sflag:s7] =	ssyncadd.s32 $0xFFFFC000  }
0x318: {  	_ =	swait.ge [sflag:s7], $0x4000  }
0x319: {  	[sflag:s7] =	ssyncset.done $0x0  }
0x31a: {  	[sflag:s7] =	ssyncadd.s32 $0xFFFFC000  }
0x31b: {  	[tilespmem:s18], [sflag:$0x5] =	stream.linear.gather [hbm4b:s25+s2], $0x80, $0x38;
	[tilespmem:$0x10100] =	vst v63  }
0x31c: {  	_ =	swait.ge [sflag:s20], $0x80  }
0x31d: {  	[sflag:s20] =	ssyncset.done $0x0  }
0x31e: {  	[sflag:s20] =	ssyncadd.s32 $0xFFFFFF80  }
0x31f: {  	[tilespmem:s11], [sflag:$0x2] =	stream.indirect.gather [hbm4b:s3+s18], $0x80, s18, s18, $0xb8;
	[tilespmem:$0x10100] =	vst v63  }
0x320: {  	_ = 	snop  }
0x321: {  	[tilespmem:s12], [sflag:$0x2] =	stream.indirect.gather [hbm4b:s4+s18], $0x80, s18, s18, $0xb8;
	[tilespmem:$0x10100] =	vst v63  }
0x322: {  	_ =	swait.ge [sflag:s21], $0x4000  }
0x323: {  	[sflag:s21] =	ssyncset.done $0x0  }
0x324: {  	[sflag:s21] =	ssyncadd.s32 $0xFFFFC000  }
0x325: {  	_ =	swait.ge [sflag:s21], $0x4000  }
0x326: {  	[sflag:s21] =	ssyncset.done $0x0  }
0x327: {  	[sflag:s21] =	ssyncadd.s32 $0xFFFFC000  }
0x328: {  	[hbm4b:s23+s2] =	stream.linear.scatter [tilespmem:s13], [sflag:$0x3], $0x4000, $0x38;
	[tilespmem:$0x10100] =	vst v63  }
0x329: {  	_ = 	snop  }
0x32a: {  	[hbm4b:s24+s2] =	stream.linear.scatter [tilespmem:s14], [sflag:$0x3], $0x4000, $0x38;
	[tilespmem:$0x10100] =	vst v63  }
0x32b: {  	_ =	swait.ge [sflag:s10], $0x4000  }
0x32c: {  	[sflag:s10] =	ssyncset.done $0x0  }
0x32d: {  	[sflag:s10] =	ssyncadd.s32 $0xFFFFC000  }
0x32e: {  	_ =	swait.ge [sflag:s10], $0x4000  }
0x32f: {  	[sflag:s10] =	ssyncset.done $0x0  }
0x330: {  	[sflag:s10] =	ssyncadd.s32 $0xFFFFC000  }
0x331: {  	[tilespmem:s2], [sflag:$0x5] =	stream.linear.gather [hbm4b:s22+s2], $0x80, $0x38;
	[tilespmem:$0x10100] =	vst v63  }
0x332: {  	_ =	swait.ge [sflag:s20], $0x80  }
0x333: {  	[sflag:s20] =	ssyncset.done $0x0  }
0x334: {  	[sflag:s20] =	ssyncadd.s32 $0xFFFFFF80  }
0x335: {  	[tilespmem:s13], [sflag:$0x1] =	stream.indirect.gather [hbm4b:s3+s18], $0x80, s2, s18, $0xb8;
	[tilespmem:$0x10100] =	vst v63  }
0x336: {  	_ = 	snop  }
0x337: {  	[tilespmem:s14], [sflag:$0x1] =	stream.indirect.gather [hbm4b:s4+s18], $0x80, s2, s18, $0xb8;
	[tilespmem:$0x10100] =	vst v63  }
0x338: {  	_ =	swait.ge [sflag:s15], $0x4000  }
0x339: {  	[sflag:s15] =	ssyncset.done $0x0  }
0x33a: {  	[sflag:s15] =	ssyncadd.s32 $0xFFFFC000  }
0x33b: {  	_ =	swait.ge [sflag:s15], $0x4000  }
0x33c: {  	[sflag:s15] =	ssyncset.done $0x0  }
0x33d: {  	[sflag:s15] =	ssyncadd.s32 $0xFFFFC000  }
0x33e: {  	[hbm4b:s17+s2] =	stream.linear.scatter [tilespmem:s11], [sflag:$0x4], $0x4000, $0x38;
	[tilespmem:$0x10100] =	vst v63  }
0x33f: {  	_ = 	snop  }
0x340: {  	[hbm4b:s19+s2] =	stream.linear.scatter [tilespmem:s12], [sflag:$0x4], $0x4000, $0x38;
	[tilespmem:$0x10100] =	vst v63  }
0x341: {  	_ =	swait.ge [sflag:s7], $0x4000  }
0x342: {  	[sflag:s7] =	ssyncset.done $0x0  }
0x343: {  	[sflag:s7] =	ssyncadd.s32 $0xFFFFC000  }
0x344: {  	_ =	swait.ge [sflag:s7], $0x4000  }
0x345: {  	[sflag:s7] =	ssyncset.done $0x0  }
0x346: {  	[sflag:s7] =	ssyncadd.s32 $0xFFFFC000  }
0x347: {  	[tilespmem:s18], [sflag:$0x5] =	stream.linear.gather [hbm4b:s16+s2], $0x80, $0x38;
	[tilespmem:$0x10100] =	vst v63  }
0x348: {  	_ =	swait.ge [sflag:s20], $0x80  }
0x349: {  	[sflag:s20] =	ssyncset.done $0x0  }
0x34a: {  	[sflag:s20] =	ssyncadd.s32 $0xFFFFFF80  }
0x34b: {  	[tilespmem:s11], [sflag:$0x2] =	stream.indirect.gather [hbm4b:s3+s18], $0x80, s18, s18, $0xb8;
	[tilespmem:$0x10100] =	vst v63  }
0x34c: {  	_ = 	snop  }
0x34d: {  	[tilespmem:s12], [sflag:$0x2] =	stream.indirect.gather [hbm4b:s4+s18], $0x80, s18, s18, $0xb8;
	[tilespmem:$0x10100] =	vst v63  }
0x34e: {  	_ =	swait.ge [sflag:s21], $0x4000  }
0x34f: {  	[sflag:s21] =	ssyncset.done $0x0  }
0x350: {  	[sflag:s21] =	ssyncadd.s32 $0xFFFFC000  }
0x351: {  	_ =	swait.ge [sflag:s21], $0x4000  }
0x352: {  	[sflag:s21] =	ssyncset.done $0x0  }
0x353: {  	[sflag:s21] =	ssyncadd.s32 $0xFFFFC000  }
0x354: {  	[hbm4b:s8+s2] =	stream.linear.scatter [tilespmem:s13], [sflag:$0x3], $0x4000, $0x38;
	[tilespmem:$0x10100] =	vst v63  }
0x355: {  	_ = 	snop  }
0x356: {  	[hbm4b:s9+s2] =	stream.linear.scatter [tilespmem:s14], [sflag:$0x3], $0x4000, $0x38;
	[tilespmem:$0x10100] =	vst v63  }
0x357: {  	_ =	swait.ge [sflag:s15], $0x4000  }
0x358: {  	[sflag:s15] =	ssyncset.done $0x0  }
0x359: {  	[sflag:s15] =	ssyncadd.s32 $0xFFFFC000  }
0x35a: {  	_ =	swait.ge [sflag:s15], $0x4000  }
0x35b: {  	[sflag:s15] =	ssyncset.done $0x0  }
0x35c: {  	[sflag:s15] =	ssyncadd.s32 $0xFFFFC000  }
0x35d: {  	[hbm4b:s5+s2] =	stream.linear.scatter [tilespmem:s11], [sflag:$0x4], $0x4000, $0x38;
	[tilespmem:$0x10100] =	vst v63  }
0x35e: {  	_ = 	snop  }
0x35f: {  	[hbm4b:s6+s2] =	stream.linear.scatter [tilespmem:s12], [sflag:$0x4], $0x4000, $0x38;
	[tilespmem:$0x10100] =	vst v63  }
0x360: {  	_ =	swait.ge [sflag:s10], $0x4000  }
0x361: {  	[sflag:s10] =	ssyncset.done $0x0  }
0x362: {  	[sflag:s10] =	ssyncadd.s32 $0xFFFFC000  }
0x363: {  	_ =	swait.ge [sflag:s10], $0x4000  }
0x364: {  	[sflag:s10] =	ssyncset.done $0x0  }
0x365: {  	p1 =	sne.s32 s0, $0x1;
	[sflag:s10] =	ssyncadd.s32 $0xFFFFC000  }
.Ltmp2:
0x366: {  	_ =	swait.ge [sflag:s7], $0x4000;
	(pc) =	sbr.rel @p1 .LBB2_2-.Ltmp2, $4  }
0x367: {  	[sflag:s7] =	ssyncset.done $0x0  }
0x368: {  	[sflag:s7] =	ssyncadd.s32 $0xFFFFC000  }
0x369: {  	_ =	swait.ge [sflag:s7], $0x4000  }
0x36a: {  	s0 =	sadd.s32 $0xFFFFFFFF, s0;
	s1 =	rddreg [dreg:$0x3];
	[sflag:s7] =	ssyncset.done $0x0  }
.LBB2_3:
0x36b: {  	[sflag:s7] =	ssyncadd.s32 @p0 $0xFFFFC000  }
0x36c: {  	[tilespmem:s2], [sflag:$0x5] =	stream.linear.gather [hbm4b:s1+s2], $0x80, $0x38;
	[tilespmem:$0x10100] =	vst v63  }
0x36d: {  	_ =	swait.ge [sflag:s20], $0x80  }
0x36e: {  	[sflag:s20] =	ssyncset.done $0x0  }
0x36f: {  	[sflag:s20] =	ssyncadd.s32 $0xFFFFFF80  }
0x370: {  	[tilespmem:s13], [sflag:$0x1] =	stream.indirect.gather [hbm4b:s3+s18], $0x80, s2, s18, $0xb8;
	[tilespmem:$0x10100] =	vst v63  }
0x371: {  	_ = 	snop  }
0x372: {  	[tilespmem:s14], [sflag:$0x1] =	stream.indirect.gather [hbm4b:s4+s18], $0x80, s2, s18, $0xb8;
	[tilespmem:$0x10100] =	vst v63  }
0x373: {  	s0 =	rddreg [dreg:$0x4]  }
0x374: {  	[tilespmem:s18], [sflag:$0x5] =	stream.linear.gather [hbm4b:s0+s2], $0x80, $0x38;
	[tilespmem:$0x10100] =	vst v63  }
0x375: {  	_ =	swait.ge [sflag:s20], $0x80  }
0x376: {  	[sflag:s20] =	ssyncset.done $0x0  }
0x377: {  	[sflag:s20] =	ssyncadd.s32 $0xFFFFFF80  }
0x378: {  	[tilespmem:s11], [sflag:$0x2] =	stream.indirect.gather [hbm4b:s3+s18], $0x80, s18, s18, $0xb8;
	[tilespmem:$0x10100] =	vst v63  }
0x379: {  	_ = 	snop  }
0x37a: {  	[tilespmem:s12], [sflag:$0x2] =	stream.indirect.gather [hbm4b:s4+s18], $0x80, s18, s18, $0xb8;
	[tilespmem:$0x10100] =	vst v63  }
0x37b: {  	_ =	swait.ge [sflag:s21], $0x4000  }
0x37c: {  	[sflag:s21] =	ssyncset.done $0x0  }
0x37d: {  	[sflag:s21] =	ssyncadd.s32 $0xFFFFC000  }
0x37e: {  	_ =	swait.ge [sflag:s21], $0x4000  }
0x37f: {  	[sflag:s21] =	ssyncset.done $0x0  }
0x380: {  	s0 =	rddreg [dreg:$0x5];
	[sflag:s21] =	ssyncadd.s32 $0xFFFFC000  }
0x381: {  	[hbm4b:s0+s2] =	stream.linear.scatter [tilespmem:s13], [sflag:$0x3], $0x4000, $0x38;
	[tilespmem:$0x10100] =	vst v63  }
0x382: {  	s1 =	rddreg [dreg:$0x6]  }
0x383: {  	[hbm4b:s1+s2] =	stream.linear.scatter [tilespmem:s14], [sflag:$0x3], $0x4000, $0x38;
	[tilespmem:$0x10100] =	vst v63  }
0x384: {  	_ =	swait.ge [sflag:s10], $0x4000  }
0x385: {  	[sflag:s10] =	ssyncset.done $0x0  }
0x386: {  	[sflag:s10] =	ssyncadd.s32 $0xFFFFC000  }
0x387: {  	_ =	swait.ge [sflag:s10], $0x4000  }
0x388: {  	[sflag:s10] =	ssyncset.done $0x0  }
0x389: {  	s1 =	rddreg [dreg:$0x7];
	[sflag:s10] =	ssyncadd.s32 $0xFFFFC000  }
0x38a: {  	[tilespmem:s2], [sflag:$0x5] =	stream.linear.gather [hbm4b:s1+s2], $0x80, $0x38;
	[tilespmem:$0x10100] =	vst v63  }
0x38b: {  	_ =	swait.ge [sflag:s20], $0x80  }
0x38c: {  	[sflag:s20] =	ssyncset.done $0x0  }
0x38d: {  	[sflag:s20] =	ssyncadd.s32 $0xFFFFFF80  }
0x38e: {  	[tilespmem:s13], [sflag:$0x1] =	stream.indirect.gather [hbm4b:s3+s18], $0x80, s2, s18, $0xb8;
	[tilespmem:$0x10100] =	vst v63  }
0x38f: {  	_ = 	snop  }
0x390: {  	[tilespmem:s14], [sflag:$0x1] =	stream.indirect.gather [hbm4b:s4+s18], $0x80, s2, s18, $0xb8;
	[tilespmem:$0x10100] =	vst v63  }
0x391: {  	_ =	swait.ge [sflag:s15], $0x4000  }
0x392: {  	[sflag:s15] =	ssyncset.done $0x0  }
0x393: {  	[sflag:s15] =	ssyncadd.s32 $0xFFFFC000  }
0x394: {  	_ =	swait.ge [sflag:s15], $0x4000  }
0x395: {  	[sflag:s15] =	ssyncset.done $0x0  }
0x396: {  	s0 =	rddreg [dreg:$0x8];
	[sflag:s15] =	ssyncadd.s32 $0xFFFFC000  }
0x397: {  	[hbm4b:s0+s2] =	stream.linear.scatter [tilespmem:s11], [sflag:$0x4], $0x4000, $0x38;
	[tilespmem:$0x10100] =	vst v63  }
0x398: {  	s1 =	rddreg [dreg:$0x9]  }
0x399: {  	[hbm4b:s1+s2] =	stream.linear.scatter [tilespmem:s12], [sflag:$0x4], $0x4000, $0x38;
	[tilespmem:$0x10100] =	vst v63  }
0x39a: {  	_ =	swait.ge [sflag:s7], $0x4000  }
0x39b: {  	[sflag:s7] =	ssyncset.done $0x0  }
0x39c: {  	[sflag:s7] =	ssyncadd.s32 $0xFFFFC000  }
0x39d: {  	_ =	swait.ge [sflag:s7], $0x4000  }
0x39e: {  	[sflag:s7] =	ssyncset.done $0x0  }
0x39f: {  	s1 =	rddreg [dreg:$0xa];
	[sflag:s7] =	ssyncadd.s32 $0xFFFFC000  }
0x3a0: {  	[tilespmem:s18], [sflag:$0x5] =	stream.linear.gather [hbm4b:s1+s2], $0x80, $0x38;
	[tilespmem:$0x10100] =	vst v63  }
0x3a1: {  	_ =	swait.ge [sflag:s20], $0x80  }
0x3a2: {  	[sflag:s20] =	ssyncset.done $0x0  }
0x3a3: {  	[sflag:s20] =	ssyncadd.s32 $0xFFFFFF80  }
0x3a4: {  	[tilespmem:s11], [sflag:$0x2] =	stream.indirect.gather [hbm4b:s3+s18], $0x80, s18, s18, $0xb8;
	[tilespmem:$0x10100] =	vst v63  }
0x3a5: {  	_ = 	snop  }
0x3a6: {  	[tilespmem:s12], [sflag:$0x2] =	stream.indirect.gather [hbm4b:s4+s18], $0x80, s18, s18, $0xb8;
	[tilespmem:$0x10100] =	vst v63  }
0x3a7: {  	_ =	swait.ge [sflag:s21], $0x4000  }
0x3a8: {  	[sflag:s21] =	ssyncset.done $0x0  }
0x3a9: {  	[sflag:s21] =	ssyncadd.s32 $0xFFFFC000  }
0x3aa: {  	_ =	swait.ge [sflag:s21], $0x4000  }
0x3ab: {  	[sflag:s21] =	ssyncset.done $0x0  }
0x3ac: {  	s0 =	rddreg [dreg:$0xb];
	[sflag:s21] =	ssyncadd.s32 $0xFFFFC000  }
0x3ad: {  	[hbm4b:s0+s2] =	stream.linear.scatter [tilespmem:s13], [sflag:$0x3], $0x4000, $0x38;
	[tilespmem:$0x10100] =	vst v63  }
0x3ae: {  	s1 =	rddreg [dreg:$0xc]  }
0x3af: {  	[hbm4b:s1+s2] =	stream.linear.scatter [tilespmem:s14], [sflag:$0x3], $0x4000, $0x38;
	[tilespmem:$0x10100] =	vst v63  }
0x3b0: {  	_ =	swait.ge [sflag:s10], $0x4000  }
0x3b1: {  	[sflag:s10] =	ssyncset.done $0x0  }
0x3b2: {  	[sflag:s10] =	ssyncadd.s32 $0xFFFFC000  }
0x3b3: {  	_ =	swait.ge [sflag:s10], $0x4000  }
0x3b4: {  	[sflag:s10] =	ssyncset.done $0x0  }
0x3b5: {  	s1 =	rddreg [dreg:$0xd];
	[sflag:s10] =	ssyncadd.s32 $0xFFFFC000  }
0x3b6: {  	[tilespmem:s2], [sflag:$0x5] =	stream.linear.gather [hbm4b:s1+s2], $0x80, $0x38;
	[tilespmem:$0x10100] =	vst v63  }
0x3b7: {  	_ =	swait.ge [sflag:s20], $0x80  }
0x3b8: {  	[sflag:s20] =	ssyncset.done $0x0  }
0x3b9: {  	[sflag:s20] =	ssyncadd.s32 $0xFFFFFF80  }
0x3ba: {  	[tilespmem:s13], [sflag:$0x1] =	stream.indirect.gather [hbm4b:s3+s18], $0x80, s2, s18, $0xb8;
	[tilespmem:$0x10100] =	vst v63  }
0x3bb: {  	_ = 	snop  }
0x3bc: {  	[tilespmem:s14], [sflag:$0x1] =	stream.indirect.gather [hbm4b:s4+s18], $0x80, s2, s18, $0xb8;
	[tilespmem:$0x10100] =	vst v63  }
0x3bd: {  	_ =	swait.ge [sflag:s15], $0x4000  }
0x3be: {  	[sflag:s15] =	ssyncset.done $0x0  }
0x3bf: {  	[sflag:s15] =	ssyncadd.s32 $0xFFFFC000  }
0x3c0: {  	_ =	swait.ge [sflag:s15], $0x4000  }
0x3c1: {  	[sflag:s15] =	ssyncset.done $0x0  }
0x3c2: {  	s0 =	rddreg [dreg:$0xe];
	[sflag:s15] =	ssyncadd.s32 $0xFFFFC000  }
0x3c3: {  	[hbm4b:s0+s2] =	stream.linear.scatter [tilespmem:s11], [sflag:$0x4], $0x4000, $0x38;
	[tilespmem:$0x10100] =	vst v63  }
0x3c4: {  	s1 =	rddreg [dreg:$0xf]  }
0x3c5: {  	[hbm4b:s1+s2] =	stream.linear.scatter [tilespmem:s12], [sflag:$0x4], $0x4000, $0x38;
	[tilespmem:$0x10100] =	vst v63  }
0x3c6: {  	_ =	swait.ge [sflag:s7], $0x4000  }
0x3c7: {  	[sflag:s7] =	ssyncset.done $0x0  }
0x3c8: {  	[sflag:s7] =	ssyncadd.s32 $0xFFFFC000  }
0x3c9: {  	_ =	swait.ge [sflag:s7], $0x4000  }
0x3ca: {  	[sflag:s7] =	ssyncset.done $0x0  }
0x3cb: {  	s1 =	rddreg [dreg:$0x10];
	[sflag:s7] =	ssyncadd.s32 $0xFFFFC000  }
0x3cc: {  	[tilespmem:s18], [sflag:$0x5] =	stream.linear.gather [hbm4b:s1+s2], $0x80, $0x38;
	[tilespmem:$0x10100] =	vst v63  }
0x3cd: {  	_ =	swait.ge [sflag:s20], $0x80  }
0x3ce: {  	[sflag:s20] =	ssyncset.done $0x0  }
0x3cf: {  	[sflag:s20] =	ssyncadd.s32 $0xFFFFFF80  }
0x3d0: {  	[tilespmem:s11], [sflag:$0x2] =	stream.indirect.gather [hbm4b:s3+s18], $0x80, s18, s18, $0xb8;
	[tilespmem:$0x10100] =	vst v63  }
0x3d1: {  	_ = 	snop  }
0x3d2: {  	[tilespmem:s12], [sflag:$0x2] =	stream.indirect.gather [hbm4b:s4+s18], $0x80, s18, s18, $0xb8;
	[tilespmem:$0x10100] =	vst v63  }
0x3d3: {  	_ =	swait.ge [sflag:s21], $0x4000  }
0x3d4: {  	[sflag:s21] =	ssyncset.done $0x0  }
0x3d5: {  	[sflag:s21] =	ssyncadd.s32 $0xFFFFC000  }
0x3d6: {  	_ =	swait.ge [sflag:s21], $0x4000  }
0x3d7: {  	[sflag:s21] =	ssyncset.done $0x0  }
0x3d8: {  	s0 =	rddreg [dreg:$0x11];
	[sflag:s21] =	ssyncadd.s32 $0xFFFFC000  }
0x3d9: {  	[hbm4b:s0+s2] =	stream.linear.scatter [tilespmem:s13], [sflag:$0x3], $0x4000, $0x38;
	[tilespmem:$0x10100] =	vst v63  }
0x3da: {  	s1 =	rddreg [dreg:$0x12]  }
0x3db: {  	[hbm4b:s1+s2] =	stream.linear.scatter [tilespmem:s14], [sflag:$0x3], $0x4000, $0x38;
	[tilespmem:$0x10100] =	vst v63  }
0x3dc: {  	_ =	swait.ge [sflag:s10], $0x4000  }
0x3dd: {  	[sflag:s10] =	ssyncset.done $0x0  }
0x3de: {  	[sflag:s10] =	ssyncadd.s32 $0xFFFFC000  }
0x3df: {  	_ =	swait.ge [sflag:s10], $0x4000  }
0x3e0: {  	[sflag:s10] =	ssyncset.done $0x0  }
0x3e1: {  	s1 =	rddreg [dreg:$0x13];
	[sflag:s10] =	ssyncadd.s32 $0xFFFFC000  }
0x3e2: {  	[tilespmem:s2], [sflag:$0x5] =	stream.linear.gather [hbm4b:s1+s2], $0x80, $0x38;
	[tilespmem:$0x10100] =	vst v63  }
0x3e3: {  	_ =	swait.ge [sflag:s20], $0x80  }
0x3e4: {  	[sflag:s20] =	ssyncset.done $0x0  }
0x3e5: {  	[sflag:s20] =	ssyncadd.s32 $0xFFFFFF80  }
0x3e6: {  	[tilespmem:s13], [sflag:$0x1] =	stream.indirect.gather [hbm4b:s3+s18], $0x80, s2, s18, $0xb8;
	[tilespmem:$0x10100] =	vst v63  }
0x3e7: {  	_ = 	snop  }
0x3e8: {  	[tilespmem:s14], [sflag:$0x1] =	stream.indirect.gather [hbm4b:s4+s18], $0x80, s2, s18, $0xb8;
	[tilespmem:$0x10100] =	vst v63  }
0x3e9: {  	_ =	swait.ge [sflag:s15], $0x4000  }
0x3ea: {  	[sflag:s15] =	ssyncset.done $0x0  }
0x3eb: {  	[sflag:s15] =	ssyncadd.s32 $0xFFFFC000  }
0x3ec: {  	_ =	swait.ge [sflag:s15], $0x4000  }
0x3ed: {  	[sflag:s15] =	ssyncset.done $0x0  }
0x3ee: {  	s0 =	rddreg [dreg:$0x14];
	[sflag:s15] =	ssyncadd.s32 $0xFFFFC000  }
0x3ef: {  	[hbm4b:s0+s2] =	stream.linear.scatter [tilespmem:s11], [sflag:$0x4], $0x4000, $0x38;
	[tilespmem:$0x10100] =	vst v63  }
0x3f0: {  	s1 =	rddreg [dreg:$0x15]  }
0x3f1: {  	[hbm4b:s1+s2] =	stream.linear.scatter [tilespmem:s12], [sflag:$0x4], $0x4000, $0x38;
	[tilespmem:$0x10100] =	vst v63  }
0x3f2: {  	_ =	swait.ge [sflag:s7], $0x4000  }
0x3f3: {  	[sflag:s7] =	ssyncset.done $0x0  }
0x3f4: {  	[sflag:s7] =	ssyncadd.s32 $0xFFFFC000  }
0x3f5: {  	_ =	swait.ge [sflag:s7], $0x4000  }
0x3f6: {  	[sflag:s7] =	ssyncset.done $0x0  }
0x3f7: {  	s1 =	rddreg [dreg:$0x16];
	[sflag:s7] =	ssyncadd.s32 $0xFFFFC000  }
0x3f8: {  	[tilespmem:s18], [sflag:$0x5] =	stream.linear.gather [hbm4b:s1+s2], $0x80, $0x38;
	[tilespmem:$0x10100] =	vst v63  }
0x3f9: {  	_ =	swait.ge [sflag:s20], $0x80  }
0x3fa: {  	[sflag:s20] =	ssyncset.done $0x0  }
0x3fb: {  	[sflag:s20] =	ssyncadd.s32 $0xFFFFFF80  }
0x3fc: {  	[tilespmem:s11], [sflag:$0x2] =	stream.indirect.gather [hbm4b:s3+s18], $0x80, s18, s18, $0xb8;
	[tilespmem:$0x10100] =	vst v63  }
0x3fd: {  	_ = 	snop  }
0x3fe: {  	[tilespmem:s12], [sflag:$0x2] =	stream.indirect.gather [hbm4b:s4+s18], $0x80, s18, s18, $0xb8;
	[tilespmem:$0x10100] =	vst v63  }
0x3ff: {  	_ =	swait.ge [sflag:s21], $0x4000  }
0x400: {  	[sflag:s21] =	ssyncset.done $0x0  }
0x401: {  	[sflag:s21] =	ssyncadd.s32 $0xFFFFC000  }
0x402: {  	_ =	swait.ge [sflag:s21], $0x4000  }
0x403: {  	[sflag:s21] =	ssyncset.done $0x0  }
0x404: {  	s0 =	rddreg [dreg:$0x17];
	[sflag:s21] =	ssyncadd.s32 $0xFFFFC000  }
0x405: {  	[hbm4b:s0+s2] =	stream.linear.scatter [tilespmem:s13], [sflag:$0x3], $0x4000, $0x38;
	[tilespmem:$0x10100] =	vst v63  }
0x406: {  	s1 =	rddreg [dreg:$0x18]  }
0x407: {  	[hbm4b:s1+s2] =	stream.linear.scatter [tilespmem:s14], [sflag:$0x3], $0x4000, $0x38;
	[tilespmem:$0x10100] =	vst v63  }
0x408: {  	_ =	swait.ge [sflag:s10], $0x4000  }
0x409: {  	[sflag:s10] =	ssyncset.done $0x0  }
0x40a: {  	[sflag:s10] =	ssyncadd.s32 $0xFFFFC000  }
0x40b: {  	_ =	swait.ge [sflag:s10], $0x4000  }
0x40c: {  	[sflag:s10] =	ssyncset.done $0x0  }
0x40d: {  	s1 =	rddreg [dreg:$0x19];
	[sflag:s10] =	ssyncadd.s32 $0xFFFFC000  }
0x40e: {  	[tilespmem:s2], [sflag:$0x5] =	stream.linear.gather [hbm4b:s1+s2], $0x80, $0x38;
	[tilespmem:$0x10100] =	vst v63  }
0x40f: {  	_ =	swait.ge [sflag:s20], $0x80  }
0x410: {  	[sflag:s20] =	ssyncset.done $0x0  }
0x411: {  	[sflag:s20] =	ssyncadd.s32 $0xFFFFFF80  }
0x412: {  	[tilespmem:s13], [sflag:$0x1] =	stream.indirect.gather [hbm4b:s3+s18], $0x80, s2, s18, $0xb8;
	[tilespmem:$0x10100] =	vst v63  }
0x413: {  	_ = 	snop  }
0x414: {  	[tilespmem:s14], [sflag:$0x1] =	stream.indirect.gather [hbm4b:s4+s18], $0x80, s2, s18, $0xb8;
	[tilespmem:$0x10100] =	vst v63  }
0x415: {  	_ =	swait.ge [sflag:s15], $0x4000  }
0x416: {  	[sflag:s15] =	ssyncset.done $0x0  }
0x417: {  	[sflag:s15] =	ssyncadd.s32 $0xFFFFC000  }
0x418: {  	_ =	swait.ge [sflag:s15], $0x4000  }
0x419: {  	[sflag:s15] =	ssyncset.done $0x0  }
0x41a: {  	s0 =	rddreg [dreg:$0x1a];
	[sflag:s15] =	ssyncadd.s32 $0xFFFFC000  }
0x41b: {  	[hbm4b:s0+s2] =	stream.linear.scatter [tilespmem:s11], [sflag:$0x4], $0x4000, $0x38;
	[tilespmem:$0x10100] =	vst v63  }
0x41c: {  	s1 =	rddreg [dreg:$0x1b]  }
0x41d: {  	[hbm4b:s1+s2] =	stream.linear.scatter [tilespmem:s12], [sflag:$0x4], $0x4000, $0x38;
	[tilespmem:$0x10100] =	vst v63  }
0x41e: {  	_ =	swait.ge [sflag:s7], $0x4000  }
0x41f: {  	[sflag:s7] =	ssyncset.done $0x0  }
0x420: {  	[sflag:s7] =	ssyncadd.s32 $0xFFFFC000  }
0x421: {  	_ =	swait.ge [sflag:s7], $0x4000  }
0x422: {  	[sflag:s7] =	ssyncset.done $0x0  }
0x423: {  	s1 =	rddreg [dreg:$0x1c];
	[sflag:s7] =	ssyncadd.s32 $0xFFFFC000  }
0x424: {  	[tilespmem:s18], [sflag:$0x5] =	stream.linear.gather [hbm4b:s1+s2], $0x80, $0x38;
	[tilespmem:$0x10100] =	vst v63  }
0x425: {  	_ =	swait.ge [sflag:s20], $0x80  }
0x426: {  	[sflag:s20] =	ssyncset.done $0x0  }
0x427: {  	[sflag:s20] =	ssyncadd.s32 $0xFFFFFF80  }
0x428: {  	[tilespmem:s11], [sflag:$0x2] =	stream.indirect.gather [hbm4b:s3+s18], $0x80, s18, s18, $0xb8;
	[tilespmem:$0x10100] =	vst v63  }
0x429: {  	_ = 	snop  }
0x42a: {  	[tilespmem:s12], [sflag:$0x2] =	stream.indirect.gather [hbm4b:s4+s18], $0x80, s18, s18, $0xb8;
	[tilespmem:$0x10100] =	vst v63  }
0x42b: {  	_ =	swait.ge [sflag:s21], $0x4000  }
0x42c: {  	[sflag:s21] =	ssyncset.done $0x0  }
0x42d: {  	[sflag:s21] =	ssyncadd.s32 $0xFFFFC000  }
0x42e: {  	_ =	swait.ge [sflag:s21], $0x4000  }
0x42f: {  	[sflag:s21] =	ssyncset.done $0x0  }
0x430: {  	s0 =	rddreg [dreg:$0x1d];
	[sflag:s21] =	ssyncadd.s32 $0xFFFFC000  }
0x431: {  	[hbm4b:s0+s2] =	stream.linear.scatter [tilespmem:s13], [sflag:$0x3], $0x4000, $0x38;
	[tilespmem:$0x10100] =	vst v63  }
0x432: {  	s1 =	rddreg [dreg:$0x1e]  }
0x433: {  	[hbm4b:s1+s2] =	stream.linear.scatter [tilespmem:s14], [sflag:$0x3], $0x4000, $0x38;
	[tilespmem:$0x10100] =	vst v63  }
0x434: {  	_ =	swait.ge [sflag:s10], $0x4000  }
0x435: {  	[sflag:s10] =	ssyncset.done $0x0  }
0x436: {  	[sflag:s10] =	ssyncadd.s32 $0xFFFFC000  }
0x437: {  	_ =	swait.ge [sflag:s10], $0x4000  }
0x438: {  	[sflag:s10] =	ssyncset.done $0x0  }
0x439: {  	s1 =	rddreg [dreg:$0x1f];
	[sflag:s10] =	ssyncadd.s32 $0xFFFFC000  }
0x43a: {  	[tilespmem:s2], [sflag:$0x5] =	stream.linear.gather [hbm4b:s1+s2], $0x80, $0x38;
	[tilespmem:$0x10100] =	vst v63  }
0x43b: {  	_ =	swait.ge [sflag:s20], $0x80  }
0x43c: {  	[sflag:s20] =	ssyncset.done $0x0  }
0x43d: {  	[sflag:s20] =	ssyncadd.s32 $0xFFFFFF80  }
0x43e: {  	[tilespmem:s13], [sflag:$0x1] =	stream.indirect.gather [hbm4b:s3+s18], $0x80, s2, s18, $0xb8;
	[tilespmem:$0x10100] =	vst v63  }
0x43f: {  	_ = 	snop  }
0x440: {  	[tilespmem:s14], [sflag:$0x1] =	stream.indirect.gather [hbm4b:s4+s18], $0x80, s2, s18, $0xb8;
	[tilespmem:$0x10100] =	vst v63  }
0x441: {  	_ =	swait.ge [sflag:s15], $0x4000  }
0x442: {  	[sflag:s15] =	ssyncset.done $0x0  }
0x443: {  	[sflag:s15] =	ssyncadd.s32 $0xFFFFC000  }
0x444: {  	_ =	swait.ge [sflag:s15], $0x4000  }
0x445: {  	s0 =	sld [smem:$0x7F5]  }
0x446: {  	[sflag:s15] =	ssyncset.done $0x0  }
0x447: {  	s1 =	sld [smem:$0x7F6];
	[sflag:s15] =	ssyncadd.s32 $0xFFFFC000  }
0x448: {  	[hbm4b:s0+s2] =	stream.linear.scatter [tilespmem:s11], [sflag:$0x4], $0x4000, $0x38;
	[tilespmem:$0x10100] =	vst v63  }
0x449: {  	_ = 	snop  }
0x44a: {  	[hbm4b:s1+s2] =	stream.linear.scatter [tilespmem:s12], [sflag:$0x4], $0x4000, $0x38;
	[tilespmem:$0x10100] =	vst v63  }
0x44b: {  	_ =	swait.ge [sflag:s7], $0x4000  }
0x44c: {  	[sflag:s7] =	ssyncset.done $0x0  }
0x44d: {  	[sflag:s7] =	ssyncadd.s32 $0xFFFFC000  }
0x44e: {  	_ =	swait.ge [sflag:s7], $0x4000  }
0x44f: {  	s1 =	sld [smem:$0x7F7]  }
0x450: {  	[sflag:s7] =	ssyncset.done $0x0  }
0x451: {  	[sflag:s7] =	ssyncadd.s32 $0xFFFFC000  }
0x452: {  	[tilespmem:s18], [sflag:$0x5] =	stream.linear.gather [hbm4b:s1+s2], $0x80, $0x38;
	[tilespmem:$0x10100] =	vst v63  }
0x453: {  	_ =	swait.ge [sflag:s20], $0x80  }
0x454: {  	[sflag:s20] =	ssyncset.done $0x0  }
0x455: {  	[sflag:s20] =	ssyncadd.s32 $0xFFFFFF80  }
0x456: {  	[tilespmem:s11], [sflag:$0x2] =	stream.indirect.gather [hbm4b:s3+s18], $0x80, s18, s18, $0xb8;
	[tilespmem:$0x10100] =	vst v63  }
0x457: {  	_ = 	snop  }
0x458: {  	[tilespmem:s12], [sflag:$0x2] =	stream.indirect.gather [hbm4b:s4+s18], $0x80, s18, s18, $0xb8;
	[tilespmem:$0x10100] =	vst v63  }
0x459: {  	_ =	swait.ge [sflag:s21], $0x4000  }
0x45a: {  	[sflag:s21] =	ssyncset.done $0x0  }
0x45b: {  	[sflag:s21] =	ssyncadd.s32 $0xFFFFC000  }
0x45c: {  	_ =	swait.ge [sflag:s21], $0x4000  }
0x45d: {  	s0 =	sld [smem:$0x7F8]  }
0x45e: {  	[sflag:s21] =	ssyncset.done $0x0  }
0x45f: {  	s1 =	sld [smem:$0x7F9];
	[sflag:s21] =	ssyncadd.s32 $0xFFFFC000  }
0x460: {  	[hbm4b:s0+s2] =	stream.linear.scatter [tilespmem:s13], [sflag:$0x3], $0x4000, $0x38;
	[tilespmem:$0x10100] =	vst v63  }
0x461: {  	_ = 	snop  }
0x462: {  	[hbm4b:s1+s2] =	stream.linear.scatter [tilespmem:s14], [sflag:$0x3], $0x4000, $0x38;
	[tilespmem:$0x10100] =	vst v63  }
0x463: {  	_ =	swait.ge [sflag:s10], $0x4000  }
0x464: {  	[sflag:s10] =	ssyncset.done $0x0  }
0x465: {  	[sflag:s10] =	ssyncadd.s32 $0xFFFFC000  }
0x466: {  	_ =	swait.ge [sflag:s10], $0x4000  }
0x467: {  	s1 =	sld [smem:$0x7FA]  }
0x468: {  	[sflag:s10] =	ssyncset.done $0x0  }
0x469: {  	[sflag:s10] =	ssyncadd.s32 $0xFFFFC000  }
0x46a: {  	[tilespmem:s2], [sflag:$0x5] =	stream.linear.gather [hbm4b:s1+s2], $0x80, $0x38;
	[tilespmem:$0x10100] =	vst v63  }
0x46b: {  	_ =	swait.ge [sflag:s20], $0x80  }
0x46c: {  	[sflag:s20] =	ssyncset.done $0x0  }
0x46d: {  	[sflag:s20] =	ssyncadd.s32 $0xFFFFFF80  }
0x46e: {  	[tilespmem:s13], [sflag:$0x1] =	stream.indirect.gather [hbm4b:s3+s18], $0x80, s2, s18, $0xb8;
	[tilespmem:$0x10100] =	vst v63  }
0x46f: {  	_ = 	snop  }
0x470: {  	[tilespmem:s14], [sflag:$0x1] =	stream.indirect.gather [hbm4b:s4+s18], $0x80, s2, s18, $0xb8;
	[tilespmem:$0x10100] =	vst v63  }
0x471: {  	_ =	swait.ge [sflag:s15], $0x4000  }
0x472: {  	[sflag:s15] =	ssyncset.done $0x0  }
0x473: {  	[sflag:s15] =	ssyncadd.s32 $0xFFFFC000  }
0x474: {  	_ =	swait.ge [sflag:s15], $0x4000  }
0x475: {  	s0 =	sld [smem:$0x7FB]  }
0x476: {  	[sflag:s15] =	ssyncset.done $0x0  }
0x477: {  	s1 =	sld [smem:$0x7FC];
	[sflag:s15] =	ssyncadd.s32 $0xFFFFC000  }
0x478: {  	[hbm4b:s0+s2] =	stream.linear.scatter [tilespmem:s11], [sflag:$0x4], $0x4000, $0x38;
	[tilespmem:$0x10100] =	vst v63  }
0x479: {  	_ = 	snop  }
0x47a: {  	[hbm4b:s1+s2] =	stream.linear.scatter [tilespmem:s12], [sflag:$0x4], $0x4000, $0x38;
	[tilespmem:$0x10100] =	vst v63  }
0x47b: {  	_ =	swait.ge [sflag:s7], $0x4000  }
0x47c: {  	[sflag:s7] =	ssyncset.done $0x0  }
0x47d: {  	[sflag:s7] =	ssyncadd.s32 $0xFFFFC000  }
0x47e: {  	_ =	swait.ge [sflag:s7], $0x4000  }
0x47f: {  	s1 =	sld [smem:$0x7FD]  }
0x480: {  	[sflag:s7] =	ssyncset.done $0x0  }
0x481: {  	[sflag:s7] =	ssyncadd.s32 $0xFFFFC000  }
0x482: {  	[tilespmem:s18], [sflag:$0x5] =	stream.linear.gather [hbm4b:s1+s2], $0x80, $0x38;
	[tilespmem:$0x10100] =	vst v63  }
0x483: {  	_ =	swait.ge [sflag:s20], $0x80  }
0x484: {  	[sflag:s20] =	ssyncset.done $0x0  }
0x485: {  	[sflag:s20] =	ssyncadd.s32 $0xFFFFFF80  }
0x486: {  	[tilespmem:s11], [sflag:$0x2] =	stream.indirect.gather [hbm4b:s3+s18], $0x80, s18, s18, $0xb8;
	[tilespmem:$0x10100] =	vst v63  }
0x487: {  	_ = 	snop  }
0x488: {  	[tilespmem:s12], [sflag:$0x2] =	stream.indirect.gather [hbm4b:s4+s18], $0x80, s18, s18, $0xb8;
	[tilespmem:$0x10100] =	vst v63  }
0x489: {  	_ =	swait.ge [sflag:s21], $0x4000  }
0x48a: {  	[sflag:s21] =	ssyncset.done $0x0  }
0x48b: {  	[sflag:s21] =	ssyncadd.s32 $0xFFFFC000  }
0x48c: {  	_ =	swait.ge [sflag:s21], $0x4000  }
0x48d: {  	[sflag:s21] =	ssyncset.done $0x0  }
0x48e: {  	[sflag:s21] =	ssyncadd.s32 $0xFFFFC000  }
0x48f: {  	[hbm4b:s30+s2] =	stream.linear.scatter [tilespmem:s13], [sflag:$0x3], $0x4000, $0x38;
	[tilespmem:$0x10100] =	vst v63  }
0x490: {  	_ = 	snop  }
0x491: {  	[hbm4b:s31+s2] =	stream.linear.scatter [tilespmem:s14], [sflag:$0x3], $0x4000, $0x38;
	[tilespmem:$0x10100] =	vst v63  }
0x492: {  	_ =	swait.ge [sflag:s10], $0x4000  }
0x493: {  	[sflag:s10] =	ssyncset.done $0x0  }
0x494: {  	[sflag:s10] =	ssyncadd.s32 $0xFFFFC000  }
0x495: {  	_ =	swait.ge [sflag:s10], $0x4000  }
0x496: {  	[sflag:s10] =	ssyncset.done $0x0  }
0x497: {  	[sflag:s10] =	ssyncadd.s32 $0xFFFFC000  }
0x498: {  	[tilespmem:s2], [sflag:$0x5] =	stream.linear.gather [hbm4b:s29+s2], $0x80, $0x38;
	[tilespmem:$0x10100] =	vst v63  }
0x499: {  	_ =	swait.ge [sflag:s20], $0x80  }
0x49a: {  	[sflag:s20] =	ssyncset.done $0x0  }
0x49b: {  	[sflag:s20] =	ssyncadd.s32 $0xFFFFFF80  }
0x49c: {  	[tilespmem:s13], [sflag:$0x1] =	stream.indirect.gather [hbm4b:s3+s18], $0x80, s2, s18, $0xb8;
	[tilespmem:$0x10100] =	vst v63  }
0x49d: {  	_ = 	snop  }
0x49e: {  	[tilespmem:s14], [sflag:$0x1] =	stream.indirect.gather [hbm4b:s4+s18], $0x80, s2, s18, $0xb8;
	[tilespmem:$0x10100] =	vst v63  }
0x49f: {  	_ =	swait.ge [sflag:s15], $0x4000  }
0x4a0: {  	[sflag:s15] =	ssyncset.done $0x0  }
0x4a1: {  	[sflag:s15] =	ssyncadd.s32 $0xFFFFC000  }
0x4a2: {  	_ =	swait.ge [sflag:s15], $0x4000  }
0x4a3: {  	[sflag:s15] =	ssyncset.done $0x0  }
0x4a4: {  	[sflag:s15] =	ssyncadd.s32 $0xFFFFC000  }
0x4a5: {  	[hbm4b:s26+s2] =	stream.linear.scatter [tilespmem:s11], [sflag:$0x4], $0x4000, $0x38;
	[tilespmem:$0x10100] =	vst v63  }
0x4a6: {  	_ = 	snop  }
0x4a7: {  	[hbm4b:s28+s2] =	stream.linear.scatter [tilespmem:s12], [sflag:$0x4], $0x4000, $0x38;
	[tilespmem:$0x10100] =	vst v63  }
0x4a8: {  	_ =	swait.ge [sflag:s7], $0x4000  }
0x4a9: {  	[sflag:s7] =	ssyncset.done $0x0  }
0x4aa: {  	[sflag:s7] =	ssyncadd.s32 $0xFFFFC000  }
0x4ab: {  	_ =	swait.ge [sflag:s7], $0x4000  }
0x4ac: {  	[sflag:s7] =	ssyncset.done $0x0  }
0x4ad: {  	[sflag:s7] =	ssyncadd.s32 $0xFFFFC000  }
0x4ae: {  	[tilespmem:s18], [sflag:$0x5] =	stream.linear.gather [hbm4b:s25+s2], $0x80, $0x38;
	[tilespmem:$0x10100] =	vst v63  }
0x4af: {  	_ =	swait.ge [sflag:s20], $0x80  }
0x4b0: {  	[sflag:s20] =	ssyncset.done $0x0  }
0x4b1: {  	[sflag:s20] =	ssyncadd.s32 $0xFFFFFF80  }
0x4b2: {  	[tilespmem:s11], [sflag:$0x2] =	stream.indirect.gather [hbm4b:s3+s18], $0x80, s18, s18, $0xb8;
	[tilespmem:$0x10100] =	vst v63  }
0x4b3: {  	_ = 	snop  }
0x4b4: {  	[tilespmem:s12], [sflag:$0x2] =	stream.indirect.gather [hbm4b:s4+s18], $0x80, s18, s18, $0xb8;
	[tilespmem:$0x10100] =	vst v63  }
0x4b5: {  	_ =	swait.ge [sflag:s21], $0x4000  }
0x4b6: {  	[sflag:s21] =	ssyncset.done $0x0  }
0x4b7: {  	[sflag:s21] =	ssyncadd.s32 $0xFFFFC000  }
0x4b8: {  	_ =	swait.ge [sflag:s21], $0x4000  }
0x4b9: {  	[sflag:s21] =	ssyncset.done $0x0  }
0x4ba: {  	[sflag:s21] =	ssyncadd.s32 $0xFFFFC000  }
0x4bb: {  	[hbm4b:s23+s2] =	stream.linear.scatter [tilespmem:s13], [sflag:$0x3], $0x4000, $0x38;
	[tilespmem:$0x10100] =	vst v63  }
0x4bc: {  	_ = 	snop  }
0x4bd: {  	[hbm4b:s24+s2] =	stream.linear.scatter [tilespmem:s14], [sflag:$0x3], $0x4000, $0x38;
	[tilespmem:$0x10100] =	vst v63  }
0x4be: {  	_ =	swait.ge [sflag:s10], $0x4000  }
0x4bf: {  	[sflag:s10] =	ssyncset.done $0x0  }
0x4c0: {  	[sflag:s10] =	ssyncadd.s32 $0xFFFFC000  }
0x4c1: {  	_ =	swait.ge [sflag:s10], $0x4000  }
0x4c2: {  	[sflag:s10] =	ssyncset.done $0x0  }
0x4c3: {  	[sflag:s10] =	ssyncadd.s32 $0xFFFFC000  }
0x4c4: {  	[tilespmem:s2], [sflag:$0x5] =	stream.linear.gather [hbm4b:s22+s2], $0x80, $0x38;
	[tilespmem:$0x10100] =	vst v63  }
0x4c5: {  	_ =	swait.ge [sflag:s20], $0x80  }
0x4c6: {  	[sflag:s20] =	ssyncset.done $0x0  }
0x4c7: {  	[sflag:s20] =	ssyncadd.s32 $0xFFFFFF80  }
0x4c8: {  	[tilespmem:s13], [sflag:$0x1] =	stream.indirect.gather [hbm4b:s3+s18], $0x80, s2, s18, $0xb8;
	[tilespmem:$0x10100] =	vst v63  }
0x4c9: {  	_ = 	snop  }
0x4ca: {  	[tilespmem:s14], [sflag:$0x1] =	stream.indirect.gather [hbm4b:s4+s18], $0x80, s2, s18, $0xb8;
	[tilespmem:$0x10100] =	vst v63  }
0x4cb: {  	_ =	swait.ge [sflag:s15], $0x4000  }
0x4cc: {  	[sflag:s15] =	ssyncset.done $0x0  }
0x4cd: {  	[sflag:s15] =	ssyncadd.s32 $0xFFFFC000  }
0x4ce: {  	_ =	swait.ge [sflag:s15], $0x4000  }
0x4cf: {  	[sflag:s15] =	ssyncset.done $0x0  }
0x4d0: {  	[sflag:s15] =	ssyncadd.s32 $0xFFFFC000  }
0x4d1: {  	[hbm4b:s17+s2] =	stream.linear.scatter [tilespmem:s11], [sflag:$0x4], $0x4000, $0x38;
	[tilespmem:$0x10100] =	vst v63  }
0x4d2: {  	_ = 	snop  }
0x4d3: {  	[hbm4b:s19+s2] =	stream.linear.scatter [tilespmem:s12], [sflag:$0x4], $0x4000, $0x38;
	[tilespmem:$0x10100] =	vst v63  }
0x4d4: {  	_ =	swait.ge [sflag:s7], $0x4000  }
0x4d5: {  	[sflag:s7] =	ssyncset.done $0x0  }
0x4d6: {  	[sflag:s7] =	ssyncadd.s32 $0xFFFFC000  }
0x4d7: {  	_ =	swait.ge [sflag:s7], $0x4000  }
0x4d8: {  	[sflag:s7] =	ssyncset.done $0x0  }
0x4d9: {  	[sflag:s7] =	ssyncadd.s32 $0xFFFFC000  }
0x4da: {  	[tilespmem:s18], [sflag:$0x5] =	stream.linear.gather [hbm4b:s16+s2], $0x80, $0x38;
	[tilespmem:$0x10100] =	vst v63  }
0x4db: {  	_ =	swait.ge [sflag:s20], $0x80  }
0x4dc: {  	[sflag:s20] =	ssyncset.done $0x0  }
0x4dd: {  	[sflag:s20] =	ssyncadd.s32 $0xFFFFFF80  }
0x4de: {  	[tilespmem:s11], [sflag:$0x2] =	stream.indirect.gather [hbm4b:s3+s18], $0x80, s18, s18, $0xb8;
	[tilespmem:$0x10100] =	vst v63  }
0x4df: {  	_ = 	snop  }
0x4e0: {  	[tilespmem:s12], [sflag:$0x2] =	stream.indirect.gather [hbm4b:s4+s18], $0x80, s18, s18, $0xb8;
	[tilespmem:$0x10100] =	vst v63  }
0x4e1: {  	_ =	swait.ge [sflag:s21], $0x4000  }
0x4e2: {  	[sflag:s21] =	ssyncset.done $0x0  }
0x4e3: {  	[sflag:s21] =	ssyncadd.s32 $0xFFFFC000  }
0x4e4: {  	_ =	swait.ge [sflag:s21], $0x4000  }
0x4e5: {  	[sflag:s21] =	ssyncset.done $0x0  }
0x4e6: {  	[sflag:s21] =	ssyncadd.s32 $0xFFFFC000  }
0x4e7: {  	[hbm4b:s8+s2] =	stream.linear.scatter [tilespmem:s13], [sflag:$0x3], $0x4000, $0x38;
	[tilespmem:$0x10100] =	vst v63  }
0x4e8: {  	_ = 	snop  }
0x4e9: {  	[hbm4b:s9+s2] =	stream.linear.scatter [tilespmem:s14], [sflag:$0x3], $0x4000, $0x38;
	[tilespmem:$0x10100] =	vst v63  }
0x4ea: {  	_ =	swait.ge [sflag:s15], $0x4000  }
0x4eb: {  	[sflag:s15] =	ssyncset.done $0x0  }
0x4ec: {  	[sflag:s15] =	ssyncadd.s32 $0xFFFFC000  }
0x4ed: {  	_ =	swait.ge [sflag:s15], $0x4000  }
0x4ee: {  	[sflag:s15] =	ssyncset.done $0x0  }
0x4ef: {  	[sflag:s15] =	ssyncadd.s32 $0xFFFFC000  }
0x4f0: {  	[hbm4b:s5+s2] =	stream.linear.scatter [tilespmem:s11], [sflag:$0x4], $0x4000, $0x38;
	[tilespmem:$0x10100] =	vst v63  }
0x4f1: {  	_ = 	snop  }
0x4f2: {  	[hbm4b:s6+s2] =	stream.linear.scatter [tilespmem:s12], [sflag:$0x4], $0x4000, $0x38;
	[tilespmem:$0x10100] =	vst v63  }
0x4f3: {  	_ =	swait.ge [sflag:s10], $0x4000  }
0x4f4: {  	[sflag:s10] =	ssyncset.done $0x0  }
0x4f5: {  	[sflag:s10] =	ssyncadd.s32 $0xFFFFC000  }
0x4f6: {  	_ =	swait.ge [sflag:s10], $0x4000  }
0x4f7: {  	[sflag:s10] =	ssyncset.done $0x0  }
0x4f8: {  	[sflag:s10] =	ssyncadd.s32 $0xFFFFC000  }
0x4f9: {  	_ =	swait.ge [sflag:s7], $0x4000  }
0x4fa: {  	[sflag:s7] =	ssyncset.done $0x0  }
0x4fb: {  	[sflag:s7] =	ssyncadd.s32 $0xFFFFC000  }
0x4fc: {  	_ =	swait.ge [sflag:s7], $0x4000  }
0x4fd: {  	[sflag:s7] =	ssyncset.done $0x0  }
0x4fe: {  	[sflag:s7] =	ssyncadd.s32 $0xFFFFC000  }
0x4ff: {  	_ =	sfence.sel $0x180000  }
0x500: {  	[bflag:$0x0] =	sbarrier.arrive $0xFFFF  }
0x501: {  	_ =	strace $0x90000047  }
0x502: {  	s31 =	stileid.u32;
	[bflag:$0x2] =	sbarrier.arrive $0xFFFF  }
0x503: {  	p0 =	sne.s32 s31, $0x0;
	s0 =	rddreg [dreg:$0x2]  }
0x504: {  	s0 =	sadd.s32 @!p0 $0x100000, s0  }
0x505: {  	[sflag:s0] =	ssyncadd.tile.s32 @!p0 $0x1;
	_ =	shalt  }
.Lfunc_end2:
_tile_overlayer_lowered:
.L_overlay_start_2:
0x506: {  	(tag) =	ssettag $0x2  }
0x507: {  	s0 =	rddreg [dreg:$0x0];
	s2 =	stileid.u32  }
0x508: {  	s1 =	rddreg [dreg:$0x1];
	p0 =	sne.s32 s2, $0x0  }
0x509: {  	s3 =	rddreg [dreg:$0x2];
	[bflag:$0x3] =	sbarrier.arrive $0xFFFF;
	s2 =	simm.s32 @!p0 $0x1C05  }
0x50a: {  	[timem:s3], [sflag:s2] =	dma.local @!p0 [hbm:s0], s1  }
0x50b: {  	s0 =	simm.s32 @!p0 $0x5  }
0x50c: {  	_ =	swait.ge @!p0 [sflag:s0], s1  }
0x50d: {  	s1 =	ssub.s32 @!p0 $0x0, s1;
	[sflag:s0] =	ssyncset.done @!p0 $0x0  }
0x50e: {  	[sflag:s0] =	ssyncadd.s32 @!p0 s1  }
0x50f: {  	[bflag:$0x3] =	sbarrier.arrive $0xFFFF  }
0x510: {  	_ =	shalt  }

</sc_bundles>
